<compile_context>
chip_gen: v7x
topology: tpu7x:2x2x1
jax: 0.10.2.dev20260603
libtpu: 0.0.44.dev20260713+nightly
codegen_flags: <defaults>
</compile_context>

<pallas_src>
import jax
import jax.numpy as jnp
from jax import lax
from jax.experimental import pallas as pl
from jax.experimental.pallas import tpu as pltpu
from jax.experimental.pallas import tpu_sc as plsc

H = 128
NC = 2
NS = 16
NW = NC * NS

E = 80000
CH = 24
ACC_P = 5120
ACC_T = 2048
N_CHUNKS = E // 128
CH_BASE = N_CHUNKS // NW
CH_EXTRA = N_CHUNKS % NW


def _make_seg_sum(n_chunks, acc_rows, with_counts):
    mesh = plsc.VectorSubcoreMesh(core_axis_name="c", subcore_axis_name="s",
                                  num_cores=NC, num_subcores=NS)
    rows_per_tile = acc_rows // NS
    slabs = []
    off = 0
    while off < rows_per_tile:
        sz = min(128, rows_per_tile - off)
        slabs.append((off, sz))
        off += sz

    def body(table, esrc, edst, *rest):
        if with_counts:
            (sums_out, cnt_out, src_v, dst_v, buf0, ones_v, acc, cacc,
             sem0) = rest
        else:
            sums_out, src_v, dst_v, buf0, buf1, acc, sem0, sem1 = rest
        cid = lax.axis_index("c")
        sid = lax.axis_index("s")
        wid = cid * NS + sid

        zv = jnp.zeros((16,), jnp.float32)
        ov = jnp.ones((16,), jnp.float32)

        def fill_row(i, carry):
            for k in range(H // 16):
                buf0[i, k * 16:(k + 1) * 16] = zv
                if with_counts:
                    ones_v[i, k * 16:(k + 1) * 16] = ov
            return carry

        lax.fori_loop(0, 128, fill_row, 0)

        base = sid * rows_per_tile
        for off, sz in slabs:
            pltpu.sync_copy(buf0.at[pl.ds(0, sz)],
                            acc.at[pl.ds(base + off, sz)])
            if with_counts:
                pltpu.sync_copy(buf0.at[pl.ds(0, sz)],
                                cacc.at[pl.ds(base + off, sz)])

        pltpu.sync_copy(esrc.at[wid], src_v)
        pltpu.sync_copy(edst.at[wid], dst_v)
        plsc.subcore_barrier()

        nch = jnp.where(wid < CH_EXTRA, CH_BASE + 1, CH_BASE)

        if with_counts:
            def step(j, carry):
                cp = pltpu.async_copy(table.at[src_v.at[j]], buf0, sem0)
                pltpu.sync_copy(ones_v, cacc.at[dst_v.at[j]], add=True)
                cp.wait()
                pltpu.sync_copy(buf0, acc.at[dst_v.at[j]], add=True)
                return carry

            lax.fori_loop(0, nch, step, 0)
        else:
            def step2(i, carry):
                j0 = 2 * i
                j1 = j0 + 1

                @pl.when(j1 < nch)
                def _():
                    pltpu.async_copy(table.at[src_v.at[j1]], buf1, sem1)

                pltpu.make_async_copy(table.at[src_v.at[j0]], buf0,
                                      sem0).wait()
                pltpu.sync_copy(buf0, acc.at[dst_v.at[j0]], add=True)

                @pl.when(j0 + 2 < nch)
                def _():
                    pltpu.async_copy(table.at[src_v.at[j0 + 2]], buf0,
                                     sem0)

                @pl.when(j1 < nch)
                def _():
                    pltpu.make_async_copy(table.at[src_v.at[j1]], buf1,
                                          sem1).wait()
                    pltpu.sync_copy(buf1, acc.at[dst_v.at[j1]], add=True)

                return carry

            pltpu.async_copy(table.at[src_v.at[0]], buf0, sem0)
            lax.fori_loop(0, (CH_BASE + 2) // 2, step2, 0)
        plsc.subcore_barrier()

        for off, sz in slabs:
            r0 = base + off
            pltpu.sync_copy(acc.at[pl.ds(r0, sz)],
                            sums_out.at[cid, pl.ds(r0, sz)])
            if with_counts:
                pltpu.sync_copy(cacc.at[pl.ds(r0, sz)],
                                cnt_out.at[cid, pl.ds(r0, sz)])

    out_type = [jax.ShapeDtypeStruct((NC, acc_rows, H), jnp.float32)]
    scratch = [
        pltpu.VMEM((n_chunks, 128), jnp.int32),
        pltpu.VMEM((n_chunks, 128), jnp.int32),
        pltpu.VMEM((128, H), jnp.float32),
    ]
    if with_counts:
        out_type.append(jax.ShapeDtypeStruct((NC, acc_rows, H),
                                             jnp.float32))
        scratch.append(pltpu.VMEM((128, H), jnp.float32))
    else:
        scratch.append(pltpu.VMEM((128, H), jnp.float32))
    scratch.append(pltpu.VMEM_SHARED((acc_rows, H), jnp.float32))
    if with_counts:
        scratch.append(pltpu.VMEM_SHARED((acc_rows, H), jnp.float32))
    scratch.append(pltpu.SemaphoreType.DMA)
    if not with_counts:
        scratch.append(pltpu.SemaphoreType.DMA)

    return pl.kernel(body, out_type=tuple(out_type), mesh=mesh,
                     scratch_types=scratch)


_seg_p = _make_seg_sum(CH, ACC_P, True)
_seg_t = _make_seg_sum(CH, ACC_T, True)
_seg_c = _make_seg_sum(CH, ACC_T, False)


def _chunk_map():
    import numpy as np
    m = np.full((NW, CH), N_CHUNKS, np.int32)
    start = 0
    for w in range(NW):
        n = CH_BASE + (1 if w < CH_EXTRA else 0)
        m[w, :n] = np.arange(start, start + n)
        start += n
    return m


_CHUNK_MAP = _chunk_map()


def _edge_slices(src, dst, dummy):
    src = jnp.concatenate([src.reshape(N_CHUNKS, 128),
                           jnp.zeros((1, 128), jnp.int32)])
    dst = jnp.concatenate([dst.reshape(N_CHUNKS, 128),
                           jnp.full((1, 128), dummy, jnp.int32)])
    return src[_CHUNK_MAP], dst[_CHUNK_MAP]



def _proj_body(x_ref, w_ref, b_ref, o_ref):
    y = jnp.dot(x_ref[...], w_ref[0], preferred_element_type=jnp.float32)
    o_ref[...] = jnp.maximum(y + b_ref[0], 0.0)


def _input_proj(x_all, W_stack, b_stack):
    def sel(i):
        return jnp.where(i < 5, 0, jnp.where(i < 8, 1, 2))

    return pl.pallas_call(
        _proj_body,
        grid=(10,),
        in_specs=[pl.BlockSpec((1000, H), lambda i: (i, 0)),
                  pl.BlockSpec((1, H, H), lambda i: (sel(i), 0, 0)),
                  pl.BlockSpec((1, 1, H), lambda i: (sel(i), 0, 0))],
        out_specs=pl.BlockSpec((1000, H), lambda i: (i, 0)),
        out_shape=jax.ShapeDtypeStruct((10000, H), jnp.float32),
    )(x_all, W_stack, b_stack)


def _mean_from(s_ref, c_ref):
    return (s_ref[0] + s_ref[1]) / jnp.maximum(c_ref[0] + c_ref[1], 1.0)


def _ln_relu(x, g_ref, be_ref):
    mu = jnp.mean(x, axis=1, keepdims=True)
    var = jnp.mean((x - mu) * (x - mu), axis=1, keepdims=True)
    y = g_ref[...] * (x - mu) * lax.rsqrt(var + 1e-5) + be_ref[...]
    return jnp.maximum(y, 0.0)


def _update2_body(h_ref, sA_ref, cA_ref, sB_ref, cB_ref, wr_ref, wA_ref,
                  wB_ref, bc_ref, g_ref, be_ref, o_ref):
    x = jnp.dot(h_ref[...], wr_ref[...], preferred_element_type=jnp.float32)
    x = x + jnp.dot(_mean_from(sA_ref, cA_ref), wA_ref[...],
                    preferred_element_type=jnp.float32)
    x = x + jnp.dot(_mean_from(sB_ref, cB_ref), wB_ref[...],
                    preferred_element_type=jnp.float32)
    x = x + bc_ref[...]
    o_ref[...] = _ln_relu(x, g_ref, be_ref)


def _update1_body(h_ref, sA_ref, cA_ref, wr_ref, wA_ref, bc_ref, g_ref,
                  be_ref, o_ref):
    x = jnp.dot(h_ref[...], wr_ref[...], preferred_element_type=jnp.float32)
    x = x + jnp.dot(_mean_from(sA_ref, cA_ref), wA_ref[...],
                    preferred_element_type=jnp.float32)
    x = x + bc_ref[...]
    o_ref[...] = _ln_relu(x, g_ref, be_ref)


def _head_body(h_ref, sA_ref, cA_ref, wr_ref, wA_ref, bc_ref, g_ref,
               be_ref, wout_ref, bout_ref, base_ref, o_ref):
    x = jnp.dot(h_ref[...], wr_ref[...], preferred_element_type=jnp.float32)
    x = x + jnp.dot(_mean_from(sA_ref, cA_ref), wA_ref[...],
                    preferred_element_type=jnp.float32)
    x = x + bc_ref[...]
    h2 = _ln_relu(x, g_ref, be_ref)
    d = jnp.sum(h2 * wout_ref[...], axis=1, keepdims=True)
    o_ref[...] = jnp.broadcast_to(d + bout_ref[0, 0] + base_ref[0, 0],
                                  o_ref.shape)


def _row_spec(i):
    return (i, 0)


def _acc_spec(i):
    return (0, i, 0)


def _full2(shape):
    return pl.BlockSpec(shape, lambda i: (0,) * len(shape))


def _update2(h, sA, cA, sB, cB, wr, wA, wB, bc, g, be):
    n = h.shape[0]
    vec = lambda v: v.reshape(1, H)
    return pl.pallas_call(
        _update2_body,
        grid=(n // 1000,),
        in_specs=[pl.BlockSpec((1000, H), _row_spec),
                  pl.BlockSpec((2, 1000, H), _acc_spec),
                  pl.BlockSpec((2, 1000, H), _acc_spec),
                  pl.BlockSpec((2, 1000, H), _acc_spec),
                  pl.BlockSpec((2, 1000, H), _acc_spec),
                  _full2((H, H)), _full2((H, H)), _full2((H, H)),
                  _full2((1, H)), _full2((1, H)), _full2((1, H))],
        out_specs=pl.BlockSpec((1000, H), _row_spec),
        out_shape=jax.ShapeDtypeStruct((n, H), jnp.float32),
    )(h, sA, cA, sB, cB, wr, wA, wB, vec(bc), vec(g), vec(be))


def _update1(h, sA, cA, wr, wA, bc, g, be):
    n = h.shape[0]
    vec = lambda v: v.reshape(1, H)
    return pl.pallas_call(
        _update1_body,
        grid=(n // 1000,),
        in_specs=[pl.BlockSpec((1000, H), _row_spec),
                  pl.BlockSpec((2, 1000, H), _acc_spec),
                  pl.BlockSpec((2, 1000, H), _acc_spec),
                  _full2((H, H)), _full2((H, H)),
                  _full2((1, H)), _full2((1, H)), _full2((1, H))],
        out_specs=pl.BlockSpec((1000, H), _row_spec),
        out_shape=jax.ShapeDtypeStruct((n, H), jnp.float32),
    )(h, sA, cA, wr, wA, vec(bc), vec(g), vec(be))


def _head(h, sA, cA, wr, wA, bc, g, be, wout, bout, base):
    n = h.shape[0]
    vec = lambda v: v.reshape(1, H)
    full = pl.pallas_call(
        _head_body,
        grid=(n // 1000,),
        in_specs=[pl.BlockSpec((1000, H), _row_spec),
                  pl.BlockSpec((2, 1000, H), _acc_spec),
                  pl.BlockSpec((2, 1000, H), _acc_spec),
                  _full2((H, H)), _full2((H, H)),
                  _full2((1, H)), _full2((1, H)), _full2((1, H)),
                  _full2((1, H)), _full2((1, 1)), _full2((1, 1))],
        out_specs=pl.BlockSpec((1000, H), _row_spec),
        out_shape=jax.ShapeDtypeStruct((n, H), jnp.float32),
    )(h, sA, cA, wr, wA, vec(bc), vec(g), vec(be),
      wout.reshape(1, H), bout.reshape(1, 1), base.reshape(1, 1))
    return full[:, 0]


def kernel(x_papers, x_authors, x_assign, ei_r0, ei_r1, ei_r2, ei_r3,
           Win_papers, bin_papers, Win_authors, bin_authors, Win_assign,
           bin_assign, Wrel0, Wroot0, bconv0, g0, be0, Wrel1, Wroot1,
           bconv1, g1, be1, Wout, bout, base):
    x_all = jnp.concatenate([x_papers, x_authors, x_assign], axis=0)
    W_stack = jnp.stack([Win_papers, Win_authors, Win_assign])
    b_stack = jnp.stack([bin_papers, bin_authors, bin_assign]).reshape(3, 1, H)
    h0 = _input_proj(x_all, W_stack, b_stack)

    src1, dst1 = _edge_slices(ei_r1[0] + 5000, ei_r1[1], 5000)
    sums1, cnt1 = _seg_p(h0, src1, dst1)
    src3, dst3 = _edge_slices(ei_r3[0] + 8000, ei_r3[1], 5000)
    sums3, cnt3 = _seg_p(h0, src3, dst3)
    src2, dst2 = _edge_slices(ei_r2[0], ei_r2[1], 2000)
    sums2, cnt2 = _seg_t(h0, src2, dst2)

    h1p = _update2(h0[0:5000], sums1[:, 0:5000], cnt1[:, 0:5000],
                   sums3[:, 0:5000], cnt3[:, 0:5000],
                   Wroot0, Wrel0[1], Wrel0[3], bconv0, g0, be0)
    h1t = _update1(h0[8000:10000], sums2[:, 0:2000], cnt2[:, 0:2000],
                   Wroot0, Wrel0[2], bconv0, g0, be0)

    (sumsC,) = _seg_c(h1p, src2, dst2)

    return _head(h1t, sumsC[:, 0:2000], cnt2[:, 0:2000],
                 Wroot1, Wrel1[2], bconv1, g1, be1, Wout, bout, base)

# --- scband reference (transcript-rebuilt; emitter-appended) ---
"""Pipeline reference for scband-rgcnregressor-91268055040644 (READ-ONLY COPY).

The authoritative reference and input builder live on the scoring server;
editing this copy changes nothing except your own understanding.
"""

import jax, jax.numpy as jnp
import numpy as np

H = 128
R = 4
N_P, N_A, N_T = 5000, 3000, 2000
N = 10000
E = 80000
REL_DIMS = [(N_P, N_A), (N_A, N_P), (N_P, N_T), (N_T, N_P)]
SRC_OFF = [0, 5000, 0, 8000]
DST_OFF = [5000, 0, 8000, 0]


def setup_inputs(seed: int = 0):
    key = jax.random.key(seed)
    ks = jax.random.split(key, 40)
    s = 1.0 / np.sqrt(H)
    inp = {}
    inp['x_papers'] = jax.random.normal(ks[0], (N_P, H), dtype=jnp.float32)
    inp['x_authors'] = jax.random.normal(ks[1], (N_A, H), dtype=jnp.float32)
    inp['x_assign'] = jax.random.normal(ks[2], (N_T, H), dtype=jnp.float32)
    for r, (ns, nd) in enumerate(REL_DIMS):
        src = jax.random.randint(ks[3 + 2 * r], (E,), 0, ns)
        dst = jax.random.randint(ks[4 + 2 * r], (E,), 0, nd)
        inp['ei_r%d' % r] = jnp.stack([src, dst]).astype(jnp.int32)
    i = 11
    for nt in ['papers', 'authors', 'assign']:
        inp['Win_' + nt] = jax.random.normal(ks[i], (H, H), dtype=jnp.float32) * s
        i += 1
        inp['bin_' + nt] = jnp.zeros((H,), dtype=jnp.float32)
    for l in range(2):
        inp['Wrel%d' % l] = jax.random.normal(ks[i], (R, H, H), dtype=jnp.float32) * s
        i += 1
        inp['Wroot%d' % l] = jax.random.normal(ks[i], (H, H), dtype=jnp.float32) * s
        i += 1
        inp['bconv%d' % l] = jnp.zeros((H,), dtype=jnp.float32)
        inp['g%d' % l] = jnp.ones((H,), dtype=jnp.float32)
        inp['be%d' % l] = jnp.zeros((H,), dtype=jnp.float32)
    inp['Wout'] = jax.random.normal(ks[i], (H, 1), dtype=jnp.float32) * s
    inp['bout'] = jnp.zeros((1,), dtype=jnp.float32)
    inp['base'] = jnp.zeros((), dtype=jnp.float32)
    return inp


def _ln(x, g, b):
    mu = jnp.mean(x, axis=-1, keepdims=True)
    v = jnp.var(x, axis=-1, keepdims=True)
    return g * (x - mu) / jnp.sqrt(v + 1e-5) + b


def _rgcn(h, src, dst, et, W_rel, W_root, b):
    # per-relation transform, then gather per-edge (relation, src)
    h_trans = jnp.einsum('nd,rdf->rnf', h, W_rel)
    msg = h_trans[et, src]
    # mean aggregation per (relation, dst) as in PyG RGCNConv (aggr='mean')
    seg = et * N + dst
    sums = jax.ops.segment_sum(msg, seg, num_segments=R * N)
    cnt = jax.ops.segment_sum(jnp.ones((seg.shape[0],), dtype=h.dtype), seg, num_segments=R * N)
    mean = sums / jnp.maximum(cnt, 1.0)[:, None]
    agg = mean.reshape(R, N, H).sum(axis=0)
    return h @ W_root + agg + b


def reference(x_papers, x_authors, x_assign, ei_r0, ei_r1, ei_r2, ei_r3, Win_papers, bin_papers, Win_authors, bin_authors, Win_assign, bin_assign, Wrel0, Wroot0, bconv0, g0, be0, Wrel1, Wroot1, bconv1, g1, be1, Wout, bout, base):
    eis = [ei_r0, ei_r1, ei_r2, ei_r3]
    src = jnp.concatenate([eis[r][0] + SRC_OFF[r] for r in range(R)])
    dst = jnp.concatenate([eis[r][1] + DST_OFF[r] for r in range(R)])
    et = jnp.concatenate([jnp.full((E,), r, dtype=jnp.int32) for r in range(R)])
    h = jnp.concatenate([
        jax.nn.relu(x_papers @ Win_papers + bin_papers),
        jax.nn.relu(x_authors @ Win_authors + bin_authors),
        jax.nn.relu(x_assign @ Win_assign + bin_assign)], axis=0)
    for (Wr, Wro, bc, g, be) in [(Wrel0, Wroot0, bconv0, g0, be0), (Wrel1, Wroot1, bconv1, g1, be1)]:
        h = _rgcn(h, src, dst, et, Wr, Wro, bc)
        h = jax.nn.relu(_ln(h, g, be))
        # dropout inactive (eval mode)
    h_t = h[8000:10000]
    delta = (h_t @ Wout + bout)[:, 0]
    return base + delta

if __name__ == "__main__":
    import jax
    _d = setup_inputs()
    print(jax.jit(kernel)(*tuple(_d.values())))

</pallas_src>

<mosaic_0001>
#map = affine_map<(d0, d1) -> (0, 0)>
#map1 = affine_map<(d0, d1) -> (0, 0, 0)>
module attributes {stable_mosaic.version = 14 : i64} {
  func.func @body(%arg0: i32, %arg1: i32, %arg2: memref<5000x128xf32, #tpu.memory_space<hbm>>, %arg3: memref<32x24x128xi32, #tpu.memory_space<hbm>>, %arg4: memref<32x24x128xi32, #tpu.memory_space<hbm>>, %arg5: memref<2x2048x128xf32, #tpu.memory_space<hbm>>, %arg6: memref<24x128xi32, #tpu.memory_space<vmem>>, %arg7: memref<24x128xi32, #tpu.memory_space<vmem>>, %arg8: memref<128x128xf32, #tpu.memory_space<vmem>>, %arg9: memref<128x128xf32, #tpu.memory_space<vmem>>, %arg10: memref<2048x128xf32, #tpu.memory_space<vmem_shared>>, %arg11: memref<!tpu.dma_semaphore, #tpu.memory_space<semaphore_mem>>, %arg12: memref<!tpu.dma_semaphore, #tpu.memory_space<semaphore_mem>>) attributes {dimension_semantics = [#tpu.dimension_semantics<core_parallel>, #tpu.dimension_semantics<subcore_parallel>], iteration_bounds = array<i64: 2, 16>, scalar_prefetch = 0 : i64, scratch_operands = 7 : i64, tpu.core_type = #tpu.core_type<sc_vector_subcore>, window_params = [{transform_indices = #map}, {transform_indices = #map1}, {transform_indices = #map1}, {transform_indices = #map1}]} {
    %mul3A = arith.constant 16 : i32
    %mul3A_0 = arith.muli %arg0, %mul3A : i32
    %add3A = arith.addi %mul3A_0, %arg1 : i32
    %broadcast_in_dim3A = arith.constant 0.000000e+00 : f32
    %broadcast_in_dim3A_1 = vector.broadcast %broadcast_in_dim3A : f32 to vector<16xf32>
    %broadcast_in_dim3A_2 = arith.constant 1.000000e+00 : f32
    %broadcast_in_dim3A_3 = vector.broadcast %broadcast_in_dim3A_2 : f32 to vector<16xf32>
    %scan3A = arith.constant 0 : i32
    %scan3A_4 = arith.constant 0 : i32
    %scan3A_5 = arith.constant 128 : i32
    %scan3A_6 = arith.addi %scan3A_4, %scan3A_5 : i32
    %scan3A_7 = arith.constant 1 : i32
    scf.for %scan3A_30 = %scan3A_4 to %scan3A_6 step %scan3A_7  : i32 {
      %swap3A = arith.index_cast %scan3A_30 : i32 to index
      %swap3A_31 = arith.constant 0 : index
      %swap3A_32 = tpu.vector_load %arg8[%swap3A, %swap3A_31] {strides = array<i32>} : memref<128x128xf32, #tpu.memory_space<vmem>>, vector<1x16xf32>,
      %swap3A_33 = vector.shape_cast %swap3A_32 : vector<1x16xf32> to vector<16xf32>
      %swap3A_34 = vector.shape_cast %broadcast_in_dim3A_1 : vector<16xf32> to vector<1x16xf32>
      tpu.vector_store %arg8[%swap3A, %swap3A_31], %swap3A_34 {strides = array<i32>} : memref<128x128xf32, #tpu.memory_space<vmem>>, vector<1x16xf32>,
      %swap3A_35 = arith.index_cast %scan3A_30 : i32 to index
      %swap3A_36 = arith.constant 16 : index
      %swap3A_37 = tpu.vector_load %arg8[%swap3A_35, %swap3A_36] {strides = array<i32>} : memref<128x128xf32, #tpu.memory_space<vmem>>, vector<1x16xf32>,
      %swap3A_38 = vector.shape_cast %swap3A_37 : vector<1x16xf32> to vector<16xf32>
      %swap3A_39 = vector.shape_cast %broadcast_in_dim3A_1 : vector<16xf32> to vector<1x16xf32>
      tpu.vector_store %arg8[%swap3A_35, %swap3A_36], %swap3A_39 {strides = array<i32>} : memref<128x128xf32, #tpu.memory_space<vmem>>, vector<1x16xf32>,
      %swap3A_40 = arith.index_cast %scan3A_30 : i32 to index
      %swap3A_41 = arith.constant 32 : index
      %swap3A_42 = tpu.vector_load %arg8[%swap3A_40, %swap3A_41] {strides = array<i32>} : memref<128x128xf32, #tpu.memory_space<vmem>>, vector<1x16xf32>,
      %swap3A_43 = vector.shape_cast %swap3A_42 : vector<1x16xf32> to vector<16xf32>
      %swap3A_44 = vector.shape_cast %broadcast_in_dim3A_1 : vector<16xf32> to vector<1x16xf32>
      tpu.vector_store %arg8[%swap3A_40, %swap3A_41], %swap3A_44 {strides = array<i32>} : memref<128x128xf32, #tpu.memory_space<vmem>>, vector<1x16xf32>,
      %swap3A_45 = arith.index_cast %scan3A_30 : i32 to index
      %swap3A_46 = arith.constant 48 : index
      %swap3A_47 = tpu.vector_load %arg8[%swap3A_45, %swap3A_46] {strides = array<i32>} : memref<128x128xf32, #tpu.memory_space<vmem>>, vector<1x16xf32>,
      %swap3A_48 = vector.shape_cast %swap3A_47 : vector<1x16xf32> to vector<16xf32>
      %swap3A_49 = vector.shape_cast %broadcast_in_dim3A_1 : vector<16xf32> to vector<1x16xf32>
      tpu.vector_store %arg8[%swap3A_45, %swap3A_46], %swap3A_49 {strides = array<i32>} : memref<128x128xf32, #tpu.memory_space<vmem>>, vector<1x16xf32>,
      %swap3A_50 = arith.index_cast %scan3A_30 : i32 to index
      %swap3A_51 = arith.constant 64 : index
      %swap3A_52 = tpu.vector_load %arg8[%swap3A_50, %swap3A_51] {strides = array<i32>} : memref<128x128xf32, #tpu.memory_space<vmem>>, vector<1x16xf32>,
      %swap3A_53 = vector.shape_cast %swap3A_52 : vector<1x16xf32> to vector<16xf32>
      %swap3A_54 = vector.shape_cast %broadcast_in_dim3A_1 : vector<16xf32> to vector<1x16xf32>
      tpu.vector_store %arg8[%swap3A_50, %swap3A_51], %swap3A_54 {strides = array<i32>} : memref<128x128xf32, #tpu.memory_space<vmem>>, vector<1x16xf32>,
      %swap3A_55 = arith.index_cast %scan3A_30 : i32 to index
      %swap3A_56 = arith.constant 80 : index
      %swap3A_57 = tpu.vector_load %arg8[%swap3A_55, %swap3A_56] {strides = array<i32>} : memref<128x128xf32, #tpu.memory_space<vmem>>, vector<1x16xf32>,
      %swap3A_58 = vector.shape_cast %swap3A_57 : vector<1x16xf32> to vector<16xf32>
      %swap3A_59 = vector.shape_cast %broadcast_in_dim3A_1 : vector<16xf32> to vector<1x16xf32>
      tpu.vector_store %arg8[%swap3A_55, %swap3A_56], %swap3A_59 {strides = array<i32>} : memref<128x128xf32, #tpu.memory_space<vmem>>, vector<1x16xf32>,
      %swap3A_60 = arith.index_cast %scan3A_30 : i32 to index
      %swap3A_61 = arith.constant 96 : index
      %swap3A_62 = tpu.vector_load %arg8[%swap3A_60, %swap3A_61] {strides = array<i32>} : memref<128x128xf32, #tpu.memory_space<vmem>>, vector<1x16xf32>,
      %swap3A_63 = vector.shape_cast %swap3A_62 : vector<1x16xf32> to vector<16xf32>
      %swap3A_64 = vector.shape_cast %broadcast_in_dim3A_1 : vector<16xf32> to vector<1x16xf32>
      tpu.vector_store %arg8[%swap3A_60, %swap3A_61], %swap3A_64 {strides = array<i32>} : memref<128x128xf32, #tpu.memory_space<vmem>>, vector<1x16xf32>,
      %swap3A_65 = arith.index_cast %scan3A_30 : i32 to index
      %swap3A_66 = arith.constant 112 : index
      %swap3A_67 = tpu.vector_load %arg8[%swap3A_65, %swap3A_66] {strides = array<i32>} : memref<128x128xf32, #tpu.memory_space<vmem>>, vector<1x16xf32>,
      %swap3A_68 = vector.shape_cast %swap3A_67 : vector<1x16xf32> to vector<16xf32>
      %swap3A_69 = vector.shape_cast %broadcast_in_dim3A_1 : vector<16xf32> to vector<1x16xf32>
      tpu.vector_store %arg8[%swap3A_65, %swap3A_66], %swap3A_69 {strides = array<i32>} : memref<128x128xf32, #tpu.memory_space<vmem>>, vector<1x16xf32>,
    }
    %scan3A_8 = arith.constant 128 : i32
    %mul3A_9 = arith.constant 128 : i32
    %mul3A_10 = arith.muli %arg1, %mul3A_9 : i32
    %add3A_11 = arith.constant 0 : i32
    %add3A_12 = arith.addi %mul3A_10, %add3A_11 : i32
    "tpu.region"() ({
      %run_scoped3A = tpu.sem_alloc : memref<!tpu.dma_semaphore, #tpu.memory_space<semaphore_mem>>
      %dma_start3A_30 = arith.constant 0 : i32
      %dma_start3A_31 = arith.constant 0 : i32
      %dma_start3A_32 = tpu.memref_slice %arg8[%dma_start3A_30, %dma_start3A_31] : memref<128x128xf32, #tpu.memory_space<vmem>> -> memref<128x128xf32, #tpu.memory_space<vmem>>
      %dma_start3A_33 = arith.constant 0 : i32
      %dma_start3A_34 = tpu.memref_slice %arg10[%add3A_12, %dma_start3A_33] : memref<2048x128xf32, #tpu.memory_space<vmem_shared>> -> memref<128x128xf32, #tpu.memory_space<vmem_shared>>
      %dma_start3A_35 = arith.constant 0 : i32
      %dma_start3A_36 = tpu.memref_slice %arg10[%add3A_12, %dma_start3A_35] : memref<2048x128xf32, #tpu.memory_space<vmem_shared>> -> memref<128x128xf32, #tpu.memory_space<vmem_shared>>
      %dma_start3A_37 = arith.constant 0 : i32
      %dma_start3A_38 = arith.constant 0 : i32
      %dma_start3A_39 = tpu.memref_slice %arg8[%dma_start3A_37, %dma_start3A_38] : memref<128x128xf32, #tpu.memory_space<vmem>> -> memref<128x128xf32, #tpu.memory_space<vmem>>
      tpu.enqueue_dma source(%dma_start3A_39 : memref<128x128xf32, #tpu.memory_space<vmem>>) target(%dma_start3A_36 : memref<128x128xf32, #tpu.memory_space<vmem_shared>>) target_semaphore(%run_scoped3A : memref<!tpu.dma_semaphore, #tpu.memory_space<semaphore_mem>>)
      %dma_wait3A = arith.constant 0 : i32
      %dma_wait3A_40 = arith.constant 0 : i32
      %dma_wait3A_41 = tpu.memref_slice %arg8[%dma_wait3A, %dma_wait3A_40] : memref<128x128xf32, #tpu.memory_space<vmem>> -> memref<128x128xf32, #tpu.memory_space<vmem>>
      %dma_wait3A_42 = arith.constant 0 : i32
      %dma_wait3A_43 = tpu.memref_slice %arg10[%add3A_12, %dma_wait3A_42] : memref<2048x128xf32, #tpu.memory_space<vmem_shared>> -> memref<128x128xf32, #tpu.memory_space<vmem_shared>>
      %dma_wait3A_44 = arith.constant 0 : i32
      %dma_wait3A_45 = tpu.memref_slice %arg10[%add3A_12, %dma_wait3A_44] : memref<2048x128xf32, #tpu.memory_space<vmem_shared>> -> memref<128x128xf32, #tpu.memory_space<vmem_shared>>
      %dma_wait3A_46 = arith.constant 0 : i32
      %dma_wait3A_47 = arith.constant 0 : i32
      %dma_wait3A_48 = tpu.memref_slice %arg8[%dma_wait3A_46, %dma_wait3A_47] : memref<128x128xf32, #tpu.memory_space<vmem>> -> memref<128x128xf32, #tpu.memory_space<vmem>>
      tpu.wait_dma2 semaphore(%run_scoped3A : memref<!tpu.dma_semaphore, #tpu.memory_space<semaphore_mem>>) src(%dma_wait3A_48 : memref<128x128xf32, #tpu.memory_space<vmem>>) dst(%dma_wait3A_45 : memref<128x128xf32, #tpu.memory_space<vmem_shared>>)
      tpu.yield
    }) : () -> ()
    "tpu.region"() ({
      %run_scoped3A = tpu.sem_alloc : memref<!tpu.dma_semaphore, #tpu.memory_space<semaphore_mem>>
      %dma_start3A_30 = arith.constant 0 : i32
      %dma_start3A_31 = arith.constant 0 : i32
      %dma_start3A_32 = tpu.memref_slice %arg3[%add3A, %dma_start3A_30, %dma_start3A_31] : memref<32x24x128xi32, #tpu.memory_space<hbm>> -> memref<1x24x128xi32, #tpu.memory_space<hbm>>
      %dma_start3A_33 = tpu.memref_squeeze %dma_start3A_32 : memref<1x24x128xi32, #tpu.memory_space<hbm>> -> memref<24x128xi32, #tpu.memory_space<hbm>>
      %dma_start3A_34 = arith.constant 0 : i32
      %dma_start3A_35 = arith.constant 0 : i32
      %dma_start3A_36 = tpu.memref_slice %arg3[%add3A, %dma_start3A_34, %dma_start3A_35] : memref<32x24x128xi32, #tpu.memory_space<hbm>> -> memref<1x24x128xi32, #tpu.memory_space<hbm>>
      %dma_start3A_37 = tpu.memref_squeeze %dma_start3A_36 : memref<1x24x128xi32, #tpu.memory_space<hbm>> -> memref<24x128xi32, #tpu.memory_space<hbm>>
      tpu.enqueue_dma source(%dma_start3A_37 : memref<24x128xi32, #tpu.memory_space<hbm>>) target(%arg6 : memref<24x128xi32, #tpu.memory_space<vmem>>) target_semaphore(%run_scoped3A : memref<!tpu.dma_semaphore, #tpu.memory_space<semaphore_mem>>)
      %dma_wait3A = arith.constant 0 : i32
      %dma_wait3A_38 = arith.constant 0 : i32
      %dma_wait3A_39 = tpu.memref_slice %arg3[%add3A, %dma_wait3A, %dma_wait3A_38] : memref<32x24x128xi32, #tpu.memory_space<hbm>> -> memref<1x24x128xi32, #tpu.memory_space<hbm>>
      %dma_wait3A_40 = tpu.memref_squeeze %dma_wait3A_39 : memref<1x24x128xi32, #tpu.memory_space<hbm>> -> memref<24x128xi32, #tpu.memory_space<hbm>>
      %dma_wait3A_41 = arith.constant 0 : i32
      %dma_wait3A_42 = arith.constant 0 : i32
      %dma_wait3A_43 = tpu.memref_slice %arg3[%add3A, %dma_wait3A_41, %dma_wait3A_42] : memref<32x24x128xi32, #tpu.memory_space<hbm>> -> memref<1x24x128xi32, #tpu.memory_space<hbm>>
      %dma_wait3A_44 = tpu.memref_squeeze %dma_wait3A_43 : memref<1x24x128xi32, #tpu.memory_space<hbm>> -> memref<24x128xi32, #tpu.memory_space<hbm>>
      tpu.wait_dma2 semaphore(%run_scoped3A : memref<!tpu.dma_semaphore, #tpu.memory_space<semaphore_mem>>) src(%dma_wait3A_44 : memref<24x128xi32, #tpu.memory_space<hbm>>) dst(%arg6 : memref<24x128xi32, #tpu.memory_space<vmem>>)
      tpu.yield
    }) : () -> ()
    "tpu.region"() ({
      %run_scoped3A = tpu.sem_alloc : memref<!tpu.dma_semaphore, #tpu.memory_space<semaphore_mem>>
      %dma_start3A_30 = arith.constant 0 : i32
      %dma_start3A_31 = arith.constant 0 : i32
      %dma_start3A_32 = tpu.memref_slice %arg4[%add3A, %dma_start3A_30, %dma_start3A_31] : memref<32x24x128xi32, #tpu.memory_space<hbm>> -> memref<1x24x128xi32, #tpu.memory_space<hbm>>
      %dma_start3A_33 = tpu.memref_squeeze %dma_start3A_32 : memref<1x24x128xi32, #tpu.memory_space<hbm>> -> memref<24x128xi32, #tpu.memory_space<hbm>>
      %dma_start3A_34 = arith.constant 0 : i32
      %dma_start3A_35 = arith.constant 0 : i32
      %dma_start3A_36 = tpu.memref_slice %arg4[%add3A, %dma_start3A_34, %dma_start3A_35] : memref<32x24x128xi32, #tpu.memory_space<hbm>> -> memref<1x24x128xi32, #tpu.memory_space<hbm>>
      %dma_start3A_37 = tpu.memref_squeeze %dma_start3A_36 : memref<1x24x128xi32, #tpu.memory_space<hbm>> -> memref<24x128xi32, #tpu.memory_space<hbm>>
      tpu.enqueue_dma source(%dma_start3A_37 : memref<24x128xi32, #tpu.memory_space<hbm>>) target(%arg7 : memref<24x128xi32, #tpu.memory_space<vmem>>) target_semaphore(%run_scoped3A : memref<!tpu.dma_semaphore, #tpu.memory_space<semaphore_mem>>)
      %dma_wait3A = arith.constant 0 : i32
      %dma_wait3A_38 = arith.constant 0 : i32
      %dma_wait3A_39 = tpu.memref_slice %arg4[%add3A, %dma_wait3A, %dma_wait3A_38] : memref<32x24x128xi32, #tpu.memory_space<hbm>> -> memref<1x24x128xi32, #tpu.memory_space<hbm>>
      %dma_wait3A_40 = tpu.memref_squeeze %dma_wait3A_39 : memref<1x24x128xi32, #tpu.memory_space<hbm>> -> memref<24x128xi32, #tpu.memory_space<hbm>>
      %dma_wait3A_41 = arith.constant 0 : i32
      %dma_wait3A_42 = arith.constant 0 : i32
      %dma_wait3A_43 = tpu.memref_slice %arg4[%add3A, %dma_wait3A_41, %dma_wait3A_42] : memref<32x24x128xi32, #tpu.memory_space<hbm>> -> memref<1x24x128xi32, #tpu.memory_space<hbm>>
      %dma_wait3A_44 = tpu.memref_squeeze %dma_wait3A_43 : memref<1x24x128xi32, #tpu.memory_space<hbm>> -> memref<24x128xi32, #tpu.memory_space<hbm>>
      tpu.wait_dma2 semaphore(%run_scoped3A : memref<!tpu.dma_semaphore, #tpu.memory_space<semaphore_mem>>) src(%dma_wait3A_44 : memref<24x128xi32, #tpu.memory_space<hbm>>) dst(%arg7 : memref<24x128xi32, #tpu.memory_space<vmem>>)
      tpu.yield
    }) : () -> ()
    %barrier3A = arith.constant 0 : index
    tpu.barrier barrier_id(%barrier3A)
    %lt3A = arith.constant 17 : i32
    %lt3A_13 = arith.cmpi slt, %add3A, %lt3A : i32
    %jit3A = arith.constant 20 : i32
    %jit3A_14 = arith.constant 19 : i32
    %select_n3A = arith.select %lt3A_13, %jit3A, %jit3A_14 : i32
    %dma_start3A = arith.constant 0 : i32
    %dma_start3A_15 = arith.constant 0 : i32
    %dma_start3A_16 = tpu.memref_slice %arg6[%dma_start3A, %dma_start3A_15] : memref<24x128xi32, #tpu.memory_space<vmem>> -> memref<1x128xi32, #tpu.memory_space<vmem>>
    %dma_start3A_17 = tpu.memref_squeeze %dma_start3A_16 : memref<1x128xi32, #tpu.memory_space<vmem>> -> memref<128xi32, #tpu.memory_space<vmem>>
    %dma_start3A_18 = arith.constant 0 : i32
    %dma_start3A_19 = arith.constant 0 : i32
    %dma_start3A_20 = tpu.memref_slice %arg2[%dma_start3A_18, %dma_start3A_19] : memref<5000x128xf32, #tpu.memory_space<hbm>> -> memref<5000x128xf32, #tpu.memory_space<hbm>>
    tpu.enqueue_indirect_dma source(%dma_start3A_20 : memref<5000x128xf32, #tpu.memory_space<hbm>>) target(%arg8 : memref<128x128xf32, #tpu.memory_space<vmem>>) offsets(%dma_start3A_17 : memref<128xi32, #tpu.memory_space<vmem>>) semaphore(%arg11 : memref<!tpu.dma_semaphore, #tpu.memory_space<semaphore_mem>>)
    %scan3A_21 = arith.constant 0 : i32
    %scan3A_22 = arith.constant 0 : i32
    %scan3A_23 = arith.constant 10 : i32
    %scan3A_24 = arith.addi %scan3A_22, %scan3A_23 : i32
    %scan3A_25 = arith.constant 1 : i32
    scf.for %scan3A_30 = %scan3A_22 to %scan3A_24 step %scan3A_25  : i32 {
      %mul3A_31 = arith.constant 2 : i32
      %mul3A_32 = arith.muli %mul3A_31, %scan3A_30 : i32
      %add3A_33 = arith.constant 1 : i32
      %add3A_34 = arith.addi %mul3A_32, %add3A_33 : i32
      %lt3A_35 = arith.cmpi slt, %add3A_34, %select_n3A : i32
      %convert_element_type3A = arith.extui %lt3A_35 : i1 to i32
      %cond3A = arith.constant 0 : i32
      %cond3A_36 = arith.cmpi ne, %convert_element_type3A, %cond3A : i32
      scf.if %cond3A_36 {
        %dma_start3A_52 = arith.constant 0 : i32
        %dma_start3A_53 = tpu.memref_slice %arg6[%add3A_34, %dma_start3A_52] : memref<24x128xi32, #tpu.memory_space<vmem>> -> memref<1x128xi32, #tpu.memory_space<vmem>>
        %dma_start3A_54 = tpu.memref_squeeze %dma_start3A_53 : memref<1x128xi32, #tpu.memory_space<vmem>> -> memref<128xi32, #tpu.memory_space<vmem>>
        %dma_start3A_55 = arith.constant 0 : i32
        %dma_start3A_56 = arith.constant 0 : i32
        %dma_start3A_57 = tpu.memref_slice %arg2[%dma_start3A_55, %dma_start3A_56] : memref<5000x128xf32, #tpu.memory_space<hbm>> -> memref<5000x128xf32, #tpu.memory_space<hbm>>
        tpu.enqueue_indirect_dma source(%dma_start3A_57 : memref<5000x128xf32, #tpu.memory_space<hbm>>) target(%arg9 : memref<128x128xf32, #tpu.memory_space<vmem>>) offsets(%dma_start3A_54 : memref<128xi32, #tpu.memory_space<vmem>>) semaphore(%arg12 : memref<!tpu.dma_semaphore, #tpu.memory_space<semaphore_mem>>)
      } else {
      }
      %dma_wait3A = arith.constant 0 : i32
      %dma_wait3A_37 = tpu.memref_slice %arg6[%mul3A_32, %dma_wait3A] : memref<24x128xi32, #tpu.memory_space<vmem>> -> memref<1x128xi32, #tpu.memory_space<vmem>>
      %dma_wait3A_38 = tpu.memref_squeeze %dma_wait3A_37 : memref<1x128xi32, #tpu.memory_space<vmem>> -> memref<128xi32, #tpu.memory_space<vmem>>
      %dma_wait3A_39 = arith.constant 0 : i32
      %dma_wait3A_40 = arith.constant 0 : i32
      %dma_wait3A_41 = tpu.memref_slice %arg2[%dma_wait3A_39, %dma_wait3A_40] : memref<5000x128xf32, #tpu.memory_space<hbm>> -> memref<5000x128xf32, #tpu.memory_space<hbm>>
      tpu.wait_indirect_dma semaphore(%arg11 : memref<!tpu.dma_semaphore, #tpu.memory_space<semaphore_mem>>) src(%dma_wait3A_41 : memref<5000x128xf32, #tpu.memory_space<hbm>>) dst(%arg8 : memref<128x128xf32, #tpu.memory_space<vmem>>)
      "tpu.region"() ({
        %run_scoped3A = tpu.sem_alloc : memref<!tpu.dma_semaphore, #tpu.memory_space<semaphore_mem>>
        %dma_start3A_52 = arith.constant 0 : i32
        %dma_start3A_53 = tpu.memref_slice %arg7[%mul3A_32, %dma_start3A_52] : memref<24x128xi32, #tpu.memory_space<vmem>> -> memref<1x128xi32, #tpu.memory_space<vmem>>
        %dma_start3A_54 = tpu.memref_squeeze %dma_start3A_53 : memref<1x128xi32, #tpu.memory_space<vmem>> -> memref<128xi32, #tpu.memory_space<vmem>>
        %dma_start3A_55 = arith.constant 0 : i32
        %dma_start3A_56 = arith.constant 0 : i32
        %dma_start3A_57 = tpu.memref_slice %arg10[%dma_start3A_55, %dma_start3A_56] : memref<2048x128xf32, #tpu.memory_space<vmem_shared>> -> memref<2048x128xf32, #tpu.memory_space<vmem_shared>>
        tpu.enqueue_indirect_dma source(%arg8 : memref<128x128xf32, #tpu.memory_space<vmem>>) target(%dma_start3A_57 : memref<2048x128xf32, #tpu.memory_space<vmem_shared>>) offsets(%dma_start3A_54 : memref<128xi32, #tpu.memory_space<vmem>>) semaphore(%run_scoped3A : memref<!tpu.dma_semaphore, #tpu.memory_space<semaphore_mem>>) {add = true}
        %dma_wait3A_58 = arith.constant 0 : i32
        %dma_wait3A_59 = tpu.memref_slice %arg7[%mul3A_32, %dma_wait3A_58] : memref<24x128xi32, #tpu.memory_space<vmem>> -> memref<1x128xi32, #tpu.memory_space<vmem>>
        %dma_wait3A_60 = tpu.memref_squeeze %dma_wait3A_59 : memref<1x128xi32, #tpu.memory_space<vmem>> -> memref<128xi32, #tpu.memory_space<vmem>>
        %dma_wait3A_61 = arith.constant 0 : i32
        %dma_wait3A_62 = arith.constant 0 : i32
        %dma_wait3A_63 = tpu.memref_slice %arg10[%dma_wait3A_61, %dma_wait3A_62] : memref<2048x128xf32, #tpu.memory_space<vmem_shared>> -> memref<2048x128xf32, #tpu.memory_space<vmem_shared>>
        tpu.wait_indirect_dma semaphore(%run_scoped3A : memref<!tpu.dma_semaphore, #tpu.memory_space<semaphore_mem>>) src(%arg8 : memref<128x128xf32, #tpu.memory_space<vmem>>) dst(%dma_wait3A_63 : memref<2048x128xf32, #tpu.memory_space<vmem_shared>>)
        tpu.yield
      }) : () -> ()
      %add3A_42 = arith.constant 2 : i32
      %add3A_43 = arith.addi %mul3A_32, %add3A_42 : i32
      %lt3A_44 = arith.cmpi slt, %add3A_43, %select_n3A : i32
      %convert_element_type3A_45 = arith.extui %lt3A_44 : i1 to i32
      %cond3A_46 = arith.constant 0 : i32
      %cond3A_47 = arith.cmpi ne, %convert_element_type3A_45, %cond3A_46 : i32
      scf.if %cond3A_47 {
        %add3A_52 = arith.constant 2 : i32
        %add3A_53 = arith.addi %mul3A_32, %add3A_52 : i32
        %dma_start3A_54 = arith.constant 0 : i32
        %dma_start3A_55 = tpu.memref_slice %arg6[%add3A_53, %dma_start3A_54] : memref<24x128xi32, #tpu.memory_space<vmem>> -> memref<1x128xi32, #tpu.memory_space<vmem>>
        %dma_start3A_56 = tpu.memref_squeeze %dma_start3A_55 : memref<1x128xi32, #tpu.memory_space<vmem>> -> memref<128xi32, #tpu.memory_space<vmem>>
        %dma_start3A_57 = arith.constant 0 : i32
        %dma_start3A_58 = arith.constant 0 : i32
        %dma_start3A_59 = tpu.memref_slice %arg2[%dma_start3A_57, %dma_start3A_58] : memref<5000x128xf32, #tpu.memory_space<hbm>> -> memref<5000x128xf32, #tpu.memory_space<hbm>>
        tpu.enqueue_indirect_dma source(%dma_start3A_59 : memref<5000x128xf32, #tpu.memory_space<hbm>>) target(%arg8 : memref<128x128xf32, #tpu.memory_space<vmem>>) offsets(%dma_start3A_56 : memref<128xi32, #tpu.memory_space<vmem>>) semaphore(%arg11 : memref<!tpu.dma_semaphore, #tpu.memory_space<semaphore_mem>>)
      } else {
      }
      %lt3A_48 = arith.cmpi slt, %add3A_34, %select_n3A : i32
      %convert_element_type3A_49 = arith.extui %lt3A_48 : i1 to i32
      %cond3A_50 = arith.constant 0 : i32
      %cond3A_51 = arith.cmpi ne, %convert_element_type3A_49, %cond3A_50 : i32
      scf.if %cond3A_51 {
        %dma_wait3A_52 = arith.constant 0 : i32
        %dma_wait3A_53 = tpu.memref_slice %arg6[%add3A_34, %dma_wait3A_52] : memref<24x128xi32, #tpu.memory_space<vmem>> -> memref<1x128xi32, #tpu.memory_space<vmem>>
        %dma_wait3A_54 = tpu.memref_squeeze %dma_wait3A_53 : memref<1x128xi32, #tpu.memory_space<vmem>> -> memref<128xi32, #tpu.memory_space<vmem>>
        %dma_wait3A_55 = arith.constant 0 : i32
        %dma_wait3A_56 = arith.constant 0 : i32
        %dma_wait3A_57 = tpu.memref_slice %arg2[%dma_wait3A_55, %dma_wait3A_56] : memref<5000x128xf32, #tpu.memory_space<hbm>> -> memref<5000x128xf32, #tpu.memory_space<hbm>>
        tpu.wait_indirect_dma semaphore(%arg12 : memref<!tpu.dma_semaphore, #tpu.memory_space<semaphore_mem>>) src(%dma_wait3A_57 : memref<5000x128xf32, #tpu.memory_space<hbm>>) dst(%arg9 : memref<128x128xf32, #tpu.memory_space<vmem>>)
        "tpu.region"() ({
          %run_scoped3A = tpu.sem_alloc : memref<!tpu.dma_semaphore, #tpu.memory_space<semaphore_mem>>
          %dma_start3A_58 = arith.constant 0 : i32
          %dma_start3A_59 = tpu.memref_slice %arg7[%add3A_34, %dma_start3A_58] : memref<24x128xi32, #tpu.memory_space<vmem>> -> memref<1x128xi32, #tpu.memory_space<vmem>>
          %dma_start3A_60 = tpu.memref_squeeze %dma_start3A_59 : memref<1x128xi32, #tpu.memory_space<vmem>> -> memref<128xi32, #tpu.memory_space<vmem>>
          %dma_start3A_61 = arith.constant 0 : i32
          %dma_start3A_62 = arith.constant 0 : i32
          %dma_start3A_63 = tpu.memref_slice %arg10[%dma_start3A_61, %dma_start3A_62] : memref<2048x128xf32, #tpu.memory_space<vmem_shared>> -> memref<2048x128xf32, #tpu.memory_space<vmem_shared>>
          tpu.enqueue_indirect_dma source(%arg9 : memref<128x128xf32, #tpu.memory_space<vmem>>) target(%dma_start3A_63 : memref<2048x128xf32, #tpu.memory_space<vmem_shared>>) offsets(%dma_start3A_60 : memref<128xi32, #tpu.memory_space<vmem>>) semaphore(%run_scoped3A : memref<!tpu.dma_semaphore, #tpu.memory_space<semaphore_mem>>) {add = true}
          %dma_wait3A_64 = arith.constant 0 : i32
          %dma_wait3A_65 = tpu.memref_slice %arg7[%add3A_34, %dma_wait3A_64] : memref<24x128xi32, #tpu.memory_space<vmem>> -> memref<1x128xi32, #tpu.memory_space<vmem>>
          %dma_wait3A_66 = tpu.memref_squeeze %dma_wait3A_65 : memref<1x128xi32, #tpu.memory_space<vmem>> -> memref<128xi32, #tpu.memory_space<vmem>>
          %dma_wait3A_67 = arith.constant 0 : i32
          %dma_wait3A_68 = arith.constant 0 : i32
          %dma_wait3A_69 = tpu.memref_slice %arg10[%dma_wait3A_67, %dma_wait3A_68] : memref<2048x128xf32, #tpu.memory_space<vmem_shared>> -> memref<2048x128xf32, #tpu.memory_space<vmem_shared>>
          tpu.wait_indirect_dma semaphore(%run_scoped3A : memref<!tpu.dma_semaphore, #tpu.memory_space<semaphore_mem>>) src(%arg9 : memref<128x128xf32, #tpu.memory_space<vmem>>) dst(%dma_wait3A_69 : memref<2048x128xf32, #tpu.memory_space<vmem_shared>>)
          tpu.yield
        }) : () -> ()
      } else {
      }
    }
    %scan3A_26 = arith.constant 10 : i32
    %barrier3A_27 = arith.constant 0 : index
    tpu.barrier barrier_id(%barrier3A_27)
    %add3A_28 = arith.constant 0 : i32
    %add3A_29 = arith.addi %mul3A_10, %add3A_28 : i32
    "tpu.region"() ({
      %run_scoped3A = tpu.sem_alloc : memref<!tpu.dma_semaphore, #tpu.memory_space<semaphore_mem>>
      %dma_start3A_30 = arith.constant 0 : i32
      %dma_start3A_31 = tpu.memref_slice %arg5[%arg0, %add3A_29, %dma_start3A_30] : memref<2x2048x128xf32, #tpu.memory_space<hbm>> -> memref<1x128x128xf32, #tpu.memory_space<hbm>>
      %dma_start3A_32 = tpu.memref_squeeze %dma_start3A_31 : memref<1x128x128xf32, #tpu.memory_space<hbm>> -> memref<128x128xf32, #tpu.memory_space<hbm>>
      %dma_start3A_33 = arith.constant 0 : i32
      %dma_start3A_34 = tpu.memref_slice %arg10[%add3A_29, %dma_start3A_33] : memref<2048x128xf32, #tpu.memory_space<vmem_shared>> -> memref<128x128xf32, #tpu.memory_space<vmem_shared>>
      tpu.enqueue_dma source(%dma_start3A_34 : memref<128x128xf32, #tpu.memory_space<vmem_shared>>) target(%dma_start3A_32 : memref<128x128xf32, #tpu.memory_space<hbm>>) target_semaphore(%run_scoped3A : memref<!tpu.dma_semaphore, #tpu.memory_space<semaphore_mem>>)
      %dma_wait3A = arith.constant 0 : i32
      %dma_wait3A_35 = tpu.memref_slice %arg5[%arg0, %add3A_29, %dma_wait3A] : memref<2x2048x128xf32, #tpu.memory_space<hbm>> -> memref<1x128x128xf32, #tpu.memory_space<hbm>>
      %dma_wait3A_36 = tpu.memref_squeeze %dma_wait3A_35 : memref<1x128x128xf32, #tpu.memory_space<hbm>> -> memref<128x128xf32, #tpu.memory_space<hbm>>
      %dma_wait3A_37 = arith.constant 0 : i32
      %dma_wait3A_38 = tpu.memref_slice %arg10[%add3A_29, %dma_wait3A_37] : memref<2048x128xf32, #tpu.memory_space<vmem_shared>> -> memref<128x128xf32, #tpu.memory_space<vmem_shared>>
      tpu.wait_dma2 semaphore(%run_scoped3A : memref<!tpu.dma_semaphore, #tpu.memory_space<semaphore_mem>>) src(%dma_wait3A_38 : memref<128x128xf32, #tpu.memory_space<vmem_shared>>) dst(%dma_wait3A_36 : memref<128x128xf32, #tpu.memory_space<hbm>>)
      tpu.yield
    }) : () -> ()
    return
  }
}

#map = affine_map<(d0, d1) -> (0, 0)>
#map1 = affine_map<(d0, d1) -> (0, 0, 0)>
module attributes {stable_mosaic.version = 14 : i64} {
  func.func @body(%arg0: i32, %arg1: i32, %arg2: memref<10000x128xf32, #tpu.memory_space<hbm>>, %arg3: memref<32x24x128xi32, #tpu.memory_space<hbm>>, %arg4: memref<32x24x128xi32, #tpu.memory_space<hbm>>, %arg5: memref<2x5120x128xf32, #tpu.memory_space<hbm>>, %arg6: memref<2x5120x128xf32, #tpu.memory_space<hbm>>, %arg7: memref<24x128xi32, #tpu.memory_space<vmem>>, %arg8: memref<24x128xi32, #tpu.memory_space<vmem>>, %arg9: memref<128x128xf32, #tpu.memory_space<vmem>>, %arg10: memref<128x128xf32, #tpu.memory_space<vmem>>, %arg11: memref<5120x128xf32, #tpu.memory_space<vmem_shared>>, %arg12: memref<5120x128xf32, #tpu.memory_space<vmem_shared>>, %arg13: memref<!tpu.dma_semaphore, #tpu.memory_space<semaphore_mem>>) attributes {dimension_semantics = [#tpu.dimension_semantics<core_parallel>, #tpu.dimension_semantics<subcore_parallel>], iteration_bounds = array<i64: 2, 16>, scalar_prefetch = 0 : i64, scratch_operands = 7 : i64, tpu.core_type = #tpu.core_type<sc_vector_subcore>, window_params = [{transform_indices = #map}, {transform_indices = #map1}, {transform_indices = #map1}, {transform_indices = #map1}, {transform_indices = #map1}]} {
    %mul3A = arith.constant 16 : i32
    %mul3A_0 = arith.muli %arg0, %mul3A : i32
    %add3A = arith.addi %mul3A_0, %arg1 : i32
    %broadcast_in_dim3A = arith.constant 0.000000e+00 : f32
    %broadcast_in_dim3A_1 = vector.broadcast %broadcast_in_dim3A : f32 to vector<16xf32>
    %broadcast_in_dim3A_2 = arith.constant 1.000000e+00 : f32
    %broadcast_in_dim3A_3 = vector.broadcast %broadcast_in_dim3A_2 : f32 to vector<16xf32>
    %scan3A = arith.constant 0 : i32
    %scan3A_4 = arith.constant 0 : i32
    %scan3A_5 = arith.constant 128 : i32
    %scan3A_6 = arith.addi %scan3A_4, %scan3A_5 : i32
    %scan3A_7 = arith.constant 1 : i32
    scf.for %scan3A_41 = %scan3A_4 to %scan3A_6 step %scan3A_7  : i32 {
      %swap3A = arith.index_cast %scan3A_41 : i32 to index
      %swap3A_42 = arith.constant 0 : index
      %swap3A_43 = tpu.vector_load %arg9[%swap3A, %swap3A_42] {strides = array<i32>} : memref<128x128xf32, #tpu.memory_space<vmem>>, vector<1x16xf32>,
      %swap3A_44 = vector.shape_cast %swap3A_43 : vector<1x16xf32> to vector<16xf32>
      %swap3A_45 = vector.shape_cast %broadcast_in_dim3A_1 : vector<16xf32> to vector<1x16xf32>
      tpu.vector_store %arg9[%swap3A, %swap3A_42], %swap3A_45 {strides = array<i32>} : memref<128x128xf32, #tpu.memory_space<vmem>>, vector<1x16xf32>,
      %swap3A_46 = arith.index_cast %scan3A_41 : i32 to index
      %swap3A_47 = arith.constant 0 : index
      %swap3A_48 = tpu.vector_load %arg10[%swap3A_46, %swap3A_47] {strides = array<i32>} : memref<128x128xf32, #tpu.memory_space<vmem>>, vector<1x16xf32>,
      %swap3A_49 = vector.shape_cast %swap3A_48 : vector<1x16xf32> to vector<16xf32>
      %swap3A_50 = vector.shape_cast %broadcast_in_dim3A_3 : vector<16xf32> to vector<1x16xf32>
      tpu.vector_store %arg10[%swap3A_46, %swap3A_47], %swap3A_50 {strides = array<i32>} : memref<128x128xf32, #tpu.memory_space<vmem>>, vector<1x16xf32>,
      %swap3A_51 = arith.index_cast %scan3A_41 : i32 to index
      %swap3A_52 = arith.constant 16 : index
      %swap3A_53 = tpu.vector_load %arg9[%swap3A_51, %swap3A_52] {strides = array<i32>} : memref<128x128xf32, #tpu.memory_space<vmem>>, vector<1x16xf32>,
      %swap3A_54 = vector.shape_cast %swap3A_53 : vector<1x16xf32> to vector<16xf32>
      %swap3A_55 = vector.shape_cast %broadcast_in_dim3A_1 : vector<16xf32> to vector<1x16xf32>
      tpu.vector_store %arg9[%swap3A_51, %swap3A_52], %swap3A_55 {strides = array<i32>} : memref<128x128xf32, #tpu.memory_space<vmem>>, vector<1x16xf32>,
      %swap3A_56 = arith.index_cast %scan3A_41 : i32 to index
      %swap3A_57 = arith.constant 16 : index
      %swap3A_58 = tpu.vector_load %arg10[%swap3A_56, %swap3A_57] {strides = array<i32>} : memref<128x128xf32, #tpu.memory_space<vmem>>, vector<1x16xf32>,
      %swap3A_59 = vector.shape_cast %swap3A_58 : vector<1x16xf32> to vector<16xf32>
      %swap3A_60 = vector.shape_cast %broadcast_in_dim3A_3 : vector<16xf32> to vector<1x16xf32>
      tpu.vector_store %arg10[%swap3A_56, %swap3A_57], %swap3A_60 {strides = array<i32>} : memref<128x128xf32, #tpu.memory_space<vmem>>, vector<1x16xf32>,
      %swap3A_61 = arith.index_cast %scan3A_41 : i32 to index
      %swap3A_62 = arith.constant 32 : index
      %swap3A_63 = tpu.vector_load %arg9[%swap3A_61, %swap3A_62] {strides = array<i32>} : memref<128x128xf32, #tpu.memory_space<vmem>>, vector<1x16xf32>,
      %swap3A_64 = vector.shape_cast %swap3A_63 : vector<1x16xf32> to vector<16xf32>
      %swap3A_65 = vector.shape_cast %broadcast_in_dim3A_1 : vector<16xf32> to vector<1x16xf32>
      tpu.vector_store %arg9[%swap3A_61, %swap3A_62], %swap3A_65 {strides = array<i32>} : memref<128x128xf32, #tpu.memory_space<vmem>>, vector<1x16xf32>,
      %swap3A_66 = arith.index_cast %scan3A_41 : i32 to index
      %swap3A_67 = arith.constant 32 : index
      %swap3A_68 = tpu.vector_load %arg10[%swap3A_66, %swap3A_67] {strides = array<i32>} : memref<128x128xf32, #tpu.memory_space<vmem>>, vector<1x16xf32>,
      %swap3A_69 = vector.shape_cast %swap3A_68 : vector<1x16xf32> to vector<16xf32>
      %swap3A_70 = vector.shape_cast %broadcast_in_dim3A_3 : vector<16xf32> to vector<1x16xf32>
      tpu.vector_store %arg10[%swap3A_66, %swap3A_67], %swap3A_70 {strides = array<i32>} : memref<128x128xf32, #tpu.memory_space<vmem>>, vector<1x16xf32>,
      %swap3A_71 = arith.index_cast %scan3A_41 : i32 to index
      %swap3A_72 = arith.constant 48 : index
      %swap3A_73 = tpu.vector_load %arg9[%swap3A_71, %swap3A_72] {strides = array<i32>} : memref<128x128xf32, #tpu.memory_space<vmem>>, vector<1x16xf32>,
      %swap3A_74 = vector.shape_cast %swap3A_73 : vector<1x16xf32> to vector<16xf32>
      %swap3A_75 = vector.shape_cast %broadcast_in_dim3A_1 : vector<16xf32> to vector<1x16xf32>
      tpu.vector_store %arg9[%swap3A_71, %swap3A_72], %swap3A_75 {strides = array<i32>} : memref<128x128xf32, #tpu.memory_space<vmem>>, vector<1x16xf32>,
      %swap3A_76 = arith.index_cast %scan3A_41 : i32 to index
      %swap3A_77 = arith.constant 48 : index
      %swap3A_78 = tpu.vector_load %arg10[%swap3A_76, %swap3A_77] {strides = array<i32>} : memref<128x128xf32, #tpu.memory_space<vmem>>, vector<1x16xf32>,
      %swap3A_79 = vector.shape_cast %swap3A_78 : vector<1x16xf32> to vector<16xf32>
      %swap3A_80 = vector.shape_cast %broadcast_in_dim3A_3 : vector<16xf32> to vector<1x16xf32>
      tpu.vector_store %arg10[%swap3A_76, %swap3A_77], %swap3A_80 {strides = array<i32>} : memref<128x128xf32, #tpu.memory_space<vmem>>, vector<1x16xf32>,
      %swap3A_81 = arith.index_cast %scan3A_41 : i32 to index
      %swap3A_82 = arith.constant 64 : index
      %swap3A_83 = tpu.vector_load %arg9[%swap3A_81, %swap3A_82] {strides = array<i32>} : memref<128x128xf32, #tpu.memory_space<vmem>>, vector<1x16xf32>,
      %swap3A_84 = vector.shape_cast %swap3A_83 : vector<1x16xf32> to vector<16xf32>
      %swap3A_85 = vector.shape_cast %broadcast_in_dim3A_1 : vector<16xf32> to vector<1x16xf32>
      tpu.vector_store %arg9[%swap3A_81, %swap3A_82], %swap3A_85 {strides = array<i32>} : memref<128x128xf32, #tpu.memory_space<vmem>>, vector<1x16xf32>,
      %swap3A_86 = arith.index_cast %scan3A_41 : i32 to index
      %swap3A_87 = arith.constant 64 : index
      %swap3A_88 = tpu.vector_load %arg10[%swap3A_86, %swap3A_87] {strides = array<i32>} : memref<128x128xf32, #tpu.memory_space<vmem>>, vector<1x16xf32>,
      %swap3A_89 = vector.shape_cast %swap3A_88 : vector<1x16xf32> to vector<16xf32>
      %swap3A_90 = vector.shape_cast %broadcast_in_dim3A_3 : vector<16xf32> to vector<1x16xf32>
      tpu.vector_store %arg10[%swap3A_86, %swap3A_87], %swap3A_90 {strides = array<i32>} : memref<128x128xf32, #tpu.memory_space<vmem>>, vector<1x16xf32>,
      %swap3A_91 = arith.index_cast %scan3A_41 : i32 to index
      %swap3A_92 = arith.constant 80 : index
      %swap3A_93 = tpu.vector_load %arg9[%swap3A_91, %swap3A_92] {strides = array<i32>} : memref<128x128xf32, #tpu.memory_space<vmem>>, vector<1x16xf32>,
      %swap3A_94 = vector.shape_cast %swap3A_93 : vector<1x16xf32> to vector<16xf32>
      %swap3A_95 = vector.shape_cast %broadcast_in_dim3A_1 : vector<16xf32> to vector<1x16xf32>
      tpu.vector_store %arg9[%swap3A_91, %swap3A_92], %swap3A_95 {strides = array<i32>} : memref<128x128xf32, #tpu.memory_space<vmem>>, vector<1x16xf32>,
      %swap3A_96 = arith.index_cast %scan3A_41 : i32 to index
      %swap3A_97 = arith.constant 80 : index
      %swap3A_98 = tpu.vector_load %arg10[%swap3A_96, %swap3A_97] {strides = array<i32>} : memref<128x128xf32, #tpu.memory_space<vmem>>, vector<1x16xf32>,
      %swap3A_99 = vector.shape_cast %swap3A_98 : vector<1x16xf32> to vector<16xf32>
      %swap3A_100 = vector.shape_cast %broadcast_in_dim3A_3 : vector<16xf32> to vector<1x16xf32>
      tpu.vector_store %arg10[%swap3A_96, %swap3A_97], %swap3A_100 {strides = array<i32>} : memref<128x128xf32, #tpu.memory_space<vmem>>, vector<1x16xf32>,
      %swap3A_101 = arith.index_cast %scan3A_41 : i32 to index
      %swap3A_102 = arith.constant 96 : index
      %swap3A_103 = tpu.vector_load %arg9[%swap3A_101, %swap3A_102] {strides = array<i32>} : memref<128x128xf32, #tpu.memory_space<vmem>>, vector<1x16xf32>,
      %swap3A_104 = vector.shape_cast %swap3A_103 : vector<1x16xf32> to vector<16xf32>
      %swap3A_105 = vector.shape_cast %broadcast_in_dim3A_1 : vector<16xf32> to vector<1x16xf32>
      tpu.vector_store %arg9[%swap3A_101, %swap3A_102], %swap3A_105 {strides = array<i32>} : memref<128x128xf32, #tpu.memory_space<vmem>>, vector<1x16xf32>,
      %swap3A_106 = arith.index_cast %scan3A_41 : i32 to index
      %swap3A_107 = arith.constant 96 : index
      %swap3A_108 = tpu.vector_load %arg10[%swap3A_106, %swap3A_107] {strides = array<i32>} : memref<128x128xf32, #tpu.memory_space<vmem>>, vector<1x16xf32>,
      %swap3A_109 = vector.shape_cast %swap3A_108 : vector<1x16xf32> to vector<16xf32>
      %swap3A_110 = vector.shape_cast %broadcast_in_dim3A_3 : vector<16xf32> to vector<1x16xf32>
      tpu.vector_store %arg10[%swap3A_106, %swap3A_107], %swap3A_110 {strides = array<i32>} : memref<128x128xf32, #tpu.memory_space<vmem>>, vector<1x16xf32>,
      %swap3A_111 = arith.index_cast %scan3A_41 : i32 to index
      %swap3A_112 = arith.constant 112 : index
      %swap3A_113 = tpu.vector_load %arg9[%swap3A_111, %swap3A_112] {strides = array<i32>} : memref<128x128xf32, #tpu.memory_space<vmem>>, vector<1x16xf32>,
      %swap3A_114 = vector.shape_cast %swap3A_113 : vector<1x16xf32> to vector<16xf32>
      %swap3A_115 = vector.shape_cast %broadcast_in_dim3A_1 : vector<16xf32> to vector<1x16xf32>
      tpu.vector_store %arg9[%swap3A_111, %swap3A_112], %swap3A_115 {strides = array<i32>} : memref<128x128xf32, #tpu.memory_space<vmem>>, vector<1x16xf32>,
      %swap3A_116 = arith.index_cast %scan3A_41 : i32 to index
      %swap3A_117 = arith.constant 112 : index
      %swap3A_118 = tpu.vector_load %arg10[%swap3A_116, %swap3A_117] {strides = array<i32>} : memref<128x128xf32, #tpu.memory_space<vmem>>, vector<1x16xf32>,
      %swap3A_119 = vector.shape_cast %swap3A_118 : vector<1x16xf32> to vector<16xf32>
      %swap3A_120 = vector.shape_cast %broadcast_in_dim3A_3 : vector<16xf32> to vector<1x16xf32>
      tpu.vector_store %arg10[%swap3A_116, %swap3A_117], %swap3A_120 {strides = array<i32>} : memref<128x128xf32, #tpu.memory_space<vmem>>, vector<1x16xf32>,
    }
    %scan3A_8 = arith.constant 128 : i32
    %mul3A_9 = arith.constant 320 : i32
    %mul3A_10 = arith.muli %arg1, %mul3A_9 : i32
    %add3A_11 = arith.constant 0 : i32
    %add3A_12 = arith.addi %mul3A_10, %add3A_11 : i32
    "tpu.region"() ({
      %run_scoped3A = tpu.sem_alloc : memref<!tpu.dma_semaphore, #tpu.memory_space<semaphore_mem>>
      %dma_start3A = arith.constant 0 : i32
      %dma_start3A_41 = arith.constant 0 : i32
      %dma_start3A_42 = tpu.memref_slice %arg9[%dma_start3A, %dma_start3A_41] : memref<128x128xf32, #tpu.memory_space<vmem>> -> memref<128x128xf32, #tpu.memory_space<vmem>>
      %dma_start3A_43 = arith.constant 0 : i32
      %dma_start3A_44 = tpu.memref_slice %arg11[%add3A_12, %dma_start3A_43] : memref<5120x128xf32, #tpu.memory_space<vmem_shared>> -> memref<128x128xf32, #tpu.memory_space<vmem_shared>>
      %dma_start3A_45 = arith.constant 0 : i32
      %dma_start3A_46 = tpu.memref_slice %arg11[%add3A_12, %dma_start3A_45] : memref<5120x128xf32, #tpu.memory_space<vmem_shared>> -> memref<128x128xf32, #tpu.memory_space<vmem_shared>>
      %dma_start3A_47 = arith.constant 0 : i32
      %dma_start3A_48 = arith.constant 0 : i32
      %dma_start3A_49 = tpu.memref_slice %arg9[%dma_start3A_47, %dma_start3A_48] : memref<128x128xf32, #tpu.memory_space<vmem>> -> memref<128x128xf32, #tpu.memory_space<vmem>>
      tpu.enqueue_dma source(%dma_start3A_49 : memref<128x128xf32, #tpu.memory_space<vmem>>) target(%dma_start3A_46 : memref<128x128xf32, #tpu.memory_space<vmem_shared>>) target_semaphore(%run_scoped3A : memref<!tpu.dma_semaphore, #tpu.memory_space<semaphore_mem>>)
      %dma_wait3A = arith.constant 0 : i32
      %dma_wait3A_50 = arith.constant 0 : i32
      %dma_wait3A_51 = tpu.memref_slice %arg9[%dma_wait3A, %dma_wait3A_50] : memref<128x128xf32, #tpu.memory_space<vmem>> -> memref<128x128xf32, #tpu.memory_space<vmem>>
      %dma_wait3A_52 = arith.constant 0 : i32
      %dma_wait3A_53 = tpu.memref_slice %arg11[%add3A_12, %dma_wait3A_52] : memref<5120x128xf32, #tpu.memory_space<vmem_shared>> -> memref<128x128xf32, #tpu.memory_space<vmem_shared>>
      %dma_wait3A_54 = arith.constant 0 : i32
      %dma_wait3A_55 = tpu.memref_slice %arg11[%add3A_12, %dma_wait3A_54] : memref<5120x128xf32, #tpu.memory_space<vmem_shared>> -> memref<128x128xf32, #tpu.memory_space<vmem_shared>>
      %dma_wait3A_56 = arith.constant 0 : i32
      %dma_wait3A_57 = arith.constant 0 : i32
      %dma_wait3A_58 = tpu.memref_slice %arg9[%dma_wait3A_56, %dma_wait3A_57] : memref<128x128xf32, #tpu.memory_space<vmem>> -> memref<128x128xf32, #tpu.memory_space<vmem>>
      tpu.wait_dma2 semaphore(%run_scoped3A : memref<!tpu.dma_semaphore, #tpu.memory_space<semaphore_mem>>) src(%dma_wait3A_58 : memref<128x128xf32, #tpu.memory_space<vmem>>) dst(%dma_wait3A_55 : memref<128x128xf32, #tpu.memory_space<vmem_shared>>)
      tpu.yield
    }) : () -> ()
    %add3A_13 = arith.constant 0 : i32
    %add3A_14 = arith.addi %mul3A_10, %add3A_13 : i32
    "tpu.region"() ({
      %run_scoped3A = tpu.sem_alloc : memref<!tpu.dma_semaphore, #tpu.memory_space<semaphore_mem>>
      %dma_start3A = arith.constant 0 : i32
      %dma_start3A_41 = arith.constant 0 : i32
      %dma_start3A_42 = tpu.memref_slice %arg9[%dma_start3A, %dma_start3A_41] : memref<128x128xf32, #tpu.memory_space<vmem>> -> memref<128x128xf32, #tpu.memory_space<vmem>>
      %dma_start3A_43 = arith.constant 0 : i32
      %dma_start3A_44 = tpu.memref_slice %arg12[%add3A_14, %dma_start3A_43] : memref<5120x128xf32, #tpu.memory_space<vmem_shared>> -> memref<128x128xf32, #tpu.memory_space<vmem_shared>>
      %dma_start3A_45 = arith.constant 0 : i32
      %dma_start3A_46 = tpu.memref_slice %arg12[%add3A_14, %dma_start3A_45] : memref<5120x128xf32, #tpu.memory_space<vmem_shared>> -> memref<128x128xf32, #tpu.memory_space<vmem_shared>>
      %dma_start3A_47 = arith.constant 0 : i32
      %dma_start3A_48 = arith.constant 0 : i32
      %dma_start3A_49 = tpu.memref_slice %arg9[%dma_start3A_47, %dma_start3A_48] : memref<128x128xf32, #tpu.memory_space<vmem>> -> memref<128x128xf32, #tpu.memory_space<vmem>>
      tpu.enqueue_dma source(%dma_start3A_49 : memref<128x128xf32, #tpu.memory_space<vmem>>) target(%dma_start3A_46 : memref<128x128xf32, #tpu.memory_space<vmem_shared>>) target_semaphore(%run_scoped3A : memref<!tpu.dma_semaphore, #tpu.memory_space<semaphore_mem>>)
      %dma_wait3A = arith.constant 0 : i32
      %dma_wait3A_50 = arith.constant 0 : i32
      %dma_wait3A_51 = tpu.memref_slice %arg9[%dma_wait3A, %dma_wait3A_50] : memref<128x128xf32, #tpu.memory_space<vmem>> -> memref<128x128xf32, #tpu.memory_space<vmem>>
      %dma_wait3A_52 = arith.constant 0 : i32
      %dma_wait3A_53 = tpu.memref_slice %arg12[%add3A_14, %dma_wait3A_52] : memref<5120x128xf32, #tpu.memory_space<vmem_shared>> -> memref<128x128xf32, #tpu.memory_space<vmem_shared>>
      %dma_wait3A_54 = arith.constant 0 : i32
      %dma_wait3A_55 = tpu.memref_slice %arg12[%add3A_14, %dma_wait3A_54] : memref<5120x128xf32, #tpu.memory_space<vmem_shared>> -> memref<128x128xf32, #tpu.memory_space<vmem_shared>>
      %dma_wait3A_56 = arith.constant 0 : i32
      %dma_wait3A_57 = arith.constant 0 : i32
      %dma_wait3A_58 = tpu.memref_slice %arg9[%dma_wait3A_56, %dma_wait3A_57] : memref<128x128xf32, #tpu.memory_space<vmem>> -> memref<128x128xf32, #tpu.memory_space<vmem>>
      tpu.wait_dma2 semaphore(%run_scoped3A : memref<!tpu.dma_semaphore, #tpu.memory_space<semaphore_mem>>) src(%dma_wait3A_58 : memref<128x128xf32, #tpu.memory_space<vmem>>) dst(%dma_wait3A_55 : memref<128x128xf32, #tpu.memory_space<vmem_shared>>)
      tpu.yield
    }) : () -> ()
    %add3A_15 = arith.constant 128 : i32
    %add3A_16 = arith.addi %mul3A_10, %add3A_15 : i32
    "tpu.region"() ({
      %run_scoped3A = tpu.sem_alloc : memref<!tpu.dma_semaphore, #tpu.memory_space<semaphore_mem>>
      %dma_start3A = arith.constant 0 : i32
      %dma_start3A_41 = arith.constant 0 : i32
      %dma_start3A_42 = tpu.memref_slice %arg9[%dma_start3A, %dma_start3A_41] : memref<128x128xf32, #tpu.memory_space<vmem>> -> memref<128x128xf32, #tpu.memory_space<vmem>>
      %dma_start3A_43 = arith.constant 0 : i32
      %dma_start3A_44 = tpu.memref_slice %arg11[%add3A_16, %dma_start3A_43] : memref<5120x128xf32, #tpu.memory_space<vmem_shared>> -> memref<128x128xf32, #tpu.memory_space<vmem_shared>>
      %dma_start3A_45 = arith.constant 0 : i32
      %dma_start3A_46 = tpu.memref_slice %arg11[%add3A_16, %dma_start3A_45] : memref<5120x128xf32, #tpu.memory_space<vmem_shared>> -> memref<128x128xf32, #tpu.memory_space<vmem_shared>>
      %dma_start3A_47 = arith.constant 0 : i32
      %dma_start3A_48 = arith.constant 0 : i32
      %dma_start3A_49 = tpu.memref_slice %arg9[%dma_start3A_47, %dma_start3A_48] : memref<128x128xf32, #tpu.memory_space<vmem>> -> memref<128x128xf32, #tpu.memory_space<vmem>>
      tpu.enqueue_dma source(%dma_start3A_49 : memref<128x128xf32, #tpu.memory_space<vmem>>) target(%dma_start3A_46 : memref<128x128xf32, #tpu.memory_space<vmem_shared>>) target_semaphore(%run_scoped3A : memref<!tpu.dma_semaphore, #tpu.memory_space<semaphore_mem>>)
      %dma_wait3A = arith.constant 0 : i32
      %dma_wait3A_50 = arith.constant 0 : i32
      %dma_wait3A_51 = tpu.memref_slice %arg9[%dma_wait3A, %dma_wait3A_50] : memref<128x128xf32, #tpu.memory_space<vmem>> -> memref<128x128xf32, #tpu.memory_space<vmem>>
      %dma_wait3A_52 = arith.constant 0 : i32
      %dma_wait3A_53 = tpu.memref_slice %arg11[%add3A_16, %dma_wait3A_52] : memref<5120x128xf32, #tpu.memory_space<vmem_shared>> -> memref<128x128xf32, #tpu.memory_space<vmem_shared>>
      %dma_wait3A_54 = arith.constant 0 : i32
      %dma_wait3A_55 = tpu.memref_slice %arg11[%add3A_16, %dma_wait3A_54] : memref<5120x128xf32, #tpu.memory_space<vmem_shared>> -> memref<128x128xf32, #tpu.memory_space<vmem_shared>>
      %dma_wait3A_56 = arith.constant 0 : i32
      %dma_wait3A_57 = arith.constant 0 : i32
      %dma_wait3A_58 = tpu.memref_slice %arg9[%dma_wait3A_56, %dma_wait3A_57] : memref<128x128xf32, #tpu.memory_space<vmem>> -> memref<128x128xf32, #tpu.memory_space<vmem>>
      tpu.wait_dma2 semaphore(%run_scoped3A : memref<!tpu.dma_semaphore, #tpu.memory_space<semaphore_mem>>) src(%dma_wait3A_58 : memref<128x128xf32, #tpu.memory_space<vmem>>) dst(%dma_wait3A_55 : memref<128x128xf32, #tpu.memory_space<vmem_shared>>)
      tpu.yield
    }) : () -> ()
    %add3A_17 = arith.constant 128 : i32
    %add3A_18 = arith.addi %mul3A_10, %add3A_17 : i32
    "tpu.region"() ({
      %run_scoped3A = tpu.sem_alloc : memref<!tpu.dma_semaphore, #tpu.memory_space<semaphore_mem>>
      %dma_start3A = arith.constant 0 : i32
      %dma_start3A_41 = arith.constant 0 : i32
      %dma_start3A_42 = tpu.memref_slice %arg9[%dma_start3A, %dma_start3A_41] : memref<128x128xf32, #tpu.memory_space<vmem>> -> memref<128x128xf32, #tpu.memory_space<vmem>>
      %dma_start3A_43 = arith.constant 0 : i32
      %dma_start3A_44 = tpu.memref_slice %arg12[%add3A_18, %dma_start3A_43] : memref<5120x128xf32, #tpu.memory_space<vmem_shared>> -> memref<128x128xf32, #tpu.memory_space<vmem_shared>>
      %dma_start3A_45 = arith.constant 0 : i32
      %dma_start3A_46 = tpu.memref_slice %arg12[%add3A_18, %dma_start3A_45] : memref<5120x128xf32, #tpu.memory_space<vmem_shared>> -> memref<128x128xf32, #tpu.memory_space<vmem_shared>>
      %dma_start3A_47 = arith.constant 0 : i32
      %dma_start3A_48 = arith.constant 0 : i32
      %dma_start3A_49 = tpu.memref_slice %arg9[%dma_start3A_47, %dma_start3A_48] : memref<128x128xf32, #tpu.memory_space<vmem>> -> memref<128x128xf32, #tpu.memory_space<vmem>>
      tpu.enqueue_dma source(%dma_start3A_49 : memref<128x128xf32, #tpu.memory_space<vmem>>) target(%dma_start3A_46 : memref<128x128xf32, #tpu.memory_space<vmem_shared>>) target_semaphore(%run_scoped3A : memref<!tpu.dma_semaphore, #tpu.memory_space<semaphore_mem>>)
      %dma_wait3A = arith.constant 0 : i32
      %dma_wait3A_50 = arith.constant 0 : i32
      %dma_wait3A_51 = tpu.memref_slice %arg9[%dma_wait3A, %dma_wait3A_50] : memref<128x128xf32, #tpu.memory_space<vmem>> -> memref<128x128xf32, #tpu.memory_space<vmem>>
      %dma_wait3A_52 = arith.constant 0 : i32
      %dma_wait3A_53 = tpu.memref_slice %arg12[%add3A_18, %dma_wait3A_52] : memref<5120x128xf32, #tpu.memory_space<vmem_shared>> -> memref<128x128xf32, #tpu.memory_space<vmem_shared>>
      %dma_wait3A_54 = arith.constant 0 : i32
      %dma_wait3A_55 = tpu.memref_slice %arg12[%add3A_18, %dma_wait3A_54] : memref<5120x128xf32, #tpu.memory_space<vmem_shared>> -> memref<128x128xf32, #tpu.memory_space<vmem_shared>>
      %dma_wait3A_56 = arith.constant 0 : i32
      %dma_wait3A_57 = arith.constant 0 : i32
      %dma_wait3A_58 = tpu.memref_slice %arg9[%dma_wait3A_56, %dma_wait3A_57] : memref<128x128xf32, #tpu.memory_space<vmem>> -> memref<128x128xf32, #tpu.memory_space<vmem>>
      tpu.wait_dma2 semaphore(%run_scoped3A : memref<!tpu.dma_semaphore, #tpu.memory_space<semaphore_mem>>) src(%dma_wait3A_58 : memref<128x128xf32, #tpu.memory_space<vmem>>) dst(%dma_wait3A_55 : memref<128x128xf32, #tpu.memory_space<vmem_shared>>)
      tpu.yield
    }) : () -> ()
    %add3A_19 = arith.constant 256 : i32
    %add3A_20 = arith.addi %mul3A_10, %add3A_19 : i32
    "tpu.region"() ({
      %run_scoped3A = tpu.sem_alloc : memref<!tpu.dma_semaphore, #tpu.memory_space<semaphore_mem>>
      %dma_start3A = arith.constant 0 : i32
      %dma_start3A_41 = arith.constant 0 : i32
      %dma_start3A_42 = tpu.memref_slice %arg9[%dma_start3A, %dma_start3A_41] : memref<128x128xf32, #tpu.memory_space<vmem>> -> memref<64x128xf32, #tpu.memory_space<vmem>>
      %dma_start3A_43 = arith.constant 0 : i32
      %dma_start3A_44 = tpu.memref_slice %arg11[%add3A_20, %dma_start3A_43] : memref<5120x128xf32, #tpu.memory_space<vmem_shared>> -> memref<64x128xf32, #tpu.memory_space<vmem_shared>>
      %dma_start3A_45 = arith.constant 0 : i32
      %dma_start3A_46 = tpu.memref_slice %arg11[%add3A_20, %dma_start3A_45] : memref<5120x128xf32, #tpu.memory_space<vmem_shared>> -> memref<64x128xf32, #tpu.memory_space<vmem_shared>>
      %dma_start3A_47 = arith.constant 0 : i32
      %dma_start3A_48 = arith.constant 0 : i32
      %dma_start3A_49 = tpu.memref_slice %arg9[%dma_start3A_47, %dma_start3A_48] : memref<128x128xf32, #tpu.memory_space<vmem>> -> memref<64x128xf32, #tpu.memory_space<vmem>>
      tpu.enqueue_dma source(%dma_start3A_49 : memref<64x128xf32, #tpu.memory_space<vmem>>) target(%dma_start3A_46 : memref<64x128xf32, #tpu.memory_space<vmem_shared>>) target_semaphore(%run_scoped3A : memref<!tpu.dma_semaphore, #tpu.memory_space<semaphore_mem>>)
      %dma_wait3A = arith.constant 0 : i32
      %dma_wait3A_50 = arith.constant 0 : i32
      %dma_wait3A_51 = tpu.memref_slice %arg9[%dma_wait3A, %dma_wait3A_50] : memref<128x128xf32, #tpu.memory_space<vmem>> -> memref<64x128xf32, #tpu.memory_space<vmem>>
      %dma_wait3A_52 = arith.constant 0 : i32
      %dma_wait3A_53 = tpu.memref_slice %arg11[%add3A_20, %dma_wait3A_52] : memref<5120x128xf32, #tpu.memory_space<vmem_shared>> -> memref<64x128xf32, #tpu.memory_space<vmem_shared>>
      %dma_wait3A_54 = arith.constant 0 : i32
      %dma_wait3A_55 = tpu.memref_slice %arg11[%add3A_20, %dma_wait3A_54] : memref<5120x128xf32, #tpu.memory_space<vmem_shared>> -> memref<64x128xf32, #tpu.memory_space<vmem_shared>>
      %dma_wait3A_56 = arith.constant 0 : i32
      %dma_wait3A_57 = arith.constant 0 : i32
      %dma_wait3A_58 = tpu.memref_slice %arg9[%dma_wait3A_56, %dma_wait3A_57] : memref<128x128xf32, #tpu.memory_space<vmem>> -> memref<64x128xf32, #tpu.memory_space<vmem>>
      tpu.wait_dma2 semaphore(%run_scoped3A : memref<!tpu.dma_semaphore, #tpu.memory_space<semaphore_mem>>) src(%dma_wait3A_58 : memref<64x128xf32, #tpu.memory_space<vmem>>) dst(%dma_wait3A_55 : memref<64x128xf32, #tpu.memory_space<vmem_shared>>)
      tpu.yield
    }) : () -> ()
    %add3A_21 = arith.constant 256 : i32
    %add3A_22 = arith.addi %mul3A_10, %add3A_21 : i32
    "tpu.region"() ({
      %run_scoped3A = tpu.sem_alloc : memref<!tpu.dma_semaphore, #tpu.memory_space<semaphore_mem>>
      %dma_start3A = arith.constant 0 : i32
      %dma_start3A_41 = arith.constant 0 : i32
      %dma_start3A_42 = tpu.memref_slice %arg9[%dma_start3A, %dma_start3A_41] : memref<128x128xf32, #tpu.memory_space<vmem>> -> memref<64x128xf32, #tpu.memory_space<vmem>>
      %dma_start3A_43 = arith.constant 0 : i32
      %dma_start3A_44 = tpu.memref_slice %arg12[%add3A_22, %dma_start3A_43] : memref<5120x128xf32, #tpu.memory_space<vmem_shared>> -> memref<64x128xf32, #tpu.memory_space<vmem_shared>>
      %dma_start3A_45 = arith.constant 0 : i32
      %dma_start3A_46 = tpu.memref_slice %arg12[%add3A_22, %dma_start3A_45] : memref<5120x128xf32, #tpu.memory_space<vmem_shared>> -> memref<64x128xf32, #tpu.memory_space<vmem_shared>>
      %dma_start3A_47 = arith.constant 0 : i32
      %dma_start3A_48 = arith.constant 0 : i32
      %dma_start3A_49 = tpu.memref_slice %arg9[%dma_start3A_47, %dma_start3A_48] : memref<128x128xf32, #tpu.memory_space<vmem>> -> memref<64x128xf32, #tpu.memory_space<vmem>>
      tpu.enqueue_dma source(%dma_start3A_49 : memref<64x128xf32, #tpu.memory_space<vmem>>) target(%dma_start3A_46 : memref<64x128xf32, #tpu.memory_space<vmem_shared>>) target_semaphore(%run_scoped3A : memref<!tpu.dma_semaphore, #tpu.memory_space<semaphore_mem>>)
      %dma_wait3A = arith.constant 0 : i32
      %dma_wait3A_50 = arith.constant 0 : i32
      %dma_wait3A_51 = tpu.memref_slice %arg9[%dma_wait3A, %dma_wait3A_50] : memref<128x128xf32, #tpu.memory_space<vmem>> -> memref<64x128xf32, #tpu.memory_space<vmem>>
      %dma_wait3A_52 = arith.constant 0 : i32
      %dma_wait3A_53 = tpu.memref_slice %arg12[%add3A_22, %dma_wait3A_52] : memref<5120x128xf32, #tpu.memory_space<vmem_shared>> -> memref<64x128xf32, #tpu.memory_space<vmem_shared>>
      %dma_wait3A_54 = arith.constant 0 : i32
      %dma_wait3A_55 = tpu.memref_slice %arg12[%add3A_22, %dma_wait3A_54] : memref<5120x128xf32, #tpu.memory_space<vmem_shared>> -> memref<64x128xf32, #tpu.memory_space<vmem_shared>>
      %dma_wait3A_56 = arith.constant 0 : i32
      %dma_wait3A_57 = arith.constant 0 : i32
      %dma_wait3A_58 = tpu.memref_slice %arg9[%dma_wait3A_56, %dma_wait3A_57] : memref<128x128xf32, #tpu.memory_space<vmem>> -> memref<64x128xf32, #tpu.memory_space<vmem>>
      tpu.wait_dma2 semaphore(%run_scoped3A : memref<!tpu.dma_semaphore, #tpu.memory_space<semaphore_mem>>) src(%dma_wait3A_58 : memref<64x128xf32, #tpu.memory_space<vmem>>) dst(%dma_wait3A_55 : memref<64x128xf32, #tpu.memory_space<vmem_shared>>)
      tpu.yield
    }) : () -> ()
    "tpu.region"() ({
      %run_scoped3A = tpu.sem_alloc : memref<!tpu.dma_semaphore, #tpu.memory_space<semaphore_mem>>
      %dma_start3A = arith.constant 0 : i32
      %dma_start3A_41 = arith.constant 0 : i32
      %dma_start3A_42 = tpu.memref_slice %arg3[%add3A, %dma_start3A, %dma_start3A_41] : memref<32x24x128xi32, #tpu.memory_space<hbm>> -> memref<1x24x128xi32, #tpu.memory_space<hbm>>
      %dma_start3A_43 = tpu.memref_squeeze %dma_start3A_42 : memref<1x24x128xi32, #tpu.memory_space<hbm>> -> memref<24x128xi32, #tpu.memory_space<hbm>>
      %dma_start3A_44 = arith.constant 0 : i32
      %dma_start3A_45 = arith.constant 0 : i32
      %dma_start3A_46 = tpu.memref_slice %arg3[%add3A, %dma_start3A_44, %dma_start3A_45] : memref<32x24x128xi32, #tpu.memory_space<hbm>> -> memref<1x24x128xi32, #tpu.memory_space<hbm>>
      %dma_start3A_47 = tpu.memref_squeeze %dma_start3A_46 : memref<1x24x128xi32, #tpu.memory_space<hbm>> -> memref<24x128xi32, #tpu.memory_space<hbm>>
      tpu.enqueue_dma source(%dma_start3A_47 : memref<24x128xi32, #tpu.memory_space<hbm>>) target(%arg7 : memref<24x128xi32, #tpu.memory_space<vmem>>) target_semaphore(%run_scoped3A : memref<!tpu.dma_semaphore, #tpu.memory_space<semaphore_mem>>)
      %dma_wait3A = arith.constant 0 : i32
      %dma_wait3A_48 = arith.constant 0 : i32
      %dma_wait3A_49 = tpu.memref_slice %arg3[%add3A, %dma_wait3A, %dma_wait3A_48] : memref<32x24x128xi32, #tpu.memory_space<hbm>> -> memref<1x24x128xi32, #tpu.memory_space<hbm>>
      %dma_wait3A_50 = tpu.memref_squeeze %dma_wait3A_49 : memref<1x24x128xi32, #tpu.memory_space<hbm>> -> memref<24x128xi32, #tpu.memory_space<hbm>>
      %dma_wait3A_51 = arith.constant 0 : i32
      %dma_wait3A_52 = arith.constant 0 : i32
      %dma_wait3A_53 = tpu.memref_slice %arg3[%add3A, %dma_wait3A_51, %dma_wait3A_52] : memref<32x24x128xi32, #tpu.memory_space<hbm>> -> memref<1x24x128xi32, #tpu.memory_space<hbm>>
      %dma_wait3A_54 = tpu.memref_squeeze %dma_wait3A_53 : memref<1x24x128xi32, #tpu.memory_space<hbm>> -> memref<24x128xi32, #tpu.memory_space<hbm>>
      tpu.wait_dma2 semaphore(%run_scoped3A : memref<!tpu.dma_semaphore, #tpu.memory_space<semaphore_mem>>) src(%dma_wait3A_54 : memref<24x128xi32, #tpu.memory_space<hbm>>) dst(%arg7 : memref<24x128xi32, #tpu.memory_space<vmem>>)
      tpu.yield
    }) : () -> ()
    "tpu.region"() ({
      %run_scoped3A = tpu.sem_alloc : memref<!tpu.dma_semaphore, #tpu.memory_space<semaphore_mem>>
      %dma_start3A = arith.constant 0 : i32
      %dma_start3A_41 = arith.constant 0 : i32
      %dma_start3A_42 = tpu.memref_slice %arg4[%add3A, %dma_start3A, %dma_start3A_41] : memref<32x24x128xi32, #tpu.memory_space<hbm>> -> memref<1x24x128xi32, #tpu.memory_space<hbm>>
      %dma_start3A_43 = tpu.memref_squeeze %dma_start3A_42 : memref<1x24x128xi32, #tpu.memory_space<hbm>> -> memref<24x128xi32, #tpu.memory_space<hbm>>
      %dma_start3A_44 = arith.constant 0 : i32
      %dma_start3A_45 = arith.constant 0 : i32
      %dma_start3A_46 = tpu.memref_slice %arg4[%add3A, %dma_start3A_44, %dma_start3A_45] : memref<32x24x128xi32, #tpu.memory_space<hbm>> -> memref<1x24x128xi32, #tpu.memory_space<hbm>>
      %dma_start3A_47 = tpu.memref_squeeze %dma_start3A_46 : memref<1x24x128xi32, #tpu.memory_space<hbm>> -> memref<24x128xi32, #tpu.memory_space<hbm>>
      tpu.enqueue_dma source(%dma_start3A_47 : memref<24x128xi32, #tpu.memory_space<hbm>>) target(%arg8 : memref<24x128xi32, #tpu.memory_space<vmem>>) target_semaphore(%run_scoped3A : memref<!tpu.dma_semaphore, #tpu.memory_space<semaphore_mem>>)
      %dma_wait3A = arith.constant 0 : i32
      %dma_wait3A_48 = arith.constant 0 : i32
      %dma_wait3A_49 = tpu.memref_slice %arg4[%add3A, %dma_wait3A, %dma_wait3A_48] : memref<32x24x128xi32, #tpu.memory_space<hbm>> -> memref<1x24x128xi32, #tpu.memory_space<hbm>>
      %dma_wait3A_50 = tpu.memref_squeeze %dma_wait3A_49 : memref<1x24x128xi32, #tpu.memory_space<hbm>> -> memref<24x128xi32, #tpu.memory_space<hbm>>
      %dma_wait3A_51 = arith.constant 0 : i32
      %dma_wait3A_52 = arith.constant 0 : i32
      %dma_wait3A_53 = tpu.memref_slice %arg4[%add3A, %dma_wait3A_51, %dma_wait3A_52] : memref<32x24x128xi32, #tpu.memory_space<hbm>> -> memref<1x24x128xi32, #tpu.memory_space<hbm>>
      %dma_wait3A_54 = tpu.memref_squeeze %dma_wait3A_53 : memref<1x24x128xi32, #tpu.memory_space<hbm>> -> memref<24x128xi32, #tpu.memory_space<hbm>>
      tpu.wait_dma2 semaphore(%run_scoped3A : memref<!tpu.dma_semaphore, #tpu.memory_space<semaphore_mem>>) src(%dma_wait3A_54 : memref<24x128xi32, #tpu.memory_space<hbm>>) dst(%arg8 : memref<24x128xi32, #tpu.memory_space<vmem>>)
      tpu.yield
    }) : () -> ()
    %barrier3A = arith.constant 0 : index
    tpu.barrier barrier_id(%barrier3A)
    %lt3A = arith.constant 17 : i32
    %lt3A_23 = arith.cmpi slt, %add3A, %lt3A : i32
    %jit3A = arith.constant 20 : i32
    %jit3A_24 = arith.constant 19 : i32
    %select_n3A = arith.select %lt3A_23, %jit3A, %jit3A_24 : i32
    %while3A = arith.constant 0 : i32
    %while3A_25 = arith.constant 0 : i32
    %while3A_26 = arith.subi %select_n3A, %while3A_25 : i32
    %while3A_27 = arith.addi %while3A_25, %while3A_26 : i32
    %while3A_28 = arith.constant 1 : i32
    %while3A_29 = arith.divsi %while3A_26, %while3A_28 : i32
    %while3A_30 = arith.muli %while3A_29, %while3A_28 : i32
    %while3A_31 = arith.addi %while3A_25, %while3A_30 : i32
    %while3A_32 = arith.constant 1 : i32
    scf.for %while3A_41 = %while3A_25 to %while3A_31 step %while3A_32  : i32 {
      %dma_start3A = arith.constant 0 : i32
      %dma_start3A_42 = tpu.memref_slice %arg7[%while3A_41, %dma_start3A] : memref<24x128xi32, #tpu.memory_space<vmem>> -> memref<1x128xi32, #tpu.memory_space<vmem>>
      %dma_start3A_43 = tpu.memref_squeeze %dma_start3A_42 : memref<1x128xi32, #tpu.memory_space<vmem>> -> memref<128xi32, #tpu.memory_space<vmem>>
      %dma_start3A_44 = arith.constant 0 : i32
      %dma_start3A_45 = arith.constant 0 : i32
      %dma_start3A_46 = tpu.memref_slice %arg2[%dma_start3A_44, %dma_start3A_45] : memref<10000x128xf32, #tpu.memory_space<hbm>> -> memref<10000x128xf32, #tpu.memory_space<hbm>>
      tpu.enqueue_indirect_dma source(%dma_start3A_46 : memref<10000x128xf32, #tpu.memory_space<hbm>>) target(%arg9 : memref<128x128xf32, #tpu.memory_space<vmem>>) offsets(%dma_start3A_43 : memref<128xi32, #tpu.memory_space<vmem>>) semaphore(%arg13 : memref<!tpu.dma_semaphore, #tpu.memory_space<semaphore_mem>>)
      "tpu.region"() ({
        %run_scoped3A = tpu.sem_alloc : memref<!tpu.dma_semaphore, #tpu.memory_space<semaphore_mem>>
        %dma_start3A_52 = arith.constant 0 : i32
        %dma_start3A_53 = tpu.memref_slice %arg8[%while3A_41, %dma_start3A_52] : memref<24x128xi32, #tpu.memory_space<vmem>> -> memref<1x128xi32, #tpu.memory_space<vmem>>
        %dma_start3A_54 = tpu.memref_squeeze %dma_start3A_53 : memref<1x128xi32, #tpu.memory_space<vmem>> -> memref<128xi32, #tpu.memory_space<vmem>>
        %dma_start3A_55 = arith.constant 0 : i32
        %dma_start3A_56 = arith.constant 0 : i32
        %dma_start3A_57 = tpu.memref_slice %arg12[%dma_start3A_55, %dma_start3A_56] : memref<5120x128xf32, #tpu.memory_space<vmem_shared>> -> memref<5120x128xf32, #tpu.memory_space<vmem_shared>>
        tpu.enqueue_indirect_dma source(%arg10 : memref<128x128xf32, #tpu.memory_space<vmem>>) target(%dma_start3A_57 : memref<5120x128xf32, #tpu.memory_space<vmem_shared>>) offsets(%dma_start3A_54 : memref<128xi32, #tpu.memory_space<vmem>>) semaphore(%run_scoped3A : memref<!tpu.dma_semaphore, #tpu.memory_space<semaphore_mem>>) {add = true}
        %dma_wait3A_58 = arith.constant 0 : i32
        %dma_wait3A_59 = tpu.memref_slice %arg8[%while3A_41, %dma_wait3A_58] : memref<24x128xi32, #tpu.memory_space<vmem>> -> memref<1x128xi32, #tpu.memory_space<vmem>>
        %dma_wait3A_60 = tpu.memref_squeeze %dma_wait3A_59 : memref<1x128xi32, #tpu.memory_space<vmem>> -> memref<128xi32, #tpu.memory_space<vmem>>
        %dma_wait3A_61 = arith.constant 0 : i32
        %dma_wait3A_62 = arith.constant 0 : i32
        %dma_wait3A_63 = tpu.memref_slice %arg12[%dma_wait3A_61, %dma_wait3A_62] : memref<5120x128xf32, #tpu.memory_space<vmem_shared>> -> memref<5120x128xf32, #tpu.memory_space<vmem_shared>>
        tpu.wait_indirect_dma semaphore(%run_scoped3A : memref<!tpu.dma_semaphore, #tpu.memory_space<semaphore_mem>>) src(%arg10 : memref<128x128xf32, #tpu.memory_space<vmem>>) dst(%dma_wait3A_63 : memref<5120x128xf32, #tpu.memory_space<vmem_shared>>)
        tpu.yield
      }) : () -> ()
      %dma_wait3A = arith.constant 0 : i32
      %dma_wait3A_47 = tpu.memref_slice %arg7[%while3A_41, %dma_wait3A] : memref<24x128xi32, #tpu.memory_space<vmem>> -> memref<1x128xi32, #tpu.memory_space<vmem>>
      %dma_wait3A_48 = tpu.memref_squeeze %dma_wait3A_47 : memref<1x128xi32, #tpu.memory_space<vmem>> -> memref<128xi32, #tpu.memory_space<vmem>>
      %dma_wait3A_49 = arith.constant 0 : i32
      %dma_wait3A_50 = arith.constant 0 : i32
      %dma_wait3A_51 = tpu.memref_slice %arg2[%dma_wait3A_49, %dma_wait3A_50] : memref<10000x128xf32, #tpu.memory_space<hbm>> -> memref<10000x128xf32, #tpu.memory_space<hbm>>
      tpu.wait_indirect_dma semaphore(%arg13 : memref<!tpu.dma_semaphore, #tpu.memory_space<semaphore_mem>>) src(%dma_wait3A_51 : memref<10000x128xf32, #tpu.memory_space<hbm>>) dst(%arg9 : memref<128x128xf32, #tpu.memory_space<vmem>>)
      "tpu.region"() ({
        %run_scoped3A = tpu.sem_alloc : memref<!tpu.dma_semaphore, #tpu.memory_space<semaphore_mem>>
        %dma_start3A_52 = arith.constant 0 : i32
        %dma_start3A_53 = tpu.memref_slice %arg8[%while3A_41, %dma_start3A_52] : memref<24x128xi32, #tpu.memory_space<vmem>> -> memref<1x128xi32, #tpu.memory_space<vmem>>
        %dma_start3A_54 = tpu.memref_squeeze %dma_start3A_53 : memref<1x128xi32, #tpu.memory_space<vmem>> -> memref<128xi32, #tpu.memory_space<vmem>>
        %dma_start3A_55 = arith.constant 0 : i32
        %dma_start3A_56 = arith.constant 0 : i32
        %dma_start3A_57 = tpu.memref_slice %arg11[%dma_start3A_55, %dma_start3A_56] : memref<5120x128xf32, #tpu.memory_space<vmem_shared>> -> memref<5120x128xf32, #tpu.memory_space<vmem_shared>>
        tpu.enqueue_indirect_dma source(%arg9 : memref<128x128xf32, #tpu.memory_space<vmem>>) target(%dma_start3A_57 : memref<5120x128xf32, #tpu.memory_space<vmem_shared>>) offsets(%dma_start3A_54 : memref<128xi32, #tpu.memory_space<vmem>>) semaphore(%run_scoped3A : memref<!tpu.dma_semaphore, #tpu.memory_space<semaphore_mem>>) {add = true}
        %dma_wait3A_58 = arith.constant 0 : i32
        %dma_wait3A_59 = tpu.memref_slice %arg8[%while3A_41, %dma_wait3A_58] : memref<24x128xi32, #tpu.memory_space<vmem>> -> memref<1x128xi32, #tpu.memory_space<vmem>>
        %dma_wait3A_60 = tpu.memref_squeeze %dma_wait3A_59 : memref<1x128xi32, #tpu.memory_space<vmem>> -> memref<128xi32, #tpu.memory_space<vmem>>
        %dma_wait3A_61 = arith.constant 0 : i32
        %dma_wait3A_62 = arith.constant 0 : i32
        %dma_wait3A_63 = tpu.memref_slice %arg11[%dma_wait3A_61, %dma_wait3A_62] : memref<5120x128xf32, #tpu.memory_space<vmem_shared>> -> memref<5120x128xf32, #tpu.memory_space<vmem_shared>>
        tpu.wait_indirect_dma semaphore(%run_scoped3A : memref<!tpu.dma_semaphore, #tpu.memory_space<semaphore_mem>>) src(%arg9 : memref<128x128xf32, #tpu.memory_space<vmem>>) dst(%dma_wait3A_63 : memref<5120x128xf32, #tpu.memory_space<vmem_shared>>)
        tpu.yield
      }) : () -> ()
    }
    %while3A_33 = arith.constant 1 : i32
    scf.for %while3A_41 = %while3A_31 to %while3A_27 step %while3A_33  : i32 {
      %dma_start3A = arith.constant 0 : i32
      %dma_start3A_42 = tpu.memref_slice %arg7[%while3A_41, %dma_start3A] : memref<24x128xi32, #tpu.memory_space<vmem>> -> memref<1x128xi32, #tpu.memory_space<vmem>>
      %dma_start3A_43 = tpu.memref_squeeze %dma_start3A_42 : memref<1x128xi32, #tpu.memory_space<vmem>> -> memref<128xi32, #tpu.memory_space<vmem>>
      %dma_start3A_44 = arith.constant 0 : i32
      %dma_start3A_45 = arith.constant 0 : i32
      %dma_start3A_46 = tpu.memref_slice %arg2[%dma_start3A_44, %dma_start3A_45] : memref<10000x128xf32, #tpu.memory_space<hbm>> -> memref<10000x128xf32, #tpu.memory_space<hbm>>
      tpu.enqueue_indirect_dma source(%dma_start3A_46 : memref<10000x128xf32, #tpu.memory_space<hbm>>) target(%arg9 : memref<128x128xf32, #tpu.memory_space<vmem>>) offsets(%dma_start3A_43 : memref<128xi32, #tpu.memory_space<vmem>>) semaphore(%arg13 : memref<!tpu.dma_semaphore, #tpu.memory_space<semaphore_mem>>)
      "tpu.region"() ({
        %run_scoped3A = tpu.sem_alloc : memref<!tpu.dma_semaphore, #tpu.memory_space<semaphore_mem>>
        %dma_start3A_52 = arith.constant 0 : i32
        %dma_start3A_53 = tpu.memref_slice %arg8[%while3A_41, %dma_start3A_52] : memref<24x128xi32, #tpu.memory_space<vmem>> -> memref<1x128xi32, #tpu.memory_space<vmem>>
        %dma_start3A_54 = tpu.memref_squeeze %dma_start3A_53 : memref<1x128xi32, #tpu.memory_space<vmem>> -> memref<128xi32, #tpu.memory_space<vmem>>
        %dma_start3A_55 = arith.constant 0 : i32
        %dma_start3A_56 = arith.constant 0 : i32
        %dma_start3A_57 = tpu.memref_slice %arg12[%dma_start3A_55, %dma_start3A_56] : memref<5120x128xf32, #tpu.memory_space<vmem_shared>> -> memref<5120x128xf32, #tpu.memory_space<vmem_shared>>
        tpu.enqueue_indirect_dma source(%arg10 : memref<128x128xf32, #tpu.memory_space<vmem>>) target(%dma_start3A_57 : memref<5120x128xf32, #tpu.memory_space<vmem_shared>>) offsets(%dma_start3A_54 : memref<128xi32, #tpu.memory_space<vmem>>) semaphore(%run_scoped3A : memref<!tpu.dma_semaphore, #tpu.memory_space<semaphore_mem>>) {add = true}
        %dma_wait3A_58 = arith.constant 0 : i32
        %dma_wait3A_59 = tpu.memref_slice %arg8[%while3A_41, %dma_wait3A_58] : memref<24x128xi32, #tpu.memory_space<vmem>> -> memref<1x128xi32, #tpu.memory_space<vmem>>
        %dma_wait3A_60 = tpu.memref_squeeze %dma_wait3A_59 : memref<1x128xi32, #tpu.memory_space<vmem>> -> memref<128xi32, #tpu.memory_space<vmem>>
        %dma_wait3A_61 = arith.constant 0 : i32
        %dma_wait3A_62 = arith.constant 0 : i32
        %dma_wait3A_63 = tpu.memref_slice %arg12[%dma_wait3A_61, %dma_wait3A_62] : memref<5120x128xf32, #tpu.memory_space<vmem_shared>> -> memref<5120x128xf32, #tpu.memory_space<vmem_shared>>
        tpu.wait_indirect_dma semaphore(%run_scoped3A : memref<!tpu.dma_semaphore, #tpu.memory_space<semaphore_mem>>) src(%arg10 : memref<128x128xf32, #tpu.memory_space<vmem>>) dst(%dma_wait3A_63 : memref<5120x128xf32, #tpu.memory_space<vmem_shared>>)
        tpu.yield
      }) : () -> ()
      %dma_wait3A = arith.constant 0 : i32
      %dma_wait3A_47 = tpu.memref_slice %arg7[%while3A_41, %dma_wait3A] : memref<24x128xi32, #tpu.memory_space<vmem>> -> memref<1x128xi32, #tpu.memory_space<vmem>>
      %dma_wait3A_48 = tpu.memref_squeeze %dma_wait3A_47 : memref<1x128xi32, #tpu.memory_space<vmem>> -> memref<128xi32, #tpu.memory_space<vmem>>
      %dma_wait3A_49 = arith.constant 0 : i32
      %dma_wait3A_50 = arith.constant 0 : i32
      %dma_wait3A_51 = tpu.memref_slice %arg2[%dma_wait3A_49, %dma_wait3A_50] : memref<10000x128xf32, #tpu.memory_space<hbm>> -> memref<10000x128xf32, #tpu.memory_space<hbm>>
      tpu.wait_indirect_dma semaphore(%arg13 : memref<!tpu.dma_semaphore, #tpu.memory_space<semaphore_mem>>) src(%dma_wait3A_51 : memref<10000x128xf32, #tpu.memory_space<hbm>>) dst(%arg9 : memref<128x128xf32, #tpu.memory_space<vmem>>)
      "tpu.region"() ({
        %run_scoped3A = tpu.sem_alloc : memref<!tpu.dma_semaphore, #tpu.memory_space<semaphore_mem>>
        %dma_start3A_52 = arith.constant 0 : i32
        %dma_start3A_53 = tpu.memref_slice %arg8[%while3A_41, %dma_start3A_52] : memref<24x128xi32, #tpu.memory_space<vmem>> -> memref<1x128xi32, #tpu.memory_space<vmem>>
        %dma_start3A_54 = tpu.memref_squeeze %dma_start3A_53 : memref<1x128xi32, #tpu.memory_space<vmem>> -> memref<128xi32, #tpu.memory_space<vmem>>
        %dma_start3A_55 = arith.constant 0 : i32
        %dma_start3A_56 = arith.constant 0 : i32
        %dma_start3A_57 = tpu.memref_slice %arg11[%dma_start3A_55, %dma_start3A_56] : memref<5120x128xf32, #tpu.memory_space<vmem_shared>> -> memref<5120x128xf32, #tpu.memory_space<vmem_shared>>
        tpu.enqueue_indirect_dma source(%arg9 : memref<128x128xf32, #tpu.memory_space<vmem>>) target(%dma_start3A_57 : memref<5120x128xf32, #tpu.memory_space<vmem_shared>>) offsets(%dma_start3A_54 : memref<128xi32, #tpu.memory_space<vmem>>) semaphore(%run_scoped3A : memref<!tpu.dma_semaphore, #tpu.memory_space<semaphore_mem>>) {add = true}
        %dma_wait3A_58 = arith.constant 0 : i32
        %dma_wait3A_59 = tpu.memref_slice %arg8[%while3A_41, %dma_wait3A_58] : memref<24x128xi32, #tpu.memory_space<vmem>> -> memref<1x128xi32, #tpu.memory_space<vmem>>
        %dma_wait3A_60 = tpu.memref_squeeze %dma_wait3A_59 : memref<1x128xi32, #tpu.memory_space<vmem>> -> memref<128xi32, #tpu.memory_space<vmem>>
        %dma_wait3A_61 = arith.constant 0 : i32
        %dma_wait3A_62 = arith.constant 0 : i32
        %dma_wait3A_63 = tpu.memref_slice %arg11[%dma_wait3A_61, %dma_wait3A_62] : memref<5120x128xf32, #tpu.memory_space<vmem_shared>> -> memref<5120x128xf32, #tpu.memory_space<vmem_shared>>
        tpu.wait_indirect_dma semaphore(%run_scoped3A : memref<!tpu.dma_semaphore, #tpu.memory_space<semaphore_mem>>) src(%arg9 : memref<128x128xf32, #tpu.memory_space<vmem>>) dst(%dma_wait3A_63 : memref<5120x128xf32, #tpu.memory_space<vmem_shared>>)
        tpu.yield
      }) : () -> ()
    }
    %barrier3A_34 = arith.constant 0 : index
    tpu.barrier barrier_id(%barrier3A_34)
    %add3A_35 = arith.constant 0 : i32
    %add3A_36 = arith.addi %mul3A_10, %add3A_35 : i32
    "tpu.region"() ({
      %run_scoped3A = tpu.sem_alloc : memref<!tpu.dma_semaphore, #tpu.memory_space<semaphore_mem>>
      %dma_start3A = arith.constant 0 : i32
      %dma_start3A_41 = tpu.memref_slice %arg5[%arg0, %add3A_36, %dma_start3A] : memref<2x5120x128xf32, #tpu.memory_space<hbm>> -> memref<1x128x128xf32, #tpu.memory_space<hbm>>
      %dma_start3A_42 = tpu.memref_squeeze %dma_start3A_41 : memref<1x128x128xf32, #tpu.memory_space<hbm>> -> memref<128x128xf32, #tpu.memory_space<hbm>>
      %dma_start3A_43 = arith.constant 0 : i32
      %dma_start3A_44 = tpu.memref_slice %arg11[%add3A_36, %dma_start3A_43] : memref<5120x128xf32, #tpu.memory_space<vmem_shared>> -> memref<128x128xf32, #tpu.memory_space<vmem_shared>>
      tpu.enqueue_dma source(%dma_start3A_44 : memref<128x128xf32, #tpu.memory_space<vmem_shared>>) target(%dma_start3A_42 : memref<128x128xf32, #tpu.memory_space<hbm>>) target_semaphore(%run_scoped3A : memref<!tpu.dma_semaphore, #tpu.memory_space<semaphore_mem>>)
      %dma_wait3A = arith.constant 0 : i32
      %dma_wait3A_45 = tpu.memref_slice %arg5[%arg0, %add3A_36, %dma_wait3A] : memref<2x5120x128xf32, #tpu.memory_space<hbm>> -> memref<1x128x128xf32, #tpu.memory_space<hbm>>
      %dma_wait3A_46 = tpu.memref_squeeze %dma_wait3A_45 : memref<1x128x128xf32, #tpu.memory_space<hbm>> -> memref<128x128xf32, #tpu.memory_space<hbm>>
      %dma_wait3A_47 = arith.constant 0 : i32
      %dma_wait3A_48 = tpu.memref_slice %arg11[%add3A_36, %dma_wait3A_47] : memref<5120x128xf32, #tpu.memory_space<vmem_shared>> -> memref<128x128xf32, #tpu.memory_space<vmem_shared>>
      tpu.wait_dma2 semaphore(%run_scoped3A : memref<!tpu.dma_semaphore, #tpu.memory_space<semaphore_mem>>) src(%dma_wait3A_48 : memref<128x128xf32, #tpu.memory_space<vmem_shared>>) dst(%dma_wait3A_46 : memref<128x128xf32, #tpu.memory_space<hbm>>)
      tpu.yield
    }) : () -> ()
    "tpu.region"() ({
      %run_scoped3A = tpu.sem_alloc : memref<!tpu.dma_semaphore, #tpu.memory_space<semaphore_mem>>
      %dma_start3A = arith.constant 0 : i32
      %dma_start3A_41 = tpu.memref_slice %arg6[%arg0, %add3A_36, %dma_start3A] : memref<2x5120x128xf32, #tpu.memory_space<hbm>> -> memref<1x128x128xf32, #tpu.memory_space<hbm>>
      %dma_start3A_42 = tpu.memref_squeeze %dma_start3A_41 : memref<1x128x128xf32, #tpu.memory_space<hbm>> -> memref<128x128xf32, #tpu.memory_space<hbm>>
      %dma_start3A_43 = arith.constant 0 : i32
      %dma_start3A_44 = tpu.memref_slice %arg12[%add3A_36, %dma_start3A_43] : memref<5120x128xf32, #tpu.memory_space<vmem_shared>> -> memref<128x128xf32, #tpu.memory_space<vmem_shared>>
      tpu.enqueue_dma source(%dma_start3A_44 : memref<128x128xf32, #tpu.memory_space<vmem_shared>>) target(%dma_start3A_42 : memref<128x128xf32, #tpu.memory_space<hbm>>) target_semaphore(%run_scoped3A : memref<!tpu.dma_semaphore, #tpu.memory_space<semaphore_mem>>)
      %dma_wait3A = arith.constant 0 : i32
      %dma_wait3A_45 = tpu.memref_slice %arg6[%arg0, %add3A_36, %dma_wait3A] : memref<2x5120x128xf32, #tpu.memory_space<hbm>> -> memref<1x128x128xf32, #tpu.memory_space<hbm>>
      %dma_wait3A_46 = tpu.memref_squeeze %dma_wait3A_45 : memref<1x128x128xf32, #tpu.memory_space<hbm>> -> memref<128x128xf32, #tpu.memory_space<hbm>>
      %dma_wait3A_47 = arith.constant 0 : i32
      %dma_wait3A_48 = tpu.memref_slice %arg12[%add3A_36, %dma_wait3A_47] : memref<5120x128xf32, #tpu.memory_space<vmem_shared>> -> memref<128x128xf32, #tpu.memory_space<vmem_shared>>
      tpu.wait_dma2 semaphore(%run_scoped3A : memref<!tpu.dma_semaphore, #tpu.memory_space<semaphore_mem>>) src(%dma_wait3A_48 : memref<128x128xf32, #tpu.memory_space<vmem_shared>>) dst(%dma_wait3A_46 : memref<128x128xf32, #tpu.memory_space<hbm>>)
      tpu.yield
    }) : () -> ()
    %add3A_37 = arith.constant 128 : i32
    %add3A_38 = arith.addi %mul3A_10, %add3A_37 : i32
    "tpu.region"() ({
      %run_scoped3A = tpu.sem_alloc : memref<!tpu.dma_semaphore, #tpu.memory_space<semaphore_mem>>
      %dma_start3A = arith.constant 0 : i32
      %dma_start3A_41 = tpu.memref_slice %arg5[%arg0, %add3A_38, %dma_start3A] : memref<2x5120x128xf32, #tpu.memory_space<hbm>> -> memref<1x128x128xf32, #tpu.memory_space<hbm>>
      %dma_start3A_42 = tpu.memref_squeeze %dma_start3A_41 : memref<1x128x128xf32, #tpu.memory_space<hbm>> -> memref<128x128xf32, #tpu.memory_space<hbm>>
      %dma_start3A_43 = arith.constant 0 : i32
      %dma_start3A_44 = tpu.memref_slice %arg11[%add3A_38, %dma_start3A_43] : memref<5120x128xf32, #tpu.memory_space<vmem_shared>> -> memref<128x128xf32, #tpu.memory_space<vmem_shared>>
      tpu.enqueue_dma source(%dma_start3A_44 : memref<128x128xf32, #tpu.memory_space<vmem_shared>>) target(%dma_start3A_42 : memref<128x128xf32, #tpu.memory_space<hbm>>) target_semaphore(%run_scoped3A : memref<!tpu.dma_semaphore, #tpu.memory_space<semaphore_mem>>)
      %dma_wait3A = arith.constant 0 : i32
      %dma_wait3A_45 = tpu.memref_slice %arg5[%arg0, %add3A_38, %dma_wait3A] : memref<2x5120x128xf32, #tpu.memory_space<hbm>> -> memref<1x128x128xf32, #tpu.memory_space<hbm>>
      %dma_wait3A_46 = tpu.memref_squeeze %dma_wait3A_45 : memref<1x128x128xf32, #tpu.memory_space<hbm>> -> memref<128x128xf32, #tpu.memory_space<hbm>>
      %dma_wait3A_47 = arith.constant 0 : i32
      %dma_wait3A_48 = tpu.memref_slice %arg11[%add3A_38, %dma_wait3A_47] : memref<5120x128xf32, #tpu.memory_space<vmem_shared>> -> memref<128x128xf32, #tpu.memory_space<vmem_shared>>
      tpu.wait_dma2 semaphore(%run_scoped3A : memref<!tpu.dma_semaphore, #tpu.memory_space<semaphore_mem>>) src(%dma_wait3A_48 : memref<128x128xf32, #tpu.memory_space<vmem_shared>>) dst(%dma_wait3A_46 : memref<128x128xf32, #tpu.memory_space<hbm>>)
      tpu.yield
    }) : () -> ()
    "tpu.region"() ({
      %run_scoped3A = tpu.sem_alloc : memref<!tpu.dma_semaphore, #tpu.memory_space<semaphore_mem>>
      %dma_start3A = arith.constant 0 : i32
      %dma_start3A_41 = tpu.memref_slice %arg6[%arg0, %add3A_38, %dma_start3A] : memref<2x5120x128xf32, #tpu.memory_space<hbm>> -> memref<1x128x128xf32, #tpu.memory_space<hbm>>
      %dma_start3A_42 = tpu.memref_squeeze %dma_start3A_41 : memref<1x128x128xf32, #tpu.memory_space<hbm>> -> memref<128x128xf32, #tpu.memory_space<hbm>>
      %dma_start3A_43 = arith.constant 0 : i32
      %dma_start3A_44 = tpu.memref_slice %arg12[%add3A_38, %dma_start3A_43] : memref<5120x128xf32, #tpu.memory_space<vmem_shared>> -> memref<128x128xf32, #tpu.memory_space<vmem_shared>>
      tpu.enqueue_dma source(%dma_start3A_44 : memref<128x128xf32, #tpu.memory_space<vmem_shared>>) target(%dma_start3A_42 : memref<128x128xf32, #tpu.memory_space<hbm>>) target_semaphore(%run_scoped3A : memref<!tpu.dma_semaphore, #tpu.memory_space<semaphore_mem>>)
      %dma_wait3A = arith.constant 0 : i32
      %dma_wait3A_45 = tpu.memref_slice %arg6[%arg0, %add3A_38, %dma_wait3A] : memref<2x5120x128xf32, #tpu.memory_space<hbm>> -> memref<1x128x128xf32, #tpu.memory_space<hbm>>
      %dma_wait3A_46 = tpu.memref_squeeze %dma_wait3A_45 : memref<1x128x128xf32, #tpu.memory_space<hbm>> -> memref<128x128xf32, #tpu.memory_space<hbm>>
      %dma_wait3A_47 = arith.constant 0 : i32
      %dma_wait3A_48 = tpu.memref_slice %arg12[%add3A_38, %dma_wait3A_47] : memref<5120x128xf32, #tpu.memory_space<vmem_shared>> -> memref<128x128xf32, #tpu.memory_space<vmem_shared>>
      tpu.wait_dma2 semaphore(%run_scoped3A : memref<!tpu.dma_semaphore, #tpu.memory_space<semaphore_mem>>) src(%dma_wait3A_48 : memref<128x128xf32, #tpu.memory_space<vmem_shared>>) dst(%dma_wait3A_46 : memref<128x128xf32, #tpu.memory_space<hbm>>)
      tpu.yield
    }) : () -> ()
    %add3A_39 = arith.constant 256 : i32
    %add3A_40 = arith.addi %mul3A_10, %add3A_39 : i32
    "tpu.region"() ({
      %run_scoped3A = tpu.sem_alloc : memref<!tpu.dma_semaphore, #tpu.memory_space<semaphore_mem>>
      %dma_start3A = arith.constant 0 : i32
      %dma_start3A_41 = tpu.memref_slice %arg5[%arg0, %add3A_40, %dma_start3A] : memref<2x5120x128xf32, #tpu.memory_space<hbm>> -> memref<1x64x128xf32, #tpu.memory_space<hbm>>
      %dma_start3A_42 = tpu.memref_squeeze %dma_start3A_41 : memref<1x64x128xf32, #tpu.memory_space<hbm>> -> memref<64x128xf32, #tpu.memory_space<hbm>>
      %dma_start3A_43 = arith.constant 0 : i32
      %dma_start3A_44 = tpu.memref_slice %arg11[%add3A_40, %dma_start3A_43] : memref<5120x128xf32, #tpu.memory_space<vmem_shared>> -> memref<64x128xf32, #tpu.memory_space<vmem_shared>>
      tpu.enqueue_dma source(%dma_start3A_44 : memref<64x128xf32, #tpu.memory_space<vmem_shared>>) target(%dma_start3A_42 : memref<64x128xf32, #tpu.memory_space<hbm>>) target_semaphore(%run_scoped3A : memref<!tpu.dma_semaphore, #tpu.memory_space<semaphore_mem>>)
      %dma_wait3A = arith.constant 0 : i32
      %dma_wait3A_45 = tpu.memref_slice %arg5[%arg0, %add3A_40, %dma_wait3A] : memref<2x5120x128xf32, #tpu.memory_space<hbm>> -> memref<1x64x128xf32, #tpu.memory_space<hbm>>
      %dma_wait3A_46 = tpu.memref_squeeze %dma_wait3A_45 : memref<1x64x128xf32, #tpu.memory_space<hbm>> -> memref<64x128xf32, #tpu.memory_space<hbm>>
      %dma_wait3A_47 = arith.constant 0 : i32
      %dma_wait3A_48 = tpu.memref_slice %arg11[%add3A_40, %dma_wait3A_47] : memref<5120x128xf32, #tpu.memory_space<vmem_shared>> -> memref<64x128xf32, #tpu.memory_space<vmem_shared>>
      tpu.wait_dma2 semaphore(%run_scoped3A : memref<!tpu.dma_semaphore, #tpu.memory_space<semaphore_mem>>) src(%dma_wait3A_48 : memref<64x128xf32, #tpu.memory_space<vmem_shared>>) dst(%dma_wait3A_46 : memref<64x128xf32, #tpu.memory_space<hbm>>)
      tpu.yield
    }) : () -> ()
    "tpu.region"() ({
      %run_scoped3A = tpu.sem_alloc : memref<!tpu.dma_semaphore, #tpu.memory_space<semaphore_mem>>
      %dma_start3A = arith.constant 0 : i32
      %dma_start3A_41 = tpu.memref_slice %arg6[%arg0, %add3A_40, %dma_start3A] : memref<2x5120x128xf32, #tpu.memory_space<hbm>> -> memref<1x64x128xf32, #tpu.memory_space<hbm>>
      %dma_start3A_42 = tpu.memref_squeeze %dma_start3A_41 : memref<1x64x128xf32, #tpu.memory_space<hbm>> -> memref<64x128xf32, #tpu.memory_space<hbm>>
      %dma_start3A_43 = arith.constant 0 : i32
      %dma_start3A_44 = tpu.memref_slice %arg12[%add3A_40, %dma_start3A_43] : memref<5120x128xf32, #tpu.memory_space<vmem_shared>> -> memref<64x128xf32, #tpu.memory_space<vmem_shared>>
      tpu.enqueue_dma source(%dma_start3A_44 : memref<64x128xf32, #tpu.memory_space<vmem_shared>>) target(%dma_start3A_42 : memref<64x128xf32, #tpu.memory_space<hbm>>) target_semaphore(%run_scoped3A : memref<!tpu.dma_semaphore, #tpu.memory_space<semaphore_mem>>)
      %dma_wait3A = arith.constant 0 : i32
      %dma_wait3A_45 = tpu.memref_slice %arg6[%arg0, %add3A_40, %dma_wait3A] : memref<2x5120x128xf32, #tpu.memory_space<hbm>> -> memref<1x64x128xf32, #tpu.memory_space<hbm>>
      %dma_wait3A_46 = tpu.memref_squeeze %dma_wait3A_45 : memref<1x64x128xf32, #tpu.memory_space<hbm>> -> memref<64x128xf32, #tpu.memory_space<hbm>>
      %dma_wait3A_47 = arith.constant 0 : i32
      %dma_wait3A_48 = tpu.memref_slice %arg12[%add3A_40, %dma_wait3A_47] : memref<5120x128xf32, #tpu.memory_space<vmem_shared>> -> memref<64x128xf32, #tpu.memory_space<vmem_shared>>
      tpu.wait_dma2 semaphore(%run_scoped3A : memref<!tpu.dma_semaphore, #tpu.memory_space<semaphore_mem>>) src(%dma_wait3A_48 : memref<64x128xf32, #tpu.memory_space<vmem_shared>>) dst(%dma_wait3A_46 : memref<64x128xf32, #tpu.memory_space<hbm>>)
      tpu.yield
    }) : () -> ()
    return
  }
}

#map = affine_map<(d0, d1) -> (0, 0)>
#map1 = affine_map<(d0, d1) -> (0, 0, 0)>
module attributes {stable_mosaic.version = 14 : i64} {
  func.func @body(%arg0: i32, %arg1: i32, %arg2: memref<10000x128xf32, #tpu.memory_space<hbm>>, %arg3: memref<32x24x128xi32, #tpu.memory_space<hbm>>, %arg4: memref<32x24x128xi32, #tpu.memory_space<hbm>>, %arg5: memref<2x5120x128xf32, #tpu.memory_space<hbm>>, %arg6: memref<2x5120x128xf32, #tpu.memory_space<hbm>>, %arg7: memref<24x128xi32, #tpu.memory_space<vmem>>, %arg8: memref<24x128xi32, #tpu.memory_space<vmem>>, %arg9: memref<128x128xf32, #tpu.memory_space<vmem>>, %arg10: memref<128x128xf32, #tpu.memory_space<vmem>>, %arg11: memref<5120x128xf32, #tpu.memory_space<vmem_shared>>, %arg12: memref<5120x128xf32, #tpu.memory_space<vmem_shared>>, %arg13: memref<!tpu.dma_semaphore, #tpu.memory_space<semaphore_mem>>) attributes {dimension_semantics = [#tpu.dimension_semantics<core_parallel>, #tpu.dimension_semantics<subcore_parallel>], iteration_bounds = array<i64: 2, 16>, scalar_prefetch = 0 : i64, scratch_operands = 7 : i64, tpu.core_type = #tpu.core_type<sc_vector_subcore>, window_params = [{transform_indices = #map}, {transform_indices = #map1}, {transform_indices = #map1}, {transform_indices = #map1}, {transform_indices = #map1}]} {
    %mul3A = arith.constant 16 : i32
    %mul3A_0 = arith.muli %arg0, %mul3A : i32
    %add3A = arith.addi %mul3A_0, %arg1 : i32
    %broadcast_in_dim3A = arith.constant 0.000000e+00 : f32
    %broadcast_in_dim3A_1 = vector.broadcast %broadcast_in_dim3A : f32 to vector<16xf32>
    %broadcast_in_dim3A_2 = arith.constant 1.000000e+00 : f32
    %broadcast_in_dim3A_3 = vector.broadcast %broadcast_in_dim3A_2 : f32 to vector<16xf32>
    %scan3A = arith.constant 0 : i32
    %scan3A_4 = arith.constant 0 : i32
    %scan3A_5 = arith.constant 128 : i32
    %scan3A_6 = arith.addi %scan3A_4, %scan3A_5 : i32
    %scan3A_7 = arith.constant 1 : i32
    scf.for %scan3A_41 = %scan3A_4 to %scan3A_6 step %scan3A_7  : i32 {
      %swap3A = arith.index_cast %scan3A_41 : i32 to index
      %swap3A_42 = arith.constant 0 : index
      %swap3A_43 = tpu.vector_load %arg9[%swap3A, %swap3A_42] {strides = array<i32>} : memref<128x128xf32, #tpu.memory_space<vmem>>, vector<1x16xf32>,
      %swap3A_44 = vector.shape_cast %swap3A_43 : vector<1x16xf32> to vector<16xf32>
      %swap3A_45 = vector.shape_cast %broadcast_in_dim3A_1 : vector<16xf32> to vector<1x16xf32>
      tpu.vector_store %arg9[%swap3A, %swap3A_42], %swap3A_45 {strides = array<i32>} : memref<128x128xf32, #tpu.memory_space<vmem>>, vector<1x16xf32>,
      %swap3A_46 = arith.index_cast %scan3A_41 : i32 to index
      %swap3A_47 = arith.constant 0 : index
      %swap3A_48 = tpu.vector_load %arg10[%swap3A_46, %swap3A_47] {strides = array<i32>} : memref<128x128xf32, #tpu.memory_space<vmem>>, vector<1x16xf32>,
      %swap3A_49 = vector.shape_cast %swap3A_48 : vector<1x16xf32> to vector<16xf32>
      %swap3A_50 = vector.shape_cast %broadcast_in_dim3A_3 : vector<16xf32> to vector<1x16xf32>
      tpu.vector_store %arg10[%swap3A_46, %swap3A_47], %swap3A_50 {strides = array<i32>} : memref<128x128xf32, #tpu.memory_space<vmem>>, vector<1x16xf32>,
      %swap3A_51 = arith.index_cast %scan3A_41 : i32 to index
      %swap3A_52 = arith.constant 16 : index
      %swap3A_53 = tpu.vector_load %arg9[%swap3A_51, %swap3A_52] {strides = array<i32>} : memref<128x128xf32, #tpu.memory_space<vmem>>, vector<1x16xf32>,
      %swap3A_54 = vector.shape_cast %swap3A_53 : vector<1x16xf32> to vector<16xf32>
      %swap3A_55 = vector.shape_cast %broadcast_in_dim3A_1 : vector<16xf32> to vector<1x16xf32>
      tpu.vector_store %arg9[%swap3A_51, %swap3A_52], %swap3A_55 {strides = array<i32>} : memref<128x128xf32, #tpu.memory_space<vmem>>, vector<1x16xf32>,
      %swap3A_56 = arith.index_cast %scan3A_41 : i32 to index
      %swap3A_57 = arith.constant 16 : index
      %swap3A_58 = tpu.vector_load %arg10[%swap3A_56, %swap3A_57] {strides = array<i32>} : memref<128x128xf32, #tpu.memory_space<vmem>>, vector<1x16xf32>,
      %swap3A_59 = vector.shape_cast %swap3A_58 : vector<1x16xf32> to vector<16xf32>
      %swap3A_60 = vector.shape_cast %broadcast_in_dim3A_3 : vector<16xf32> to vector<1x16xf32>
      tpu.vector_store %arg10[%swap3A_56, %swap3A_57], %swap3A_60 {strides = array<i32>} : memref<128x128xf32, #tpu.memory_space<vmem>>, vector<1x16xf32>,
      %swap3A_61 = arith.index_cast %scan3A_41 : i32 to index
      %swap3A_62 = arith.constant 32 : index
      %swap3A_63 = tpu.vector_load %arg9[%swap3A_61, %swap3A_62] {strides = array<i32>} : memref<128x128xf32, #tpu.memory_space<vmem>>, vector<1x16xf32>,
      %swap3A_64 = vector.shape_cast %swap3A_63 : vector<1x16xf32> to vector<16xf32>
      %swap3A_65 = vector.shape_cast %broadcast_in_dim3A_1 : vector<16xf32> to vector<1x16xf32>
      tpu.vector_store %arg9[%swap3A_61, %swap3A_62], %swap3A_65 {strides = array<i32>} : memref<128x128xf32, #tpu.memory_space<vmem>>, vector<1x16xf32>,
      %swap3A_66 = arith.index_cast %scan3A_41 : i32 to index
      %swap3A_67 = arith.constant 32 : index
      %swap3A_68 = tpu.vector_load %arg10[%swap3A_66, %swap3A_67] {strides = array<i32>} : memref<128x128xf32, #tpu.memory_space<vmem>>, vector<1x16xf32>,
      %swap3A_69 = vector.shape_cast %swap3A_68 : vector<1x16xf32> to vector<16xf32>
      %swap3A_70 = vector.shape_cast %broadcast_in_dim3A_3 : vector<16xf32> to vector<1x16xf32>
      tpu.vector_store %arg10[%swap3A_66, %swap3A_67], %swap3A_70 {strides = array<i32>} : memref<128x128xf32, #tpu.memory_space<vmem>>, vector<1x16xf32>,
      %swap3A_71 = arith.index_cast %scan3A_41 : i32 to index
      %swap3A_72 = arith.constant 48 : index
      %swap3A_73 = tpu.vector_load %arg9[%swap3A_71, %swap3A_72] {strides = array<i32>} : memref<128x128xf32, #tpu.memory_space<vmem>>, vector<1x16xf32>,
      %swap3A_74 = vector.shape_cast %swap3A_73 : vector<1x16xf32> to vector<16xf32>
      %swap3A_75 = vector.shape_cast %broadcast_in_dim3A_1 : vector<16xf32> to vector<1x16xf32>
      tpu.vector_store %arg9[%swap3A_71, %swap3A_72], %swap3A_75 {strides = array<i32>} : memref<128x128xf32, #tpu.memory_space<vmem>>, vector<1x16xf32>,
      %swap3A_76 = arith.index_cast %scan3A_41 : i32 to index
      %swap3A_77 = arith.constant 48 : index
      %swap3A_78 = tpu.vector_load %arg10[%swap3A_76, %swap3A_77] {strides = array<i32>} : memref<128x128xf32, #tpu.memory_space<vmem>>, vector<1x16xf32>,
      %swap3A_79 = vector.shape_cast %swap3A_78 : vector<1x16xf32> to vector<16xf32>
      %swap3A_80 = vector.shape_cast %broadcast_in_dim3A_3 : vector<16xf32> to vector<1x16xf32>
      tpu.vector_store %arg10[%swap3A_76, %swap3A_77], %swap3A_80 {strides = array<i32>} : memref<128x128xf32, #tpu.memory_space<vmem>>, vector<1x16xf32>,
      %swap3A_81 = arith.index_cast %scan3A_41 : i32 to index
      %swap3A_82 = arith.constant 64 : index
      %swap3A_83 = tpu.vector_load %arg9[%swap3A_81, %swap3A_82] {strides = array<i32>} : memref<128x128xf32, #tpu.memory_space<vmem>>, vector<1x16xf32>,
      %swap3A_84 = vector.shape_cast %swap3A_83 : vector<1x16xf32> to vector<16xf32>
      %swap3A_85 = vector.shape_cast %broadcast_in_dim3A_1 : vector<16xf32> to vector<1x16xf32>
      tpu.vector_store %arg9[%swap3A_81, %swap3A_82], %swap3A_85 {strides = array<i32>} : memref<128x128xf32, #tpu.memory_space<vmem>>, vector<1x16xf32>,
      %swap3A_86 = arith.index_cast %scan3A_41 : i32 to index
      %swap3A_87 = arith.constant 64 : index
      %swap3A_88 = tpu.vector_load %arg10[%swap3A_86, %swap3A_87] {strides = array<i32>} : memref<128x128xf32, #tpu.memory_space<vmem>>, vector<1x16xf32>,
      %swap3A_89 = vector.shape_cast %swap3A_88 : vector<1x16xf32> to vector<16xf32>
      %swap3A_90 = vector.shape_cast %broadcast_in_dim3A_3 : vector<16xf32> to vector<1x16xf32>
      tpu.vector_store %arg10[%swap3A_86, %swap3A_87], %swap3A_90 {strides = array<i32>} : memref<128x128xf32, #tpu.memory_space<vmem>>, vector<1x16xf32>,
      %swap3A_91 = arith.index_cast %scan3A_41 : i32 to index
      %swap3A_92 = arith.constant 80 : index
      %swap3A_93 = tpu.vector_load %arg9[%swap3A_91, %swap3A_92] {strides = array<i32>} : memref<128x128xf32, #tpu.memory_space<vmem>>, vector<1x16xf32>,
      %swap3A_94 = vector.shape_cast %swap3A_93 : vector<1x16xf32> to vector<16xf32>
      %swap3A_95 = vector.shape_cast %broadcast_in_dim3A_1 : vector<16xf32> to vector<1x16xf32>
      tpu.vector_store %arg9[%swap3A_91, %swap3A_92], %swap3A_95 {strides = array<i32>} : memref<128x128xf32, #tpu.memory_space<vmem>>, vector<1x16xf32>,
      %swap3A_96 = arith.index_cast %scan3A_41 : i32 to index
      %swap3A_97 = arith.constant 80 : index
      %swap3A_98 = tpu.vector_load %arg10[%swap3A_96, %swap3A_97] {strides = array<i32>} : memref<128x128xf32, #tpu.memory_space<vmem>>, vector<1x16xf32>,
      %swap3A_99 = vector.shape_cast %swap3A_98 : vector<1x16xf32> to vector<16xf32>
      %swap3A_100 = vector.shape_cast %broadcast_in_dim3A_3 : vector<16xf32> to vector<1x16xf32>
      tpu.vector_store %arg10[%swap3A_96, %swap3A_97], %swap3A_100 {strides = array<i32>} : memref<128x128xf32, #tpu.memory_space<vmem>>, vector<1x16xf32>,
      %swap3A_101 = arith.index_cast %scan3A_41 : i32 to index
      %swap3A_102 = arith.constant 96 : index
      %swap3A_103 = tpu.vector_load %arg9[%swap3A_101, %swap3A_102] {strides = array<i32>} : memref<128x128xf32, #tpu.memory_space<vmem>>, vector<1x16xf32>,
      %swap3A_104 = vector.shape_cast %swap3A_103 : vector<1x16xf32> to vector<16xf32>
      %swap3A_105 = vector.shape_cast %broadcast_in_dim3A_1 : vector<16xf32> to vector<1x16xf32>
      tpu.vector_store %arg9[%swap3A_101, %swap3A_102], %swap3A_105 {strides = array<i32>} : memref<128x128xf32, #tpu.memory_space<vmem>>, vector<1x16xf32>,
      %swap3A_106 = arith.index_cast %scan3A_41 : i32 to index
      %swap3A_107 = arith.constant 96 : index
      %swap3A_108 = tpu.vector_load %arg10[%swap3A_106, %swap3A_107] {strides = array<i32>} : memref<128x128xf32, #tpu.memory_space<vmem>>, vector<1x16xf32>,
      %swap3A_109 = vector.shape_cast %swap3A_108 : vector<1x16xf32> to vector<16xf32>
      %swap3A_110 = vector.shape_cast %broadcast_in_dim3A_3 : vector<16xf32> to vector<1x16xf32>
      tpu.vector_store %arg10[%swap3A_106, %swap3A_107], %swap3A_110 {strides = array<i32>} : memref<128x128xf32, #tpu.memory_space<vmem>>, vector<1x16xf32>,
      %swap3A_111 = arith.index_cast %scan3A_41 : i32 to index
      %swap3A_112 = arith.constant 112 : index
      %swap3A_113 = tpu.vector_load %arg9[%swap3A_111, %swap3A_112] {strides = array<i32>} : memref<128x128xf32, #tpu.memory_space<vmem>>, vector<1x16xf32>,
      %swap3A_114 = vector.shape_cast %swap3A_113 : vector<1x16xf32> to vector<16xf32>
      %swap3A_115 = vector.shape_cast %broadcast_in_dim3A_1 : vector<16xf32> to vector<1x16xf32>
      tpu.vector_store %arg9[%swap3A_111, %swap3A_112], %swap3A_115 {strides = array<i32>} : memref<128x128xf32, #tpu.memory_space<vmem>>, vector<1x16xf32>,
      %swap3A_116 = arith.index_cast %scan3A_41 : i32 to index
      %swap3A_117 = arith.constant 112 : index
      %swap3A_118 = tpu.vector_load %arg10[%swap3A_116, %swap3A_117] {strides = array<i32>} : memref<128x128xf32, #tpu.memory_space<vmem>>, vector<1x16xf32>,
      %swap3A_119 = vector.shape_cast %swap3A_118 : vector<1x16xf32> to vector<16xf32>
      %swap3A_120 = vector.shape_cast %broadcast_in_dim3A_3 : vector<16xf32> to vector<1x16xf32>
      tpu.vector_store %arg10[%swap3A_116, %swap3A_117], %swap3A_120 {strides = array<i32>} : memref<128x128xf32, #tpu.memory_space<vmem>>, vector<1x16xf32>,
    }
    %scan3A_8 = arith.constant 128 : i32
    %mul3A_9 = arith.constant 320 : i32
    %mul3A_10 = arith.muli %arg1, %mul3A_9 : i32
    %add3A_11 = arith.constant 0 : i32
    %add3A_12 = arith.addi %mul3A_10, %add3A_11 : i32
    "tpu.region"() ({
      %run_scoped3A = tpu.sem_alloc : memref<!tpu.dma_semaphore, #tpu.memory_space<semaphore_mem>>
      %dma_start3A = arith.constant 0 : i32
      %dma_start3A_41 = arith.constant 0 : i32
      %dma_start3A_42 = tpu.memref_slice %arg9[%dma_start3A, %dma_start3A_41] : memref<128x128xf32, #tpu.memory_space<vmem>> -> memref<128x128xf32, #tpu.memory_space<vmem>>
      %dma_start3A_43 = arith.constant 0 : i32
      %dma_start3A_44 = tpu.memref_slice %arg11[%add3A_12, %dma_start3A_43] : memref<5120x128xf32, #tpu.memory_space<vmem_shared>> -> memref<128x128xf32, #tpu.memory_space<vmem_shared>>
      %dma_start3A_45 = arith.constant 0 : i32
      %dma_start3A_46 = tpu.memref_slice %arg11[%add3A_12, %dma_start3A_45] : memref<5120x128xf32, #tpu.memory_space<vmem_shared>> -> memref<128x128xf32, #tpu.memory_space<vmem_shared>>
      %dma_start3A_47 = arith.constant 0 : i32
      %dma_start3A_48 = arith.constant 0 : i32
      %dma_start3A_49 = tpu.memref_slice %arg9[%dma_start3A_47, %dma_start3A_48] : memref<128x128xf32, #tpu.memory_space<vmem>> -> memref<128x128xf32, #tpu.memory_space<vmem>>
      tpu.enqueue_dma source(%dma_start3A_49 : memref<128x128xf32, #tpu.memory_space<vmem>>) target(%dma_start3A_46 : memref<128x128xf32, #tpu.memory_space<vmem_shared>>) target_semaphore(%run_scoped3A : memref<!tpu.dma_semaphore, #tpu.memory_space<semaphore_mem>>)
      %dma_wait3A = arith.constant 0 : i32
      %dma_wait3A_50 = arith.constant 0 : i32
      %dma_wait3A_51 = tpu.memref_slice %arg9[%dma_wait3A, %dma_wait3A_50] : memref<128x128xf32, #tpu.memory_space<vmem>> -> memref<128x128xf32, #tpu.memory_space<vmem>>
      %dma_wait3A_52 = arith.constant 0 : i32
      %dma_wait3A_53 = tpu.memref_slice %arg11[%add3A_12, %dma_wait3A_52] : memref<5120x128xf32, #tpu.memory_space<vmem_shared>> -> memref<128x128xf32, #tpu.memory_space<vmem_shared>>
      %dma_wait3A_54 = arith.constant 0 : i32
      %dma_wait3A_55 = tpu.memref_slice %arg11[%add3A_12, %dma_wait3A_54] : memref<5120x128xf32, #tpu.memory_space<vmem_shared>> -> memref<128x128xf32, #tpu.memory_space<vmem_shared>>
      %dma_wait3A_56 = arith.constant 0 : i32
      %dma_wait3A_57 = arith.constant 0 : i32
      %dma_wait3A_58 = tpu.memref_slice %arg9[%dma_wait3A_56, %dma_wait3A_57] : memref<128x128xf32, #tpu.memory_space<vmem>> -> memref<128x128xf32, #tpu.memory_space<vmem>>
      tpu.wait_dma2 semaphore(%run_scoped3A : memref<!tpu.dma_semaphore, #tpu.memory_space<semaphore_mem>>) src(%dma_wait3A_58 : memref<128x128xf32, #tpu.memory_space<vmem>>) dst(%dma_wait3A_55 : memref<128x128xf32, #tpu.memory_space<vmem_shared>>)
      tpu.yield
    }) : () -> ()
    %add3A_13 = arith.constant 0 : i32
    %add3A_14 = arith.addi %mul3A_10, %add3A_13 : i32
    "tpu.region"() ({
      %run_scoped3A = tpu.sem_alloc : memref<!tpu.dma_semaphore, #tpu.memory_space<semaphore_mem>>
      %dma_start3A = arith.constant 0 : i32
      %dma_start3A_41 = arith.constant 0 : i32
      %dma_start3A_42 = tpu.memref_slice %arg9[%dma_start3A, %dma_start3A_41] : memref<128x128xf32, #tpu.memory_space<vmem>> -> memref<128x128xf32, #tpu.memory_space<vmem>>
      %dma_start3A_43 = arith.constant 0 : i32
      %dma_start3A_44 = tpu.memref_slice %arg12[%add3A_14, %dma_start3A_43] : memref<5120x128xf32, #tpu.memory_space<vmem_shared>> -> memref<128x128xf32, #tpu.memory_space<vmem_shared>>
      %dma_start3A_45 = arith.constant 0 : i32
      %dma_start3A_46 = tpu.memref_slice %arg12[%add3A_14, %dma_start3A_45] : memref<5120x128xf32, #tpu.memory_space<vmem_shared>> -> memref<128x128xf32, #tpu.memory_space<vmem_shared>>
      %dma_start3A_47 = arith.constant 0 : i32
      %dma_start3A_48 = arith.constant 0 : i32
      %dma_start3A_49 = tpu.memref_slice %arg9[%dma_start3A_47, %dma_start3A_48] : memref<128x128xf32, #tpu.memory_space<vmem>> -> memref<128x128xf32, #tpu.memory_space<vmem>>
      tpu.enqueue_dma source(%dma_start3A_49 : memref<128x128xf32, #tpu.memory_space<vmem>>) target(%dma_start3A_46 : memref<128x128xf32, #tpu.memory_space<vmem_shared>>) target_semaphore(%run_scoped3A : memref<!tpu.dma_semaphore, #tpu.memory_space<semaphore_mem>>)
      %dma_wait3A = arith.constant 0 : i32
      %dma_wait3A_50 = arith.constant 0 : i32
      %dma_wait3A_51 = tpu.memref_slice %arg9[%dma_wait3A, %dma_wait3A_50] : memref<128x128xf32, #tpu.memory_space<vmem>> -> memref<128x128xf32, #tpu.memory_space<vmem>>
      %dma_wait3A_52 = arith.constant 0 : i32
      %dma_wait3A_53 = tpu.memref_slice %arg12[%add3A_14, %dma_wait3A_52] : memref<5120x128xf32, #tpu.memory_space<vmem_shared>> -> memref<128x128xf32, #tpu.memory_space<vmem_shared>>
      %dma_wait3A_54 = arith.constant 0 : i32
      %dma_wait3A_55 = tpu.memref_slice %arg12[%add3A_14, %dma_wait3A_54] : memref<5120x128xf32, #tpu.memory_space<vmem_shared>> -> memref<128x128xf32, #tpu.memory_space<vmem_shared>>
      %dma_wait3A_56 = arith.constant 0 : i32
      %dma_wait3A_57 = arith.constant 0 : i32
      %dma_wait3A_58 = tpu.memref_slice %arg9[%dma_wait3A_56, %dma_wait3A_57] : memref<128x128xf32, #tpu.memory_space<vmem>> -> memref<128x128xf32, #tpu.memory_space<vmem>>
      tpu.wait_dma2 semaphore(%run_scoped3A : memref<!tpu.dma_semaphore, #tpu.memory_space<semaphore_mem>>) src(%dma_wait3A_58 : memref<128x128xf32, #tpu.memory_space<vmem>>) dst(%dma_wait3A_55 : memref<128x128xf32, #tpu.memory_space<vmem_shared>>)
      tpu.yield
    }) : () -> ()
    %add3A_15 = arith.constant 128 : i32
    %add3A_16 = arith.addi %mul3A_10, %add3A_15 : i32
    "tpu.region"() ({
      %run_scoped3A = tpu.sem_alloc : memref<!tpu.dma_semaphore, #tpu.memory_space<semaphore_mem>>
      %dma_start3A = arith.constant 0 : i32
      %dma_start3A_41 = arith.constant 0 : i32
      %dma_start3A_42 = tpu.memref_slice %arg9[%dma_start3A, %dma_start3A_41] : memref<128x128xf32, #tpu.memory_space<vmem>> -> memref<128x128xf32, #tpu.memory_space<vmem>>
      %dma_start3A_43 = arith.constant 0 : i32
      %dma_start3A_44 = tpu.memref_slice %arg11[%add3A_16, %dma_start3A_43] : memref<5120x128xf32, #tpu.memory_space<vmem_shared>> -> memref<128x128xf32, #tpu.memory_space<vmem_shared>>
      %dma_start3A_45 = arith.constant 0 : i32
      %dma_start3A_46 = tpu.memref_slice %arg11[%add3A_16, %dma_start3A_45] : memref<5120x128xf32, #tpu.memory_space<vmem_shared>> -> memref<128x128xf32, #tpu.memory_space<vmem_shared>>
      %dma_start3A_47 = arith.constant 0 : i32
      %dma_start3A_48 = arith.constant 0 : i32
      %dma_start3A_49 = tpu.memref_slice %arg9[%dma_start3A_47, %dma_start3A_48] : memref<128x128xf32, #tpu.memory_space<vmem>> -> memref<128x128xf32, #tpu.memory_space<vmem>>
      tpu.enqueue_dma source(%dma_start3A_49 : memref<128x128xf32, #tpu.memory_space<vmem>>) target(%dma_start3A_46 : memref<128x128xf32, #tpu.memory_space<vmem_shared>>) target_semaphore(%run_scoped3A : memref<!tpu.dma_semaphore, #tpu.memory_space<semaphore_mem>>)
      %dma_wait3A = arith.constant 0 : i32
      %dma_wait3A_50 = arith.constant 0 : i32
      %dma_wait3A_51 = tpu.memref_slice %arg9[%dma_wait3A, %dma_wait3A_50] : memref<128x128xf32, #tpu.memory_space<vmem>> -> memref<128x128xf32, #tpu.memory_space<vmem>>
      %dma_wait3A_52 = arith.constant 0 : i32
      %dma_wait3A_53 = tpu.memref_slice %arg11[%add3A_16, %dma_wait3A_52] : memref<5120x128xf32, #tpu.memory_space<vmem_shared>> -> memref<128x128xf32, #tpu.memory_space<vmem_shared>>
      %dma_wait3A_54 = arith.constant 0 : i32
      %dma_wait3A_55 = tpu.memref_slice %arg11[%add3A_16, %dma_wait3A_54] : memref<5120x128xf32, #tpu.memory_space<vmem_shared>> -> memref<128x128xf32, #tpu.memory_space<vmem_shared>>
      %dma_wait3A_56 = arith.constant 0 : i32
      %dma_wait3A_57 = arith.constant 0 : i32
      %dma_wait3A_58 = tpu.memref_slice %arg9[%dma_wait3A_56, %dma_wait3A_57] : memref<128x128xf32, #tpu.memory_space<vmem>> -> memref<128x128xf32, #tpu.memory_space<vmem>>
      tpu.wait_dma2 semaphore(%run_scoped3A : memref<!tpu.dma_semaphore, #tpu.memory_space<semaphore_mem>>) src(%dma_wait3A_58 : memref<128x128xf32, #tpu.memory_space<vmem>>) dst(%dma_wait3A_55 : memref<128x128xf32, #tpu.memory_space<vmem_shared>>)
      tpu.yield
    }) : () -> ()
    %add3A_17 = arith.constant 128 : i32
    %add3A_18 = arith.addi %mul3A_10, %add3A_17 : i32
    "tpu.region"() ({
      %run_scoped3A = tpu.sem_alloc : memref<!tpu.dma_semaphore, #tpu.memory_space<semaphore_mem>>
      %dma_start3A = arith.constant 0 : i32
      %dma_start3A_41 = arith.constant 0 : i32
      %dma_start3A_42 = tpu.memref_slice %arg9[%dma_start3A, %dma_start3A_41] : memref<128x128xf32, #tpu.memory_space<vmem>> -> memref<128x128xf32, #tpu.memory_space<vmem>>
      %dma_start3A_43 = arith.constant 0 : i32
      %dma_start3A_44 = tpu.memref_slice %arg12[%add3A_18, %dma_start3A_43] : memref<5120x128xf32, #tpu.memory_space<vmem_shared>> -> memref<128x128xf32, #tpu.memory_space<vmem_shared>>
      %dma_start3A_45 = arith.constant 0 : i32
      %dma_start3A_46 = tpu.memref_slice %arg12[%add3A_18, %dma_start3A_45] : memref<5120x128xf32, #tpu.memory_space<vmem_shared>> -> memref<128x128xf32, #tpu.memory_space<vmem_shared>>
      %dma_start3A_47 = arith.constant 0 : i32
      %dma_start3A_48 = arith.constant 0 : i32
      %dma_start3A_49 = tpu.memref_slice %arg9[%dma_start3A_47, %dma_start3A_48] : memref<128x128xf32, #tpu.memory_space<vmem>> -> memref<128x128xf32, #tpu.memory_space<vmem>>
      tpu.enqueue_dma source(%dma_start3A_49 : memref<128x128xf32, #tpu.memory_space<vmem>>) target(%dma_start3A_46 : memref<128x128xf32, #tpu.memory_space<vmem_shared>>) target_semaphore(%run_scoped3A : memref<!tpu.dma_semaphore, #tpu.memory_space<semaphore_mem>>)
      %dma_wait3A = arith.constant 0 : i32
      %dma_wait3A_50 = arith.constant 0 : i32
      %dma_wait3A_51 = tpu.memref_slice %arg9[%dma_wait3A, %dma_wait3A_50] : memref<128x128xf32, #tpu.memory_space<vmem>> -> memref<128x128xf32, #tpu.memory_space<vmem>>
      %dma_wait3A_52 = arith.constant 0 : i32
      %dma_wait3A_53 = tpu.memref_slice %arg12[%add3A_18, %dma_wait3A_52] : memref<5120x128xf32, #tpu.memory_space<vmem_shared>> -> memref<128x128xf32, #tpu.memory_space<vmem_shared>>
      %dma_wait3A_54 = arith.constant 0 : i32
      %dma_wait3A_55 = tpu.memref_slice %arg12[%add3A_18, %dma_wait3A_54] : memref<5120x128xf32, #tpu.memory_space<vmem_shared>> -> memref<128x128xf32, #tpu.memory_space<vmem_shared>>
      %dma_wait3A_56 = arith.constant 0 : i32
      %dma_wait3A_57 = arith.constant 0 : i32
      %dma_wait3A_58 = tpu.memref_slice %arg9[%dma_wait3A_56, %dma_wait3A_57] : memref<128x128xf32, #tpu.memory_space<vmem>> -> memref<128x128xf32, #tpu.memory_space<vmem>>
      tpu.wait_dma2 semaphore(%run_scoped3A : memref<!tpu.dma_semaphore, #tpu.memory_space<semaphore_mem>>) src(%dma_wait3A_58 : memref<128x128xf32, #tpu.memory_space<vmem>>) dst(%dma_wait3A_55 : memref<128x128xf32, #tpu.memory_space<vmem_shared>>)
      tpu.yield
    }) : () -> ()
    %add3A_19 = arith.constant 256 : i32
    %add3A_20 = arith.addi %mul3A_10, %add3A_19 : i32
    "tpu.region"() ({
      %run_scoped3A = tpu.sem_alloc : memref<!tpu.dma_semaphore, #tpu.memory_space<semaphore_mem>>
      %dma_start3A = arith.constant 0 : i32
      %dma_start3A_41 = arith.constant 0 : i32
      %dma_start3A_42 = tpu.memref_slice %arg9[%dma_start3A, %dma_start3A_41] : memref<128x128xf32, #tpu.memory_space<vmem>> -> memref<64x128xf32, #tpu.memory_space<vmem>>
      %dma_start3A_43 = arith.constant 0 : i32
      %dma_start3A_44 = tpu.memref_slice %arg11[%add3A_20, %dma_start3A_43] : memref<5120x128xf32, #tpu.memory_space<vmem_shared>> -> memref<64x128xf32, #tpu.memory_space<vmem_shared>>
      %dma_start3A_45 = arith.constant 0 : i32
      %dma_start3A_46 = tpu.memref_slice %arg11[%add3A_20, %dma_start3A_45] : memref<5120x128xf32, #tpu.memory_space<vmem_shared>> -> memref<64x128xf32, #tpu.memory_space<vmem_shared>>
      %dma_start3A_47 = arith.constant 0 : i32
      %dma_start3A_48 = arith.constant 0 : i32
      %dma_start3A_49 = tpu.memref_slice %arg9[%dma_start3A_47, %dma_start3A_48] : memref<128x128xf32, #tpu.memory_space<vmem>> -> memref<64x128xf32, #tpu.memory_space<vmem>>
      tpu.enqueue_dma source(%dma_start3A_49 : memref<64x128xf32, #tpu.memory_space<vmem>>) target(%dma_start3A_46 : memref<64x128xf32, #tpu.memory_space<vmem_shared>>) target_semaphore(%run_scoped3A : memref<!tpu.dma_semaphore, #tpu.memory_space<semaphore_mem>>)
      %dma_wait3A = arith.constant 0 : i32
      %dma_wait3A_50 = arith.constant 0 : i32
      %dma_wait3A_51 = tpu.memref_slice %arg9[%dma_wait3A, %dma_wait3A_50] : memref<128x128xf32, #tpu.memory_space<vmem>> -> memref<64x128xf32, #tpu.memory_space<vmem>>
      %dma_wait3A_52 = arith.constant 0 : i32
      %dma_wait3A_53 = tpu.memref_slice %arg11[%add3A_20, %dma_wait3A_52] : memref<5120x128xf32, #tpu.memory_space<vmem_shared>> -> memref<64x128xf32, #tpu.memory_space<vmem_shared>>
      %dma_wait3A_54 = arith.constant 0 : i32
      %dma_wait3A_55 = tpu.memref_slice %arg11[%add3A_20, %dma_wait3A_54] : memref<5120x128xf32, #tpu.memory_space<vmem_shared>> -> memref<64x128xf32, #tpu.memory_space<vmem_shared>>
      %dma_wait3A_56 = arith.constant 0 : i32
      %dma_wait3A_57 = arith.constant 0 : i32
      %dma_wait3A_58 = tpu.memref_slice %arg9[%dma_wait3A_56, %dma_wait3A_57] : memref<128x128xf32, #tpu.memory_space<vmem>> -> memref<64x128xf32, #tpu.memory_space<vmem>>
      tpu.wait_dma2 semaphore(%run_scoped3A : memref<!tpu.dma_semaphore, #tpu.memory_space<semaphore_mem>>) src(%dma_wait3A_58 : memref<64x128xf32, #tpu.memory_space<vmem>>) dst(%dma_wait3A_55 : memref<64x128xf32, #tpu.memory_space<vmem_shared>>)
      tpu.yield
    }) : () -> ()
    %add3A_21 = arith.constant 256 : i32
    %add3A_22 = arith.addi %mul3A_10, %add3A_21 : i32
    "tpu.region"() ({
      %run_scoped3A = tpu.sem_alloc : memref<!tpu.dma_semaphore, #tpu.memory_space<semaphore_mem>>
      %dma_start3A = arith.constant 0 : i32
      %dma_start3A_41 = arith.constant 0 : i32
      %dma_start3A_42 = tpu.memref_slice %arg9[%dma_start3A, %dma_start3A_41] : memref<128x128xf32, #tpu.memory_space<vmem>> -> memref<64x128xf32, #tpu.memory_space<vmem>>
      %dma_start3A_43 = arith.constant 0 : i32
      %dma_start3A_44 = tpu.memref_slice %arg12[%add3A_22, %dma_start3A_43] : memref<5120x128xf32, #tpu.memory_space<vmem_shared>> -> memref<64x128xf32, #tpu.memory_space<vmem_shared>>
      %dma_start3A_45 = arith.constant 0 : i32
      %dma_start3A_46 = tpu.memref_slice %arg12[%add3A_22, %dma_start3A_45] : memref<5120x128xf32, #tpu.memory_space<vmem_shared>> -> memref<64x128xf32, #tpu.memory_space<vmem_shared>>
      %dma_start3A_47 = arith.constant 0 : i32
      %dma_start3A_48 = arith.constant 0 : i32
      %dma_start3A_49 = tpu.memref_slice %arg9[%dma_start3A_47, %dma_start3A_48] : memref<128x128xf32, #tpu.memory_space<vmem>> -> memref<64x128xf32, #tpu.memory_space<vmem>>
      tpu.enqueue_dma source(%dma_start3A_49 : memref<64x128xf32, #tpu.memory_space<vmem>>) target(%dma_start3A_46 : memref<64x128xf32, #tpu.memory_space<vmem_shared>>) target_semaphore(%run_scoped3A : memref<!tpu.dma_semaphore, #tpu.memory_space<semaphore_mem>>)
      %dma_wait3A = arith.constant 0 : i32
      %dma_wait3A_50 = arith.constant 0 : i32
      %dma_wait3A_51 = tpu.memref_slice %arg9[%dma_wait3A, %dma_wait3A_50] : memref<128x128xf32, #tpu.memory_space<vmem>> -> memref<64x128xf32, #tpu.memory_space<vmem>>
      %dma_wait3A_52 = arith.constant 0 : i32
      %dma_wait3A_53 = tpu.memref_slice %arg12[%add3A_22, %dma_wait3A_52] : memref<5120x128xf32, #tpu.memory_space<vmem_shared>> -> memref<64x128xf32, #tpu.memory_space<vmem_shared>>
      %dma_wait3A_54 = arith.constant 0 : i32
      %dma_wait3A_55 = tpu.memref_slice %arg12[%add3A_22, %dma_wait3A_54] : memref<5120x128xf32, #tpu.memory_space<vmem_shared>> -> memref<64x128xf32, #tpu.memory_space<vmem_shared>>
      %dma_wait3A_56 = arith.constant 0 : i32
      %dma_wait3A_57 = arith.constant 0 : i32
      %dma_wait3A_58 = tpu.memref_slice %arg9[%dma_wait3A_56, %dma_wait3A_57] : memref<128x128xf32, #tpu.memory_space<vmem>> -> memref<64x128xf32, #tpu.memory_space<vmem>>
      tpu.wait_dma2 semaphore(%run_scoped3A : memref<!tpu.dma_semaphore, #tpu.memory_space<semaphore_mem>>) src(%dma_wait3A_58 : memref<64x128xf32, #tpu.memory_space<vmem>>) dst(%dma_wait3A_55 : memref<64x128xf32, #tpu.memory_space<vmem_shared>>)
      tpu.yield
    }) : () -> ()
    "tpu.region"() ({
      %run_scoped3A = tpu.sem_alloc : memref<!tpu.dma_semaphore, #tpu.memory_space<semaphore_mem>>
      %dma_start3A = arith.constant 0 : i32
      %dma_start3A_41 = arith.constant 0 : i32
      %dma_start3A_42 = tpu.memref_slice %arg3[%add3A, %dma_start3A, %dma_start3A_41] : memref<32x24x128xi32, #tpu.memory_space<hbm>> -> memref<1x24x128xi32, #tpu.memory_space<hbm>>
      %dma_start3A_43 = tpu.memref_squeeze %dma_start3A_42 : memref<1x24x128xi32, #tpu.memory_space<hbm>> -> memref<24x128xi32, #tpu.memory_space<hbm>>
      %dma_start3A_44 = arith.constant 0 : i32
      %dma_start3A_45 = arith.constant 0 : i32
      %dma_start3A_46 = tpu.memref_slice %arg3[%add3A, %dma_start3A_44, %dma_start3A_45] : memref<32x24x128xi32, #tpu.memory_space<hbm>> -> memref<1x24x128xi32, #tpu.memory_space<hbm>>
      %dma_start3A_47 = tpu.memref_squeeze %dma_start3A_46 : memref<1x24x128xi32, #tpu.memory_space<hbm>> -> memref<24x128xi32, #tpu.memory_space<hbm>>
      tpu.enqueue_dma source(%dma_start3A_47 : memref<24x128xi32, #tpu.memory_space<hbm>>) target(%arg7 : memref<24x128xi32, #tpu.memory_space<vmem>>) target_semaphore(%run_scoped3A : memref<!tpu.dma_semaphore, #tpu.memory_space<semaphore_mem>>)
      %dma_wait3A = arith.constant 0 : i32
      %dma_wait3A_48 = arith.constant 0 : i32
      %dma_wait3A_49 = tpu.memref_slice %arg3[%add3A, %dma_wait3A, %dma_wait3A_48] : memref<32x24x128xi32, #tpu.memory_space<hbm>> -> memref<1x24x128xi32, #tpu.memory_space<hbm>>
      %dma_wait3A_50 = tpu.memref_squeeze %dma_wait3A_49 : memref<1x24x128xi32, #tpu.memory_space<hbm>> -> memref<24x128xi32, #tpu.memory_space<hbm>>
      %dma_wait3A_51 = arith.constant 0 : i32
      %dma_wait3A_52 = arith.constant 0 : i32
      %dma_wait3A_53 = tpu.memref_slice %arg3[%add3A, %dma_wait3A_51, %dma_wait3A_52] : memref<32x24x128xi32, #tpu.memory_space<hbm>> -> memref<1x24x128xi32, #tpu.memory_space<hbm>>
      %dma_wait3A_54 = tpu.memref_squeeze %dma_wait3A_53 : memref<1x24x128xi32, #tpu.memory_space<hbm>> -> memref<24x128xi32, #tpu.memory_space<hbm>>
      tpu.wait_dma2 semaphore(%run_scoped3A : memref<!tpu.dma_semaphore, #tpu.memory_space<semaphore_mem>>) src(%dma_wait3A_54 : memref<24x128xi32, #tpu.memory_space<hbm>>) dst(%arg7 : memref<24x128xi32, #tpu.memory_space<vmem>>)
      tpu.yield
    }) : () -> ()
    "tpu.region"() ({
      %run_scoped3A = tpu.sem_alloc : memref<!tpu.dma_semaphore, #tpu.memory_space<semaphore_mem>>
      %dma_start3A = arith.constant 0 : i32
      %dma_start3A_41 = arith.constant 0 : i32
      %dma_start3A_42 = tpu.memref_slice %arg4[%add3A, %dma_start3A, %dma_start3A_41] : memref<32x24x128xi32, #tpu.memory_space<hbm>> -> memref<1x24x128xi32, #tpu.memory_space<hbm>>
      %dma_start3A_43 = tpu.memref_squeeze %dma_start3A_42 : memref<1x24x128xi32, #tpu.memory_space<hbm>> -> memref<24x128xi32, #tpu.memory_space<hbm>>
      %dma_start3A_44 = arith.constant 0 : i32
      %dma_start3A_45 = arith.constant 0 : i32
      %dma_start3A_46 = tpu.memref_slice %arg4[%add3A, %dma_start3A_44, %dma_start3A_45] : memref<32x24x128xi32, #tpu.memory_space<hbm>> -> memref<1x24x128xi32, #tpu.memory_space<hbm>>
      %dma_start3A_47 = tpu.memref_squeeze %dma_start3A_46 : memref<1x24x128xi32, #tpu.memory_space<hbm>> -> memref<24x128xi32, #tpu.memory_space<hbm>>
      tpu.enqueue_dma source(%dma_start3A_47 : memref<24x128xi32, #tpu.memory_space<hbm>>) target(%arg8 : memref<24x128xi32, #tpu.memory_space<vmem>>) target_semaphore(%run_scoped3A : memref<!tpu.dma_semaphore, #tpu.memory_space<semaphore_mem>>)
      %dma_wait3A = arith.constant 0 : i32
      %dma_wait3A_48 = arith.constant 0 : i32
      %dma_wait3A_49 = tpu.memref_slice %arg4[%add3A, %dma_wait3A, %dma_wait3A_48] : memref<32x24x128xi32, #tpu.memory_space<hbm>> -> memref<1x24x128xi32, #tpu.memory_space<hbm>>
      %dma_wait3A_50 = tpu.memref_squeeze %dma_wait3A_49 : memref<1x24x128xi32, #tpu.memory_space<hbm>> -> memref<24x128xi32, #tpu.memory_space<hbm>>
      %dma_wait3A_51 = arith.constant 0 : i32
      %dma_wait3A_52 = arith.constant 0 : i32
      %dma_wait3A_53 = tpu.memref_slice %arg4[%add3A, %dma_wait3A_51, %dma_wait3A_52] : memref<32x24x128xi32, #tpu.memory_space<hbm>> -> memref<1x24x128xi32, #tpu.memory_space<hbm>>
      %dma_wait3A_54 = tpu.memref_squeeze %dma_wait3A_53 : memref<1x24x128xi32, #tpu.memory_space<hbm>> -> memref<24x128xi32, #tpu.memory_space<hbm>>
      tpu.wait_dma2 semaphore(%run_scoped3A : memref<!tpu.dma_semaphore, #tpu.memory_space<semaphore_mem>>) src(%dma_wait3A_54 : memref<24x128xi32, #tpu.memory_space<hbm>>) dst(%arg8 : memref<24x128xi32, #tpu.memory_space<vmem>>)
      tpu.yield
    }) : () -> ()
    %barrier3A = arith.constant 0 : index
    tpu.barrier barrier_id(%barrier3A)
    %lt3A = arith.constant 17 : i32
    %lt3A_23 = arith.cmpi slt, %add3A, %lt3A : i32
    %jit3A = arith.constant 20 : i32
    %jit3A_24 = arith.constant 19 : i32
    %select_n3A = arith.select %lt3A_23, %jit3A, %jit3A_24 : i32
    %while3A = arith.constant 0 : i32
    %while3A_25 = arith.constant 0 : i32
    %while3A_26 = arith.subi %select_n3A, %while3A_25 : i32
    %while3A_27 = arith.addi %while3A_25, %while3A_26 : i32
    %while3A_28 = arith.constant 1 : i32
    %while3A_29 = arith.divsi %while3A_26, %while3A_28 : i32
    %while3A_30 = arith.muli %while3A_29, %while3A_28 : i32
    %while3A_31 = arith.addi %while3A_25, %while3A_30 : i32
    %while3A_32 = arith.constant 1 : i32
    scf.for %while3A_41 = %while3A_25 to %while3A_31 step %while3A_32  : i32 {
      %dma_start3A = arith.constant 0 : i32
      %dma_start3A_42 = tpu.memref_slice %arg7[%while3A_41, %dma_start3A] : memref<24x128xi32, #tpu.memory_space<vmem>> -> memref<1x128xi32, #tpu.memory_space<vmem>>
      %dma_start3A_43 = tpu.memref_squeeze %dma_start3A_42 : memref<1x128xi32, #tpu.memory_space<vmem>> -> memref<128xi32, #tpu.memory_space<vmem>>
      %dma_start3A_44 = arith.constant 0 : i32
      %dma_start3A_45 = arith.constant 0 : i32
      %dma_start3A_46 = tpu.memref_slice %arg2[%dma_start3A_44, %dma_start3A_45] : memref<10000x128xf32, #tpu.memory_space<hbm>> -> memref<10000x128xf32, #tpu.memory_space<hbm>>
      tpu.enqueue_indirect_dma source(%dma_start3A_46 : memref<10000x128xf32, #tpu.memory_space<hbm>>) target(%arg9 : memref<128x128xf32, #tpu.memory_space<vmem>>) offsets(%dma_start3A_43 : memref<128xi32, #tpu.memory_space<vmem>>) semaphore(%arg13 : memref<!tpu.dma_semaphore, #tpu.memory_space<semaphore_mem>>)
      "tpu.region"() ({
        %run_scoped3A = tpu.sem_alloc : memref<!tpu.dma_semaphore, #tpu.memory_space<semaphore_mem>>
        %dma_start3A_52 = arith.constant 0 : i32
        %dma_start3A_53 = tpu.memref_slice %arg8[%while3A_41, %dma_start3A_52] : memref<24x128xi32, #tpu.memory_space<vmem>> -> memref<1x128xi32, #tpu.memory_space<vmem>>
        %dma_start3A_54 = tpu.memref_squeeze %dma_start3A_53 : memref<1x128xi32, #tpu.memory_space<vmem>> -> memref<128xi32, #tpu.memory_space<vmem>>
        %dma_start3A_55 = arith.constant 0 : i32
        %dma_start3A_56 = arith.constant 0 : i32
        %dma_start3A_57 = tpu.memref_slice %arg12[%dma_start3A_55, %dma_start3A_56] : memref<5120x128xf32, #tpu.memory_space<vmem_shared>> -> memref<5120x128xf32, #tpu.memory_space<vmem_shared>>
        tpu.enqueue_indirect_dma source(%arg10 : memref<128x128xf32, #tpu.memory_space<vmem>>) target(%dma_start3A_57 : memref<5120x128xf32, #tpu.memory_space<vmem_shared>>) offsets(%dma_start3A_54 : memref<128xi32, #tpu.memory_space<vmem>>) semaphore(%run_scoped3A : memref<!tpu.dma_semaphore, #tpu.memory_space<semaphore_mem>>) {add = true}
        %dma_wait3A_58 = arith.constant 0 : i32
        %dma_wait3A_59 = tpu.memref_slice %arg8[%while3A_41, %dma_wait3A_58] : memref<24x128xi32, #tpu.memory_space<vmem>> -> memref<1x128xi32, #tpu.memory_space<vmem>>
        %dma_wait3A_60 = tpu.memref_squeeze %dma_wait3A_59 : memref<1x128xi32, #tpu.memory_space<vmem>> -> memref<128xi32, #tpu.memory_space<vmem>>
        %dma_wait3A_61 = arith.constant 0 : i32
        %dma_wait3A_62 = arith.constant 0 : i32
        %dma_wait3A_63 = tpu.memref_slice %arg12[%dma_wait3A_61, %dma_wait3A_62] : memref<5120x128xf32, #tpu.memory_space<vmem_shared>> -> memref<5120x128xf32, #tpu.memory_space<vmem_shared>>
        tpu.wait_indirect_dma semaphore(%run_scoped3A : memref<!tpu.dma_semaphore, #tpu.memory_space<semaphore_mem>>) src(%arg10 : memref<128x128xf32, #tpu.memory_space<vmem>>) dst(%dma_wait3A_63 : memref<5120x128xf32, #tpu.memory_space<vmem_shared>>)
        tpu.yield
      }) : () -> ()
      %dma_wait3A = arith.constant 0 : i32
      %dma_wait3A_47 = tpu.memref_slice %arg7[%while3A_41, %dma_wait3A] : memref<24x128xi32, #tpu.memory_space<vmem>> -> memref<1x128xi32, #tpu.memory_space<vmem>>
      %dma_wait3A_48 = tpu.memref_squeeze %dma_wait3A_47 : memref<1x128xi32, #tpu.memory_space<vmem>> -> memref<128xi32, #tpu.memory_space<vmem>>
      %dma_wait3A_49 = arith.constant 0 : i32
      %dma_wait3A_50 = arith.constant 0 : i32
      %dma_wait3A_51 = tpu.memref_slice %arg2[%dma_wait3A_49, %dma_wait3A_50] : memref<10000x128xf32, #tpu.memory_space<hbm>> -> memref<10000x128xf32, #tpu.memory_space<hbm>>
      tpu.wait_indirect_dma semaphore(%arg13 : memref<!tpu.dma_semaphore, #tpu.memory_space<semaphore_mem>>) src(%dma_wait3A_51 : memref<10000x128xf32, #tpu.memory_space<hbm>>) dst(%arg9 : memref<128x128xf32, #tpu.memory_space<vmem>>)
      "tpu.region"() ({
        %run_scoped3A = tpu.sem_alloc : memref<!tpu.dma_semaphore, #tpu.memory_space<semaphore_mem>>
        %dma_start3A_52 = arith.constant 0 : i32
        %dma_start3A_53 = tpu.memref_slice %arg8[%while3A_41, %dma_start3A_52] : memref<24x128xi32, #tpu.memory_space<vmem>> -> memref<1x128xi32, #tpu.memory_space<vmem>>
        %dma_start3A_54 = tpu.memref_squeeze %dma_start3A_53 : memref<1x128xi32, #tpu.memory_space<vmem>> -> memref<128xi32, #tpu.memory_space<vmem>>
        %dma_start3A_55 = arith.constant 0 : i32
        %dma_start3A_56 = arith.constant 0 : i32
        %dma_start3A_57 = tpu.memref_slice %arg11[%dma_start3A_55, %dma_start3A_56] : memref<5120x128xf32, #tpu.memory_space<vmem_shared>> -> memref<5120x128xf32, #tpu.memory_space<vmem_shared>>
        tpu.enqueue_indirect_dma source(%arg9 : memref<128x128xf32, #tpu.memory_space<vmem>>) target(%dma_start3A_57 : memref<5120x128xf32, #tpu.memory_space<vmem_shared>>) offsets(%dma_start3A_54 : memref<128xi32, #tpu.memory_space<vmem>>) semaphore(%run_scoped3A : memref<!tpu.dma_semaphore, #tpu.memory_space<semaphore_mem>>) {add = true}
        %dma_wait3A_58 = arith.constant 0 : i32
        %dma_wait3A_59 = tpu.memref_slice %arg8[%while3A_41, %dma_wait3A_58] : memref<24x128xi32, #tpu.memory_space<vmem>> -> memref<1x128xi32, #tpu.memory_space<vmem>>
        %dma_wait3A_60 = tpu.memref_squeeze %dma_wait3A_59 : memref<1x128xi32, #tpu.memory_space<vmem>> -> memref<128xi32, #tpu.memory_space<vmem>>
        %dma_wait3A_61 = arith.constant 0 : i32
        %dma_wait3A_62 = arith.constant 0 : i32
        %dma_wait3A_63 = tpu.memref_slice %arg11[%dma_wait3A_61, %dma_wait3A_62] : memref<5120x128xf32, #tpu.memory_space<vmem_shared>> -> memref<5120x128xf32, #tpu.memory_space<vmem_shared>>
        tpu.wait_indirect_dma semaphore(%run_scoped3A : memref<!tpu.dma_semaphore, #tpu.memory_space<semaphore_mem>>) src(%arg9 : memref<128x128xf32, #tpu.memory_space<vmem>>) dst(%dma_wait3A_63 : memref<5120x128xf32, #tpu.memory_space<vmem_shared>>)
        tpu.yield
      }) : () -> ()
    }
    %while3A_33 = arith.constant 1 : i32
    scf.for %while3A_41 = %while3A_31 to %while3A_27 step %while3A_33  : i32 {
      %dma_start3A = arith.constant 0 : i32
      %dma_start3A_42 = tpu.memref_slice %arg7[%while3A_41, %dma_start3A] : memref<24x128xi32, #tpu.memory_space<vmem>> -> memref<1x128xi32, #tpu.memory_space<vmem>>
      %dma_start3A_43 = tpu.memref_squeeze %dma_start3A_42 : memref<1x128xi32, #tpu.memory_space<vmem>> -> memref<128xi32, #tpu.memory_space<vmem>>
      %dma_start3A_44 = arith.constant 0 : i32
      %dma_start3A_45 = arith.constant 0 : i32
      %dma_start3A_46 = tpu.memref_slice %arg2[%dma_start3A_44, %dma_start3A_45] : memref<10000x128xf32, #tpu.memory_space<hbm>> -> memref<10000x128xf32, #tpu.memory_space<hbm>>
      tpu.enqueue_indirect_dma source(%dma_start3A_46 : memref<10000x128xf32, #tpu.memory_space<hbm>>) target(%arg9 : memref<128x128xf32, #tpu.memory_space<vmem>>) offsets(%dma_start3A_43 : memref<128xi32, #tpu.memory_space<vmem>>) semaphore(%arg13 : memref<!tpu.dma_semaphore, #tpu.memory_space<semaphore_mem>>)
      "tpu.region"() ({
        %run_scoped3A = tpu.sem_alloc : memref<!tpu.dma_semaphore, #tpu.memory_space<semaphore_mem>>
        %dma_start3A_52 = arith.constant 0 : i32
        %dma_start3A_53 = tpu.memref_slice %arg8[%while3A_41, %dma_start3A_52] : memref<24x128xi32, #tpu.memory_space<vmem>> -> memref<1x128xi32, #tpu.memory_space<vmem>>
        %dma_start3A_54 = tpu.memref_squeeze %dma_start3A_53 : memref<1x128xi32, #tpu.memory_space<vmem>> -> memref<128xi32, #tpu.memory_space<vmem>>
        %dma_start3A_55 = arith.constant 0 : i32
        %dma_start3A_56 = arith.constant 0 : i32
        %dma_start3A_57 = tpu.memref_slice %arg12[%dma_start3A_55, %dma_start3A_56] : memref<5120x128xf32, #tpu.memory_space<vmem_shared>> -> memref<5120x128xf32, #tpu.memory_space<vmem_shared>>
        tpu.enqueue_indirect_dma source(%arg10 : memref<128x128xf32, #tpu.memory_space<vmem>>) target(%dma_start3A_57 : memref<5120x128xf32, #tpu.memory_space<vmem_shared>>) offsets(%dma_start3A_54 : memref<128xi32, #tpu.memory_space<vmem>>) semaphore(%run_scoped3A : memref<!tpu.dma_semaphore, #tpu.memory_space<semaphore_mem>>) {add = true}
        %dma_wait3A_58 = arith.constant 0 : i32
        %dma_wait3A_59 = tpu.memref_slice %arg8[%while3A_41, %dma_wait3A_58] : memref<24x128xi32, #tpu.memory_space<vmem>> -> memref<1x128xi32, #tpu.memory_space<vmem>>
        %dma_wait3A_60 = tpu.memref_squeeze %dma_wait3A_59 : memref<1x128xi32, #tpu.memory_space<vmem>> -> memref<128xi32, #tpu.memory_space<vmem>>
        %dma_wait3A_61 = arith.constant 0 : i32
        %dma_wait3A_62 = arith.constant 0 : i32
        %dma_wait3A_63 = tpu.memref_slice %arg12[%dma_wait3A_61, %dma_wait3A_62] : memref<5120x128xf32, #tpu.memory_space<vmem_shared>> -> memref<5120x128xf32, #tpu.memory_space<vmem_shared>>
        tpu.wait_indirect_dma semaphore(%run_scoped3A : memref<!tpu.dma_semaphore, #tpu.memory_space<semaphore_mem>>) src(%arg10 : memref<128x128xf32, #tpu.memory_space<vmem>>) dst(%dma_wait3A_63 : memref<5120x128xf32, #tpu.memory_space<vmem_shared>>)
        tpu.yield
      }) : () -> ()
      %dma_wait3A = arith.constant 0 : i32
      %dma_wait3A_47 = tpu.memref_slice %arg7[%while3A_41, %dma_wait3A] : memref<24x128xi32, #tpu.memory_space<vmem>> -> memref<1x128xi32, #tpu.memory_space<vmem>>
      %dma_wait3A_48 = tpu.memref_squeeze %dma_wait3A_47 : memref<1x128xi32, #tpu.memory_space<vmem>> -> memref<128xi32, #tpu.memory_space<vmem>>
      %dma_wait3A_49 = arith.constant 0 : i32
      %dma_wait3A_50 = arith.constant 0 : i32
      %dma_wait3A_51 = tpu.memref_slice %arg2[%dma_wait3A_49, %dma_wait3A_50] : memref<10000x128xf32, #tpu.memory_space<hbm>> -> memref<10000x128xf32, #tpu.memory_space<hbm>>
      tpu.wait_indirect_dma semaphore(%arg13 : memref<!tpu.dma_semaphore, #tpu.memory_space<semaphore_mem>>) src(%dma_wait3A_51 : memref<10000x128xf32, #tpu.memory_space<hbm>>) dst(%arg9 : memref<128x128xf32, #tpu.memory_space<vmem>>)
      "tpu.region"() ({
        %run_scoped3A = tpu.sem_alloc : memref<!tpu.dma_semaphore, #tpu.memory_space<semaphore_mem>>
        %dma_start3A_52 = arith.constant 0 : i32
        %dma_start3A_53 = tpu.memref_slice %arg8[%while3A_41, %dma_start3A_52] : memref<24x128xi32, #tpu.memory_space<vmem>> -> memref<1x128xi32, #tpu.memory_space<vmem>>
        %dma_start3A_54 = tpu.memref_squeeze %dma_start3A_53 : memref<1x128xi32, #tpu.memory_space<vmem>> -> memref<128xi32, #tpu.memory_space<vmem>>
        %dma_start3A_55 = arith.constant 0 : i32
        %dma_start3A_56 = arith.constant 0 : i32
        %dma_start3A_57 = tpu.memref_slice %arg11[%dma_start3A_55, %dma_start3A_56] : memref<5120x128xf32, #tpu.memory_space<vmem_shared>> -> memref<5120x128xf32, #tpu.memory_space<vmem_shared>>
        tpu.enqueue_indirect_dma source(%arg9 : memref<128x128xf32, #tpu.memory_space<vmem>>) target(%dma_start3A_57 : memref<5120x128xf32, #tpu.memory_space<vmem_shared>>) offsets(%dma_start3A_54 : memref<128xi32, #tpu.memory_space<vmem>>) semaphore(%run_scoped3A : memref<!tpu.dma_semaphore, #tpu.memory_space<semaphore_mem>>) {add = true}
        %dma_wait3A_58 = arith.constant 0 : i32
        %dma_wait3A_59 = tpu.memref_slice %arg8[%while3A_41, %dma_wait3A_58] : memref<24x128xi32, #tpu.memory_space<vmem>> -> memref<1x128xi32, #tpu.memory_space<vmem>>
        %dma_wait3A_60 = tpu.memref_squeeze %dma_wait3A_59 : memref<1x128xi32, #tpu.memory_space<vmem>> -> memref<128xi32, #tpu.memory_space<vmem>>
        %dma_wait3A_61 = arith.constant 0 : i32
        %dma_wait3A_62 = arith.constant 0 : i32
        %dma_wait3A_63 = tpu.memref_slice %arg11[%dma_wait3A_61, %dma_wait3A_62] : memref<5120x128xf32, #tpu.memory_space<vmem_shared>> -> memref<5120x128xf32, #tpu.memory_space<vmem_shared>>
        tpu.wait_indirect_dma semaphore(%run_scoped3A : memref<!tpu.dma_semaphore, #tpu.memory_space<semaphore_mem>>) src(%arg9 : memref<128x128xf32, #tpu.memory_space<vmem>>) dst(%dma_wait3A_63 : memref<5120x128xf32, #tpu.memory_space<vmem_shared>>)
        tpu.yield
      }) : () -> ()
    }
    %barrier3A_34 = arith.constant 0 : index
    tpu.barrier barrier_id(%barrier3A_34)
    %add3A_35 = arith.constant 0 : i32
    %add3A_36 = arith.addi %mul3A_10, %add3A_35 : i32
    "tpu.region"() ({
      %run_scoped3A = tpu.sem_alloc : memref<!tpu.dma_semaphore, #tpu.memory_space<semaphore_mem>>
      %dma_start3A = arith.constant 0 : i32
      %dma_start3A_41 = tpu.memref_slice %arg5[%arg0, %add3A_36, %dma_start3A] : memref<2x5120x128xf32, #tpu.memory_space<hbm>> -> memref<1x128x128xf32, #tpu.memory_space<hbm>>
      %dma_start3A_42 = tpu.memref_squeeze %dma_start3A_41 : memref<1x128x128xf32, #tpu.memory_space<hbm>> -> memref<128x128xf32, #tpu.memory_space<hbm>>
      %dma_start3A_43 = arith.constant 0 : i32
      %dma_start3A_44 = tpu.memref_slice %arg11[%add3A_36, %dma_start3A_43] : memref<5120x128xf32, #tpu.memory_space<vmem_shared>> -> memref<128x128xf32, #tpu.memory_space<vmem_shared>>
      tpu.enqueue_dma source(%dma_start3A_44 : memref<128x128xf32, #tpu.memory_space<vmem_shared>>) target(%dma_start3A_42 : memref<128x128xf32, #tpu.memory_space<hbm>>) target_semaphore(%run_scoped3A : memref<!tpu.dma_semaphore, #tpu.memory_space<semaphore_mem>>)
      %dma_wait3A = arith.constant 0 : i32
      %dma_wait3A_45 = tpu.memref_slice %arg5[%arg0, %add3A_36, %dma_wait3A] : memref<2x5120x128xf32, #tpu.memory_space<hbm>> -> memref<1x128x128xf32, #tpu.memory_space<hbm>>
      %dma_wait3A_46 = tpu.memref_squeeze %dma_wait3A_45 : memref<1x128x128xf32, #tpu.memory_space<hbm>> -> memref<128x128xf32, #tpu.memory_space<hbm>>
      %dma_wait3A_47 = arith.constant 0 : i32
      %dma_wait3A_48 = tpu.memref_slice %arg11[%add3A_36, %dma_wait3A_47] : memref<5120x128xf32, #tpu.memory_space<vmem_shared>> -> memref<128x128xf32, #tpu.memory_space<vmem_shared>>
      tpu.wait_dma2 semaphore(%run_scoped3A : memref<!tpu.dma_semaphore, #tpu.memory_space<semaphore_mem>>) src(%dma_wait3A_48 : memref<128x128xf32, #tpu.memory_space<vmem_shared>>) dst(%dma_wait3A_46 : memref<128x128xf32, #tpu.memory_space<hbm>>)
      tpu.yield
    }) : () -> ()
    "tpu.region"() ({
      %run_scoped3A = tpu.sem_alloc : memref<!tpu.dma_semaphore, #tpu.memory_space<semaphore_mem>>
      %dma_start3A = arith.constant 0 : i32
      %dma_start3A_41 = tpu.memref_slice %arg6[%arg0, %add3A_36, %dma_start3A] : memref<2x5120x128xf32, #tpu.memory_space<hbm>> -> memref<1x128x128xf32, #tpu.memory_space<hbm>>
      %dma_start3A_42 = tpu.memref_squeeze %dma_start3A_41 : memref<1x128x128xf32, #tpu.memory_space<hbm>> -> memref<128x128xf32, #tpu.memory_space<hbm>>
      %dma_start3A_43 = arith.constant 0 : i32
      %dma_start3A_44 = tpu.memref_slice %arg12[%add3A_36, %dma_start3A_43] : memref<5120x128xf32, #tpu.memory_space<vmem_shared>> -> memref<128x128xf32, #tpu.memory_space<vmem_shared>>
      tpu.enqueue_dma source(%dma_start3A_44 : memref<128x128xf32, #tpu.memory_space<vmem_shared>>) target(%dma_start3A_42 : memref<128x128xf32, #tpu.memory_space<hbm>>) target_semaphore(%run_scoped3A : memref<!tpu.dma_semaphore, #tpu.memory_space<semaphore_mem>>)
      %dma_wait3A = arith.constant 0 : i32
      %dma_wait3A_45 = tpu.memref_slice %arg6[%arg0, %add3A_36, %dma_wait3A] : memref<2x5120x128xf32, #tpu.memory_space<hbm>> -> memref<1x128x128xf32, #tpu.memory_space<hbm>>
      %dma_wait3A_46 = tpu.memref_squeeze %dma_wait3A_45 : memref<1x128x128xf32, #tpu.memory_space<hbm>> -> memref<128x128xf32, #tpu.memory_space<hbm>>
      %dma_wait3A_47 = arith.constant 0 : i32
      %dma_wait3A_48 = tpu.memref_slice %arg12[%add3A_36, %dma_wait3A_47] : memref<5120x128xf32, #tpu.memory_space<vmem_shared>> -> memref<128x128xf32, #tpu.memory_space<vmem_shared>>
      tpu.wait_dma2 semaphore(%run_scoped3A : memref<!tpu.dma_semaphore, #tpu.memory_space<semaphore_mem>>) src(%dma_wait3A_48 : memref<128x128xf32, #tpu.memory_space<vmem_shared>>) dst(%dma_wait3A_46 : memref<128x128xf32, #tpu.memory_space<hbm>>)
      tpu.yield
    }) : () -> ()
    %add3A_37 = arith.constant 128 : i32
    %add3A_38 = arith.addi %mul3A_10, %add3A_37 : i32
    "tpu.region"() ({
      %run_scoped3A = tpu.sem_alloc : memref<!tpu.dma_semaphore, #tpu.memory_space<semaphore_mem>>
      %dma_start3A = arith.constant 0 : i32
      %dma_start3A_41 = tpu.memref_slice %arg5[%arg0, %add3A_38, %dma_start3A] : memref<2x5120x128xf32, #tpu.memory_space<hbm>> -> memref<1x128x128xf32, #tpu.memory_space<hbm>>
      %dma_start3A_42 = tpu.memref_squeeze %dma_start3A_41 : memref<1x128x128xf32, #tpu.memory_space<hbm>> -> memref<128x128xf32, #tpu.memory_space<hbm>>
      %dma_start3A_43 = arith.constant 0 : i32
      %dma_start3A_44 = tpu.memref_slice %arg11[%add3A_38, %dma_start3A_43] : memref<5120x128xf32, #tpu.memory_space<vmem_shared>> -> memref<128x128xf32, #tpu.memory_space<vmem_shared>>
      tpu.enqueue_dma source(%dma_start3A_44 : memref<128x128xf32, #tpu.memory_space<vmem_shared>>) target(%dma_start3A_42 : memref<128x128xf32, #tpu.memory_space<hbm>>) target_semaphore(%run_scoped3A : memref<!tpu.dma_semaphore, #tpu.memory_space<semaphore_mem>>)
      %dma_wait3A = arith.constant 0 : i32
      %dma_wait3A_45 = tpu.memref_slice %arg5[%arg0, %add3A_38, %dma_wait3A] : memref<2x5120x128xf32, #tpu.memory_space<hbm>> -> memref<1x128x128xf32, #tpu.memory_space<hbm>>
      %dma_wait3A_46 = tpu.memref_squeeze %dma_wait3A_45 : memref<1x128x128xf32, #tpu.memory_space<hbm>> -> memref<128x128xf32, #tpu.memory_space<hbm>>
      %dma_wait3A_47 = arith.constant 0 : i32
      %dma_wait3A_48 = tpu.memref_slice %arg11[%add3A_38, %dma_wait3A_47] : memref<5120x128xf32, #tpu.memory_space<vmem_shared>> -> memref<128x128xf32, #tpu.memory_space<vmem_shared>>
      tpu.wait_dma2 semaphore(%run_scoped3A : memref<!tpu.dma_semaphore, #tpu.memory_space<semaphore_mem>>) src(%dma_wait3A_48 : memref<128x128xf32, #tpu.memory_space<vmem_shared>>) dst(%dma_wait3A_46 : memref<128x128xf32, #tpu.memory_space<hbm>>)
      tpu.yield
    }) : () -> ()
    "tpu.region"() ({
      %run_scoped3A = tpu.sem_alloc : memref<!tpu.dma_semaphore, #tpu.memory_space<semaphore_mem>>
      %dma_start3A = arith.constant 0 : i32
      %dma_start3A_41 = tpu.memref_slice %arg6[%arg0, %add3A_38, %dma_start3A] : memref<2x5120x128xf32, #tpu.memory_space<hbm>> -> memref<1x128x128xf32, #tpu.memory_space<hbm>>
      %dma_start3A_42 = tpu.memref_squeeze %dma_start3A_41 : memref<1x128x128xf32, #tpu.memory_space<hbm>> -> memref<128x128xf32, #tpu.memory_space<hbm>>
      %dma_start3A_43 = arith.constant 0 : i32
      %dma_start3A_44 = tpu.memref_slice %arg12[%add3A_38, %dma_start3A_43] : memref<5120x128xf32, #tpu.memory_space<vmem_shared>> -> memref<128x128xf32, #tpu.memory_space<vmem_shared>>
      tpu.enqueue_dma source(%dma_start3A_44 : memref<128x128xf32, #tpu.memory_space<vmem_shared>>) target(%dma_start3A_42 : memref<128x128xf32, #tpu.memory_space<hbm>>) target_semaphore(%run_scoped3A : memref<!tpu.dma_semaphore, #tpu.memory_space<semaphore_mem>>)
      %dma_wait3A = arith.constant 0 : i32
      %dma_wait3A_45 = tpu.memref_slice %arg6[%arg0, %add3A_38, %dma_wait3A] : memref<2x5120x128xf32, #tpu.memory_space<hbm>> -> memref<1x128x128xf32, #tpu.memory_space<hbm>>
      %dma_wait3A_46 = tpu.memref_squeeze %dma_wait3A_45 : memref<1x128x128xf32, #tpu.memory_space<hbm>> -> memref<128x128xf32, #tpu.memory_space<hbm>>
      %dma_wait3A_47 = arith.constant 0 : i32
      %dma_wait3A_48 = tpu.memref_slice %arg12[%add3A_38, %dma_wait3A_47] : memref<5120x128xf32, #tpu.memory_space<vmem_shared>> -> memref<128x128xf32, #tpu.memory_space<vmem_shared>>
      tpu.wait_dma2 semaphore(%run_scoped3A : memref<!tpu.dma_semaphore, #tpu.memory_space<semaphore_mem>>) src(%dma_wait3A_48 : memref<128x128xf32, #tpu.memory_space<vmem_shared>>) dst(%dma_wait3A_46 : memref<128x128xf32, #tpu.memory_space<hbm>>)
      tpu.yield
    }) : () -> ()
    %add3A_39 = arith.constant 256 : i32
    %add3A_40 = arith.addi %mul3A_10, %add3A_39 : i32
    "tpu.region"() ({
      %run_scoped3A = tpu.sem_alloc : memref<!tpu.dma_semaphore, #tpu.memory_space<semaphore_mem>>
      %dma_start3A = arith.constant 0 : i32
      %dma_start3A_41 = tpu.memref_slice %arg5[%arg0, %add3A_40, %dma_start3A] : memref<2x5120x128xf32, #tpu.memory_space<hbm>> -> memref<1x64x128xf32, #tpu.memory_space<hbm>>
      %dma_start3A_42 = tpu.memref_squeeze %dma_start3A_41 : memref<1x64x128xf32, #tpu.memory_space<hbm>> -> memref<64x128xf32, #tpu.memory_space<hbm>>
      %dma_start3A_43 = arith.constant 0 : i32
      %dma_start3A_44 = tpu.memref_slice %arg11[%add3A_40, %dma_start3A_43] : memref<5120x128xf32, #tpu.memory_space<vmem_shared>> -> memref<64x128xf32, #tpu.memory_space<vmem_shared>>
      tpu.enqueue_dma source(%dma_start3A_44 : memref<64x128xf32, #tpu.memory_space<vmem_shared>>) target(%dma_start3A_42 : memref<64x128xf32, #tpu.memory_space<hbm>>) target_semaphore(%run_scoped3A : memref<!tpu.dma_semaphore, #tpu.memory_space<semaphore_mem>>)
      %dma_wait3A = arith.constant 0 : i32
      %dma_wait3A_45 = tpu.memref_slice %arg5[%arg0, %add3A_40, %dma_wait3A] : memref<2x5120x128xf32, #tpu.memory_space<hbm>> -> memref<1x64x128xf32, #tpu.memory_space<hbm>>
      %dma_wait3A_46 = tpu.memref_squeeze %dma_wait3A_45 : memref<1x64x128xf32, #tpu.memory_space<hbm>> -> memref<64x128xf32, #tpu.memory_space<hbm>>
      %dma_wait3A_47 = arith.constant 0 : i32
      %dma_wait3A_48 = tpu.memref_slice %arg11[%add3A_40, %dma_wait3A_47] : memref<5120x128xf32, #tpu.memory_space<vmem_shared>> -> memref<64x128xf32, #tpu.memory_space<vmem_shared>>
      tpu.wait_dma2 semaphore(%run_scoped3A : memref<!tpu.dma_semaphore, #tpu.memory_space<semaphore_mem>>) src(%dma_wait3A_48 : memref<64x128xf32, #tpu.memory_space<vmem_shared>>) dst(%dma_wait3A_46 : memref<64x128xf32, #tpu.memory_space<hbm>>)
      tpu.yield
    }) : () -> ()
    "tpu.region"() ({
      %run_scoped3A = tpu.sem_alloc : memref<!tpu.dma_semaphore, #tpu.memory_space<semaphore_mem>>
      %dma_start3A = arith.constant 0 : i32
      %dma_start3A_41 = tpu.memref_slice %arg6[%arg0, %add3A_40, %dma_start3A] : memref<2x5120x128xf32, #tpu.memory_space<hbm>> -> memref<1x64x128xf32, #tpu.memory_space<hbm>>
      %dma_start3A_42 = tpu.memref_squeeze %dma_start3A_41 : memref<1x64x128xf32, #tpu.memory_space<hbm>> -> memref<64x128xf32, #tpu.memory_space<hbm>>
      %dma_start3A_43 = arith.constant 0 : i32
      %dma_start3A_44 = tpu.memref_slice %arg12[%add3A_40, %dma_start3A_43] : memref<5120x128xf32, #tpu.memory_space<vmem_shared>> -> memref<64x128xf32, #tpu.memory_space<vmem_shared>>
      tpu.enqueue_dma source(%dma_start3A_44 : memref<64x128xf32, #tpu.memory_space<vmem_shared>>) target(%dma_start3A_42 : memref<64x128xf32, #tpu.memory_space<hbm>>) target_semaphore(%run_scoped3A : memref<!tpu.dma_semaphore, #tpu.memory_space<semaphore_mem>>)
      %dma_wait3A = arith.constant 0 : i32
      %dma_wait3A_45 = tpu.memref_slice %arg6[%arg0, %add3A_40, %dma_wait3A] : memref<2x5120x128xf32, #tpu.memory_space<hbm>> -> memref<1x64x128xf32, #tpu.memory_space<hbm>>
      %dma_wait3A_46 = tpu.memref_squeeze %dma_wait3A_45 : memref<1x64x128xf32, #tpu.memory_space<hbm>> -> memref<64x128xf32, #tpu.memory_space<hbm>>
      %dma_wait3A_47 = arith.constant 0 : i32
      %dma_wait3A_48 = tpu.memref_slice %arg12[%add3A_40, %dma_wait3A_47] : memref<5120x128xf32, #tpu.memory_space<vmem_shared>> -> memref<64x128xf32, #tpu.memory_space<vmem_shared>>
      tpu.wait_dma2 semaphore(%run_scoped3A : memref<!tpu.dma_semaphore, #tpu.memory_space<semaphore_mem>>) src(%dma_wait3A_48 : memref<64x128xf32, #tpu.memory_space<vmem_shared>>) dst(%dma_wait3A_46 : memref<64x128xf32, #tpu.memory_space<hbm>>)
      tpu.yield
    }) : () -> ()
    return
  }
}

#map = affine_map<(d0, d1) -> (0, 0)>
#map1 = affine_map<(d0, d1) -> (0, 0, 0)>
module attributes {stable_mosaic.version = 14 : i64} {
  func.func @body(%arg0: i32, %arg1: i32, %arg2: memref<10000x128xf32, #tpu.memory_space<hbm>>, %arg3: memref<32x24x128xi32, #tpu.memory_space<hbm>>, %arg4: memref<32x24x128xi32, #tpu.memory_space<hbm>>, %arg5: memref<2x2048x128xf32, #tpu.memory_space<hbm>>, %arg6: memref<2x2048x128xf32, #tpu.memory_space<hbm>>, %arg7: memref<24x128xi32, #tpu.memory_space<vmem>>, %arg8: memref<24x128xi32, #tpu.memory_space<vmem>>, %arg9: memref<128x128xf32, #tpu.memory_space<vmem>>, %arg10: memref<128x128xf32, #tpu.memory_space<vmem>>, %arg11: memref<2048x128xf32, #tpu.memory_space<vmem_shared>>, %arg12: memref<2048x128xf32, #tpu.memory_space<vmem_shared>>, %arg13: memref<!tpu.dma_semaphore, #tpu.memory_space<semaphore_mem>>) attributes {dimension_semantics = [#tpu.dimension_semantics<core_parallel>, #tpu.dimension_semantics<subcore_parallel>], iteration_bounds = array<i64: 2, 16>, scalar_prefetch = 0 : i64, scratch_operands = 7 : i64, tpu.core_type = #tpu.core_type<sc_vector_subcore>, window_params = [{transform_indices = #map}, {transform_indices = #map1}, {transform_indices = #map1}, {transform_indices = #map1}, {transform_indices = #map1}]} {
    %mul3A = arith.constant 16 : i32
    %mul3A_0 = arith.muli %arg0, %mul3A : i32
    %add3A = arith.addi %mul3A_0, %arg1 : i32
    %broadcast_in_dim3A = arith.constant 0.000000e+00 : f32
    %broadcast_in_dim3A_1 = vector.broadcast %broadcast_in_dim3A : f32 to vector<16xf32>
    %broadcast_in_dim3A_2 = arith.constant 1.000000e+00 : f32
    %broadcast_in_dim3A_3 = vector.broadcast %broadcast_in_dim3A_2 : f32 to vector<16xf32>
    %scan3A = arith.constant 0 : i32
    %scan3A_4 = arith.constant 0 : i32
    %scan3A_5 = arith.constant 128 : i32
    %scan3A_6 = arith.addi %scan3A_4, %scan3A_5 : i32
    %scan3A_7 = arith.constant 1 : i32
    scf.for %scan3A_29 = %scan3A_4 to %scan3A_6 step %scan3A_7  : i32 {
      %swap3A = arith.index_cast %scan3A_29 : i32 to index
      %swap3A_30 = arith.constant 0 : index
      %swap3A_31 = tpu.vector_load %arg9[%swap3A, %swap3A_30] {strides = array<i32>} : memref<128x128xf32, #tpu.memory_space<vmem>>, vector<1x16xf32>,
      %swap3A_32 = vector.shape_cast %swap3A_31 : vector<1x16xf32> to vector<16xf32>
      %swap3A_33 = vector.shape_cast %broadcast_in_dim3A_1 : vector<16xf32> to vector<1x16xf32>
      tpu.vector_store %arg9[%swap3A, %swap3A_30], %swap3A_33 {strides = array<i32>} : memref<128x128xf32, #tpu.memory_space<vmem>>, vector<1x16xf32>,
      %swap3A_34 = arith.index_cast %scan3A_29 : i32 to index
      %swap3A_35 = arith.constant 0 : index
      %swap3A_36 = tpu.vector_load %arg10[%swap3A_34, %swap3A_35] {strides = array<i32>} : memref<128x128xf32, #tpu.memory_space<vmem>>, vector<1x16xf32>,
      %swap3A_37 = vector.shape_cast %swap3A_36 : vector<1x16xf32> to vector<16xf32>
      %swap3A_38 = vector.shape_cast %broadcast_in_dim3A_3 : vector<16xf32> to vector<1x16xf32>
      tpu.vector_store %arg10[%swap3A_34, %swap3A_35], %swap3A_38 {strides = array<i32>} : memref<128x128xf32, #tpu.memory_space<vmem>>, vector<1x16xf32>,
      %swap3A_39 = arith.index_cast %scan3A_29 : i32 to index
      %swap3A_40 = arith.constant 16 : index
      %swap3A_41 = tpu.vector_load %arg9[%swap3A_39, %swap3A_40] {strides = array<i32>} : memref<128x128xf32, #tpu.memory_space<vmem>>, vector<1x16xf32>,
      %swap3A_42 = vector.shape_cast %swap3A_41 : vector<1x16xf32> to vector<16xf32>
      %swap3A_43 = vector.shape_cast %broadcast_in_dim3A_1 : vector<16xf32> to vector<1x16xf32>
      tpu.vector_store %arg9[%swap3A_39, %swap3A_40], %swap3A_43 {strides = array<i32>} : memref<128x128xf32, #tpu.memory_space<vmem>>, vector<1x16xf32>,
      %swap3A_44 = arith.index_cast %scan3A_29 : i32 to index
      %swap3A_45 = arith.constant 16 : index
      %swap3A_46 = tpu.vector_load %arg10[%swap3A_44, %swap3A_45] {strides = array<i32>} : memref<128x128xf32, #tpu.memory_space<vmem>>, vector<1x16xf32>,
      %swap3A_47 = vector.shape_cast %swap3A_46 : vector<1x16xf32> to vector<16xf32>
      %swap3A_48 = vector.shape_cast %broadcast_in_dim3A_3 : vector<16xf32> to vector<1x16xf32>
      tpu.vector_store %arg10[%swap3A_44, %swap3A_45], %swap3A_48 {strides = array<i32>} : memref<128x128xf32, #tpu.memory_space<vmem>>, vector<1x16xf32>,
      %swap3A_49 = arith.index_cast %scan3A_29 : i32 to index
      %swap3A_50 = arith.constant 32 : index
      %swap3A_51 = tpu.vector_load %arg9[%swap3A_49, %swap3A_50] {strides = array<i32>} : memref<128x128xf32, #tpu.memory_space<vmem>>, vector<1x16xf32>,
      %swap3A_52 = vector.shape_cast %swap3A_51 : vector<1x16xf32> to vector<16xf32>
      %swap3A_53 = vector.shape_cast %broadcast_in_dim3A_1 : vector<16xf32> to vector<1x16xf32>
      tpu.vector_store %arg9[%swap3A_49, %swap3A_50], %swap3A_53 {strides = array<i32>} : memref<128x128xf32, #tpu.memory_space<vmem>>, vector<1x16xf32>,
      %swap3A_54 = arith.index_cast %scan3A_29 : i32 to index
      %swap3A_55 = arith.constant 32 : index
      %swap3A_56 = tpu.vector_load %arg10[%swap3A_54, %swap3A_55] {strides = array<i32>} : memref<128x128xf32, #tpu.memory_space<vmem>>, vector<1x16xf32>,
      %swap3A_57 = vector.shape_cast %swap3A_56 : vector<1x16xf32> to vector<16xf32>
      %swap3A_58 = vector.shape_cast %broadcast_in_dim3A_3 : vector<16xf32> to vector<1x16xf32>
      tpu.vector_store %arg10[%swap3A_54, %swap3A_55], %swap3A_58 {strides = array<i32>} : memref<128x128xf32, #tpu.memory_space<vmem>>, vector<1x16xf32>,
      %swap3A_59 = arith.index_cast %scan3A_29 : i32 to index
      %swap3A_60 = arith.constant 48 : index
      %swap3A_61 = tpu.vector_load %arg9[%swap3A_59, %swap3A_60] {strides = array<i32>} : memref<128x128xf32, #tpu.memory_space<vmem>>, vector<1x16xf32>,
      %swap3A_62 = vector.shape_cast %swap3A_61 : vector<1x16xf32> to vector<16xf32>
      %swap3A_63 = vector.shape_cast %broadcast_in_dim3A_1 : vector<16xf32> to vector<1x16xf32>
      tpu.vector_store %arg9[%swap3A_59, %swap3A_60], %swap3A_63 {strides = array<i32>} : memref<128x128xf32, #tpu.memory_space<vmem>>, vector<1x16xf32>,
      %swap3A_64 = arith.index_cast %scan3A_29 : i32 to index
      %swap3A_65 = arith.constant 48 : index
      %swap3A_66 = tpu.vector_load %arg10[%swap3A_64, %swap3A_65] {strides = array<i32>} : memref<128x128xf32, #tpu.memory_space<vmem>>, vector<1x16xf32>,
      %swap3A_67 = vector.shape_cast %swap3A_66 : vector<1x16xf32> to vector<16xf32>
      %swap3A_68 = vector.shape_cast %broadcast_in_dim3A_3 : vector<16xf32> to vector<1x16xf32>
      tpu.vector_store %arg10[%swap3A_64, %swap3A_65], %swap3A_68 {strides = array<i32>} : memref<128x128xf32, #tpu.memory_space<vmem>>, vector<1x16xf32>,
      %swap3A_69 = arith.index_cast %scan3A_29 : i32 to index
      %swap3A_70 = arith.constant 64 : index
      %swap3A_71 = tpu.vector_load %arg9[%swap3A_69, %swap3A_70] {strides = array<i32>} : memref<128x128xf32, #tpu.memory_space<vmem>>, vector<1x16xf32>,
      %swap3A_72 = vector.shape_cast %swap3A_71 : vector<1x16xf32> to vector<16xf32>
      %swap3A_73 = vector.shape_cast %broadcast_in_dim3A_1 : vector<16xf32> to vector<1x16xf32>
      tpu.vector_store %arg9[%swap3A_69, %swap3A_70], %swap3A_73 {strides = array<i32>} : memref<128x128xf32, #tpu.memory_space<vmem>>, vector<1x16xf32>,
      %swap3A_74 = arith.index_cast %scan3A_29 : i32 to index
      %swap3A_75 = arith.constant 64 : index
      %swap3A_76 = tpu.vector_load %arg10[%swap3A_74, %swap3A_75] {strides = array<i32>} : memref<128x128xf32, #tpu.memory_space<vmem>>, vector<1x16xf32>,
      %swap3A_77 = vector.shape_cast %swap3A_76 : vector<1x16xf32> to vector<16xf32>
      %swap3A_78 = vector.shape_cast %broadcast_in_dim3A_3 : vector<16xf32> to vector<1x16xf32>
      tpu.vector_store %arg10[%swap3A_74, %swap3A_75], %swap3A_78 {strides = array<i32>} : memref<128x128xf32, #tpu.memory_space<vmem>>, vector<1x16xf32>,
      %swap3A_79 = arith.index_cast %scan3A_29 : i32 to index
      %swap3A_80 = arith.constant 80 : index
      %swap3A_81 = tpu.vector_load %arg9[%swap3A_79, %swap3A_80] {strides = array<i32>} : memref<128x128xf32, #tpu.memory_space<vmem>>, vector<1x16xf32>,
      %swap3A_82 = vector.shape_cast %swap3A_81 : vector<1x16xf32> to vector<16xf32>
      %swap3A_83 = vector.shape_cast %broadcast_in_dim3A_1 : vector<16xf32> to vector<1x16xf32>
      tpu.vector_store %arg9[%swap3A_79, %swap3A_80], %swap3A_83 {strides = array<i32>} : memref<128x128xf32, #tpu.memory_space<vmem>>, vector<1x16xf32>,
      %swap3A_84 = arith.index_cast %scan3A_29 : i32 to index
      %swap3A_85 = arith.constant 80 : index
      %swap3A_86 = tpu.vector_load %arg10[%swap3A_84, %swap3A_85] {strides = array<i32>} : memref<128x128xf32, #tpu.memory_space<vmem>>, vector<1x16xf32>,
      %swap3A_87 = vector.shape_cast %swap3A_86 : vector<1x16xf32> to vector<16xf32>
      %swap3A_88 = vector.shape_cast %broadcast_in_dim3A_3 : vector<16xf32> to vector<1x16xf32>
      tpu.vector_store %arg10[%swap3A_84, %swap3A_85], %swap3A_88 {strides = array<i32>} : memref<128x128xf32, #tpu.memory_space<vmem>>, vector<1x16xf32>,
      %swap3A_89 = arith.index_cast %scan3A_29 : i32 to index
      %swap3A_90 = arith.constant 96 : index
      %swap3A_91 = tpu.vector_load %arg9[%swap3A_89, %swap3A_90] {strides = array<i32>} : memref<128x128xf32, #tpu.memory_space<vmem>>, vector<1x16xf32>,
      %swap3A_92 = vector.shape_cast %swap3A_91 : vector<1x16xf32> to vector<16xf32>
      %swap3A_93 = vector.shape_cast %broadcast_in_dim3A_1 : vector<16xf32> to vector<1x16xf32>
      tpu.vector_store %arg9[%swap3A_89, %swap3A_90], %swap3A_93 {strides = array<i32>} : memref<128x128xf32, #tpu.memory_space<vmem>>, vector<1x16xf32>,
      %swap3A_94 = arith.index_cast %scan3A_29 : i32 to index
      %swap3A_95 = arith.constant 96 : index
      %swap3A_96 = tpu.vector_load %arg10[%swap3A_94, %swap3A_95] {strides = array<i32>} : memref<128x128xf32, #tpu.memory_space<vmem>>, vector<1x16xf32>,
      %swap3A_97 = vector.shape_cast %swap3A_96 : vector<1x16xf32> to vector<16xf32>
      %swap3A_98 = vector.shape_cast %broadcast_in_dim3A_3 : vector<16xf32> to vector<1x16xf32>
      tpu.vector_store %arg10[%swap3A_94, %swap3A_95], %swap3A_98 {strides = array<i32>} : memref<128x128xf32, #tpu.memory_space<vmem>>, vector<1x16xf32>,
      %swap3A_99 = arith.index_cast %scan3A_29 : i32 to index
      %swap3A_100 = arith.constant 112 : index
      %swap3A_101 = tpu.vector_load %arg9[%swap3A_99, %swap3A_100] {strides = array<i32>} : memref<128x128xf32, #tpu.memory_space<vmem>>, vector<1x16xf32>,
      %swap3A_102 = vector.shape_cast %swap3A_101 : vector<1x16xf32> to vector<16xf32>
      %swap3A_103 = vector.shape_cast %broadcast_in_dim3A_1 : vector<16xf32> to vector<1x16xf32>
      tpu.vector_store %arg9[%swap3A_99, %swap3A_100], %swap3A_103 {strides = array<i32>} : memref<128x128xf32, #tpu.memory_space<vmem>>, vector<1x16xf32>,
      %swap3A_104 = arith.index_cast %scan3A_29 : i32 to index
      %swap3A_105 = arith.constant 112 : index
      %swap3A_106 = tpu.vector_load %arg10[%swap3A_104, %swap3A_105] {strides = array<i32>} : memref<128x128xf32, #tpu.memory_space<vmem>>, vector<1x16xf32>,
      %swap3A_107 = vector.shape_cast %swap3A_106 : vector<1x16xf32> to vector<16xf32>
      %swap3A_108 = vector.shape_cast %broadcast_in_dim3A_3 : vector<16xf32> to vector<1x16xf32>
      tpu.vector_store %arg10[%swap3A_104, %swap3A_105], %swap3A_108 {strides = array<i32>} : memref<128x128xf32, #tpu.memory_space<vmem>>, vector<1x16xf32>,
    }
    %scan3A_8 = arith.constant 128 : i32
    %mul3A_9 = arith.constant 128 : i32
    %mul3A_10 = arith.muli %arg1, %mul3A_9 : i32
    %add3A_11 = arith.constant 0 : i32
    %add3A_12 = arith.addi %mul3A_10, %add3A_11 : i32
    "tpu.region"() ({
      %run_scoped3A = tpu.sem_alloc : memref<!tpu.dma_semaphore, #tpu.memory_space<semaphore_mem>>
      %dma_start3A = arith.constant 0 : i32
      %dma_start3A_29 = arith.constant 0 : i32
      %dma_start3A_30 = tpu.memref_slice %arg9[%dma_start3A, %dma_start3A_29] : memref<128x128xf32, #tpu.memory_space<vmem>> -> memref<128x128xf32, #tpu.memory_space<vmem>>
      %dma_start3A_31 = arith.constant 0 : i32
      %dma_start3A_32 = tpu.memref_slice %arg11[%add3A_12, %dma_start3A_31] : memref<2048x128xf32, #tpu.memory_space<vmem_shared>> -> memref<128x128xf32, #tpu.memory_space<vmem_shared>>
      %dma_start3A_33 = arith.constant 0 : i32
      %dma_start3A_34 = tpu.memref_slice %arg11[%add3A_12, %dma_start3A_33] : memref<2048x128xf32, #tpu.memory_space<vmem_shared>> -> memref<128x128xf32, #tpu.memory_space<vmem_shared>>
      %dma_start3A_35 = arith.constant 0 : i32
      %dma_start3A_36 = arith.constant 0 : i32
      %dma_start3A_37 = tpu.memref_slice %arg9[%dma_start3A_35, %dma_start3A_36] : memref<128x128xf32, #tpu.memory_space<vmem>> -> memref<128x128xf32, #tpu.memory_space<vmem>>
      tpu.enqueue_dma source(%dma_start3A_37 : memref<128x128xf32, #tpu.memory_space<vmem>>) target(%dma_start3A_34 : memref<128x128xf32, #tpu.memory_space<vmem_shared>>) target_semaphore(%run_scoped3A : memref<!tpu.dma_semaphore, #tpu.memory_space<semaphore_mem>>)
      %dma_wait3A = arith.constant 0 : i32
      %dma_wait3A_38 = arith.constant 0 : i32
      %dma_wait3A_39 = tpu.memref_slice %arg9[%dma_wait3A, %dma_wait3A_38] : memref<128x128xf32, #tpu.memory_space<vmem>> -> memref<128x128xf32, #tpu.memory_space<vmem>>
      %dma_wait3A_40 = arith.constant 0 : i32
      %dma_wait3A_41 = tpu.memref_slice %arg11[%add3A_12, %dma_wait3A_40] : memref<2048x128xf32, #tpu.memory_space<vmem_shared>> -> memref<128x128xf32, #tpu.memory_space<vmem_shared>>
      %dma_wait3A_42 = arith.constant 0 : i32
      %dma_wait3A_43 = tpu.memref_slice %arg11[%add3A_12, %dma_wait3A_42] : memref<2048x128xf32, #tpu.memory_space<vmem_shared>> -> memref<128x128xf32, #tpu.memory_space<vmem_shared>>
      %dma_wait3A_44 = arith.constant 0 : i32
      %dma_wait3A_45 = arith.constant 0 : i32
      %dma_wait3A_46 = tpu.memref_slice %arg9[%dma_wait3A_44, %dma_wait3A_45] : memref<128x128xf32, #tpu.memory_space<vmem>> -> memref<128x128xf32, #tpu.memory_space<vmem>>
      tpu.wait_dma2 semaphore(%run_scoped3A : memref<!tpu.dma_semaphore, #tpu.memory_space<semaphore_mem>>) src(%dma_wait3A_46 : memref<128x128xf32, #tpu.memory_space<vmem>>) dst(%dma_wait3A_43 : memref<128x128xf32, #tpu.memory_space<vmem_shared>>)
      tpu.yield
    }) : () -> ()
    %add3A_13 = arith.constant 0 : i32
    %add3A_14 = arith.addi %mul3A_10, %add3A_13 : i32
    "tpu.region"() ({
      %run_scoped3A = tpu.sem_alloc : memref<!tpu.dma_semaphore, #tpu.memory_space<semaphore_mem>>
      %dma_start3A = arith.constant 0 : i32
      %dma_start3A_29 = arith.constant 0 : i32
      %dma_start3A_30 = tpu.memref_slice %arg9[%dma_start3A, %dma_start3A_29] : memref<128x128xf32, #tpu.memory_space<vmem>> -> memref<128x128xf32, #tpu.memory_space<vmem>>
      %dma_start3A_31 = arith.constant 0 : i32
      %dma_start3A_32 = tpu.memref_slice %arg12[%add3A_14, %dma_start3A_31] : memref<2048x128xf32, #tpu.memory_space<vmem_shared>> -> memref<128x128xf32, #tpu.memory_space<vmem_shared>>
      %dma_start3A_33 = arith.constant 0 : i32
      %dma_start3A_34 = tpu.memref_slice %arg12[%add3A_14, %dma_start3A_33] : memref<2048x128xf32, #tpu.memory_space<vmem_shared>> -> memref<128x128xf32, #tpu.memory_space<vmem_shared>>
      %dma_start3A_35 = arith.constant 0 : i32
      %dma_start3A_36 = arith.constant 0 : i32
      %dma_start3A_37 = tpu.memref_slice %arg9[%dma_start3A_35, %dma_start3A_36] : memref<128x128xf32, #tpu.memory_space<vmem>> -> memref<128x128xf32, #tpu.memory_space<vmem>>
      tpu.enqueue_dma source(%dma_start3A_37 : memref<128x128xf32, #tpu.memory_space<vmem>>) target(%dma_start3A_34 : memref<128x128xf32, #tpu.memory_space<vmem_shared>>) target_semaphore(%run_scoped3A : memref<!tpu.dma_semaphore, #tpu.memory_space<semaphore_mem>>)
      %dma_wait3A = arith.constant 0 : i32
      %dma_wait3A_38 = arith.constant 0 : i32
      %dma_wait3A_39 = tpu.memref_slice %arg9[%dma_wait3A, %dma_wait3A_38] : memref<128x128xf32, #tpu.memory_space<vmem>> -> memref<128x128xf32, #tpu.memory_space<vmem>>
      %dma_wait3A_40 = arith.constant 0 : i32
      %dma_wait3A_41 = tpu.memref_slice %arg12[%add3A_14, %dma_wait3A_40] : memref<2048x128xf32, #tpu.memory_space<vmem_shared>> -> memref<128x128xf32, #tpu.memory_space<vmem_shared>>
      %dma_wait3A_42 = arith.constant 0 : i32
      %dma_wait3A_43 = tpu.memref_slice %arg12[%add3A_14, %dma_wait3A_42] : memref<2048x128xf32, #tpu.memory_space<vmem_shared>> -> memref<128x128xf32, #tpu.memory_space<vmem_shared>>
      %dma_wait3A_44 = arith.constant 0 : i32
      %dma_wait3A_45 = arith.constant 0 : i32
      %dma_wait3A_46 = tpu.memref_slice %arg9[%dma_wait3A_44, %dma_wait3A_45] : memref<128x128xf32, #tpu.memory_space<vmem>> -> memref<128x128xf32, #tpu.memory_space<vmem>>
      tpu.wait_dma2 semaphore(%run_scoped3A : memref<!tpu.dma_semaphore, #tpu.memory_space<semaphore_mem>>) src(%dma_wait3A_46 : memref<128x128xf32, #tpu.memory_space<vmem>>) dst(%dma_wait3A_43 : memref<128x128xf32, #tpu.memory_space<vmem_shared>>)
      tpu.yield
    }) : () -> ()
    "tpu.region"() ({
      %run_scoped3A = tpu.sem_alloc : memref<!tpu.dma_semaphore, #tpu.memory_space<semaphore_mem>>
      %dma_start3A = arith.constant 0 : i32
      %dma_start3A_29 = arith.constant 0 : i32
      %dma_start3A_30 = tpu.memref_slice %arg3[%add3A, %dma_start3A, %dma_start3A_29] : memref<32x24x128xi32, #tpu.memory_space<hbm>> -> memref<1x24x128xi32, #tpu.memory_space<hbm>>
      %dma_start3A_31 = tpu.memref_squeeze %dma_start3A_30 : memref<1x24x128xi32, #tpu.memory_space<hbm>> -> memref<24x128xi32, #tpu.memory_space<hbm>>
      %dma_start3A_32 = arith.constant 0 : i32
      %dma_start3A_33 = arith.constant 0 : i32
      %dma_start3A_34 = tpu.memref_slice %arg3[%add3A, %dma_start3A_32, %dma_start3A_33] : memref<32x24x128xi32, #tpu.memory_space<hbm>> -> memref<1x24x128xi32, #tpu.memory_space<hbm>>
      %dma_start3A_35 = tpu.memref_squeeze %dma_start3A_34 : memref<1x24x128xi32, #tpu.memory_space<hbm>> -> memref<24x128xi32, #tpu.memory_space<hbm>>
      tpu.enqueue_dma source(%dma_start3A_35 : memref<24x128xi32, #tpu.memory_space<hbm>>) target(%arg7 : memref<24x128xi32, #tpu.memory_space<vmem>>) target_semaphore(%run_scoped3A : memref<!tpu.dma_semaphore, #tpu.memory_space<semaphore_mem>>)
      %dma_wait3A = arith.constant 0 : i32
      %dma_wait3A_36 = arith.constant 0 : i32
      %dma_wait3A_37 = tpu.memref_slice %arg3[%add3A, %dma_wait3A, %dma_wait3A_36] : memref<32x24x128xi32, #tpu.memory_space<hbm>> -> memref<1x24x128xi32, #tpu.memory_space<hbm>>
      %dma_wait3A_38 = tpu.memref_squeeze %dma_wait3A_37 : memref<1x24x128xi32, #tpu.memory_space<hbm>> -> memref<24x128xi32, #tpu.memory_space<hbm>>
      %dma_wait3A_39 = arith.constant 0 : i32
      %dma_wait3A_40 = arith.constant 0 : i32
      %dma_wait3A_41 = tpu.memref_slice %arg3[%add3A, %dma_wait3A_39, %dma_wait3A_40] : memref<32x24x128xi32, #tpu.memory_space<hbm>> -> memref<1x24x128xi32, #tpu.memory_space<hbm>>
      %dma_wait3A_42 = tpu.memref_squeeze %dma_wait3A_41 : memref<1x24x128xi32, #tpu.memory_space<hbm>> -> memref<24x128xi32, #tpu.memory_space<hbm>>
      tpu.wait_dma2 semaphore(%run_scoped3A : memref<!tpu.dma_semaphore, #tpu.memory_space<semaphore_mem>>) src(%dma_wait3A_42 : memref<24x128xi32, #tpu.memory_space<hbm>>) dst(%arg7 : memref<24x128xi32, #tpu.memory_space<vmem>>)
      tpu.yield
    }) : () -> ()
    "tpu.region"() ({
      %run_scoped3A = tpu.sem_alloc : memref<!tpu.dma_semaphore, #tpu.memory_space<semaphore_mem>>
      %dma_start3A = arith.constant 0 : i32
      %dma_start3A_29 = arith.constant 0 : i32
      %dma_start3A_30 = tpu.memref_slice %arg4[%add3A, %dma_start3A, %dma_start3A_29] : memref<32x24x128xi32, #tpu.memory_space<hbm>> -> memref<1x24x128xi32, #tpu.memory_space<hbm>>
      %dma_start3A_31 = tpu.memref_squeeze %dma_start3A_30 : memref<1x24x128xi32, #tpu.memory_space<hbm>> -> memref<24x128xi32, #tpu.memory_space<hbm>>
      %dma_start3A_32 = arith.constant 0 : i32
      %dma_start3A_33 = arith.constant 0 : i32
      %dma_start3A_34 = tpu.memref_slice %arg4[%add3A, %dma_start3A_32, %dma_start3A_33] : memref<32x24x128xi32, #tpu.memory_space<hbm>> -> memref<1x24x128xi32, #tpu.memory_space<hbm>>
      %dma_start3A_35 = tpu.memref_squeeze %dma_start3A_34 : memref<1x24x128xi32, #tpu.memory_space<hbm>> -> memref<24x128xi32, #tpu.memory_space<hbm>>
      tpu.enqueue_dma source(%dma_start3A_35 : memref<24x128xi32, #tpu.memory_space<hbm>>) target(%arg8 : memref<24x128xi32, #tpu.memory_space<vmem>>) target_semaphore(%run_scoped3A : memref<!tpu.dma_semaphore, #tpu.memory_space<semaphore_mem>>)
      %dma_wait3A = arith.constant 0 : i32
      %dma_wait3A_36 = arith.constant 0 : i32
      %dma_wait3A_37 = tpu.memref_slice %arg4[%add3A, %dma_wait3A, %dma_wait3A_36] : memref<32x24x128xi32, #tpu.memory_space<hbm>> -> memref<1x24x128xi32, #tpu.memory_space<hbm>>
      %dma_wait3A_38 = tpu.memref_squeeze %dma_wait3A_37 : memref<1x24x128xi32, #tpu.memory_space<hbm>> -> memref<24x128xi32, #tpu.memory_space<hbm>>
      %dma_wait3A_39 = arith.constant 0 : i32
      %dma_wait3A_40 = arith.constant 0 : i32
      %dma_wait3A_41 = tpu.memref_slice %arg4[%add3A, %dma_wait3A_39, %dma_wait3A_40] : memref<32x24x128xi32, #tpu.memory_space<hbm>> -> memref<1x24x128xi32, #tpu.memory_space<hbm>>
      %dma_wait3A_42 = tpu.memref_squeeze %dma_wait3A_41 : memref<1x24x128xi32, #tpu.memory_space<hbm>> -> memref<24x128xi32, #tpu.memory_space<hbm>>
      tpu.wait_dma2 semaphore(%run_scoped3A : memref<!tpu.dma_semaphore, #tpu.memory_space<semaphore_mem>>) src(%dma_wait3A_42 : memref<24x128xi32, #tpu.memory_space<hbm>>) dst(%arg8 : memref<24x128xi32, #tpu.memory_space<vmem>>)
      tpu.yield
    }) : () -> ()
    %barrier3A = arith.constant 0 : index
    tpu.barrier barrier_id(%barrier3A)
    %lt3A = arith.constant 17 : i32
    %lt3A_15 = arith.cmpi slt, %add3A, %lt3A : i32
    %jit3A = arith.constant 20 : i32
    %jit3A_16 = arith.constant 19 : i32
    %select_n3A = arith.select %lt3A_15, %jit3A, %jit3A_16 : i32
    %while3A = arith.constant 0 : i32
    %while3A_17 = arith.constant 0 : i32
    %while3A_18 = arith.subi %select_n3A, %while3A_17 : i32
    %while3A_19 = arith.addi %while3A_17, %while3A_18 : i32
    %while3A_20 = arith.constant 1 : i32
    %while3A_21 = arith.divsi %while3A_18, %while3A_20 : i32
    %while3A_22 = arith.muli %while3A_21, %while3A_20 : i32
    %while3A_23 = arith.addi %while3A_17, %while3A_22 : i32
    %while3A_24 = arith.constant 1 : i32
    scf.for %while3A_29 = %while3A_17 to %while3A_23 step %while3A_24  : i32 {
      %dma_start3A = arith.constant 0 : i32
      %dma_start3A_30 = tpu.memref_slice %arg7[%while3A_29, %dma_start3A] : memref<24x128xi32, #tpu.memory_space<vmem>> -> memref<1x128xi32, #tpu.memory_space<vmem>>
      %dma_start3A_31 = tpu.memref_squeeze %dma_start3A_30 : memref<1x128xi32, #tpu.memory_space<vmem>> -> memref<128xi32, #tpu.memory_space<vmem>>
      %dma_start3A_32 = arith.constant 0 : i32
      %dma_start3A_33 = arith.constant 0 : i32
      %dma_start3A_34 = tpu.memref_slice %arg2[%dma_start3A_32, %dma_start3A_33] : memref<10000x128xf32, #tpu.memory_space<hbm>> -> memref<10000x128xf32, #tpu.memory_space<hbm>>
      tpu.enqueue_indirect_dma source(%dma_start3A_34 : memref<10000x128xf32, #tpu.memory_space<hbm>>) target(%arg9 : memref<128x128xf32, #tpu.memory_space<vmem>>) offsets(%dma_start3A_31 : memref<128xi32, #tpu.memory_space<vmem>>) semaphore(%arg13 : memref<!tpu.dma_semaphore, #tpu.memory_space<semaphore_mem>>)
      "tpu.region"() ({
        %run_scoped3A = tpu.sem_alloc : memref<!tpu.dma_semaphore, #tpu.memory_space<semaphore_mem>>
        %dma_start3A_40 = arith.constant 0 : i32
        %dma_start3A_41 = tpu.memref_slice %arg8[%while3A_29, %dma_start3A_40] : memref<24x128xi32, #tpu.memory_space<vmem>> -> memref<1x128xi32, #tpu.memory_space<vmem>>
        %dma_start3A_42 = tpu.memref_squeeze %dma_start3A_41 : memref<1x128xi32, #tpu.memory_space<vmem>> -> memref<128xi32, #tpu.memory_space<vmem>>
        %dma_start3A_43 = arith.constant 0 : i32
        %dma_start3A_44 = arith.constant 0 : i32
        %dma_start3A_45 = tpu.memref_slice %arg12[%dma_start3A_43, %dma_start3A_44] : memref<2048x128xf32, #tpu.memory_space<vmem_shared>> -> memref<2048x128xf32, #tpu.memory_space<vmem_shared>>
        tpu.enqueue_indirect_dma source(%arg10 : memref<128x128xf32, #tpu.memory_space<vmem>>) target(%dma_start3A_45 : memref<2048x128xf32, #tpu.memory_space<vmem_shared>>) offsets(%dma_start3A_42 : memref<128xi32, #tpu.memory_space<vmem>>) semaphore(%run_scoped3A : memref<!tpu.dma_semaphore, #tpu.memory_space<semaphore_mem>>) {add = true}
        %dma_wait3A_46 = arith.constant 0 : i32
        %dma_wait3A_47 = tpu.memref_slice %arg8[%while3A_29, %dma_wait3A_46] : memref<24x128xi32, #tpu.memory_space<vmem>> -> memref<1x128xi32, #tpu.memory_space<vmem>>
        %dma_wait3A_48 = tpu.memref_squeeze %dma_wait3A_47 : memref<1x128xi32, #tpu.memory_space<vmem>> -> memref<128xi32, #tpu.memory_space<vmem>>
        %dma_wait3A_49 = arith.constant 0 : i32
        %dma_wait3A_50 = arith.constant 0 : i32
        %dma_wait3A_51 = tpu.memref_slice %arg12[%dma_wait3A_49, %dma_wait3A_50] : memref<2048x128xf32, #tpu.memory_space<vmem_shared>> -> memref<2048x128xf32, #tpu.memory_space<vmem_shared>>
        tpu.wait_indirect_dma semaphore(%run_scoped3A : memref<!tpu.dma_semaphore, #tpu.memory_space<semaphore_mem>>) src(%arg10 : memref<128x128xf32, #tpu.memory_space<vmem>>) dst(%dma_wait3A_51 : memref<2048x128xf32, #tpu.memory_space<vmem_shared>>)
        tpu.yield
      }) : () -> ()
      %dma_wait3A = arith.constant 0 : i32
      %dma_wait3A_35 = tpu.memref_slice %arg7[%while3A_29, %dma_wait3A] : memref<24x128xi32, #tpu.memory_space<vmem>> -> memref<1x128xi32, #tpu.memory_space<vmem>>
      %dma_wait3A_36 = tpu.memref_squeeze %dma_wait3A_35 : memref<1x128xi32, #tpu.memory_space<vmem>> -> memref<128xi32, #tpu.memory_space<vmem>>
      %dma_wait3A_37 = arith.constant 0 : i32
      %dma_wait3A_38 = arith.constant 0 : i32
      %dma_wait3A_39 = tpu.memref_slice %arg2[%dma_wait3A_37, %dma_wait3A_38] : memref<10000x128xf32, #tpu.memory_space<hbm>> -> memref<10000x128xf32, #tpu.memory_space<hbm>>
      tpu.wait_indirect_dma semaphore(%arg13 : memref<!tpu.dma_semaphore, #tpu.memory_space<semaphore_mem>>) src(%dma_wait3A_39 : memref<10000x128xf32, #tpu.memory_space<hbm>>) dst(%arg9 : memref<128x128xf32, #tpu.memory_space<vmem>>)
      "tpu.region"() ({
        %run_scoped3A = tpu.sem_alloc : memref<!tpu.dma_semaphore, #tpu.memory_space<semaphore_mem>>
        %dma_start3A_40 = arith.constant 0 : i32
        %dma_start3A_41 = tpu.memref_slice %arg8[%while3A_29, %dma_start3A_40] : memref<24x128xi32, #tpu.memory_space<vmem>> -> memref<1x128xi32, #tpu.memory_space<vmem>>
        %dma_start3A_42 = tpu.memref_squeeze %dma_start3A_41 : memref<1x128xi32, #tpu.memory_space<vmem>> -> memref<128xi32, #tpu.memory_space<vmem>>
        %dma_start3A_43 = arith.constant 0 : i32
        %dma_start3A_44 = arith.constant 0 : i32
        %dma_start3A_45 = tpu.memref_slice %arg11[%dma_start3A_43, %dma_start3A_44] : memref<2048x128xf32, #tpu.memory_space<vmem_shared>> -> memref<2048x128xf32, #tpu.memory_space<vmem_shared>>
        tpu.enqueue_indirect_dma source(%arg9 : memref<128x128xf32, #tpu.memory_space<vmem>>) target(%dma_start3A_45 : memref<2048x128xf32, #tpu.memory_space<vmem_shared>>) offsets(%dma_start3A_42 : memref<128xi32, #tpu.memory_space<vmem>>) semaphore(%run_scoped3A : memref<!tpu.dma_semaphore, #tpu.memory_space<semaphore_mem>>) {add = true}
        %dma_wait3A_46 = arith.constant 0 : i32
        %dma_wait3A_47 = tpu.memref_slice %arg8[%while3A_29, %dma_wait3A_46] : memref<24x128xi32, #tpu.memory_space<vmem>> -> memref<1x128xi32, #tpu.memory_space<vmem>>
        %dma_wait3A_48 = tpu.memref_squeeze %dma_wait3A_47 : memref<1x128xi32, #tpu.memory_space<vmem>> -> memref<128xi32, #tpu.memory_space<vmem>>
        %dma_wait3A_49 = arith.constant 0 : i32
        %dma_wait3A_50 = arith.constant 0 : i32
        %dma_wait3A_51 = tpu.memref_slice %arg11[%dma_wait3A_49, %dma_wait3A_50] : memref<2048x128xf32, #tpu.memory_space<vmem_shared>> -> memref<2048x128xf32, #tpu.memory_space<vmem_shared>>
        tpu.wait_indirect_dma semaphore(%run_scoped3A : memref<!tpu.dma_semaphore, #tpu.memory_space<semaphore_mem>>) src(%arg9 : memref<128x128xf32, #tpu.memory_space<vmem>>) dst(%dma_wait3A_51 : memref<2048x128xf32, #tpu.memory_space<vmem_shared>>)
        tpu.yield
      }) : () -> ()
    }
    %while3A_25 = arith.constant 1 : i32
    scf.for %while3A_29 = %while3A_23 to %while3A_19 step %while3A_25  : i32 {
      %dma_start3A = arith.constant 0 : i32
      %dma_start3A_30 = tpu.memref_slice %arg7[%while3A_29, %dma_start3A] : memref<24x128xi32, #tpu.memory_space<vmem>> -> memref<1x128xi32, #tpu.memory_space<vmem>>
      %dma_start3A_31 = tpu.memref_squeeze %dma_start3A_30 : memref<1x128xi32, #tpu.memory_space<vmem>> -> memref<128xi32, #tpu.memory_space<vmem>>
      %dma_start3A_32 = arith.constant 0 : i32
      %dma_start3A_33 = arith.constant 0 : i32
      %dma_start3A_34 = tpu.memref_slice %arg2[%dma_start3A_32, %dma_start3A_33] : memref<10000x128xf32, #tpu.memory_space<hbm>> -> memref<10000x128xf32, #tpu.memory_space<hbm>>
      tpu.enqueue_indirect_dma source(%dma_start3A_34 : memref<10000x128xf32, #tpu.memory_space<hbm>>) target(%arg9 : memref<128x128xf32, #tpu.memory_space<vmem>>) offsets(%dma_start3A_31 : memref<128xi32, #tpu.memory_space<vmem>>) semaphore(%arg13 : memref<!tpu.dma_semaphore, #tpu.memory_space<semaphore_mem>>)
      "tpu.region"() ({
        %run_scoped3A = tpu.sem_alloc : memref<!tpu.dma_semaphore, #tpu.memory_space<semaphore_mem>>
        %dma_start3A_40 = arith.constant 0 : i32
        %dma_start3A_41 = tpu.memref_slice %arg8[%while3A_29, %dma_start3A_40] : memref<24x128xi32, #tpu.memory_space<vmem>> -> memref<1x128xi32, #tpu.memory_space<vmem>>
        %dma_start3A_42 = tpu.memref_squeeze %dma_start3A_41 : memref<1x128xi32, #tpu.memory_space<vmem>> -> memref<128xi32, #tpu.memory_space<vmem>>
        %dma_start3A_43 = arith.constant 0 : i32
        %dma_start3A_44 = arith.constant 0 : i32
        %dma_start3A_45 = tpu.memref_slice %arg12[%dma_start3A_43, %dma_start3A_44] : memref<2048x128xf32, #tpu.memory_space<vmem_shared>> -> memref<2048x128xf32, #tpu.memory_space<vmem_shared>>
        tpu.enqueue_indirect_dma source(%arg10 : memref<128x128xf32, #tpu.memory_space<vmem>>) target(%dma_start3A_45 : memref<2048x128xf32, #tpu.memory_space<vmem_shared>>) offsets(%dma_start3A_42 : memref<128xi32, #tpu.memory_space<vmem>>) semaphore(%run_scoped3A : memref<!tpu.dma_semaphore, #tpu.memory_space<semaphore_mem>>) {add = true}
        %dma_wait3A_46 = arith.constant 0 : i32
        %dma_wait3A_47 = tpu.memref_slice %arg8[%while3A_29, %dma_wait3A_46] : memref<24x128xi32, #tpu.memory_space<vmem>> -> memref<1x128xi32, #tpu.memory_space<vmem>>
        %dma_wait3A_48 = tpu.memref_squeeze %dma_wait3A_47 : memref<1x128xi32, #tpu.memory_space<vmem>> -> memref<128xi32, #tpu.memory_space<vmem>>
        %dma_wait3A_49 = arith.constant 0 : i32
        %dma_wait3A_50 = arith.constant 0 : i32
        %dma_wait3A_51 = tpu.memref_slice %arg12[%dma_wait3A_49, %dma_wait3A_50] : memref<2048x128xf32, #tpu.memory_space<vmem_shared>> -> memref<2048x128xf32, #tpu.memory_space<vmem_shared>>
        tpu.wait_indirect_dma semaphore(%run_scoped3A : memref<!tpu.dma_semaphore, #tpu.memory_space<semaphore_mem>>) src(%arg10 : memref<128x128xf32, #tpu.memory_space<vmem>>) dst(%dma_wait3A_51 : memref<2048x128xf32, #tpu.memory_space<vmem_shared>>)
        tpu.yield
      }) : () -> ()
      %dma_wait3A = arith.constant 0 : i32
      %dma_wait3A_35 = tpu.memref_slice %arg7[%while3A_29, %dma_wait3A] : memref<24x128xi32, #tpu.memory_space<vmem>> -> memref<1x128xi32, #tpu.memory_space<vmem>>
      %dma_wait3A_36 = tpu.memref_squeeze %dma_wait3A_35 : memref<1x128xi32, #tpu.memory_space<vmem>> -> memref<128xi32, #tpu.memory_space<vmem>>
      %dma_wait3A_37 = arith.constant 0 : i32
      %dma_wait3A_38 = arith.constant 0 : i32
      %dma_wait3A_39 = tpu.memref_slice %arg2[%dma_wait3A_37, %dma_wait3A_38] : memref<10000x128xf32, #tpu.memory_space<hbm>> -> memref<10000x128xf32, #tpu.memory_space<hbm>>
      tpu.wait_indirect_dma semaphore(%arg13 : memref<!tpu.dma_semaphore, #tpu.memory_space<semaphore_mem>>) src(%dma_wait3A_39 : memref<10000x128xf32, #tpu.memory_space<hbm>>) dst(%arg9 : memref<128x128xf32, #tpu.memory_space<vmem>>)
      "tpu.region"() ({
        %run_scoped3A = tpu.sem_alloc : memref<!tpu.dma_semaphore, #tpu.memory_space<semaphore_mem>>
        %dma_start3A_40 = arith.constant 0 : i32
        %dma_start3A_41 = tpu.memref_slice %arg8[%while3A_29, %dma_start3A_40] : memref<24x128xi32, #tpu.memory_space<vmem>> -> memref<1x128xi32, #tpu.memory_space<vmem>>
        %dma_start3A_42 = tpu.memref_squeeze %dma_start3A_41 : memref<1x128xi32, #tpu.memory_space<vmem>> -> memref<128xi32, #tpu.memory_space<vmem>>
        %dma_start3A_43 = arith.constant 0 : i32
        %dma_start3A_44 = arith.constant 0 : i32
        %dma_start3A_45 = tpu.memref_slice %arg11[%dma_start3A_43, %dma_start3A_44] : memref<2048x128xf32, #tpu.memory_space<vmem_shared>> -> memref<2048x128xf32, #tpu.memory_space<vmem_shared>>
        tpu.enqueue_indirect_dma source(%arg9 : memref<128x128xf32, #tpu.memory_space<vmem>>) target(%dma_start3A_45 : memref<2048x128xf32, #tpu.memory_space<vmem_shared>>) offsets(%dma_start3A_42 : memref<128xi32, #tpu.memory_space<vmem>>) semaphore(%run_scoped3A : memref<!tpu.dma_semaphore, #tpu.memory_space<semaphore_mem>>) {add = true}
        %dma_wait3A_46 = arith.constant 0 : i32
        %dma_wait3A_47 = tpu.memref_slice %arg8[%while3A_29, %dma_wait3A_46] : memref<24x128xi32, #tpu.memory_space<vmem>> -> memref<1x128xi32, #tpu.memory_space<vmem>>
        %dma_wait3A_48 = tpu.memref_squeeze %dma_wait3A_47 : memref<1x128xi32, #tpu.memory_space<vmem>> -> memref<128xi32, #tpu.memory_space<vmem>>
        %dma_wait3A_49 = arith.constant 0 : i32
        %dma_wait3A_50 = arith.constant 0 : i32
        %dma_wait3A_51 = tpu.memref_slice %arg11[%dma_wait3A_49, %dma_wait3A_50] : memref<2048x128xf32, #tpu.memory_space<vmem_shared>> -> memref<2048x128xf32, #tpu.memory_space<vmem_shared>>
        tpu.wait_indirect_dma semaphore(%run_scoped3A : memref<!tpu.dma_semaphore, #tpu.memory_space<semaphore_mem>>) src(%arg9 : memref<128x128xf32, #tpu.memory_space<vmem>>) dst(%dma_wait3A_51 : memref<2048x128xf32, #tpu.memory_space<vmem_shared>>)
        tpu.yield
      }) : () -> ()
    }
    %barrier3A_26 = arith.constant 0 : index
    tpu.barrier barrier_id(%barrier3A_26)
    %add3A_27 = arith.constant 0 : i32
    %add3A_28 = arith.addi %mul3A_10, %add3A_27 : i32
    "tpu.region"() ({
      %run_scoped3A = tpu.sem_alloc : memref<!tpu.dma_semaphore, #tpu.memory_space<semaphore_mem>>
      %dma_start3A = arith.constant 0 : i32
      %dma_start3A_29 = tpu.memref_slice %arg5[%arg0, %add3A_28, %dma_start3A] : memref<2x2048x128xf32, #tpu.memory_space<hbm>> -> memref<1x128x128xf32, #tpu.memory_space<hbm>>
      %dma_start3A_30 = tpu.memref_squeeze %dma_start3A_29 : memref<1x128x128xf32, #tpu.memory_space<hbm>> -> memref<128x128xf32, #tpu.memory_space<hbm>>
      %dma_start3A_31 = arith.constant 0 : i32
      %dma_start3A_32 = tpu.memref_slice %arg11[%add3A_28, %dma_start3A_31] : memref<2048x128xf32, #tpu.memory_space<vmem_shared>> -> memref<128x128xf32, #tpu.memory_space<vmem_shared>>
      tpu.enqueue_dma source(%dma_start3A_32 : memref<128x128xf32, #tpu.memory_space<vmem_shared>>) target(%dma_start3A_30 : memref<128x128xf32, #tpu.memory_space<hbm>>) target_semaphore(%run_scoped3A : memref<!tpu.dma_semaphore, #tpu.memory_space<semaphore_mem>>)
      %dma_wait3A = arith.constant 0 : i32
      %dma_wait3A_33 = tpu.memref_slice %arg5[%arg0, %add3A_28, %dma_wait3A] : memref<2x2048x128xf32, #tpu.memory_space<hbm>> -> memref<1x128x128xf32, #tpu.memory_space<hbm>>
      %dma_wait3A_34 = tpu.memref_squeeze %dma_wait3A_33 : memref<1x128x128xf32, #tpu.memory_space<hbm>> -> memref<128x128xf32, #tpu.memory_space<hbm>>
      %dma_wait3A_35 = arith.constant 0 : i32
      %dma_wait3A_36 = tpu.memref_slice %arg11[%add3A_28, %dma_wait3A_35] : memref<2048x128xf32, #tpu.memory_space<vmem_shared>> -> memref<128x128xf32, #tpu.memory_space<vmem_shared>>
      tpu.wait_dma2 semaphore(%run_scoped3A : memref<!tpu.dma_semaphore, #tpu.memory_space<semaphore_mem>>) src(%dma_wait3A_36 : memref<128x128xf32, #tpu.memory_space<vmem_shared>>) dst(%dma_wait3A_34 : memref<128x128xf32, #tpu.memory_space<hbm>>)
      tpu.yield
    }) : () -> ()
    "tpu.region"() ({
      %run_scoped3A = tpu.sem_alloc : memref<!tpu.dma_semaphore, #tpu.memory_space<semaphore_mem>>
      %dma_start3A = arith.constant 0 : i32
      %dma_start3A_29 = tpu.memref_slice %arg6[%arg0, %add3A_28, %dma_start3A] : memref<2x2048x128xf32, #tpu.memory_space<hbm>> -> memref<1x128x128xf32, #tpu.memory_space<hbm>>
      %dma_start3A_30 = tpu.memref_squeeze %dma_start3A_29 : memref<1x128x128xf32, #tpu.memory_space<hbm>> -> memref<128x128xf32, #tpu.memory_space<hbm>>
      %dma_start3A_31 = arith.constant 0 : i32
      %dma_start3A_32 = tpu.memref_slice %arg12[%add3A_28, %dma_start3A_31] : memref<2048x128xf32, #tpu.memory_space<vmem_shared>> -> memref<128x128xf32, #tpu.memory_space<vmem_shared>>
      tpu.enqueue_dma source(%dma_start3A_32 : memref<128x128xf32, #tpu.memory_space<vmem_shared>>) target(%dma_start3A_30 : memref<128x128xf32, #tpu.memory_space<hbm>>) target_semaphore(%run_scoped3A : memref<!tpu.dma_semaphore, #tpu.memory_space<semaphore_mem>>)
      %dma_wait3A = arith.constant 0 : i32
      %dma_wait3A_33 = tpu.memref_slice %arg6[%arg0, %add3A_28, %dma_wait3A] : memref<2x2048x128xf32, #tpu.memory_space<hbm>> -> memref<1x128x128xf32, #tpu.memory_space<hbm>>
      %dma_wait3A_34 = tpu.memref_squeeze %dma_wait3A_33 : memref<1x128x128xf32, #tpu.memory_space<hbm>> -> memref<128x128xf32, #tpu.memory_space<hbm>>
      %dma_wait3A_35 = arith.constant 0 : i32
      %dma_wait3A_36 = tpu.memref_slice %arg12[%add3A_28, %dma_wait3A_35] : memref<2048x128xf32, #tpu.memory_space<vmem_shared>> -> memref<128x128xf32, #tpu.memory_space<vmem_shared>>
      tpu.wait_dma2 semaphore(%run_scoped3A : memref<!tpu.dma_semaphore, #tpu.memory_space<semaphore_mem>>) src(%dma_wait3A_36 : memref<128x128xf32, #tpu.memory_space<vmem_shared>>) dst(%dma_wait3A_34 : memref<128x128xf32, #tpu.memory_space<hbm>>)
      tpu.yield
    }) : () -> ()
    return
  }
}

module attributes {stable_mosaic.version = 14 : i64} {
  func.func @_proj_body(%arg0: i32, %arg1: memref<1000x128xf32, #tpu.memory_space<vmem>>, %arg2: memref<1x128x128xf32, #tpu.memory_space<vmem>>, %arg3: memref<1x1x128xf32, #tpu.memory_space<vmem>>, %arg4: memref<1000x128xf32, #tpu.memory_space<vmem>>) attributes {dimension_semantics = [#tpu.dimension_semantics<arbitrary>], iteration_bounds = array<i64: 10>, scalar_prefetch = 0 : i64, scratch_operands = 0 : i64, tpu.core_type = #tpu.core_type<tc>, window_params = [{transform_indices = @transform_0, window_bounds = array<i64: 1000, 128>}, {transform_indices = @transform_1, window_bounds = array<i64: 1, 128, 128>}, {transform_indices = @transform_2, window_bounds = array<i64: 1, 1, 128>}, {transform_indices = @transform_3, window_bounds = array<i64: 1000, 128>}]} {
    %get3A = arith.constant 0 : index
    %get3A_0 = arith.constant 0 : index
    %get3A_1 = vector.load %arg1[%get3A, %get3A_0] : memref<1000x128xf32, #tpu.memory_space<vmem>>, vector<1000x128xf32>
    %get3A_2 = arith.constant 0 : index
    %get3A_3 = arith.constant 0 : index
    %get3A_4 = arith.constant 0 : index
    %get3A_5 = vector.load %arg2[%get3A_2, %get3A_3, %get3A_4] : memref<1x128x128xf32, #tpu.memory_space<vmem>>, vector<1x128x128xf32>
    %get3A_6 = vector.shape_cast %get3A_5 : vector<1x128x128xf32> to vector<128x128xf32>
    %dot_general3A = arith.constant dense<0.000000e+00> : vector<1000x128xf32>
    %dot_general3A_7 = tpu.matmul %get3A_1, %get3A_6, %dot_general3A {dimension_numbers = #tpu.dot_dimension_numbers<[1], [0], [0], [1], [0, 0, 1, 1], [], []>, transpose_lhs_hint = false} : vector<1000x128xf32>, vector<128x128xf32>, vector<1000x128xf32> -> vector<1000x128xf32>
    %get3A_8 = arith.constant 0 : index
    %get3A_9 = arith.constant 0 : index
    %get3A_10 = arith.constant 0 : index
    %get3A_11 = vector.load %arg3[%get3A_8, %get3A_9, %get3A_10] : memref<1x1x128xf32, #tpu.memory_space<vmem>>, vector<1x1x128xf32>
    %get3A_12 = vector.shape_cast %get3A_11 : vector<1x1x128xf32> to vector<1x128xf32>
    %add3A = vector.broadcast %get3A_12 : vector<1x128xf32> to vector<1000x128xf32>
    %add3A_13 = arith.addf %dot_general3A_7, %add3A : vector<1000x128xf32>
    %max3A = arith.constant 0.000000e+00 : f32
    %max3A_14 = vector.broadcast %max3A : f32 to vector<1000x128xf32>
    %max3A_15 = arith.maximumf %add3A_13, %max3A_14 : vector<1000x128xf32>
    %swap3A = arith.constant 0 : index
    %swap3A_16 = arith.constant 0 : index
    %swap3A_17 = vector.load %arg4[%swap3A, %swap3A_16] : memref<1000x128xf32, #tpu.memory_space<vmem>>, vector<1000x128xf32>
    tpu.vector_store %arg4[%swap3A, %swap3A_16], %max3A_15 {strides = array<i32>} : memref<1000x128xf32, #tpu.memory_space<vmem>>, vector<1000x128xf32>,
    return
  }
  func.func @transform_0(%arg0: i32) -> (i32, i32) {
    %c0_i32 = arith.constant 0 : i32
    %c0_i32_0 = arith.constant 0 : i32
    return %arg0, %c0_i32 : i32, i32
  }
  func.func @transform_1(%arg0: i32) -> (i32, i32, i32) {
    %lt3A = arith.constant 5 : i32
    %lt3A_0 = arith.cmpi slt, %arg0, %lt3A : i32
    %lt3A_1 = arith.constant 8 : i32
    %lt3A_2 = arith.cmpi slt, %arg0, %lt3A_1 : i32
    %jit3A = arith.constant 1 : i32
    %jit3A_3 = arith.constant 2 : i32
    %select_n3A = arith.select %lt3A_2, %jit3A, %jit3A_3 : i32
    %jit3A_4 = arith.constant 0 : i32
    %select_n3A_5 = arith.select %lt3A_0, %jit3A_4, %select_n3A : i32
    %c0_i32 = arith.constant 0 : i32
    %c0_i32_6 = arith.constant 0 : i32
    %c0_i32_7 = arith.constant 0 : i32
    return %select_n3A_5, %c0_i32, %c0_i32_6 : i32, i32, i32
  }
  func.func @transform_2(%arg0: i32) -> (i32, i32, i32) {
    %lt3A = arith.constant 5 : i32
    %lt3A_0 = arith.cmpi slt, %arg0, %lt3A : i32
    %lt3A_1 = arith.constant 8 : i32
    %lt3A_2 = arith.cmpi slt, %arg0, %lt3A_1 : i32
    %jit3A = arith.constant 1 : i32
    %jit3A_3 = arith.constant 2 : i32
    %select_n3A = arith.select %lt3A_2, %jit3A, %jit3A_3 : i32
    %jit3A_4 = arith.constant 0 : i32
    %select_n3A_5 = arith.select %lt3A_0, %jit3A_4, %select_n3A : i32
    %c0_i32 = arith.constant 0 : i32
    %c0_i32_6 = arith.constant 0 : i32
    %c0_i32_7 = arith.constant 0 : i32
    return %select_n3A_5, %c0_i32, %c0_i32_6 : i32, i32, i32
  }
  func.func @transform_3(%arg0: i32) -> (i32, i32) {
    %c0_i32 = arith.constant 0 : i32
    %c0_i32_0 = arith.constant 0 : i32
    return %arg0, %c0_i32 : i32, i32
  }
}

module attributes {stable_mosaic.version = 14 : i64} {
  func.func @_update2_body(%arg0: i32, %arg1: memref<1000x128xf32, #tpu.memory_space<vmem>>, %arg2: memref<2x1000x128xf32, #tpu.memory_space<vmem>>, %arg3: memref<2x1000x128xf32, #tpu.memory_space<vmem>>, %arg4: memref<2x1000x128xf32, #tpu.memory_space<vmem>>, %arg5: memref<2x1000x128xf32, #tpu.memory_space<vmem>>, %arg6: memref<128x128xf32, #tpu.memory_space<vmem>>, %arg7: memref<128x128xf32, #tpu.memory_space<vmem>>, %arg8: memref<128x128xf32, #tpu.memory_space<vmem>>, %arg9: memref<1x128xf32, #tpu.memory_space<vmem>>, %arg10: memref<1x128xf32, #tpu.memory_space<vmem>>, %arg11: memref<1x128xf32, #tpu.memory_space<vmem>>, %arg12: memref<1000x128xf32, #tpu.memory_space<vmem>>) attributes {dimension_semantics = [#tpu.dimension_semantics<arbitrary>], iteration_bounds = array<i64: 5>, scalar_prefetch = 0 : i64, scratch_operands = 0 : i64, tpu.core_type = #tpu.core_type<tc>, window_params = [{transform_indices = @transform_0, window_bounds = array<i64: 1000, 128>}, {transform_indices = @transform_1, window_bounds = array<i64: 2, 1000, 128>}, {transform_indices = @transform_2, window_bounds = array<i64: 2, 1000, 128>}, {transform_indices = @transform_3, window_bounds = array<i64: 2, 1000, 128>}, {transform_indices = @transform_4, window_bounds = array<i64: 2, 1000, 128>}, {pipeline_mode = #tpu.pipeline_mode<synchronous>, transform_indices = @transform_5, window_bounds = array<i64: 128, 128>}, {pipeline_mode = #tpu.pipeline_mode<synchronous>, transform_indices = @transform_6, window_bounds = array<i64: 128, 128>}, {pipeline_mode = #tpu.pipeline_mode<synchronous>, transform_indices = @transform_7, window_bounds = array<i64: 128, 128>}, {pipeline_mode = #tpu.pipeline_mode<synchronous>, transform_indices = @transform_8, window_bounds = array<i64: 1, 128>}, {pipeline_mode = #tpu.pipeline_mode<synchronous>, transform_indices = @transform_9, window_bounds = array<i64: 1, 128>}, {pipeline_mode = #tpu.pipeline_mode<synchronous>, transform_indices = @transform_10, window_bounds = array<i64: 1, 128>}, {transform_indices = @transform_11, window_bounds = array<i64: 1000, 128>}]} {
    %get3A = arith.constant 0 : index
    %get3A_0 = arith.constant 0 : index
    %get3A_1 = vector.load %arg1[%get3A, %get3A_0] : memref<1000x128xf32, #tpu.memory_space<vmem>>, vector<1000x128xf32>
    %get3A_2 = arith.constant 0 : index
    %get3A_3 = arith.constant 0 : index
    %get3A_4 = vector.load %arg6[%get3A_2, %get3A_3] : memref<128x128xf32, #tpu.memory_space<vmem>>, vector<128x128xf32>
    %dot_general3A = arith.constant dense<0.000000e+00> : vector<1000x128xf32>
    %dot_general3A_5 = tpu.matmul %get3A_1, %get3A_4, %dot_general3A {dimension_numbers = #tpu.dot_dimension_numbers<[1], [0], [0], [1], [0, 0, 1, 1], [], []>, transpose_lhs_hint = false} : vector<1000x128xf32>, vector<128x128xf32>, vector<1000x128xf32> -> vector<1000x128xf32>
    %get3A_6 = arith.constant 0 : index
    %get3A_7 = arith.constant 0 : index
    %get3A_8 = arith.constant 0 : index
    %get3A_9 = vector.load %arg2[%get3A_6, %get3A_7, %get3A_8] : memref<2x1000x128xf32, #tpu.memory_space<vmem>>, vector<1x1000x128xf32>
    %get3A_10 = vector.shape_cast %get3A_9 : vector<1x1000x128xf32> to vector<1000x128xf32>
    %get3A_11 = arith.constant 1 : index
    %get3A_12 = arith.constant 0 : index
    %get3A_13 = arith.constant 0 : index
    %get3A_14 = vector.load %arg2[%get3A_11, %get3A_12, %get3A_13] : memref<2x1000x128xf32, #tpu.memory_space<vmem>>, vector<1x1000x128xf32>
    %get3A_15 = vector.shape_cast %get3A_14 : vector<1x1000x128xf32> to vector<1000x128xf32>
    %add3A = arith.addf %get3A_10, %get3A_15 : vector<1000x128xf32>
    %get3A_16 = arith.constant 0 : index
    %get3A_17 = arith.constant 0 : index
    %get3A_18 = arith.constant 0 : index
    %get3A_19 = vector.load %arg3[%get3A_16, %get3A_17, %get3A_18] : memref<2x1000x128xf32, #tpu.memory_space<vmem>>, vector<1x1000x128xf32>
    %get3A_20 = vector.shape_cast %get3A_19 : vector<1x1000x128xf32> to vector<1000x128xf32>
    %get3A_21 = arith.constant 1 : index
    %get3A_22 = arith.constant 0 : index
    %get3A_23 = arith.constant 0 : index
    %get3A_24 = vector.load %arg3[%get3A_21, %get3A_22, %get3A_23] : memref<2x1000x128xf32, #tpu.memory_space<vmem>>, vector<1x1000x128xf32>
    %get3A_25 = vector.shape_cast %get3A_24 : vector<1x1000x128xf32> to vector<1000x128xf32>
    %add3A_26 = arith.addf %get3A_20, %get3A_25 : vector<1000x128xf32>
    %max3A = arith.constant 1.000000e+00 : f32
    %max3A_27 = vector.broadcast %max3A : f32 to vector<1000x128xf32>
    %max3A_28 = arith.maximumf %add3A_26, %max3A_27 : vector<1000x128xf32>
    %div3A = arith.divf %add3A, %max3A_28 : vector<1000x128xf32>
    %get3A_29 = arith.constant 0 : index
    %get3A_30 = arith.constant 0 : index
    %get3A_31 = vector.load %arg7[%get3A_29, %get3A_30] : memref<128x128xf32, #tpu.memory_space<vmem>>, vector<128x128xf32>
    %dot_general3A_32 = arith.constant dense<0.000000e+00> : vector<1000x128xf32>
    %dot_general3A_33 = tpu.matmul %div3A, %get3A_31, %dot_general3A_32 {dimension_numbers = #tpu.dot_dimension_numbers<[1], [0], [0], [1], [0, 0, 1, 1], [], []>, transpose_lhs_hint = false} : vector<1000x128xf32>, vector<128x128xf32>, vector<1000x128xf32> -> vector<1000x128xf32>
    %add3A_34 = arith.addf %dot_general3A_5, %dot_general3A_33 : vector<1000x128xf32>
    %get3A_35 = arith.constant 0 : index
    %get3A_36 = arith.constant 0 : index
    %get3A_37 = arith.constant 0 : index
    %get3A_38 = vector.load %arg4[%get3A_35, %get3A_36, %get3A_37] : memref<2x1000x128xf32, #tpu.memory_space<vmem>>, vector<1x1000x128xf32>
    %get3A_39 = vector.shape_cast %get3A_38 : vector<1x1000x128xf32> to vector<1000x128xf32>
    %get3A_40 = arith.constant 1 : index
    %get3A_41 = arith.constant 0 : index
    %get3A_42 = arith.constant 0 : index
    %get3A_43 = vector.load %arg4[%get3A_40, %get3A_41, %get3A_42] : memref<2x1000x128xf32, #tpu.memory_space<vmem>>, vector<1x1000x128xf32>
    %get3A_44 = vector.shape_cast %get3A_43 : vector<1x1000x128xf32> to vector<1000x128xf32>
    %add3A_45 = arith.addf %get3A_39, %get3A_44 : vector<1000x128xf32>
    %get3A_46 = arith.constant 0 : index
    %get3A_47 = arith.constant 0 : index
    %get3A_48 = arith.constant 0 : index
    %get3A_49 = vector.load %arg5[%get3A_46, %get3A_47, %get3A_48] : memref<2x1000x128xf32, #tpu.memory_space<vmem>>, vector<1x1000x128xf32>
    %get3A_50 = vector.shape_cast %get3A_49 : vector<1x1000x128xf32> to vector<1000x128xf32>
    %get3A_51 = arith.constant 1 : index
    %get3A_52 = arith.constant 0 : index
    %get3A_53 = arith.constant 0 : index
    %get3A_54 = vector.load %arg5[%get3A_51, %get3A_52, %get3A_53] : memref<2x1000x128xf32, #tpu.memory_space<vmem>>, vector<1x1000x128xf32>
    %get3A_55 = vector.shape_cast %get3A_54 : vector<1x1000x128xf32> to vector<1000x128xf32>
    %add3A_56 = arith.addf %get3A_50, %get3A_55 : vector<1000x128xf32>
    %max3A_57 = arith.constant 1.000000e+00 : f32
    %max3A_58 = vector.broadcast %max3A_57 : f32 to vector<1000x128xf32>
    %max3A_59 = arith.maximumf %add3A_56, %max3A_58 : vector<1000x128xf32>
    %div3A_60 = arith.divf %add3A_45, %max3A_59 : vector<1000x128xf32>
    %get3A_61 = arith.constant 0 : index
    %get3A_62 = arith.constant 0 : index
    %get3A_63 = vector.load %arg8[%get3A_61, %get3A_62] : memref<128x128xf32, #tpu.memory_space<vmem>>, vector<128x128xf32>
    %dot_general3A_64 = arith.constant dense<0.000000e+00> : vector<1000x128xf32>
    %dot_general3A_65 = tpu.matmul %div3A_60, %get3A_63, %dot_general3A_64 {dimension_numbers = #tpu.dot_dimension_numbers<[1], [0], [0], [1], [0, 0, 1, 1], [], []>, transpose_lhs_hint = false} : vector<1000x128xf32>, vector<128x128xf32>, vector<1000x128xf32> -> vector<1000x128xf32>
    %add3A_66 = arith.addf %add3A_34, %dot_general3A_65 : vector<1000x128xf32>
    %get3A_67 = arith.constant 0 : index
    %get3A_68 = arith.constant 0 : index
    %get3A_69 = vector.load %arg9[%get3A_67, %get3A_68] : memref<1x128xf32, #tpu.memory_space<vmem>>, vector<1x128xf32>
    %add3A_70 = vector.broadcast %get3A_69 : vector<1x128xf32> to vector<1000x128xf32>
    %add3A_71 = arith.addf %add3A_66, %add3A_70 : vector<1000x128xf32>
    %reduce_sum3A = arith.constant dense<0.000000e+00> : vector<1000xf32>
    %reduce_sum3A_72 = vector.multi_reduction <add>, %add3A_71, %reduce_sum3A [1] : vector<1000x128xf32> to vector<1000xf32>
    %broadcast_in_dim3A = vector.shape_cast %reduce_sum3A_72 : vector<1000xf32> to vector<1000x1xf32>
    %div3A_73 = arith.constant 1.280000e+02 : f32
    %div3A_74 = vector.broadcast %div3A_73 : f32 to vector<1000x1xf32>
    %div3A_75 = arith.divf %broadcast_in_dim3A, %div3A_74 : vector<1000x1xf32>
    %sub3A = vector.broadcast %div3A_75 : vector<1000x1xf32> to vector<1000x128xf32>
    %sub3A_76 = arith.subf %add3A_71, %sub3A : vector<1000x128xf32>
    %sub3A_77 = vector.broadcast %div3A_75 : vector<1000x1xf32> to vector<1000x128xf32>
    %sub3A_78 = arith.subf %add3A_71, %sub3A_77 : vector<1000x128xf32>
    %mul3A = arith.mulf %sub3A_76, %sub3A_78 : vector<1000x128xf32>
    %reduce_sum3A_79 = arith.constant dense<0.000000e+00> : vector<1000xf32>
    %reduce_sum3A_80 = vector.multi_reduction <add>, %mul3A, %reduce_sum3A_79 [1] : vector<1000x128xf32> to vector<1000xf32>
    %broadcast_in_dim3A_81 = vector.shape_cast %reduce_sum3A_80 : vector<1000xf32> to vector<1000x1xf32>
    %div3A_82 = arith.constant 1.280000e+02 : f32
    %div3A_83 = vector.broadcast %div3A_82 : f32 to vector<1000x1xf32>
    %div3A_84 = arith.divf %broadcast_in_dim3A_81, %div3A_83 : vector<1000x1xf32>
    %get3A_85 = arith.constant 0 : index
    %get3A_86 = arith.constant 0 : index
    %get3A_87 = vector.load %arg10[%get3A_85, %get3A_86] : memref<1x128xf32, #tpu.memory_space<vmem>>, vector<1x128xf32>
    %sub3A_88 = vector.broadcast %div3A_75 : vector<1000x1xf32> to vector<1000x128xf32>
    %sub3A_89 = arith.subf %add3A_71, %sub3A_88 : vector<1000x128xf32>
    %mul3A_90 = vector.broadcast %get3A_87 : vector<1x128xf32> to vector<1000x128xf32>
    %mul3A_91 = arith.mulf %mul3A_90, %sub3A_89 : vector<1000x128xf32>
    %add3A_92 = arith.constant 9.99999974E-6 : f32
    %add3A_93 = vector.broadcast %add3A_92 : f32 to vector<1000x1xf32>
    %add3A_94 = arith.addf %div3A_84, %add3A_93 : vector<1000x1xf32>
    %rsqrt3A = math.rsqrt %add3A_94 : vector<1000x1xf32>
    %mul3A_95 = vector.broadcast %rsqrt3A : vector<1000x1xf32> to vector<1000x128xf32>
    %mul3A_96 = arith.mulf %mul3A_91, %mul3A_95 : vector<1000x128xf32>
    %get3A_97 = arith.constant 0 : index
    %get3A_98 = arith.constant 0 : index
    %get3A_99 = vector.load %arg11[%get3A_97, %get3A_98] : memref<1x128xf32, #tpu.memory_space<vmem>>, vector<1x128xf32>
    %add3A_100 = vector.broadcast %get3A_99 : vector<1x128xf32> to vector<1000x128xf32>
    %add3A_101 = arith.addf %mul3A_96, %add3A_100 : vector<1000x128xf32>
    %max3A_102 = arith.constant 0.000000e+00 : f32
    %max3A_103 = vector.broadcast %max3A_102 : f32 to vector<1000x128xf32>
    %max3A_104 = arith.maximumf %add3A_101, %max3A_103 : vector<1000x128xf32>
    %swap3A = arith.constant 0 : index
    %swap3A_105 = arith.constant 0 : index
    %swap3A_106 = vector.load %arg12[%swap3A, %swap3A_105] : memref<1000x128xf32, #tpu.memory_space<vmem>>, vector<1000x128xf32>
    tpu.vector_store %arg12[%swap3A, %swap3A_105], %max3A_104 {strides = array<i32>} : memref<1000x128xf32, #tpu.memory_space<vmem>>, vector<1000x128xf32>,
    return
  }
  func.func @transform_0(%arg0: i32) -> (i32, i32) {
    %c0_i32 = arith.constant 0 : i32
    %c0_i32_0 = arith.constant 0 : i32
    return %arg0, %c0_i32 : i32, i32
  }
  func.func @transform_1(%arg0: i32) -> (i32, i32, i32) {
    %c0_i32 = arith.constant 0 : i32
    %c0_i32_0 = arith.constant 0 : i32
    %c0_i32_1 = arith.constant 0 : i32
    return %c0_i32, %arg0, %c0_i32_0 : i32, i32, i32
  }
  func.func @transform_2(%arg0: i32) -> (i32, i32, i32) {
    %c0_i32 = arith.constant 0 : i32
    %c0_i32_0 = arith.constant 0 : i32
    %c0_i32_1 = arith.constant 0 : i32
    return %c0_i32, %arg0, %c0_i32_0 : i32, i32, i32
  }
  func.func @transform_3(%arg0: i32) -> (i32, i32, i32) {
    %c0_i32 = arith.constant 0 : i32
    %c0_i32_0 = arith.constant 0 : i32
    %c0_i32_1 = arith.constant 0 : i32
    return %c0_i32, %arg0, %c0_i32_0 : i32, i32, i32
  }
  func.func @transform_4(%arg0: i32) -> (i32, i32, i32) {
    %c0_i32 = arith.constant 0 : i32
    %c0_i32_0 = arith.constant 0 : i32
    %c0_i32_1 = arith.constant 0 : i32
    return %c0_i32, %arg0, %c0_i32_0 : i32, i32, i32
  }
  func.func @transform_5(%arg0: i32) -> (i32, i32) {
    %c0_i32 = arith.constant 0 : i32
    %c0_i32_0 = arith.constant 0 : i32
    %c0_i32_1 = arith.constant 0 : i32
    return %c0_i32, %c0_i32_0 : i32, i32
  }
  func.func @transform_6(%arg0: i32) -> (i32, i32) {
    %c0_i32 = arith.constant 0 : i32
    %c0_i32_0 = arith.constant 0 : i32
    %c0_i32_1 = arith.constant 0 : i32
    return %c0_i32, %c0_i32_0 : i32, i32
  }
  func.func @transform_7(%arg0: i32) -> (i32, i32) {
    %c0_i32 = arith.constant 0 : i32
    %c0_i32_0 = arith.constant 0 : i32
    %c0_i32_1 = arith.constant 0 : i32
    return %c0_i32, %c0_i32_0 : i32, i32
  }
  func.func @transform_8(%arg0: i32) -> (i32, i32) {
    %c0_i32 = arith.constant 0 : i32
    %c0_i32_0 = arith.constant 0 : i32
    %c0_i32_1 = arith.constant 0 : i32
    return %c0_i32, %c0_i32_0 : i32, i32
  }
  func.func @transform_9(%arg0: i32) -> (i32, i32) {
    %c0_i32 = arith.constant 0 : i32
    %c0_i32_0 = arith.constant 0 : i32
    %c0_i32_1 = arith.constant 0 : i32
    return %c0_i32, %c0_i32_0 : i32, i32
  }
  func.func @transform_10(%arg0: i32) -> (i32, i32) {
    %c0_i32 = arith.constant 0 : i32
    %c0_i32_0 = arith.constant 0 : i32
    %c0_i32_1 = arith.constant 0 : i32
    return %c0_i32, %c0_i32_0 : i32, i32
  }
  func.func @transform_11(%arg0: i32) -> (i32, i32) {
    %c0_i32 = arith.constant 0 : i32
    %c0_i32_0 = arith.constant 0 : i32
    return %arg0, %c0_i32 : i32, i32
  }
}

module attributes {stable_mosaic.version = 14 : i64} {
  func.func @_update1_body(%arg0: i32, %arg1: memref<1000x128xf32, #tpu.memory_space<vmem>>, %arg2: memref<2x1000x128xf32, #tpu.memory_space<vmem>>, %arg3: memref<2x1000x128xf32, #tpu.memory_space<vmem>>, %arg4: memref<128x128xf32, #tpu.memory_space<vmem>>, %arg5: memref<128x128xf32, #tpu.memory_space<vmem>>, %arg6: memref<1x128xf32, #tpu.memory_space<vmem>>, %arg7: memref<1x128xf32, #tpu.memory_space<vmem>>, %arg8: memref<1x128xf32, #tpu.memory_space<vmem>>, %arg9: memref<1000x128xf32, #tpu.memory_space<vmem>>) attributes {dimension_semantics = [#tpu.dimension_semantics<arbitrary>], iteration_bounds = array<i64: 2>, scalar_prefetch = 0 : i64, scratch_operands = 0 : i64, tpu.core_type = #tpu.core_type<tc>, window_params = [{transform_indices = @transform_0, window_bounds = array<i64: 1000, 128>}, {transform_indices = @transform_1, window_bounds = array<i64: 2, 1000, 128>}, {transform_indices = @transform_2, window_bounds = array<i64: 2, 1000, 128>}, {pipeline_mode = #tpu.pipeline_mode<synchronous>, transform_indices = @transform_3, window_bounds = array<i64: 128, 128>}, {pipeline_mode = #tpu.pipeline_mode<synchronous>, transform_indices = @transform_4, window_bounds = array<i64: 128, 128>}, {pipeline_mode = #tpu.pipeline_mode<synchronous>, transform_indices = @transform_5, window_bounds = array<i64: 1, 128>}, {pipeline_mode = #tpu.pipeline_mode<synchronous>, transform_indices = @transform_6, window_bounds = array<i64: 1, 128>}, {pipeline_mode = #tpu.pipeline_mode<synchronous>, transform_indices = @transform_7, window_bounds = array<i64: 1, 128>}, {transform_indices = @transform_8, window_bounds = array<i64: 1000, 128>}]} {
    %get3A = arith.constant 0 : index
    %get3A_0 = arith.constant 0 : index
    %get3A_1 = vector.load %arg1[%get3A, %get3A_0] : memref<1000x128xf32, #tpu.memory_space<vmem>>, vector<1000x128xf32>
    %get3A_2 = arith.constant 0 : index
    %get3A_3 = arith.constant 0 : index
    %get3A_4 = vector.load %arg4[%get3A_2, %get3A_3] : memref<128x128xf32, #tpu.memory_space<vmem>>, vector<128x128xf32>
    %dot_general3A = arith.constant dense<0.000000e+00> : vector<1000x128xf32>
    %dot_general3A_5 = tpu.matmul %get3A_1, %get3A_4, %dot_general3A {dimension_numbers = #tpu.dot_dimension_numbers<[1], [0], [0], [1], [0, 0, 1, 1], [], []>, transpose_lhs_hint = false} : vector<1000x128xf32>, vector<128x128xf32>, vector<1000x128xf32> -> vector<1000x128xf32>
    %get3A_6 = arith.constant 0 : index
    %get3A_7 = arith.constant 0 : index
    %get3A_8 = arith.constant 0 : index
    %get3A_9 = vector.load %arg2[%get3A_6, %get3A_7, %get3A_8] : memref<2x1000x128xf32, #tpu.memory_space<vmem>>, vector<1x1000x128xf32>
    %get3A_10 = vector.shape_cast %get3A_9 : vector<1x1000x128xf32> to vector<1000x128xf32>
    %get3A_11 = arith.constant 1 : index
    %get3A_12 = arith.constant 0 : index
    %get3A_13 = arith.constant 0 : index
    %get3A_14 = vector.load %arg2[%get3A_11, %get3A_12, %get3A_13] : memref<2x1000x128xf32, #tpu.memory_space<vmem>>, vector<1x1000x128xf32>
    %get3A_15 = vector.shape_cast %get3A_14 : vector<1x1000x128xf32> to vector<1000x128xf32>
    %add3A = arith.addf %get3A_10, %get3A_15 : vector<1000x128xf32>
    %get3A_16 = arith.constant 0 : index
    %get3A_17 = arith.constant 0 : index
    %get3A_18 = arith.constant 0 : index
    %get3A_19 = vector.load %arg3[%get3A_16, %get3A_17, %get3A_18] : memref<2x1000x128xf32, #tpu.memory_space<vmem>>, vector<1x1000x128xf32>
    %get3A_20 = vector.shape_cast %get3A_19 : vector<1x1000x128xf32> to vector<1000x128xf32>
    %get3A_21 = arith.constant 1 : index
    %get3A_22 = arith.constant 0 : index
    %get3A_23 = arith.constant 0 : index
    %get3A_24 = vector.load %arg3[%get3A_21, %get3A_22, %get3A_23] : memref<2x1000x128xf32, #tpu.memory_space<vmem>>, vector<1x1000x128xf32>
    %get3A_25 = vector.shape_cast %get3A_24 : vector<1x1000x128xf32> to vector<1000x128xf32>
    %add3A_26 = arith.addf %get3A_20, %get3A_25 : vector<1000x128xf32>
    %max3A = arith.constant 1.000000e+00 : f32
    %max3A_27 = vector.broadcast %max3A : f32 to vector<1000x128xf32>
    %max3A_28 = arith.maximumf %add3A_26, %max3A_27 : vector<1000x128xf32>
    %div3A = arith.divf %add3A, %max3A_28 : vector<1000x128xf32>
    %get3A_29 = arith.constant 0 : index
    %get3A_30 = arith.constant 0 : index
    %get3A_31 = vector.load %arg5[%get3A_29, %get3A_30] : memref<128x128xf32, #tpu.memory_space<vmem>>, vector<128x128xf32>
    %dot_general3A_32 = arith.constant dense<0.000000e+00> : vector<1000x128xf32>
    %dot_general3A_33 = tpu.matmul %div3A, %get3A_31, %dot_general3A_32 {dimension_numbers = #tpu.dot_dimension_numbers<[1], [0], [0], [1], [0, 0, 1, 1], [], []>, transpose_lhs_hint = false} : vector<1000x128xf32>, vector<128x128xf32>, vector<1000x128xf32> -> vector<1000x128xf32>
    %add3A_34 = arith.addf %dot_general3A_5, %dot_general3A_33 : vector<1000x128xf32>
    %get3A_35 = arith.constant 0 : index
    %get3A_36 = arith.constant 0 : index
    %get3A_37 = vector.load %arg6[%get3A_35, %get3A_36] : memref<1x128xf32, #tpu.memory_space<vmem>>, vector<1x128xf32>
    %add3A_38 = vector.broadcast %get3A_37 : vector<1x128xf32> to vector<1000x128xf32>
    %add3A_39 = arith.addf %add3A_34, %add3A_38 : vector<1000x128xf32>
    %reduce_sum3A = arith.constant dense<0.000000e+00> : vector<1000xf32>
    %reduce_sum3A_40 = vector.multi_reduction <add>, %add3A_39, %reduce_sum3A [1] : vector<1000x128xf32> to vector<1000xf32>
    %broadcast_in_dim3A = vector.shape_cast %reduce_sum3A_40 : vector<1000xf32> to vector<1000x1xf32>
    %div3A_41 = arith.constant 1.280000e+02 : f32
    %div3A_42 = vector.broadcast %div3A_41 : f32 to vector<1000x1xf32>
    %div3A_43 = arith.divf %broadcast_in_dim3A, %div3A_42 : vector<1000x1xf32>
    %sub3A = vector.broadcast %div3A_43 : vector<1000x1xf32> to vector<1000x128xf32>
    %sub3A_44 = arith.subf %add3A_39, %sub3A : vector<1000x128xf32>
    %sub3A_45 = vector.broadcast %div3A_43 : vector<1000x1xf32> to vector<1000x128xf32>
    %sub3A_46 = arith.subf %add3A_39, %sub3A_45 : vector<1000x128xf32>
    %mul3A = arith.mulf %sub3A_44, %sub3A_46 : vector<1000x128xf32>
    %reduce_sum3A_47 = arith.constant dense<0.000000e+00> : vector<1000xf32>
    %reduce_sum3A_48 = vector.multi_reduction <add>, %mul3A, %reduce_sum3A_47 [1] : vector<1000x128xf32> to vector<1000xf32>
    %broadcast_in_dim3A_49 = vector.shape_cast %reduce_sum3A_48 : vector<1000xf32> to vector<1000x1xf32>
    %div3A_50 = arith.constant 1.280000e+02 : f32
    %div3A_51 = vector.broadcast %div3A_50 : f32 to vector<1000x1xf32>
    %div3A_52 = arith.divf %broadcast_in_dim3A_49, %div3A_51 : vector<1000x1xf32>
    %get3A_53 = arith.constant 0 : index
    %get3A_54 = arith.constant 0 : index
    %get3A_55 = vector.load %arg7[%get3A_53, %get3A_54] : memref<1x128xf32, #tpu.memory_space<vmem>>, vector<1x128xf32>
    %sub3A_56 = vector.broadcast %div3A_43 : vector<1000x1xf32> to vector<1000x128xf32>
    %sub3A_57 = arith.subf %add3A_39, %sub3A_56 : vector<1000x128xf32>
    %mul3A_58 = vector.broadcast %get3A_55 : vector<1x128xf32> to vector<1000x128xf32>
    %mul3A_59 = arith.mulf %mul3A_58, %sub3A_57 : vector<1000x128xf32>
    %add3A_60 = arith.constant 9.99999974E-6 : f32
    %add3A_61 = vector.broadcast %add3A_60 : f32 to vector<1000x1xf32>
    %add3A_62 = arith.addf %div3A_52, %add3A_61 : vector<1000x1xf32>
    %rsqrt3A = math.rsqrt %add3A_62 : vector<1000x1xf32>
    %mul3A_63 = vector.broadcast %rsqrt3A : vector<1000x1xf32> to vector<1000x128xf32>
    %mul3A_64 = arith.mulf %mul3A_59, %mul3A_63 : vector<1000x128xf32>
    %get3A_65 = arith.constant 0 : index
    %get3A_66 = arith.constant 0 : index
    %get3A_67 = vector.load %arg8[%get3A_65, %get3A_66] : memref<1x128xf32, #tpu.memory_space<vmem>>, vector<1x128xf32>
    %add3A_68 = vector.broadcast %get3A_67 : vector<1x128xf32> to vector<1000x128xf32>
    %add3A_69 = arith.addf %mul3A_64, %add3A_68 : vector<1000x128xf32>
    %max3A_70 = arith.constant 0.000000e+00 : f32
    %max3A_71 = vector.broadcast %max3A_70 : f32 to vector<1000x128xf32>
    %max3A_72 = arith.maximumf %add3A_69, %max3A_71 : vector<1000x128xf32>
    %swap3A = arith.constant 0 : index
    %swap3A_73 = arith.constant 0 : index
    %swap3A_74 = vector.load %arg9[%swap3A, %swap3A_73] : memref<1000x128xf32, #tpu.memory_space<vmem>>, vector<1000x128xf32>
    tpu.vector_store %arg9[%swap3A, %swap3A_73], %max3A_72 {strides = array<i32>} : memref<1000x128xf32, #tpu.memory_space<vmem>>, vector<1000x128xf32>,
    return
  }
  func.func @transform_0(%arg0: i32) -> (i32, i32) {
    %c0_i32 = arith.constant 0 : i32
    %c0_i32_0 = arith.constant 0 : i32
    return %arg0, %c0_i32 : i32, i32
  }
  func.func @transform_1(%arg0: i32) -> (i32, i32, i32) {
    %c0_i32 = arith.constant 0 : i32
    %c0_i32_0 = arith.constant 0 : i32
    %c0_i32_1 = arith.constant 0 : i32
    return %c0_i32, %arg0, %c0_i32_0 : i32, i32, i32
  }
  func.func @transform_2(%arg0: i32) -> (i32, i32, i32) {
    %c0_i32 = arith.constant 0 : i32
    %c0_i32_0 = arith.constant 0 : i32
    %c0_i32_1 = arith.constant 0 : i32
    return %c0_i32, %arg0, %c0_i32_0 : i32, i32, i32
  }
  func.func @transform_3(%arg0: i32) -> (i32, i32) {
    %c0_i32 = arith.constant 0 : i32
    %c0_i32_0 = arith.constant 0 : i32
    %c0_i32_1 = arith.constant 0 : i32
    return %c0_i32, %c0_i32_0 : i32, i32
  }
  func.func @transform_4(%arg0: i32) -> (i32, i32) {
    %c0_i32 = arith.constant 0 : i32
    %c0_i32_0 = arith.constant 0 : i32
    %c0_i32_1 = arith.constant 0 : i32
    return %c0_i32, %c0_i32_0 : i32, i32
  }
  func.func @transform_5(%arg0: i32) -> (i32, i32) {
    %c0_i32 = arith.constant 0 : i32
    %c0_i32_0 = arith.constant 0 : i32
    %c0_i32_1 = arith.constant 0 : i32
    return %c0_i32, %c0_i32_0 : i32, i32
  }
  func.func @transform_6(%arg0: i32) -> (i32, i32) {
    %c0_i32 = arith.constant 0 : i32
    %c0_i32_0 = arith.constant 0 : i32
    %c0_i32_1 = arith.constant 0 : i32
    return %c0_i32, %c0_i32_0 : i32, i32
  }
  func.func @transform_7(%arg0: i32) -> (i32, i32) {
    %c0_i32 = arith.constant 0 : i32
    %c0_i32_0 = arith.constant 0 : i32
    %c0_i32_1 = arith.constant 0 : i32
    return %c0_i32, %c0_i32_0 : i32, i32
  }
  func.func @transform_8(%arg0: i32) -> (i32, i32) {
    %c0_i32 = arith.constant 0 : i32
    %c0_i32_0 = arith.constant 0 : i32
    return %arg0, %c0_i32 : i32, i32
  }
}

module attributes {stable_mosaic.version = 14 : i64} {
  func.func @_head_body(%arg0: i32, %arg1: memref<1000x128xf32, #tpu.memory_space<vmem>>, %arg2: memref<2x1000x128xf32, #tpu.memory_space<vmem>>, %arg3: memref<2x1000x128xf32, #tpu.memory_space<vmem>>, %arg4: memref<128x128xf32, #tpu.memory_space<vmem>>, %arg5: memref<128x128xf32, #tpu.memory_space<vmem>>, %arg6: memref<1x128xf32, #tpu.memory_space<vmem>>, %arg7: memref<1x128xf32, #tpu.memory_space<vmem>>, %arg8: memref<1x128xf32, #tpu.memory_space<vmem>>, %arg9: memref<1x128xf32, #tpu.memory_space<vmem>>, %arg10: memref<1x1xf32, #tpu.memory_space<vmem>>, %arg11: memref<1x1xf32, #tpu.memory_space<vmem>>, %arg12: memref<1000x128xf32, #tpu.memory_space<vmem>>) attributes {dimension_semantics = [#tpu.dimension_semantics<arbitrary>], iteration_bounds = array<i64: 2>, scalar_prefetch = 0 : i64, scratch_operands = 0 : i64, tpu.core_type = #tpu.core_type<tc>, window_params = [{transform_indices = @transform_0, window_bounds = array<i64: 1000, 128>}, {transform_indices = @transform_1, window_bounds = array<i64: 2, 1000, 128>}, {transform_indices = @transform_2, window_bounds = array<i64: 2, 1000, 128>}, {pipeline_mode = #tpu.pipeline_mode<synchronous>, transform_indices = @transform_3, window_bounds = array<i64: 128, 128>}, {pipeline_mode = #tpu.pipeline_mode<synchronous>, transform_indices = @transform_4, window_bounds = array<i64: 128, 128>}, {pipeline_mode = #tpu.pipeline_mode<synchronous>, transform_indices = @transform_5, window_bounds = array<i64: 1, 128>}, {pipeline_mode = #tpu.pipeline_mode<synchronous>, transform_indices = @transform_6, window_bounds = array<i64: 1, 128>}, {pipeline_mode = #tpu.pipeline_mode<synchronous>, transform_indices = @transform_7, window_bounds = array<i64: 1, 128>}, {pipeline_mode = #tpu.pipeline_mode<synchronous>, transform_indices = @transform_8, window_bounds = array<i64: 1, 128>}, {pipeline_mode = #tpu.pipeline_mode<synchronous>, transform_indices = @transform_9, window_bounds = array<i64: 1, 1>}, {pipeline_mode = #tpu.pipeline_mode<synchronous>, transform_indices = @transform_10, window_bounds = array<i64: 1, 1>}, {transform_indices = @transform_11, window_bounds = array<i64: 1000, 128>}]} {
    %get3A = arith.constant 0 : index
    %get3A_0 = arith.constant 0 : index
    %get3A_1 = vector.load %arg1[%get3A, %get3A_0] : memref<1000x128xf32, #tpu.memory_space<vmem>>, vector<1000x128xf32>
    %get3A_2 = arith.constant 0 : index
    %get3A_3 = arith.constant 0 : index
    %get3A_4 = vector.load %arg4[%get3A_2, %get3A_3] : memref<128x128xf32, #tpu.memory_space<vmem>>, vector<128x128xf32>
    %dot_general3A = arith.constant dense<0.000000e+00> : vector<1000x128xf32>
    %dot_general3A_5 = tpu.matmul %get3A_1, %get3A_4, %dot_general3A {dimension_numbers = #tpu.dot_dimension_numbers<[1], [0], [0], [1], [0, 0, 1, 1], [], []>, transpose_lhs_hint = false} : vector<1000x128xf32>, vector<128x128xf32>, vector<1000x128xf32> -> vector<1000x128xf32>
    %get3A_6 = arith.constant 0 : index
    %get3A_7 = arith.constant 0 : index
    %get3A_8 = arith.constant 0 : index
    %get3A_9 = vector.load %arg2[%get3A_6, %get3A_7, %get3A_8] : memref<2x1000x128xf32, #tpu.memory_space<vmem>>, vector<1x1000x128xf32>
    %get3A_10 = vector.shape_cast %get3A_9 : vector<1x1000x128xf32> to vector<1000x128xf32>
    %get3A_11 = arith.constant 1 : index
    %get3A_12 = arith.constant 0 : index
    %get3A_13 = arith.constant 0 : index
    %get3A_14 = vector.load %arg2[%get3A_11, %get3A_12, %get3A_13] : memref<2x1000x128xf32, #tpu.memory_space<vmem>>, vector<1x1000x128xf32>
    %get3A_15 = vector.shape_cast %get3A_14 : vector<1x1000x128xf32> to vector<1000x128xf32>
    %add3A = arith.addf %get3A_10, %get3A_15 : vector<1000x128xf32>
    %get3A_16 = arith.constant 0 : index
    %get3A_17 = arith.constant 0 : index
    %get3A_18 = arith.constant 0 : index
    %get3A_19 = vector.load %arg3[%get3A_16, %get3A_17, %get3A_18] : memref<2x1000x128xf32, #tpu.memory_space<vmem>>, vector<1x1000x128xf32>
    %get3A_20 = vector.shape_cast %get3A_19 : vector<1x1000x128xf32> to vector<1000x128xf32>
    %get3A_21 = arith.constant 1 : index
    %get3A_22 = arith.constant 0 : index
    %get3A_23 = arith.constant 0 : index
    %get3A_24 = vector.load %arg3[%get3A_21, %get3A_22, %get3A_23] : memref<2x1000x128xf32, #tpu.memory_space<vmem>>, vector<1x1000x128xf32>
    %get3A_25 = vector.shape_cast %get3A_24 : vector<1x1000x128xf32> to vector<1000x128xf32>
    %add3A_26 = arith.addf %get3A_20, %get3A_25 : vector<1000x128xf32>
    %max3A = arith.constant 1.000000e+00 : f32
    %max3A_27 = vector.broadcast %max3A : f32 to vector<1000x128xf32>
    %max3A_28 = arith.maximumf %add3A_26, %max3A_27 : vector<1000x128xf32>
    %div3A = arith.divf %add3A, %max3A_28 : vector<1000x128xf32>
    %get3A_29 = arith.constant 0 : index
    %get3A_30 = arith.constant 0 : index
    %get3A_31 = vector.load %arg5[%get3A_29, %get3A_30] : memref<128x128xf32, #tpu.memory_space<vmem>>, vector<128x128xf32>
    %dot_general3A_32 = arith.constant dense<0.000000e+00> : vector<1000x128xf32>
    %dot_general3A_33 = tpu.matmul %div3A, %get3A_31, %dot_general3A_32 {dimension_numbers = #tpu.dot_dimension_numbers<[1], [0], [0], [1], [0, 0, 1, 1], [], []>, transpose_lhs_hint = false} : vector<1000x128xf32>, vector<128x128xf32>, vector<1000x128xf32> -> vector<1000x128xf32>
    %add3A_34 = arith.addf %dot_general3A_5, %dot_general3A_33 : vector<1000x128xf32>
    %get3A_35 = arith.constant 0 : index
    %get3A_36 = arith.constant 0 : index
    %get3A_37 = vector.load %arg6[%get3A_35, %get3A_36] : memref<1x128xf32, #tpu.memory_space<vmem>>, vector<1x128xf32>
    %add3A_38 = vector.broadcast %get3A_37 : vector<1x128xf32> to vector<1000x128xf32>
    %add3A_39 = arith.addf %add3A_34, %add3A_38 : vector<1000x128xf32>
    %reduce_sum3A = arith.constant dense<0.000000e+00> : vector<1000xf32>
    %reduce_sum3A_40 = vector.multi_reduction <add>, %add3A_39, %reduce_sum3A [1] : vector<1000x128xf32> to vector<1000xf32>
    %broadcast_in_dim3A = vector.shape_cast %reduce_sum3A_40 : vector<1000xf32> to vector<1000x1xf32>
    %div3A_41 = arith.constant 1.280000e+02 : f32
    %div3A_42 = vector.broadcast %div3A_41 : f32 to vector<1000x1xf32>
    %div3A_43 = arith.divf %broadcast_in_dim3A, %div3A_42 : vector<1000x1xf32>
    %sub3A = vector.broadcast %div3A_43 : vector<1000x1xf32> to vector<1000x128xf32>
    %sub3A_44 = arith.subf %add3A_39, %sub3A : vector<1000x128xf32>
    %sub3A_45 = vector.broadcast %div3A_43 : vector<1000x1xf32> to vector<1000x128xf32>
    %sub3A_46 = arith.subf %add3A_39, %sub3A_45 : vector<1000x128xf32>
    %mul3A = arith.mulf %sub3A_44, %sub3A_46 : vector<1000x128xf32>
    %reduce_sum3A_47 = arith.constant dense<0.000000e+00> : vector<1000xf32>
    %reduce_sum3A_48 = vector.multi_reduction <add>, %mul3A, %reduce_sum3A_47 [1] : vector<1000x128xf32> to vector<1000xf32>
    %broadcast_in_dim3A_49 = vector.shape_cast %reduce_sum3A_48 : vector<1000xf32> to vector<1000x1xf32>
    %div3A_50 = arith.constant 1.280000e+02 : f32
    %div3A_51 = vector.broadcast %div3A_50 : f32 to vector<1000x1xf32>
    %div3A_52 = arith.divf %broadcast_in_dim3A_49, %div3A_51 : vector<1000x1xf32>
    %get3A_53 = arith.constant 0 : index
    %get3A_54 = arith.constant 0 : index
    %get3A_55 = vector.load %arg7[%get3A_53, %get3A_54] : memref<1x128xf32, #tpu.memory_space<vmem>>, vector<1x128xf32>
    %sub3A_56 = vector.broadcast %div3A_43 : vector<1000x1xf32> to vector<1000x128xf32>
    %sub3A_57 = arith.subf %add3A_39, %sub3A_56 : vector<1000x128xf32>
    %mul3A_58 = vector.broadcast %get3A_55 : vector<1x128xf32> to vector<1000x128xf32>
    %mul3A_59 = arith.mulf %mul3A_58, %sub3A_57 : vector<1000x128xf32>
    %add3A_60 = arith.constant 9.99999974E-6 : f32
    %add3A_61 = vector.broadcast %add3A_60 : f32 to vector<1000x1xf32>
    %add3A_62 = arith.addf %div3A_52, %add3A_61 : vector<1000x1xf32>
    %rsqrt3A = math.rsqrt %add3A_62 : vector<1000x1xf32>
    %mul3A_63 = vector.broadcast %rsqrt3A : vector<1000x1xf32> to vector<1000x128xf32>
    %mul3A_64 = arith.mulf %mul3A_59, %mul3A_63 : vector<1000x128xf32>
    %get3A_65 = arith.constant 0 : index
    %get3A_66 = arith.constant 0 : index
    %get3A_67 = vector.load %arg8[%get3A_65, %get3A_66] : memref<1x128xf32, #tpu.memory_space<vmem>>, vector<1x128xf32>
    %add3A_68 = vector.broadcast %get3A_67 : vector<1x128xf32> to vector<1000x128xf32>
    %add3A_69 = arith.addf %mul3A_64, %add3A_68 : vector<1000x128xf32>
    %max3A_70 = arith.constant 0.000000e+00 : f32
    %max3A_71 = vector.broadcast %max3A_70 : f32 to vector<1000x128xf32>
    %max3A_72 = arith.maximumf %add3A_69, %max3A_71 : vector<1000x128xf32>
    %get3A_73 = arith.constant 0 : index
    %get3A_74 = arith.constant 0 : index
    %get3A_75 = vector.load %arg9[%get3A_73, %get3A_74] : memref<1x128xf32, #tpu.memory_space<vmem>>, vector<1x128xf32>
    %mul3A_76 = vector.broadcast %get3A_75 : vector<1x128xf32> to vector<1000x128xf32>
    %mul3A_77 = arith.mulf %max3A_72, %mul3A_76 : vector<1000x128xf32>
    %reduce_sum3A_78 = arith.constant dense<0.000000e+00> : vector<1000xf32>
    %reduce_sum3A_79 = vector.multi_reduction <add>, %mul3A_77, %reduce_sum3A_78 [1] : vector<1000x128xf32> to vector<1000xf32>
    %broadcast_in_dim3A_80 = vector.shape_cast %reduce_sum3A_79 : vector<1000xf32> to vector<1000x1xf32>
    %get3A_81 = arith.constant 0 : index
    %get3A_82 = arith.constant 0 : index
    %get3A_83 = vector.load %arg10[%get3A_81, %get3A_82] : memref<1x1xf32, #tpu.memory_space<vmem>>, vector<1x1xf32>
    %get3A_84 = vector.extract %get3A_83[0, 0] : f32 from vector<1x1xf32>
    %add3A_85 = vector.broadcast %get3A_84 : f32 to vector<1000x1xf32>
    %add3A_86 = arith.addf %broadcast_in_dim3A_80, %add3A_85 : vector<1000x1xf32>
    %get3A_87 = arith.constant 0 : index
    %get3A_88 = arith.constant 0 : index
    %get3A_89 = vector.load %arg11[%get3A_87, %get3A_88] : memref<1x1xf32, #tpu.memory_space<vmem>>, vector<1x1xf32>
    %get3A_90 = vector.extract %get3A_89[0, 0] : f32 from vector<1x1xf32>
    %add3A_91 = vector.broadcast %get3A_90 : f32 to vector<1000x1xf32>
    %add3A_92 = arith.addf %add3A_86, %add3A_91 : vector<1000x1xf32>
    %broadcast_in_dim3A_93 = vector.shape_cast %add3A_92 : vector<1000x1xf32> to vector<1000x1xf32>
    %broadcast_in_dim3A_94 = vector.broadcast %broadcast_in_dim3A_93 : vector<1000x1xf32> to vector<1000x128xf32>
    %swap3A = arith.constant 0 : index
    %swap3A_95 = arith.constant 0 : index
    %swap3A_96 = vector.load %arg12[%swap3A, %swap3A_95] : memref<1000x128xf32, #tpu.memory_space<vmem>>, vector<1000x128xf32>
    tpu.vector_store %arg12[%swap3A, %swap3A_95], %broadcast_in_dim3A_94 {strides = array<i32>} : memref<1000x128xf32, #tpu.memory_space<vmem>>, vector<1000x128xf32>,
    return
  }
  func.func @transform_0(%arg0: i32) -> (i32, i32) {
    %c0_i32 = arith.constant 0 : i32
    %c0_i32_0 = arith.constant 0 : i32
    return %arg0, %c0_i32 : i32, i32
  }
  func.func @transform_1(%arg0: i32) -> (i32, i32, i32) {
    %c0_i32 = arith.constant 0 : i32
    %c0_i32_0 = arith.constant 0 : i32
    %c0_i32_1 = arith.constant 0 : i32
    return %c0_i32, %arg0, %c0_i32_0 : i32, i32, i32
  }
  func.func @transform_2(%arg0: i32) -> (i32, i32, i32) {
    %c0_i32 = arith.constant 0 : i32
    %c0_i32_0 = arith.constant 0 : i32
    %c0_i32_1 = arith.constant 0 : i32
    return %c0_i32, %arg0, %c0_i32_0 : i32, i32, i32
  }
  func.func @transform_3(%arg0: i32) -> (i32, i32) {
    %c0_i32 = arith.constant 0 : i32
    %c0_i32_0 = arith.constant 0 : i32
    %c0_i32_1 = arith.constant 0 : i32
    return %c0_i32, %c0_i32_0 : i32, i32
  }
  func.func @transform_4(%arg0: i32) -> (i32, i32) {
    %c0_i32 = arith.constant 0 : i32
    %c0_i32_0 = arith.constant 0 : i32
    %c0_i32_1 = arith.constant 0 : i32
    return %c0_i32, %c0_i32_0 : i32, i32
  }
  func.func @transform_5(%arg0: i32) -> (i32, i32) {
    %c0_i32 = arith.constant 0 : i32
    %c0_i32_0 = arith.constant 0 : i32
    %c0_i32_1 = arith.constant 0 : i32
    return %c0_i32, %c0_i32_0 : i32, i32
  }
  func.func @transform_6(%arg0: i32) -> (i32, i32) {
    %c0_i32 = arith.constant 0 : i32
    %c0_i32_0 = arith.constant 0 : i32
    %c0_i32_1 = arith.constant 0 : i32
    return %c0_i32, %c0_i32_0 : i32, i32
  }
  func.func @transform_7(%arg0: i32) -> (i32, i32) {
    %c0_i32 = arith.constant 0 : i32
    %c0_i32_0 = arith.constant 0 : i32
    %c0_i32_1 = arith.constant 0 : i32
    return %c0_i32, %c0_i32_0 : i32, i32
  }
  func.func @transform_8(%arg0: i32) -> (i32, i32) {
    %c0_i32 = arith.constant 0 : i32
    %c0_i32_0 = arith.constant 0 : i32
    %c0_i32_1 = arith.constant 0 : i32
    return %c0_i32, %c0_i32_0 : i32, i32
  }
  func.func @transform_9(%arg0: i32) -> (i32, i32) {
    %c0_i32 = arith.constant 0 : i32
    %c0_i32_0 = arith.constant 0 : i32
    %c0_i32_1 = arith.constant 0 : i32
    return %c0_i32, %c0_i32_0 : i32, i32
  }
  func.func @transform_10(%arg0: i32) -> (i32, i32) {
    %c0_i32 = arith.constant 0 : i32
    %c0_i32_0 = arith.constant 0 : i32
    %c0_i32_1 = arith.constant 0 : i32
    return %c0_i32, %c0_i32_0 : i32, i32
  }
  func.func @transform_11(%arg0: i32) -> (i32, i32) {
    %c0_i32 = arith.constant 0 : i32
    %c0_i32_0 = arith.constant 0 : i32
    return %arg0, %c0_i32 : i32, i32
  }
}

</mosaic_0001>

<sc_bundles>
// kernel: kernel.10.cloned.1.call-start
scs
__scs_entry_jumppad:
0x0: {  	(pc) =	sbr.rel $0x88, $3  }
0x1: {  	(tag) =	ssettag $0x0;
	lr =	simm.s32 $0x1  }
0x2: {  	[smem:$0x3F88] =	sst lr;
	_ =	strace $0xD0000000  }
0x3: {  	_ = 	snop  }
0x4: {  	_ = 	snop  }
0x5: {  	_ = 	snop  }
0x6: {  	_ = 	snop  }
0x7: {  	_ = 	snop  }
__scs_overlays_trampoline_lowered:
0x8: {  	[smem:$0x3F97] =	sst s0  }
0x9: {  	[smem:$0x3F98] =	sst s1  }
0xa: {  	[smem:$0x3F99] =	sst s2  }
0xb: {  	[smem:$0x3F9A] =	sst s3  }
0xc: {  	[smem:$0x3F9B] =	sst s4  }
0xd: {  	[smem:$0x3F9C] =	sst s5  }
0xe: {  	[smem:$0x3F9D] =	sst s6  }
0xf: {  	[smem:$0x3F9E] =	sst s7  }
0x10: {  	[smem:$0x3F9F] =	sst s8  }
0x11: {  	[smem:$0x3FA0] =	sst s9;
	s0 =	simm.s32 @!p0 $0x0  }
0x12: {  	s1 =	sld [smem:$0x3F86];
	s0 =	simm.s32 @p0 $0x1  }
0x13: {  	[smem:$0x3FA1] =	sst s0;
	s0 =	simm.s32 @!p1 $0x0  }
0x14: {  	s2 =	sld [smem:$0x3F85];
	s0 =	simm.s32 @p1 $0x1  }
0x15: {  	[smem:$0x3FA2] =	sst s0;
	s0 =	simm.s32 @!p2 $0x0  }
0x16: {  	s3 =	sld [smem:$0x3FDB];
	s0 =	simm.s32 @p2 $0x1  }
0x17: {  	s4 =	simm.s32 $0x1BF5;
	[smem:$0x3FA4] =	sst s0  }
0x18: {  	s0 =	sld [smem:$0x3F87];
	_ =	swait.ge [sflag:s4], $0x0  }
0x19: {  	s7 =	sld [smem:$0x3F88]  }
0x1a: {  	s8 =	sadd.s32 $0xFFFFE003, lr  }
0x1b: {  	s9 =	sadd.s32 $0xFFFFFEF7, lr;
	s5 =	simm.s32 $0xFFFFFFFF;
	p2 =	slt.u32 s8, $0xFFFFF086  }
0x1c: {  	p1 =	slt.u32 s9, $0xF7A;
	s5 =	simm.s32 @!p2 $0x0  }
0x1d: {  	s5 =	simm.s32 @p1 $0x1;
	p0 =	seq.s32 s7, s2  }
0x1e: {  	s7 =	smul.u32 @!p0 $0xF7A, s2;
	p2 =	seq.s32 @!p0 s5, $0x0  }
0x1f: {  	s9 =	smul.u32 $0xF7A, s1;
	s8 =	simm.s32 @!p0 $0x1BF5;
	p2 =	por !p2, p0  }
0x20: {  	[sflag:s8] =	ssyncset.s32 @!p0 $0xFFFFF086;
	s6 =	sadd.s32 @!p0 s3, s7;
	s7 =	simm.s32 @!p0 $0x108  }
0x21: {  	s3 =	sadd.s32 s3, s9;
	s6 =	sadd.s32 @!p0 $0x88, s6;
	s7 =	simm.s32 @p2 $0x1082  }
0x22: {  	[simem:s7], [sflag:s8] =	dma.local @!p0 [hbm:s6], $0xF7A  }
0x23: {  	s9 =	sor.u32 $0xD0000000, s2;
	s6 =	simm.s32 $0x108;
	_ =	swait.ge @!p0 [sflag:s8], $0x0  }
0x24: {  	s3 =	sadd.s32 $0x88, s3;
	s6 =	simm.s32 @!p1 $0x1082;
	[sflag:s4] =	ssyncset.s32 $0xFFFFF086  }
0x25: {  	[simem:s6], [sflag:s4] =	dma.local [hbm:s3], $0xF7A  }
0x26: {  	[smem:$0x3F88] =	sst s1;
	(tag) =	ssettag s2;
	_ =	strace s9  }
0x27: {  	s1 =	sld [smem:$0x3F98]  }
0x28: {  	s2 =	sld [smem:$0x3F99]  }
0x29: {  	s4 =	sld [smem:$0x3F9B]  }
0x2a: {  	p0 =	seq.s32 s5, $0x0;
	s5 =	sld [smem:$0x3F9C]  }
0x2b: {  	s6 =	sld [smem:$0x3F9D]  }
0x2c: {  	s7 =	sld [smem:$0x3F9E]  }
0x2d: {  	s3 =	simm.s32 $0x108;
	s8 =	sld [smem:$0x3F9F]  }
0x2e: {  	s3 =	simm.s32 @!p0 $0x1082;
	s9 =	sld [smem:$0x3FA0]  }
0x2f: {  	lr =	sadd.s32 s0, s3;
	s0 =	sld [smem:$0x3F97]  }
0x30: {  	s3 =	sld [smem:$0x3F9A]  }
0x31: {  	[smem:$0x3FA3] =	sst s10  }
0x32: {  	s10 =	sld [smem:$0x3FA1];
	_ =	sdelay $0x3  }
0x33: {  	p0 =	seq.s32 s10, $0x1;
	s10 =	sld [smem:$0x3FA3];
	_ =	sdelay $0x3  }
0x34: {  	[smem:$0x3FA3] =	sst s10  }
0x35: {  	s10 =	sld [smem:$0x3FA2];
	_ =	sdelay $0x3  }
0x36: {  	p1 =	seq.s32 s10, $0x1;
	s10 =	sld [smem:$0x3FA3];
	_ =	sdelay $0x3  }
0x37: {  	[smem:$0x3FA3] =	sst s10  }
0x38: {  	s10 =	sld [smem:$0x3FA4]  }
0x39: {  	_ = 	snop;
	(pc) =	sbr.ind lr, $3  }
0x3a: {  	_ = 	snop  }
0x3b: {  	_ = 	snop  }
0x3c: {  	p2 =	seq.s32 s10, $0x1;
	s10 =	sld [smem:$0x3FA3]  }
0x3d: {  	_ =	shalt  }
0x3e: {  	_ =	shalt  }
0x3f: {  	_ =	shalt  }
0x40: {  	_ =	shalt  }
0x41: {  	_ =	shalt  }
0x42: {  	_ =	shalt  }
0x43: {  	_ =	shalt  }
0x44: {  	_ =	shalt  }
0x45: {  	_ =	shalt  }
0x46: {  	_ =	shalt  }
0x47: {  	_ =	shalt  }
0x48: {  	_ =	shalt  }
0x49: {  	_ =	shalt  }
0x4a: {  	_ =	shalt  }
0x4b: {  	_ =	shalt  }
0x4c: {  	_ =	shalt  }
0x4d: {  	_ =	shalt  }
0x4e: {  	_ =	shalt  }
0x4f: {  	_ =	shalt  }
0x50: {  	_ =	shalt  }
0x51: {  	_ =	shalt  }
0x52: {  	_ =	shalt  }
0x53: {  	_ =	shalt  }
0x54: {  	_ =	shalt  }
0x55: {  	_ =	shalt  }
0x56: {  	_ =	shalt  }
0x57: {  	_ =	shalt  }
0x58: {  	_ =	shalt  }
0x59: {  	_ =	shalt  }
0x5a: {  	_ =	shalt  }
0x5b: {  	_ =	shalt  }
0x5c: {  	_ =	shalt  }
0x5d: {  	_ =	shalt  }
0x5e: {  	_ =	shalt  }
0x5f: {  	_ =	shalt  }
0x60: {  	_ =	shalt  }
0x61: {  	_ =	shalt  }
0x62: {  	_ =	shalt  }
0x63: {  	_ =	shalt  }
0x64: {  	_ =	shalt  }
0x65: {  	_ =	shalt  }
0x66: {  	_ =	shalt  }
0x67: {  	_ =	shalt  }
0x68: {  	_ =	shalt  }
0x69: {  	_ =	shalt  }
0x6a: {  	_ =	shalt  }
0x6b: {  	_ =	shalt  }
0x6c: {  	_ =	shalt  }
0x6d: {  	_ =	shalt  }
0x6e: {  	_ =	shalt  }
0x6f: {  	_ =	shalt  }
0x70: {  	_ =	shalt  }
0x71: {  	_ =	shalt  }
0x72: {  	_ =	shalt  }
0x73: {  	_ =	shalt  }
0x74: {  	_ =	shalt  }
0x75: {  	_ =	shalt  }
0x76: {  	_ =	shalt  }
0x77: {  	_ =	shalt  }
0x78: {  	_ =	shalt  }
0x79: {  	_ =	shalt  }
0x7a: {  	_ =	shalt  }
0x7b: {  	_ =	shalt  }
0x7c: {  	_ =	shalt  }
0x7d: {  	_ =	shalt  }
0x7e: {  	_ =	shalt  }
0x7f: {  	_ =	shalt  }
0x80: {  	_ =	shalt  }
0x81: {  	_ =	shalt  }
0x82: {  	_ =	shalt  }
0x83: {  	_ =	shalt  }
0x84: {  	_ =	shalt  }
0x85: {  	_ =	shalt  }
0x86: {  	_ =	shalt  }
0x87: {  	_ =	shalt  }
.Lfunc_end0:
.L_simem_size_0:
called_computation_lowered:
.L_overlay_start_0:
0x88: {  	s2 =	sld [smem:$0x3FD9]  }
0x89: {  	s3 =	sld [smem:$0x3FFE];
	_ =	sdelay $0x1  }
0x8a: {  	s1 =	srdreg.scid  }
0x8b: {  	s0 =	sand.u32 $0x1, s1  }
0x8c: {  	s16 =	sshll.u32 s0, $0xA;
	s2 =	sadd.s32 s3, s2  }
0x8d: {  	s2 =	sadd.s32 s2, s16  }
0x8e: {  	[smem:$0x3FAF] =	sst s2  }
0x8f: {  	_ = 	snop  }
0x90: {  	(tm) =	ssettm $0x1  }
0x91: {  	s17 =	sld [smem:$0x3FFB];
	_ =	sdelay $0x3  }
0x92: {  	_ =	strace s17  }
0x93: {  	s2 =	sld [smem:$0x3FFC];
	_ =	sdelay $0x3  }
0x94: {  	_ =	strace s2  }
0x95: {  	s2 =	sld [smem:$0x3FFD];
	_ =	sdelay $0x3  }
0x96: {  	_ =	strace s2  }
0x97: {  	_ =	strace $0x8FFFFFFF  }
0x98: {  	s18 =	sld [smem:$0x3FDB];
	_ =	sdelay $0x1  }
0x99: {  	s19 =	simm.s32 $_scs_section_size  }
0x9a: {  	s4 =	simm.s32 $_size__tile_overlayer_lowered;
	s5 =	simm.s32 $_tile_overlayer_lowered  }
0x9b: {  	s22 =	simm.s32 $0x1BFF;
	s21 =	sshll.u32 s5, $0x1;
	s2 =	sadd.s32 s19, s18  }
0x9c: {  	s6 =	simm.s32 $0x0;
	s20 =	sshll.u32 s4, $0x1;
	s4 =	sadd.s32 s21, s2  }
0x9d: {  	[timem:s6], [sflag:s22] =	dma.local [hbm:s4], s20  }
0x9e: {  	_ =	swait.ge [sflag:s22], s20  }
0x9f: {  	s3 =	ssub.s32 $0x0, s20;
	[sflag:s22] =	ssyncset.done $0x0  }
0xa0: {  	[sflag:s22] =	ssyncadd.s32 s3;
	_ =	sdelay $0x1  }
0xa1: {  	s23 =	simm.s32 $0x1B8B  }
0xa2: {  	_ =	swait.ge [sflag:s23], $0x1  }
0xa3: {  	[sflag:s23] =	ssyncset.done $0x0  }
0xa4: {  	s25 =	simm.s32 $0x1B8E;
	s24 =	sld [smem:$0x3FFE];
	[sflag:s23] =	ssyncadd.s32 $0xFFFFFFFF  }
0xa5: {  	s26 =	simm.s32 $execute0_lowered;
	[smem:$0x3FD2] =	sst s25  }
0xa6: {  	s4 =	sshll.u32 s26, $0x1;
	_ =	strace $0x80000046;
	[dreg:$0x1] =	wrdreg $0xFFFFFFFF  }
0xa7: {  	s28 =	simm.s32 $_size_execute0_lowered;
	s2 =	sadd.s32 s2, s4;
	[dreg:$0x0] =	wrdreg $0x0  }
0xa8: {  	s4 =	sshll.u32 s28, $0x1;
	[dreg:$0x2] =	wrdreg s2  }
0xa9: {  	[dreg:$0x3] =	wrdreg s4  }
0xaa: {  	[dreg:$0x4] =	wrdreg $0xC0  }
0xab: {  	_ =	task [dreg:s6], $0x5FFFF  }
0xac: {  	[dreg:$0x1] =	wrdreg $0xFFFFFFFF  }
0xad: {  	[dreg:$0x0] =	wrdreg $0x60  }
0xae: {  	[dreg:$0x2] =	wrdreg s24  }
0xaf: {  	[dreg:$0x3] =	wrdreg $0x98000  }
0xb0: {  	[dreg:$0x4] =	wrdreg $0x138000  }
0xb1: {  	[dreg:$0x5] =	wrdreg $0xA  }
0xb2: {  	_ =	task.clear_ibuf [dreg:s6], $0x6FFFF;
	_ =	strace $0x90000046  }
0xb3: {  	s29 =	simm.s32 $0xA;
	_ =	strace $0x80000048  }
0xb4: {  	_ =	swait.ge [sflag:s29], $0x1  }
0xb5: {  	[sflag:s29] =	ssyncadd.s32 $0xFFFFFFFF  }
0xb6: {  	_ =	strace $0x90000048  }
0xb7: {  	_ =	sfence  }
0xb8: {  	s30 =	sld [smem:$0x0];
	_ =	sdelay $0x2  }
0xb9: {  	s31 =	sshll.u32 s1, $0xD;
	s1 =	sshrl.u32 s1, $0x2  }
0xba: {  	s3 =	sand.u32 $0x4000, s31;
	s1 =	sadd.s32 s1, s30  }
0xbb: {  	s0 =	sor.u32 s3, s0;
	s1 =	sshll.u32 s1, $0x11  }
0xbc: {  	s0 =	sor.u32 s1, s0  }
0xbd: {  	s0 =	sadd.s32 $0x8F2B, s0  }
0xbe: {  	[sflag:s0] =	ssyncadd.remote.s32 $0x1  }
0xbf: {  	_ =	sfence.sel $0xFFFF  }
0xc0: {  	[dreg:$0x0] =	wrdreg $0xFFFFFFFF;
	(pc) =	sbr.abs _section_cstart, $3  }
0xc1: {  	[dreg:$0x1] =	wrdreg $0xFFFFFFFF  }
0xc2: {  	_ =	task.clear_ibuf [dreg:s6], $0x2FFFF;
	_ =	strace $0x9FFFFFFF  }
0xc3: {  	(tm) =	ssettm $0x7FFFFFFF  }
tec
execute0_lowered:
.L_overlay_start_1:
0x0: {  	(tag) =	ssettag $0x1  }
0x1: {  	s6 =	rddreg [dreg:$0x0]  }
0x2: {  	s0 =	srdreg.scid;
	s2 =	rddreg [dreg:$0x1]  }
0x3: {  	s3 =	rddreg [dreg:$0x2];
	s1 =	stileid.u32  }
0x4: {  	s4 =	simm.s32 $0x0;
	s24 =	simm.s32 $0x80;
	s25 =	simm.s32 $0x5800  }
0x5: {  	s26 =	simm.s32 $0x1;
	s11 =	sand.u32 $0x1, s0;
	s0 =	rddreg [dreg:$0x3]  }
0x6: {  	[smem:$0x7FF] =	sst s4;
	s15 =	smul.u32 $0xA000, s1;
	s19 =	sadd.s32 $0x30A00, s6  }
0x7: {  	s20 =	sadd.s32 $0x58A00, s6;
	s5 =	sshll.u32 s11, $0x4;
	_ =	strace $0x80000047  }
0x8: {  	s29 =	ssub.s32 $0x2, s11;
	s18 =	smul.u32 $0xA0000, s11;
	s14 =	sor.u32 s1, s5  }
0x9: {  	s5 =	sadd.s32 $0x9800, s6;
	s30 =	sshrl.u32 s29, $0x1;
	s16 =	sadd.s32 $0x4000, s15  }
0xa: {  	s17 =	sadd.s32 $0x8000, s15;
	s7 =	smul.u32 $0x180, s14;
	s21 =	ssub.s32 s29, s30  }
0xb: {  	s8 =	sadd.s32 s16, s2;
	s9 =	sadd.s32 s16, s3;
	s10 =	sadd.s32 s17, s2  }
0xc: {  	p0 =	slt.u32 s14, $0x11;
	s14 =	simm.s32 $0x14;
	s16 =	sadd.s32 s18, s16  }
0xd: {  	s11 =	sadd.s32 s17, s3;
	s14 =	simm.s32 @!p0 $0x13;
	s23 =	sshrl.u32 s16, $0x3  }
0xe: {  	s21 =	smax.u32 s21, $0x1;
	s13 =	sadd.s32 s7, s6;
	s6 =	sadd.s32 s15, s2  }
0xf: {  	s7 =	sadd.s32 s15, s3;
	s15 =	sadd.s32 s15, s18;
	s18 =	sadd.s32 s18, s17  }
0x10: {  	s17 =	sadd.s32 s19, s23;
	s12 =	sadd.s32 $0x3800, s13;
	s13 =	sadd.s32 $0x6800, s13  }
0x11: {  	s22 =	sshrl.u32 s15, $0x3;
	s31 =	sshrl.u32 s18, $0x3;
	s18 =	sadd.s32 s20, s23  }
0x12: {  	s23 =	simm.s32 $0x2;
	s15 =	sadd.s32 s19, s22;
	s16 =	sadd.s32 s20, s22  }
0x13: {  	v0 =	vimm.f32 $0.0e+00;
	v1 =	vimm.f32 $1.000000000e+00;
	s19 =	sadd.s32 s19, s31;
	s20 =	sadd.s32 s20, s31;
	s22 =	simm.s32 $0x1800  }
.LBB2_1:
0x14: {  	s28 =	simm.s32 $0x0;
	s29 =	simm.s32 $0x200  }
.LBB2_2:
0x15: {  	p0 =	sne.s32 s29, $0xFE00;
	[tilespmem:s28+$0x5870] =	vst v1  }
0x16: {  	[tilespmem:s28+$0x1800] =	vst v0  }
0x17: {  	[tilespmem:s28+$0x5800] =	vst v1  }
0x18: {  	[tilespmem:s28+$0x1810] =	vst v0  }
0x19: {  	[tilespmem:s28+$0x5810] =	vst v1  }
0x1a: {  	[tilespmem:s28+$0x1820] =	vst v0  }
0x1b: {  	[tilespmem:s28+$0x5820] =	vst v1  }
0x1c: {  	[tilespmem:s28+$0x1830] =	vst v0  }
0x1d: {  	[tilespmem:s28+$0x5830] =	vst v1  }
0x1e: {  	[tilespmem:s28+$0x1840] =	vst v0  }
0x1f: {  	[tilespmem:s28+$0x5840] =	vst v1  }
.Ltmp0:
0x20: {  	[tilespmem:s28+$0x1850] =	vst v0;
	(pc) =	sbr.rel @p0 .LBB2_2-.Ltmp0, $4  }
0x21: {  	[tilespmem:s28+$0x5850] =	vst v1  }
0x22: {  	[tilespmem:s28+$0x1860] =	vst v0  }
0x23: {  	[tilespmem:s28+$0x5860] =	vst v1  }
0x24: {  	[tilespmem:s28+$0x1870] =	vst v0;
	s28 =	sshra.s32 s29, $0x2;
	s29 =	sadd.s32 $0x200, s29  }
0x25: {  	[tilespmem:s28+$0x5870] =	vst v1  }
0x26: {  	[tilespmem:s28+$0x1800] =	vst v0  }
0x27: {  	[tilespmem:s28+$0x5800] =	vst v1  }
0x28: {  	[tilespmem:s28+$0x1810] =	vst v0  }
0x29: {  	[tilespmem:s28+$0x5810] =	vst v1  }
0x2a: {  	[tilespmem:s28+$0x1820] =	vst v0  }
0x2b: {  	[tilespmem:s28+$0x5820] =	vst v1  }
0x2c: {  	[tilespmem:s28+$0x1830] =	vst v0  }
0x2d: {  	[tilespmem:s28+$0x5830] =	vst v1  }
0x2e: {  	[tilespmem:s28+$0x1840] =	vst v0  }
0x2f: {  	[tilespmem:s28+$0x5840] =	vst v1  }
0x30: {  	[tilespmem:s28+$0x1850] =	vst v0  }
0x31: {  	[tilespmem:s28+$0x5850] =	vst v1  }
0x32: {  	[tilespmem:s28+$0x1860] =	vst v0  }
0x33: {  	[tilespmem:s28+$0x5860] =	vst v1  }
0x34: {  	[tilespmem:s28+$0x1870] =	vst v0  }
0x35: {  	[spmem:s6] =	stream.linear.scatter [tilespmem:s22], [sflag:$0x2], $0x4000, $0x38;
	[tilespmem:$0x1D800] =	vst v63  }
0x36: {  	_ =	swait.ge [sflag:s23], $0x4000  }
0x37: {  	[sflag:s23] =	ssyncset.done $0x0  }
0x38: {  	[sflag:s23] =	ssyncadd.s32 $0xFFFFC000  }
0x39: {  	[spmem:s7] =	stream.linear.scatter [tilespmem:s22], [sflag:$0x2], $0x4000, $0x38;
	[tilespmem:$0x1D800] =	vst v63  }
0x3a: {  	_ =	swait.ge [sflag:s23], $0x4000  }
0x3b: {  	[sflag:s23] =	ssyncset.done $0x0  }
0x3c: {  	[sflag:s23] =	ssyncadd.s32 $0xFFFFC000  }
0x3d: {  	[spmem:s8] =	stream.linear.scatter [tilespmem:s22], [sflag:$0x2], $0x4000, $0x38;
	[tilespmem:$0x1D800] =	vst v63  }
0x3e: {  	_ =	swait.ge [sflag:s23], $0x4000  }
0x3f: {  	[sflag:s23] =	ssyncset.done $0x0  }
0x40: {  	[sflag:s23] =	ssyncadd.s32 $0xFFFFC000  }
0x41: {  	[spmem:s9] =	stream.linear.scatter [tilespmem:s22], [sflag:$0x2], $0x4000, $0x38;
	[tilespmem:$0x1D800] =	vst v63  }
0x42: {  	_ =	swait.ge [sflag:s23], $0x4000  }
0x43: {  	[sflag:s23] =	ssyncset.done $0x0  }
0x44: {  	[sflag:s23] =	ssyncadd.s32 $0xFFFFC000  }
0x45: {  	[spmem:s10] =	stream.linear.scatter [tilespmem:s22], [sflag:$0x2], $0x2000, $0x38;
	[tilespmem:$0x1D800] =	vst v63  }
0x46: {  	_ =	swait.ge [sflag:s23], $0x2000  }
0x47: {  	[sflag:s23] =	ssyncset.done $0x0  }
0x48: {  	[sflag:s23] =	ssyncadd.s32 $0xFFFFE000  }
0x49: {  	[spmem:s11] =	stream.linear.scatter [tilespmem:s22], [sflag:$0x2], $0x2000, $0x38;
	[tilespmem:$0x1D800] =	vst v63  }
0x4a: {  	_ =	swait.ge [sflag:s23], $0x2000  }
0x4b: {  	[sflag:s23] =	ssyncset.done $0x0  }
0x4c: {  	s28 =	simm.s32 $0x0;
	[sflag:s23] =	ssyncadd.s32 $0xFFFFE000  }
0x4d: {  	[tilespmem:s28], [sflag:$0x2] =	stream.linear.gather [hbm4b:s12+s28], $0xC00, $0x38;
	[tilespmem:$0x1D800] =	vst v63  }
0x4e: {  	_ =	swait.ge [sflag:s23], $0xC00  }
0x4f: {  	[sflag:s23] =	ssyncset.done $0x0  }
0x50: {  	s29 =	simm.s32 $0xC00;
	[sflag:s23] =	ssyncadd.s32 $0xFFFFF400  }
0x51: {  	[tilespmem:s29], [sflag:$0x2] =	stream.linear.gather [hbm4b:s13+s28], $0xC00, $0x38;
	[tilespmem:$0x1D800] =	vst v63  }
0x52: {  	_ =	swait.ge [sflag:s23], $0xC00  }
0x53: {  	[sflag:s23] =	ssyncset.done $0x0  }
0x54: {  	[sflag:s23] =	ssyncadd.s32 $0xFFFFF400  }
0x55: {  	[bflag:$0x0] =	sbarrier.arrive $0xFFFF  }
0x56: {  	[tilespmem:s22], [sflag:$0x1] =	stream.indirect.gather [hbm4b:s5+s24], $0x80, s28, s24, $0xb8;
	[tilespmem:$0x1D800] =	vst v63  }
0x57: {  	_ = 	snop  }
0x58: {  	[spmem:s3] =	stream.indirect.scatter.add.f32 [tilespmem:s25], [sflag:$0x2], $0x80, s29, s24, $0xb8;
	[tilespmem:$0x1D800] =	vst v63  }
0x59: {  	_ =	swait.ge [sflag:s23], $0x4000  }
0x5a: {  	[sflag:s23] =	ssyncset.done $0x0  }
0x5b: {  	[sflag:s23] =	ssyncadd.s32 $0xFFFFC000  }
0x5c: {  	p0 =	sne.s32 s14, $0x1;
	_ =	swait.ge [sflag:s26], $0x4000  }
.Ltmp1:
0x5d: {  	[sflag:s26] =	ssyncset.done $0x0;
	(pc) =	sbr.rel @!p0 .LBB2_5-.Ltmp1, $4  }
0x5e: {  	[sflag:s26] =	ssyncadd.s32 $0xFFFFC000  }
0x5f: {  	[spmem:s2] =	stream.indirect.scatter.add.f32 [tilespmem:s22], [sflag:$0x2], $0x80, s29, s24, $0xb8;
	[tilespmem:$0x1D800] =	vst v63  }
0x60: {  	_ =	swait.ge [sflag:s23], $0x4000  }
0x61: {  	s30 =	sadd.s32 $0xFFFFFFFF, s14;
	[sflag:s23] =	ssyncset.done $0x0  }
.LBB2_4:
0x62: {  	[sflag:s23] =	ssyncadd.s32 $0xFFFFC000;
	s28 =	sadd.s32 $0x80, s28;
	s29 =	sadd.s32 $0x80, s29  }
0x63: {  	[tilespmem:s22], [sflag:$0x1] =	stream.indirect.gather [hbm4b:s5+s24], $0x80, s28, s24, $0xb8;
	[tilespmem:$0x1D800] =	vst v63  }
0x64: {  	p0 =	sne.s32 s30, $0x1;
	s30 =	sadd.s32 $0xFFFFFFFF, s30  }
0x65: {  	[spmem:s3] =	stream.indirect.scatter.add.f32 [tilespmem:s25], [sflag:$0x2], $0x80, s29, s24, $0xb8;
	[tilespmem:$0x1D800] =	vst v63  }
0x66: {  	_ =	swait.ge [sflag:s23], $0x4000  }
0x67: {  	[sflag:s23] =	ssyncset.done $0x0  }
0x68: {  	[sflag:s23] =	ssyncadd.s32 $0xFFFFC000  }
0x69: {  	_ =	swait.ge [sflag:s26], $0x4000  }
.Ltmp2:
0x6a: {  	[sflag:s26] =	ssyncset.done $0x0;
	(pc) =	sbr.rel @p0 .LBB2_4-.Ltmp2, $4  }
0x6b: {  	[sflag:s26] =	ssyncadd.s32 $0xFFFFC000  }
0x6c: {  	[spmem:s2] =	stream.indirect.scatter.add.f32 [tilespmem:s22], [sflag:$0x2], $0x80, s29, s24, $0xb8;
	[tilespmem:$0x1D800] =	vst v63  }
0x6d: {  	_ =	swait.ge [sflag:s23], $0x4000  }
0x6e: {  	[sflag:s23] =	ssyncset.done $0x0  }
.LBB2_5:
0x6f: {  	[sflag:s23] =	ssyncadd.s32 $0xFFFFC000;
	s28 =	sshll.u32 s1, $0x6  }
0x70: {  	s29 =	sshrl.u32 s6, $0x3;
	[bflag:$0x0] =	sbarrier.arrive $0xFFFF;
	s28 =	sor.u32 $0x1C02, s28  }
0x71: {  	[hbm:s15], [sflag:s28] =	dma.local [spmem:s29], $0x800  }
0x72: {  	_ =	swait.ge [sflag:s23], $0x800  }
0x73: {  	[sflag:s23] =	ssyncset.done $0x0  }
0x74: {  	s31 =	sshrl.u32 s7, $0x3;
	[sflag:s23] =	ssyncadd.s32 $0xFFFFF800  }
0x75: {  	[hbm:s16], [sflag:s28] =	dma.local [spmem:s31], $0x800  }
0x76: {  	_ =	swait.ge [sflag:s23], $0x800  }
0x77: {  	[sflag:s23] =	ssyncset.done $0x0  }
0x78: {  	s30 =	sshrl.u32 s8, $0x3;
	[sflag:s23] =	ssyncadd.s32 $0xFFFFF800  }
0x79: {  	[hbm:s17], [sflag:s28] =	dma.local [spmem:s30], $0x800  }
0x7a: {  	_ =	swait.ge [sflag:s23], $0x800  }
0x7b: {  	[sflag:s23] =	ssyncset.done $0x0  }
0x7c: {  	s31 =	sshrl.u32 s9, $0x3;
	[sflag:s23] =	ssyncadd.s32 $0xFFFFF800  }
0x7d: {  	[hbm:s18], [sflag:s28] =	dma.local [spmem:s31], $0x800  }
0x7e: {  	_ =	swait.ge [sflag:s23], $0x800  }
0x7f: {  	[sflag:s23] =	ssyncset.done $0x0  }
0x80: {  	s30 =	sshrl.u32 s10, $0x3;
	[sflag:s23] =	ssyncadd.s32 $0xFFFFF800  }
0x81: {  	[hbm:s19], [sflag:s28] =	dma.local [spmem:s30], $0x400  }
0x82: {  	s4 =	sadd.s32 $0x1, s4;
	_ =	swait.ge [sflag:s23], $0x400  }
0x83: {  	p0 =	sne.s32 s4, s21;
	[sflag:s23] =	ssyncset.done $0x0  }
.Ltmp3:
0x84: {  	s31 =	sshrl.u32 s11, $0x3;
	[sflag:s23] =	ssyncadd.s32 $0xFFFFFC00;
	(pc) =	sbr.rel @p0 .LBB2_1-.Ltmp3, $4  }
0x85: {  	[hbm:s20], [sflag:s28] =	dma.local [spmem:s31], $0x400  }
0x86: {  	_ =	swait.ge [sflag:s23], $0x400  }
0x87: {  	[sflag:s23] =	ssyncset.done $0x0  }
0x88: {  	[sflag:s23] =	ssyncadd.s32 $0xFFFFFC00  }
0x89: {  	_ =	sfence.sel $0x180000  }
0x8a: {  	[bflag:$0x0] =	sbarrier.arrive $0xFFFF  }
0x8b: {  	p0 =	sne.s32 s1, $0x0;
	_ =	strace $0x90000047  }
0x8c: {  	s0 =	sadd.s32 @!p0 $0x100000, s0;
	[bflag:$0x2] =	sbarrier.arrive $0xFFFF  }
0x8d: {  	[sflag:s0] =	ssyncadd.tile.s32 @!p0 $0x1;
	_ =	shalt  }
.Lfunc_end2:
_tile_overlayer_lowered:
.L_overlay_start_2:
0x8e: {  	(tag) =	ssettag $0x2  }
0x8f: {  	s0 =	rddreg [dreg:$0x0];
	s2 =	stileid.u32  }
0x90: {  	s1 =	rddreg [dreg:$0x1];
	p0 =	sne.s32 s2, $0x0  }
0x91: {  	s3 =	rddreg [dreg:$0x2];
	[bflag:$0x3] =	sbarrier.arrive $0xFFFF;
	s2 =	simm.s32 @!p0 $0x1C02  }
0x92: {  	[timem:s3], [sflag:s2] =	dma.local @!p0 [hbm:s0], s1  }
0x93: {  	s0 =	simm.s32 @!p0 $0x2  }
0x94: {  	_ =	swait.ge @!p0 [sflag:s0], s1  }
0x95: {  	s1 =	ssub.s32 @!p0 $0x0, s1;
	[sflag:s0] =	ssyncset.done @!p0 $0x0  }
0x96: {  	[sflag:s0] =	ssyncadd.s32 @!p0 s1  }
0x97: {  	[bflag:$0x3] =	sbarrier.arrive $0xFFFF  }
0x98: {  	_ =	shalt  }

// kernel: kernel.13.cloned.1.call-start
scs
__scs_entry_jumppad:
0x0: {  	(pc) =	sbr.rel $0x88, $3  }
0x1: {  	(tag) =	ssettag $0x0;
	lr =	simm.s32 $0x1  }
0x2: {  	[smem:$0x3F88] =	sst lr;
	_ =	strace $0xD0000000  }
0x3: {  	_ = 	snop  }
0x4: {  	_ = 	snop  }
0x5: {  	_ = 	snop  }
0x6: {  	_ = 	snop  }
0x7: {  	_ = 	snop  }
__scs_overlays_trampoline_lowered:
0x8: {  	[smem:$0x3F97] =	sst s0  }
0x9: {  	[smem:$0x3F98] =	sst s1  }
0xa: {  	[smem:$0x3F99] =	sst s2  }
0xb: {  	[smem:$0x3F9A] =	sst s3  }
0xc: {  	[smem:$0x3F9B] =	sst s4  }
0xd: {  	[smem:$0x3F9C] =	sst s5  }
0xe: {  	[smem:$0x3F9D] =	sst s6  }
0xf: {  	[smem:$0x3F9E] =	sst s7  }
0x10: {  	[smem:$0x3F9F] =	sst s8  }
0x11: {  	[smem:$0x3FA0] =	sst s9;
	s0 =	simm.s32 @!p0 $0x0  }
0x12: {  	s1 =	sld [smem:$0x3F86];
	s0 =	simm.s32 @p0 $0x1  }
0x13: {  	[smem:$0x3FA1] =	sst s0;
	s0 =	simm.s32 @!p1 $0x0  }
0x14: {  	s2 =	sld [smem:$0x3F85];
	s0 =	simm.s32 @p1 $0x1  }
0x15: {  	[smem:$0x3FA2] =	sst s0;
	s0 =	simm.s32 @!p2 $0x0  }
0x16: {  	s3 =	sld [smem:$0x3FDB];
	s0 =	simm.s32 @p2 $0x1  }
0x17: {  	s4 =	simm.s32 $0x1BF5;
	[smem:$0x3FA4] =	sst s0  }
0x18: {  	s0 =	sld [smem:$0x3F87];
	_ =	swait.ge [sflag:s4], $0x0  }
0x19: {  	s7 =	sld [smem:$0x3F88]  }
0x1a: {  	s8 =	sadd.s32 $0xFFFFE003, lr  }
0x1b: {  	s9 =	sadd.s32 $0xFFFFFEF7, lr;
	s5 =	simm.s32 $0xFFFFFFFF;
	p2 =	slt.u32 s8, $0xFFFFF086  }
0x1c: {  	p1 =	slt.u32 s9, $0xF7A;
	s5 =	simm.s32 @!p2 $0x0  }
0x1d: {  	s5 =	simm.s32 @p1 $0x1;
	p0 =	seq.s32 s7, s2  }
0x1e: {  	s7 =	smul.u32 @!p0 $0xF7A, s2;
	p2 =	seq.s32 @!p0 s5, $0x0  }
0x1f: {  	s9 =	smul.u32 $0xF7A, s1;
	s8 =	simm.s32 @!p0 $0x1BF5;
	p2 =	por !p2, p0  }
0x20: {  	[sflag:s8] =	ssyncset.s32 @!p0 $0xFFFFF086;
	s6 =	sadd.s32 @!p0 s3, s7;
	s7 =	simm.s32 @!p0 $0x108  }
0x21: {  	s3 =	sadd.s32 s3, s9;
	s6 =	sadd.s32 @!p0 $0x88, s6;
	s7 =	simm.s32 @p2 $0x1082  }
0x22: {  	[simem:s7], [sflag:s8] =	dma.local @!p0 [hbm:s6], $0xF7A  }
0x23: {  	s9 =	sor.u32 $0xD0000000, s2;
	s6 =	simm.s32 $0x108;
	_ =	swait.ge @!p0 [sflag:s8], $0x0  }
0x24: {  	s3 =	sadd.s32 $0x88, s3;
	s6 =	simm.s32 @!p1 $0x1082;
	[sflag:s4] =	ssyncset.s32 $0xFFFFF086  }
0x25: {  	[simem:s6], [sflag:s4] =	dma.local [hbm:s3], $0xF7A  }
0x26: {  	[smem:$0x3F88] =	sst s1;
	(tag) =	ssettag s2;
	_ =	strace s9  }
0x27: {  	s1 =	sld [smem:$0x3F98]  }
0x28: {  	s2 =	sld [smem:$0x3F99]  }
0x29: {  	s4 =	sld [smem:$0x3F9B]  }
0x2a: {  	p0 =	seq.s32 s5, $0x0;
	s5 =	sld [smem:$0x3F9C]  }
0x2b: {  	s6 =	sld [smem:$0x3F9D]  }
0x2c: {  	s7 =	sld [smem:$0x3F9E]  }
0x2d: {  	s3 =	simm.s32 $0x108;
	s8 =	sld [smem:$0x3F9F]  }
0x2e: {  	s3 =	simm.s32 @!p0 $0x1082;
	s9 =	sld [smem:$0x3FA0]  }
0x2f: {  	lr =	sadd.s32 s0, s3;
	s0 =	sld [smem:$0x3F97]  }
0x30: {  	s3 =	sld [smem:$0x3F9A]  }
0x31: {  	[smem:$0x3FA3] =	sst s10  }
0x32: {  	s10 =	sld [smem:$0x3FA1];
	_ =	sdelay $0x3  }
0x33: {  	p0 =	seq.s32 s10, $0x1;
	s10 =	sld [smem:$0x3FA3];
	_ =	sdelay $0x3  }
0x34: {  	[smem:$0x3FA3] =	sst s10  }
0x35: {  	s10 =	sld [smem:$0x3FA2];
	_ =	sdelay $0x3  }
0x36: {  	p1 =	seq.s32 s10, $0x1;
	s10 =	sld [smem:$0x3FA3];
	_ =	sdelay $0x3  }
0x37: {  	[smem:$0x3FA3] =	sst s10  }
0x38: {  	s10 =	sld [smem:$0x3FA4]  }
0x39: {  	_ = 	snop;
	(pc) =	sbr.ind lr, $3  }
0x3a: {  	_ = 	snop  }
0x3b: {  	_ = 	snop  }
0x3c: {  	p2 =	seq.s32 s10, $0x1;
	s10 =	sld [smem:$0x3FA3]  }
0x3d: {  	_ =	shalt  }
0x3e: {  	_ =	shalt  }
0x3f: {  	_ =	shalt  }
0x40: {  	_ =	shalt  }
0x41: {  	_ =	shalt  }
0x42: {  	_ =	shalt  }
0x43: {  	_ =	shalt  }
0x44: {  	_ =	shalt  }
0x45: {  	_ =	shalt  }
0x46: {  	_ =	shalt  }
0x47: {  	_ =	shalt  }
0x48: {  	_ =	shalt  }
0x49: {  	_ =	shalt  }
0x4a: {  	_ =	shalt  }
0x4b: {  	_ =	shalt  }
0x4c: {  	_ =	shalt  }
0x4d: {  	_ =	shalt  }
0x4e: {  	_ =	shalt  }
0x4f: {  	_ =	shalt  }
0x50: {  	_ =	shalt  }
0x51: {  	_ =	shalt  }
0x52: {  	_ =	shalt  }
0x53: {  	_ =	shalt  }
0x54: {  	_ =	shalt  }
0x55: {  	_ =	shalt  }
0x56: {  	_ =	shalt  }
0x57: {  	_ =	shalt  }
0x58: {  	_ =	shalt  }
0x59: {  	_ =	shalt  }
0x5a: {  	_ =	shalt  }
0x5b: {  	_ =	shalt  }
0x5c: {  	_ =	shalt  }
0x5d: {  	_ =	shalt  }
0x5e: {  	_ =	shalt  }
0x5f: {  	_ =	shalt  }
0x60: {  	_ =	shalt  }
0x61: {  	_ =	shalt  }
0x62: {  	_ =	shalt  }
0x63: {  	_ =	shalt  }
0x64: {  	_ =	shalt  }
0x65: {  	_ =	shalt  }
0x66: {  	_ =	shalt  }
0x67: {  	_ =	shalt  }
0x68: {  	_ =	shalt  }
0x69: {  	_ =	shalt  }
0x6a: {  	_ =	shalt  }
0x6b: {  	_ =	shalt  }
0x6c: {  	_ =	shalt  }
0x6d: {  	_ =	shalt  }
0x6e: {  	_ =	shalt  }
0x6f: {  	_ =	shalt  }
0x70: {  	_ =	shalt  }
0x71: {  	_ =	shalt  }
0x72: {  	_ =	shalt  }
0x73: {  	_ =	shalt  }
0x74: {  	_ =	shalt  }
0x75: {  	_ =	shalt  }
0x76: {  	_ =	shalt  }
0x77: {  	_ =	shalt  }
0x78: {  	_ =	shalt  }
0x79: {  	_ =	shalt  }
0x7a: {  	_ =	shalt  }
0x7b: {  	_ =	shalt  }
0x7c: {  	_ =	shalt  }
0x7d: {  	_ =	shalt  }
0x7e: {  	_ =	shalt  }
0x7f: {  	_ =	shalt  }
0x80: {  	_ =	shalt  }
0x81: {  	_ =	shalt  }
0x82: {  	_ =	shalt  }
0x83: {  	_ =	shalt  }
0x84: {  	_ =	shalt  }
0x85: {  	_ =	shalt  }
0x86: {  	_ =	shalt  }
0x87: {  	_ =	shalt  }
.Lfunc_end0:
.L_simem_size_0:
called_computation.1_lowered:
.L_overlay_start_0:
0x88: {  	s2 =	sld [smem:$0x3FD9]  }
0x89: {  	s3 =	sld [smem:$0x3FFE];
	_ =	sdelay $0x1  }
0x8a: {  	s1 =	srdreg.scid  }
0x8b: {  	s0 =	sand.u32 $0x1, s1  }
0x8c: {  	s17 =	sshll.u32 s0, $0xA;
	s2 =	sadd.s32 s3, s2  }
0x8d: {  	s2 =	sadd.s32 s2, s17  }
0x8e: {  	[smem:$0x3FAF] =	sst s2  }
0x8f: {  	_ = 	snop  }
0x90: {  	(tm) =	ssettm $0x1  }
0x91: {  	s18 =	sld [smem:$0x3FFB];
	_ =	sdelay $0x3  }
0x92: {  	_ =	strace s18  }
0x93: {  	s2 =	sld [smem:$0x3FFC];
	_ =	sdelay $0x3  }
0x94: {  	_ =	strace s2  }
0x95: {  	s2 =	sld [smem:$0x3FFD];
	_ =	sdelay $0x3  }
0x96: {  	_ =	strace s2  }
0x97: {  	_ =	strace $0x8FFFFFFF  }
0x98: {  	s19 =	sld [smem:$0x3FDB];
	_ =	sdelay $0x1  }
0x99: {  	s20 =	simm.s32 $_scs_section_size  }
0x9a: {  	s4 =	simm.s32 $_size__tile_overlayer_lowered;
	s5 =	simm.s32 $_tile_overlayer_lowered  }
0x9b: {  	s6 =	simm.s32 $0x1BFF;
	s21 =	sshll.u32 s5, $0x1;
	s3 =	sadd.s32 s20, s19  }
0x9c: {  	s22 =	simm.s32 $0x0;
	s4 =	sshll.u32 s4, $0x1;
	s5 =	sadd.s32 s21, s3  }
0x9d: {  	[timem:s22], [sflag:s6] =	dma.local [hbm:s5], s4  }
0x9e: {  	_ =	swait.ge [sflag:s6], s4  }
0x9f: {  	s4 =	ssub.s32 $0x0, s4;
	[sflag:s6] =	ssyncset.done $0x0  }
0xa0: {  	[sflag:s6] =	ssyncadd.s32 s4;
	_ =	sdelay $0x1  }
0xa1: {  	s23 =	simm.s32 $0x1B8B  }
0xa2: {  	_ =	swait.ge [sflag:s23], $0x1  }
0xa3: {  	[sflag:s23] =	ssyncset.done $0x0  }
0xa4: {  	[sflag:s23] =	ssyncadd.s32 $0xFFFFFFFF  }
0xa5: {  	s4 =	sld [smem:$0x0]  }
0xa6: {  	s5 =	sand.u32 $0xFFFFFFFE, s1  }
0xa7: {  	p0 =	sne.s32 s1, s5  }
0xa8: {  	s5 =	sshll.u32 @p0 s5, $0xE  }
0xa9: {  	s5 =	sadd.s32 @p0 $0x11B8D, s5;
	s6 =	sshll.u32 @p0 s4, $0x11  }
0xaa: {  	s5 =	sor.u32 @p0 s6, s5  }
0xab: {  	[sflag:s5] =	ssyncadd.remote.s32 @p0 $0x1;
	_ =	sdelay $0x1  }
0xac: {  	s5 =	simm.s32 @p0 $0x1B8D  }
0xad: {  	_ =	swait.eq @p0 [sflag:s5], $0x1  }
0xae: {  	[sflag:s5] =	ssyncadd.s32 @p0 $0xFFFFFFFF  }
0xaf: {  	s6 =	sshll.u32 @!p0 s1, $0xE  }
0xb0: {  	s6 =	sor.u32 @!p0 $0x4000, s6;
	s5 =	simm.s32 @!p0 $0x1B8D  }
0xb1: {  	s4 =	sshll.u32 @!p0 s4, $0x11;
	s6 =	sadd.s32 @!p0 $0x11B8D, s6;
	_ =	swait.eq @!p0 [sflag:s5], $0x1  }
0xb2: {  	s4 =	sor.u32 @!p0 s4, s6;
	[sflag:s5] =	ssyncadd.s32 @!p0 $0xFFFFFFFF  }
0xb3: {  	s25 =	simm.s32 $0x1B8E;
	s24 =	sld [smem:$0x3FFE];
	[sflag:s4] =	ssyncadd.remote.s32 @!p0 $0x1  }
0xb4: {  	s26 =	simm.s32 $execute0_lowered;
	[smem:$0x3FD2] =	sst s25  }
0xb5: {  	s5 =	sshll.u32 s26, $0x1;
	_ =	strace $0x80000049;
	[dreg:$0x1] =	wrdreg $0xFFFFFFFF  }
0xb6: {  	s28 =	simm.s32 $_size_execute0_lowered;
	s3 =	sadd.s32 s3, s5;
	[dreg:$0x0] =	wrdreg $0x0  }
0xb7: {  	s5 =	sshll.u32 s28, $0x1;
	[dreg:$0x2] =	wrdreg s3  }
0xb8: {  	[dreg:$0x3] =	wrdreg s5  }
0xb9: {  	[dreg:$0x4] =	wrdreg $0xC0  }
0xba: {  	_ =	task [dreg:s22], $0x5FFFF  }
0xbb: {  	[dreg:$0x1] =	wrdreg $0xFFFFFFFF  }
0xbc: {  	[dreg:$0x0] =	wrdreg $0x60  }
0xbd: {  	[dreg:$0x2] =	wrdreg s24  }
0xbe: {  	[dreg:$0x3] =	wrdreg $0x98000  }
0xbf: {  	[dreg:$0x4] =	wrdreg $0x138000  }
0xc0: {  	[dreg:$0x5] =	wrdreg $0xB  }
0xc1: {  	_ =	task.clear_ibuf [dreg:s22], $0x6FFFF;
	_ =	strace $0x90000049  }
0xc2: {  	s29 =	simm.s32 $0xB;
	_ =	strace $0x8000004B  }
0xc3: {  	_ =	swait.ge [sflag:s29], $0x1  }
0xc4: {  	[sflag:s29] =	ssyncadd.s32 $0xFFFFFFFF  }
0xc5: {  	_ =	strace $0x9000004B  }
0xc6: {  	_ =	sfence  }
0xc7: {  	s30 =	sld [smem:$0x0];
	_ =	sdelay $0x2  }
0xc8: {  	s31 =	sshll.u32 s1, $0xD;
	s1 =	sshrl.u32 s1, $0x2  }
0xc9: {  	s4 =	sand.u32 $0x4000, s31;
	s1 =	sadd.s32 s1, s30  }
0xca: {  	s0 =	sor.u32 s4, s0;
	s1 =	sshll.u32 s1, $0x11  }
0xcb: {  	s0 =	sor.u32 s1, s0  }
0xcc: {  	s0 =	sadd.s32 $0x8F2B, s0  }
0xcd: {  	[sflag:s0] =	ssyncadd.remote.s32 $0x1  }
0xce: {  	_ =	sfence.sel $0xFFFF  }
0xcf: {  	[dreg:$0x0] =	wrdreg $0xFFFFFFFF;
	(pc) =	sbr.abs _section_cstart, $3  }
0xd0: {  	[dreg:$0x1] =	wrdreg $0xFFFFFFFF  }
0xd1: {  	_ =	task.clear_ibuf [dreg:s22], $0x2FFFF;
	_ =	strace $0x9FFFFFFF  }
0xd2: {  	(tm) =	ssettm $0x7FFFFFFF  }
0xd3: {  	_ =	shalt  }
tec
execute0_lowered:
.L_overlay_start_1:
0x0: {  	(tag) =	ssettag $0x1  }
0x1: {  	s6 =	rddreg [dreg:$0x0]  }
0x2: {  	s0 =	srdreg.scid;
	s2 =	rddreg [dreg:$0x1]  }
0x3: {  	s3 =	rddreg [dreg:$0x2];
	s1 =	stileid.u32  }
0x4: {  	s4 =	simm.s32 $0x0;
	s24 =	simm.s32 $0x80;
	s25 =	simm.s32 $0x5800  }
0x5: {  	s26 =	simm.s32 $0x1;
	s11 =	sand.u32 $0x1, s0;
	s0 =	rddreg [dreg:$0x3]  }
0x6: {  	[smem:$0x7FF] =	sst s4;
	s15 =	smul.u32 $0xA000, s1;
	s19 =	sadd.s32 $0x86A00, s6  }
0x7: {  	s20 =	sadd.s32 $0xAEA00, s6;
	s5 =	sshll.u32 s11, $0x4;
	_ =	strace $0x8000004A  }
0x8: {  	s29 =	ssub.s32 $0x2, s11;
	s18 =	smul.u32 $0xA0000, s11;
	s14 =	sor.u32 s1, s5  }
0x9: {  	s5 =	sadd.s32 $0x9800, s6;
	s30 =	sshrl.u32 s29, $0x1;
	s16 =	sadd.s32 $0x4000, s15  }
0xa: {  	s17 =	sadd.s32 $0x8000, s15;
	s7 =	smul.u32 $0x180, s14;
	s21 =	ssub.s32 s29, s30  }
0xb: {  	s8 =	sadd.s32 s16, s2;
	s9 =	sadd.s32 s16, s3;
	s10 =	sadd.s32 s17, s2  }
0xc: {  	p0 =	slt.u32 s14, $0x11;
	s14 =	simm.s32 $0x14;
	s16 =	sadd.s32 s18, s16  }
0xd: {  	s11 =	sadd.s32 s17, s3;
	s14 =	simm.s32 @!p0 $0x13;
	s23 =	sshrl.u32 s16, $0x3  }
0xe: {  	s21 =	smax.u32 s21, $0x1;
	s13 =	sadd.s32 s7, s6;
	s6 =	sadd.s32 s15, s2  }
0xf: {  	s7 =	sadd.s32 s15, s3;
	s15 =	sadd.s32 s15, s18;
	s18 =	sadd.s32 s18, s17  }
0x10: {  	s17 =	sadd.s32 s19, s23;
	s12 =	sadd.s32 $0x80A00, s13;
	s13 =	sadd.s32 $0x83A00, s13  }
0x11: {  	s22 =	sshrl.u32 s15, $0x3;
	s31 =	sshrl.u32 s18, $0x3;
	s18 =	sadd.s32 s20, s23  }
0x12: {  	s23 =	simm.s32 $0x2;
	s15 =	sadd.s32 s19, s22;
	s16 =	sadd.s32 s20, s22  }
0x13: {  	v0 =	vimm.f32 $0.0e+00;
	v1 =	vimm.f32 $1.000000000e+00;
	s19 =	sadd.s32 s19, s31;
	s20 =	sadd.s32 s20, s31;
	s22 =	simm.s32 $0x1800  }
.LBB2_1:
0x14: {  	s28 =	simm.s32 $0x0;
	s29 =	simm.s32 $0x200  }
.LBB2_2:
0x15: {  	p0 =	sne.s32 s29, $0xFE00;
	[tilespmem:s28+$0x5870] =	vst v1  }
0x16: {  	[tilespmem:s28+$0x1800] =	vst v0  }
0x17: {  	[tilespmem:s28+$0x5800] =	vst v1  }
0x18: {  	[tilespmem:s28+$0x1810] =	vst v0  }
0x19: {  	[tilespmem:s28+$0x5810] =	vst v1  }
0x1a: {  	[tilespmem:s28+$0x1820] =	vst v0  }
0x1b: {  	[tilespmem:s28+$0x5820] =	vst v1  }
0x1c: {  	[tilespmem:s28+$0x1830] =	vst v0  }
0x1d: {  	[tilespmem:s28+$0x5830] =	vst v1  }
0x1e: {  	[tilespmem:s28+$0x1840] =	vst v0  }
0x1f: {  	[tilespmem:s28+$0x5840] =	vst v1  }
.Ltmp0:
0x20: {  	[tilespmem:s28+$0x1850] =	vst v0;
	(pc) =	sbr.rel @p0 .LBB2_2-.Ltmp0, $4  }
0x21: {  	[tilespmem:s28+$0x5850] =	vst v1  }
0x22: {  	[tilespmem:s28+$0x1860] =	vst v0  }
0x23: {  	[tilespmem:s28+$0x5860] =	vst v1  }
0x24: {  	[tilespmem:s28+$0x1870] =	vst v0;
	s28 =	sshra.s32 s29, $0x2;
	s29 =	sadd.s32 $0x200, s29  }
0x25: {  	[tilespmem:s28+$0x5870] =	vst v1  }
0x26: {  	[tilespmem:s28+$0x1800] =	vst v0  }
0x27: {  	[tilespmem:s28+$0x5800] =	vst v1  }
0x28: {  	[tilespmem:s28+$0x1810] =	vst v0  }
0x29: {  	[tilespmem:s28+$0x5810] =	vst v1  }
0x2a: {  	[tilespmem:s28+$0x1820] =	vst v0  }
0x2b: {  	[tilespmem:s28+$0x5820] =	vst v1  }
0x2c: {  	[tilespmem:s28+$0x1830] =	vst v0  }
0x2d: {  	[tilespmem:s28+$0x5830] =	vst v1  }
0x2e: {  	[tilespmem:s28+$0x1840] =	vst v0  }
0x2f: {  	[tilespmem:s28+$0x5840] =	vst v1  }
0x30: {  	[tilespmem:s28+$0x1850] =	vst v0  }
0x31: {  	[tilespmem:s28+$0x5850] =	vst v1  }
0x32: {  	[tilespmem:s28+$0x1860] =	vst v0  }
0x33: {  	[tilespmem:s28+$0x5860] =	vst v1  }
0x34: {  	[tilespmem:s28+$0x1870] =	vst v0  }
0x35: {  	[spmem:s6] =	stream.linear.scatter [tilespmem:s22], [sflag:$0x2], $0x4000, $0x38;
	[tilespmem:$0x1D800] =	vst v63  }
0x36: {  	_ =	swait.ge [sflag:s23], $0x4000  }
0x37: {  	[sflag:s23] =	ssyncset.done $0x0  }
0x38: {  	[sflag:s23] =	ssyncadd.s32 $0xFFFFC000  }
0x39: {  	[spmem:s7] =	stream.linear.scatter [tilespmem:s22], [sflag:$0x2], $0x4000, $0x38;
	[tilespmem:$0x1D800] =	vst v63  }
0x3a: {  	_ =	swait.ge [sflag:s23], $0x4000  }
0x3b: {  	[sflag:s23] =	ssyncset.done $0x0  }
0x3c: {  	[sflag:s23] =	ssyncadd.s32 $0xFFFFC000  }
0x3d: {  	[spmem:s8] =	stream.linear.scatter [tilespmem:s22], [sflag:$0x2], $0x4000, $0x38;
	[tilespmem:$0x1D800] =	vst v63  }
0x3e: {  	_ =	swait.ge [sflag:s23], $0x4000  }
0x3f: {  	[sflag:s23] =	ssyncset.done $0x0  }
0x40: {  	[sflag:s23] =	ssyncadd.s32 $0xFFFFC000  }
0x41: {  	[spmem:s9] =	stream.linear.scatter [tilespmem:s22], [sflag:$0x2], $0x4000, $0x38;
	[tilespmem:$0x1D800] =	vst v63  }
0x42: {  	_ =	swait.ge [sflag:s23], $0x4000  }
0x43: {  	[sflag:s23] =	ssyncset.done $0x0  }
0x44: {  	[sflag:s23] =	ssyncadd.s32 $0xFFFFC000  }
0x45: {  	[spmem:s10] =	stream.linear.scatter [tilespmem:s22], [sflag:$0x2], $0x2000, $0x38;
	[tilespmem:$0x1D800] =	vst v63  }
0x46: {  	_ =	swait.ge [sflag:s23], $0x2000  }
0x47: {  	[sflag:s23] =	ssyncset.done $0x0  }
0x48: {  	[sflag:s23] =	ssyncadd.s32 $0xFFFFE000  }
0x49: {  	[spmem:s11] =	stream.linear.scatter [tilespmem:s22], [sflag:$0x2], $0x2000, $0x38;
	[tilespmem:$0x1D800] =	vst v63  }
0x4a: {  	_ =	swait.ge [sflag:s23], $0x2000  }
0x4b: {  	[sflag:s23] =	ssyncset.done $0x0  }
0x4c: {  	s28 =	simm.s32 $0x0;
	[sflag:s23] =	ssyncadd.s32 $0xFFFFE000  }
0x4d: {  	[tilespmem:s28], [sflag:$0x2] =	stream.linear.gather [hbm4b:s12+s28], $0xC00, $0x38;
	[tilespmem:$0x1D800] =	vst v63  }
0x4e: {  	_ =	swait.ge [sflag:s23], $0xC00  }
0x4f: {  	[sflag:s23] =	ssyncset.done $0x0  }
0x50: {  	s29 =	simm.s32 $0xC00;
	[sflag:s23] =	ssyncadd.s32 $0xFFFFF400  }
0x51: {  	[tilespmem:s29], [sflag:$0x2] =	stream.linear.gather [hbm4b:s13+s28], $0xC00, $0x38;
	[tilespmem:$0x1D800] =	vst v63  }
0x52: {  	_ =	swait.ge [sflag:s23], $0xC00  }
0x53: {  	[sflag:s23] =	ssyncset.done $0x0  }
0x54: {  	[sflag:s23] =	ssyncadd.s32 $0xFFFFF400  }
0x55: {  	[bflag:$0x0] =	sbarrier.arrive $0xFFFF  }
0x56: {  	[tilespmem:s22], [sflag:$0x1] =	stream.indirect.gather [hbm4b:s5+s24], $0x80, s28, s24, $0xb8;
	[tilespmem:$0x1D800] =	vst v63  }
0x57: {  	_ = 	snop  }
0x58: {  	[spmem:s3] =	stream.indirect.scatter.add.f32 [tilespmem:s25], [sflag:$0x2], $0x80, s29, s24, $0xb8;
	[tilespmem:$0x1D800] =	vst v63  }
0x59: {  	_ =	swait.ge [sflag:s23], $0x4000  }
0x5a: {  	[sflag:s23] =	ssyncset.done $0x0  }
0x5b: {  	[sflag:s23] =	ssyncadd.s32 $0xFFFFC000  }
0x5c: {  	p0 =	sne.s32 s14, $0x1;
	_ =	swait.ge [sflag:s26], $0x4000  }
.Ltmp1:
0x5d: {  	[sflag:s26] =	ssyncset.done $0x0;
	(pc) =	sbr.rel @!p0 .LBB2_5-.Ltmp1, $4  }
0x5e: {  	[sflag:s26] =	ssyncadd.s32 $0xFFFFC000  }
0x5f: {  	[spmem:s2] =	stream.indirect.scatter.add.f32 [tilespmem:s22], [sflag:$0x2], $0x80, s29, s24, $0xb8;
	[tilespmem:$0x1D800] =	vst v63  }
0x60: {  	_ =	swait.ge [sflag:s23], $0x4000  }
0x61: {  	s30 =	sadd.s32 $0xFFFFFFFF, s14;
	[sflag:s23] =	ssyncset.done $0x0  }
.LBB2_4:
0x62: {  	[sflag:s23] =	ssyncadd.s32 $0xFFFFC000;
	s28 =	sadd.s32 $0x80, s28;
	s29 =	sadd.s32 $0x80, s29  }
0x63: {  	[tilespmem:s22], [sflag:$0x1] =	stream.indirect.gather [hbm4b:s5+s24], $0x80, s28, s24, $0xb8;
	[tilespmem:$0x1D800] =	vst v63  }
0x64: {  	p0 =	sne.s32 s30, $0x1;
	s30 =	sadd.s32 $0xFFFFFFFF, s30  }
0x65: {  	[spmem:s3] =	stream.indirect.scatter.add.f32 [tilespmem:s25], [sflag:$0x2], $0x80, s29, s24, $0xb8;
	[tilespmem:$0x1D800] =	vst v63  }
0x66: {  	_ =	swait.ge [sflag:s23], $0x4000  }
0x67: {  	[sflag:s23] =	ssyncset.done $0x0  }
0x68: {  	[sflag:s23] =	ssyncadd.s32 $0xFFFFC000  }
0x69: {  	_ =	swait.ge [sflag:s26], $0x4000  }
.Ltmp2:
0x6a: {  	[sflag:s26] =	ssyncset.done $0x0;
	(pc) =	sbr.rel @p0 .LBB2_4-.Ltmp2, $4  }
0x6b: {  	[sflag:s26] =	ssyncadd.s32 $0xFFFFC000  }
0x6c: {  	[spmem:s2] =	stream.indirect.scatter.add.f32 [tilespmem:s22], [sflag:$0x2], $0x80, s29, s24, $0xb8;
	[tilespmem:$0x1D800] =	vst v63  }
0x6d: {  	_ =	swait.ge [sflag:s23], $0x4000  }
0x6e: {  	[sflag:s23] =	ssyncset.done $0x0  }
.LBB2_5:
0x6f: {  	[sflag:s23] =	ssyncadd.s32 $0xFFFFC000;
	s28 =	sshll.u32 s1, $0x6  }
0x70: {  	s29 =	sshrl.u32 s6, $0x3;
	[bflag:$0x0] =	sbarrier.arrive $0xFFFF;
	s28 =	sor.u32 $0x1C02, s28  }
0x71: {  	[hbm:s15], [sflag:s28] =	dma.local [spmem:s29], $0x800  }
0x72: {  	_ =	swait.ge [sflag:s23], $0x800  }
0x73: {  	[sflag:s23] =	ssyncset.done $0x0  }
0x74: {  	s31 =	sshrl.u32 s7, $0x3;
	[sflag:s23] =	ssyncadd.s32 $0xFFFFF800  }
0x75: {  	[hbm:s16], [sflag:s28] =	dma.local [spmem:s31], $0x800  }
0x76: {  	_ =	swait.ge [sflag:s23], $0x800  }
0x77: {  	[sflag:s23] =	ssyncset.done $0x0  }
0x78: {  	s30 =	sshrl.u32 s8, $0x3;
	[sflag:s23] =	ssyncadd.s32 $0xFFFFF800  }
0x79: {  	[hbm:s17], [sflag:s28] =	dma.local [spmem:s30], $0x800  }
0x7a: {  	_ =	swait.ge [sflag:s23], $0x800  }
0x7b: {  	[sflag:s23] =	ssyncset.done $0x0  }
0x7c: {  	s31 =	sshrl.u32 s9, $0x3;
	[sflag:s23] =	ssyncadd.s32 $0xFFFFF800  }
0x7d: {  	[hbm:s18], [sflag:s28] =	dma.local [spmem:s31], $0x800  }
0x7e: {  	_ =	swait.ge [sflag:s23], $0x800  }
0x7f: {  	[sflag:s23] =	ssyncset.done $0x0  }
0x80: {  	s30 =	sshrl.u32 s10, $0x3;
	[sflag:s23] =	ssyncadd.s32 $0xFFFFF800  }
0x81: {  	[hbm:s19], [sflag:s28] =	dma.local [spmem:s30], $0x400  }
0x82: {  	s4 =	sadd.s32 $0x1, s4;
	_ =	swait.ge [sflag:s23], $0x400  }
0x83: {  	p0 =	sne.s32 s4, s21;
	[sflag:s23] =	ssyncset.done $0x0  }
.Ltmp3:
0x84: {  	s31 =	sshrl.u32 s11, $0x3;
	[sflag:s23] =	ssyncadd.s32 $0xFFFFFC00;
	(pc) =	sbr.rel @p0 .LBB2_1-.Ltmp3, $4  }
0x85: {  	[hbm:s20], [sflag:s28] =	dma.local [spmem:s31], $0x400  }
0x86: {  	_ =	swait.ge [sflag:s23], $0x400  }
0x87: {  	[sflag:s23] =	ssyncset.done $0x0  }
0x88: {  	[sflag:s23] =	ssyncadd.s32 $0xFFFFFC00  }
0x89: {  	_ =	sfence.sel $0x180000  }
0x8a: {  	[bflag:$0x0] =	sbarrier.arrive $0xFFFF  }
0x8b: {  	p0 =	sne.s32 s1, $0x0;
	_ =	strace $0x9000004A  }
0x8c: {  	s0 =	sadd.s32 @!p0 $0x100000, s0;
	[bflag:$0x2] =	sbarrier.arrive $0xFFFF  }
0x8d: {  	[sflag:s0] =	ssyncadd.tile.s32 @!p0 $0x1;
	_ =	shalt  }
.Lfunc_end2:
_tile_overlayer_lowered:
.L_overlay_start_2:
0x8e: {  	(tag) =	ssettag $0x2  }
0x8f: {  	s0 =	rddreg [dreg:$0x0];
	s2 =	stileid.u32  }
0x90: {  	s1 =	rddreg [dreg:$0x1];
	p0 =	sne.s32 s2, $0x0  }
0x91: {  	s3 =	rddreg [dreg:$0x2];
	[bflag:$0x3] =	sbarrier.arrive $0xFFFF;
	s2 =	simm.s32 @!p0 $0x1C02  }
0x92: {  	[timem:s3], [sflag:s2] =	dma.local @!p0 [hbm:s0], s1  }
0x93: {  	s0 =	simm.s32 @!p0 $0x2  }
0x94: {  	_ =	swait.ge @!p0 [sflag:s0], s1  }
0x95: {  	s1 =	ssub.s32 @!p0 $0x0, s1;
	[sflag:s0] =	ssyncset.done @!p0 $0x0  }
0x96: {  	[sflag:s0] =	ssyncadd.s32 @!p0 s1  }
0x97: {  	[bflag:$0x3] =	sbarrier.arrive $0xFFFF  }
0x98: {  	_ =	shalt  }

// kernel: kernel.16.cloned.1.call-start
scs
__scs_entry_jumppad:
0x0: {  	(pc) =	sbr.rel $0x88, $3  }
0x1: {  	(tag) =	ssettag $0x0;
	lr =	simm.s32 $0x1  }
0x2: {  	[smem:$0x3F88] =	sst lr;
	_ =	strace $0xD0000000  }
0x3: {  	_ = 	snop  }
0x4: {  	_ = 	snop  }
0x5: {  	_ = 	snop  }
0x6: {  	_ = 	snop  }
0x7: {  	_ = 	snop  }
__scs_overlays_trampoline_lowered:
0x8: {  	[smem:$0x3F97] =	sst s0  }
0x9: {  	[smem:$0x3F98] =	sst s1  }
0xa: {  	[smem:$0x3F99] =	sst s2  }
0xb: {  	[smem:$0x3F9A] =	sst s3  }
0xc: {  	[smem:$0x3F9B] =	sst s4  }
0xd: {  	[smem:$0x3F9C] =	sst s5  }
0xe: {  	[smem:$0x3F9D] =	sst s6  }
0xf: {  	[smem:$0x3F9E] =	sst s7  }
0x10: {  	[smem:$0x3F9F] =	sst s8  }
0x11: {  	[smem:$0x3FA0] =	sst s9;
	s0 =	simm.s32 @!p0 $0x0  }
0x12: {  	s1 =	sld [smem:$0x3F86];
	s0 =	simm.s32 @p0 $0x1  }
0x13: {  	[smem:$0x3FA1] =	sst s0;
	s0 =	simm.s32 @!p1 $0x0  }
0x14: {  	s2 =	sld [smem:$0x3F85];
	s0 =	simm.s32 @p1 $0x1  }
0x15: {  	[smem:$0x3FA2] =	sst s0;
	s0 =	simm.s32 @!p2 $0x0  }
0x16: {  	s3 =	sld [smem:$0x3FDB];
	s0 =	simm.s32 @p2 $0x1  }
0x17: {  	s4 =	simm.s32 $0x1BF5;
	[smem:$0x3FA4] =	sst s0  }
0x18: {  	s0 =	sld [smem:$0x3F87];
	_ =	swait.ge [sflag:s4], $0x0  }
0x19: {  	s7 =	sld [smem:$0x3F88]  }
0x1a: {  	s8 =	sadd.s32 $0xFFFFE003, lr  }
0x1b: {  	s9 =	sadd.s32 $0xFFFFFEF7, lr;
	s5 =	simm.s32 $0xFFFFFFFF;
	p2 =	slt.u32 s8, $0xFFFFF086  }
0x1c: {  	p1 =	slt.u32 s9, $0xF7A;
	s5 =	simm.s32 @!p2 $0x0  }
0x1d: {  	s5 =	simm.s32 @p1 $0x1;
	p0 =	seq.s32 s7, s2  }
0x1e: {  	s7 =	smul.u32 @!p0 $0xF7A, s2;
	p2 =	seq.s32 @!p0 s5, $0x0  }
0x1f: {  	s9 =	smul.u32 $0xF7A, s1;
	s8 =	simm.s32 @!p0 $0x1BF5;
	p2 =	por !p2, p0  }
0x20: {  	[sflag:s8] =	ssyncset.s32 @!p0 $0xFFFFF086;
	s6 =	sadd.s32 @!p0 s3, s7;
	s7 =	simm.s32 @!p0 $0x108  }
0x21: {  	s3 =	sadd.s32 s3, s9;
	s6 =	sadd.s32 @!p0 $0x88, s6;
	s7 =	simm.s32 @p2 $0x1082  }
0x22: {  	[simem:s7], [sflag:s8] =	dma.local @!p0 [hbm:s6], $0xF7A  }
0x23: {  	s9 =	sor.u32 $0xD0000000, s2;
	s6 =	simm.s32 $0x108;
	_ =	swait.ge @!p0 [sflag:s8], $0x0  }
0x24: {  	s3 =	sadd.s32 $0x88, s3;
	s6 =	simm.s32 @!p1 $0x1082;
	[sflag:s4] =	ssyncset.s32 $0xFFFFF086  }
0x25: {  	[simem:s6], [sflag:s4] =	dma.local [hbm:s3], $0xF7A  }
0x26: {  	[smem:$0x3F88] =	sst s1;
	(tag) =	ssettag s2;
	_ =	strace s9  }
0x27: {  	s1 =	sld [smem:$0x3F98]  }
0x28: {  	s2 =	sld [smem:$0x3F99]  }
0x29: {  	s4 =	sld [smem:$0x3F9B]  }
0x2a: {  	p0 =	seq.s32 s5, $0x0;
	s5 =	sld [smem:$0x3F9C]  }
0x2b: {  	s6 =	sld [smem:$0x3F9D]  }
0x2c: {  	s7 =	sld [smem:$0x3F9E]  }
0x2d: {  	s3 =	simm.s32 $0x108;
	s8 =	sld [smem:$0x3F9F]  }
0x2e: {  	s3 =	simm.s32 @!p0 $0x1082;
	s9 =	sld [smem:$0x3FA0]  }
0x2f: {  	lr =	sadd.s32 s0, s3;
	s0 =	sld [smem:$0x3F97]  }
0x30: {  	s3 =	sld [smem:$0x3F9A]  }
0x31: {  	[smem:$0x3FA3] =	sst s10  }
0x32: {  	s10 =	sld [smem:$0x3FA1];
	_ =	sdelay $0x3  }
0x33: {  	p0 =	seq.s32 s10, $0x1;
	s10 =	sld [smem:$0x3FA3];
	_ =	sdelay $0x3  }
0x34: {  	[smem:$0x3FA3] =	sst s10  }
0x35: {  	s10 =	sld [smem:$0x3FA2];
	_ =	sdelay $0x3  }
0x36: {  	p1 =	seq.s32 s10, $0x1;
	s10 =	sld [smem:$0x3FA3];
	_ =	sdelay $0x3  }
0x37: {  	[smem:$0x3FA3] =	sst s10  }
0x38: {  	s10 =	sld [smem:$0x3FA4]  }
0x39: {  	_ = 	snop;
	(pc) =	sbr.ind lr, $3  }
0x3a: {  	_ = 	snop  }
0x3b: {  	_ = 	snop  }
0x3c: {  	p2 =	seq.s32 s10, $0x1;
	s10 =	sld [smem:$0x3FA3]  }
0x3d: {  	_ =	shalt  }
0x3e: {  	_ =	shalt  }
0x3f: {  	_ =	shalt  }
0x40: {  	_ =	shalt  }
0x41: {  	_ =	shalt  }
0x42: {  	_ =	shalt  }
0x43: {  	_ =	shalt  }
0x44: {  	_ =	shalt  }
0x45: {  	_ =	shalt  }
0x46: {  	_ =	shalt  }
0x47: {  	_ =	shalt  }
0x48: {  	_ =	shalt  }
0x49: {  	_ =	shalt  }
0x4a: {  	_ =	shalt  }
0x4b: {  	_ =	shalt  }
0x4c: {  	_ =	shalt  }
0x4d: {  	_ =	shalt  }
0x4e: {  	_ =	shalt  }
0x4f: {  	_ =	shalt  }
0x50: {  	_ =	shalt  }
0x51: {  	_ =	shalt  }
0x52: {  	_ =	shalt  }
0x53: {  	_ =	shalt  }
0x54: {  	_ =	shalt  }
0x55: {  	_ =	shalt  }
0x56: {  	_ =	shalt  }
0x57: {  	_ =	shalt  }
0x58: {  	_ =	shalt  }
0x59: {  	_ =	shalt  }
0x5a: {  	_ =	shalt  }
0x5b: {  	_ =	shalt  }
0x5c: {  	_ =	shalt  }
0x5d: {  	_ =	shalt  }
0x5e: {  	_ =	shalt  }
0x5f: {  	_ =	shalt  }
0x60: {  	_ =	shalt  }
0x61: {  	_ =	shalt  }
0x62: {  	_ =	shalt  }
0x63: {  	_ =	shalt  }
0x64: {  	_ =	shalt  }
0x65: {  	_ =	shalt  }
0x66: {  	_ =	shalt  }
0x67: {  	_ =	shalt  }
0x68: {  	_ =	shalt  }
0x69: {  	_ =	shalt  }
0x6a: {  	_ =	shalt  }
0x6b: {  	_ =	shalt  }
0x6c: {  	_ =	shalt  }
0x6d: {  	_ =	shalt  }
0x6e: {  	_ =	shalt  }
0x6f: {  	_ =	shalt  }
0x70: {  	_ =	shalt  }
0x71: {  	_ =	shalt  }
0x72: {  	_ =	shalt  }
0x73: {  	_ =	shalt  }
0x74: {  	_ =	shalt  }
0x75: {  	_ =	shalt  }
0x76: {  	_ =	shalt  }
0x77: {  	_ =	shalt  }
0x78: {  	_ =	shalt  }
0x79: {  	_ =	shalt  }
0x7a: {  	_ =	shalt  }
0x7b: {  	_ =	shalt  }
0x7c: {  	_ =	shalt  }
0x7d: {  	_ =	shalt  }
0x7e: {  	_ =	shalt  }
0x7f: {  	_ =	shalt  }
0x80: {  	_ =	shalt  }
0x81: {  	_ =	shalt  }
0x82: {  	_ =	shalt  }
0x83: {  	_ =	shalt  }
0x84: {  	_ =	shalt  }
0x85: {  	_ =	shalt  }
0x86: {  	_ =	shalt  }
0x87: {  	_ =	shalt  }
.Lfunc_end0:
.L_simem_size_0:
called_computation.2_lowered:
.L_overlay_start_0:
0x88: {  	s2 =	sld [smem:$0x3FD9]  }
0x89: {  	s3 =	sld [smem:$0x3FFE];
	_ =	sdelay $0x1  }
0x8a: {  	s1 =	srdreg.scid  }
0x8b: {  	s0 =	sand.u32 $0x1, s1  }
0x8c: {  	s17 =	sshll.u32 s0, $0xA;
	s2 =	sadd.s32 s3, s2  }
0x8d: {  	s2 =	sadd.s32 s2, s17  }
0x8e: {  	[smem:$0x3FAF] =	sst s2  }
0x8f: {  	_ = 	snop  }
0x90: {  	(tm) =	ssettm $0x1  }
0x91: {  	s18 =	sld [smem:$0x3FFB];
	_ =	sdelay $0x3  }
0x92: {  	_ =	strace s18  }
0x93: {  	s2 =	sld [smem:$0x3FFC];
	_ =	sdelay $0x3  }
0x94: {  	_ =	strace s2  }
0x95: {  	s2 =	sld [smem:$0x3FFD];
	_ =	sdelay $0x3  }
0x96: {  	_ =	strace s2  }
0x97: {  	_ =	strace $0x8FFFFFFF  }
0x98: {  	s19 =	sld [smem:$0x3FDB];
	_ =	sdelay $0x1  }
0x99: {  	s20 =	simm.s32 $_scs_section_size  }
0x9a: {  	s4 =	simm.s32 $_size__tile_overlayer_lowered;
	s5 =	simm.s32 $_tile_overlayer_lowered  }
0x9b: {  	s6 =	simm.s32 $0x1BFF;
	s21 =	sshll.u32 s5, $0x1;
	s3 =	sadd.s32 s20, s19  }
0x9c: {  	s22 =	simm.s32 $0x0;
	s4 =	sshll.u32 s4, $0x1;
	s5 =	sadd.s32 s21, s3  }
0x9d: {  	[timem:s22], [sflag:s6] =	dma.local [hbm:s5], s4  }
0x9e: {  	_ =	swait.ge [sflag:s6], s4  }
0x9f: {  	s4 =	ssub.s32 $0x0, s4;
	[sflag:s6] =	ssyncset.done $0x0  }
0xa0: {  	[sflag:s6] =	ssyncadd.s32 s4;
	_ =	sdelay $0x1  }
0xa1: {  	s23 =	simm.s32 $0x1B8B  }
0xa2: {  	_ =	swait.ge [sflag:s23], $0x1  }
0xa3: {  	[sflag:s23] =	ssyncset.done $0x0  }
0xa4: {  	[sflag:s23] =	ssyncadd.s32 $0xFFFFFFFF  }
0xa5: {  	s4 =	sld [smem:$0x0]  }
0xa6: {  	s5 =	sand.u32 $0xFFFFFFFE, s1  }
0xa7: {  	p0 =	sne.s32 s1, s5  }
0xa8: {  	s5 =	sshll.u32 @p0 s5, $0xE  }
0xa9: {  	s5 =	sadd.s32 @p0 $0x11B8D, s5;
	s6 =	sshll.u32 @p0 s4, $0x11  }
0xaa: {  	s5 =	sor.u32 @p0 s6, s5  }
0xab: {  	[sflag:s5] =	ssyncadd.remote.s32 @p0 $0x1;
	_ =	sdelay $0x1  }
0xac: {  	s5 =	simm.s32 @p0 $0x1B8D  }
0xad: {  	_ =	swait.eq @p0 [sflag:s5], $0x1  }
0xae: {  	[sflag:s5] =	ssyncadd.s32 @p0 $0xFFFFFFFF  }
0xaf: {  	s6 =	sshll.u32 @!p0 s1, $0xE  }
0xb0: {  	s6 =	sor.u32 @!p0 $0x4000, s6;
	s5 =	simm.s32 @!p0 $0x1B8D  }
0xb1: {  	s4 =	sshll.u32 @!p0 s4, $0x11;
	s6 =	sadd.s32 @!p0 $0x11B8D, s6;
	_ =	swait.eq @!p0 [sflag:s5], $0x1  }
0xb2: {  	s4 =	sor.u32 @!p0 s4, s6;
	[sflag:s5] =	ssyncadd.s32 @!p0 $0xFFFFFFFF  }
0xb3: {  	s25 =	simm.s32 $0x1B8E;
	s24 =	sld [smem:$0x3FFE];
	[sflag:s4] =	ssyncadd.remote.s32 @!p0 $0x1  }
0xb4: {  	s26 =	simm.s32 $execute0_lowered;
	[smem:$0x3FD2] =	sst s25  }
0xb5: {  	s5 =	sshll.u32 s26, $0x1;
	_ =	strace $0x8000004C;
	[dreg:$0x1] =	wrdreg $0xFFFFFFFF  }
0xb6: {  	s28 =	simm.s32 $_size_execute0_lowered;
	s3 =	sadd.s32 s3, s5;
	[dreg:$0x0] =	wrdreg $0x0  }
0xb7: {  	s5 =	sshll.u32 s28, $0x1;
	[dreg:$0x2] =	wrdreg s3  }
0xb8: {  	[dreg:$0x3] =	wrdreg s5  }
0xb9: {  	[dreg:$0x4] =	wrdreg $0xC0  }
0xba: {  	_ =	task [dreg:s22], $0x5FFFF  }
0xbb: {  	[dreg:$0x1] =	wrdreg $0xFFFFFFFF  }
0xbc: {  	[dreg:$0x0] =	wrdreg $0x60  }
0xbd: {  	[dreg:$0x2] =	wrdreg s24  }
0xbe: {  	[dreg:$0x3] =	wrdreg $0x98000  }
0xbf: {  	[dreg:$0x4] =	wrdreg $0xD8000  }
0xc0: {  	[dreg:$0x5] =	wrdreg $0x9  }
0xc1: {  	_ =	task.clear_ibuf [dreg:s22], $0x6FFFF;
	_ =	strace $0x9000004C  }
0xc2: {  	s29 =	simm.s32 $0x9;
	_ =	strace $0x8000004E  }
0xc3: {  	_ =	swait.ge [sflag:s29], $0x1  }
0xc4: {  	[sflag:s29] =	ssyncadd.s32 $0xFFFFFFFF  }
0xc5: {  	_ =	strace $0x9000004E  }
0xc6: {  	_ =	sfence  }
0xc7: {  	s30 =	sld [smem:$0x0];
	_ =	sdelay $0x2  }
0xc8: {  	s31 =	sshll.u32 s1, $0xD;
	s1 =	sshrl.u32 s1, $0x2  }
0xc9: {  	s4 =	sand.u32 $0x4000, s31;
	s1 =	sadd.s32 s1, s30  }
0xca: {  	s0 =	sor.u32 s4, s0;
	s1 =	sshll.u32 s1, $0x11  }
0xcb: {  	s0 =	sor.u32 s1, s0  }
0xcc: {  	s0 =	sadd.s32 $0x8F2B, s0  }
0xcd: {  	[sflag:s0] =	ssyncadd.remote.s32 $0x1  }
0xce: {  	_ =	sfence.sel $0xFFFF  }
0xcf: {  	[dreg:$0x0] =	wrdreg $0xFFFFFFFF;
	(pc) =	sbr.abs _section_cstart, $3  }
0xd0: {  	[dreg:$0x1] =	wrdreg $0xFFFFFFFF  }
0xd1: {  	_ =	task.clear_ibuf [dreg:s22], $0x2FFFF;
	_ =	strace $0x9FFFFFFF  }
0xd2: {  	(tm) =	ssettm $0x7FFFFFFF  }
0xd3: {  	_ =	shalt  }
tec
execute0_lowered:
.L_overlay_start_1:
0x0: {  	(tag) =	ssettag $0x1  }
0x1: {  	s6 =	rddreg [dreg:$0x0]  }
0x2: {  	s1 =	rddreg [dreg:$0x1]  }
0x3: {  	s2 =	rddreg [dreg:$0x2]  }
0x4: {  	s0 =	rddreg [dreg:$0x3];
	s3 =	simm.s32 $0x0  }
0x5: {  	s4 =	srdreg.scid;
	s15 =	simm.s32 $0x2;
	s16 =	simm.s32 $0x80  }
0x6: {  	s17 =	simm.s32 $0x5800;
	s18 =	simm.s32 $0x1;
	[smem:$0x7FF] =	sst s3  }
0x7: {  	s5 =	sand.u32 $0x1, s4;
	s4 =	stileid.u32;
	_ =	strace $0x8000004D  }
0x8: {  	s7 =	sshll.u32 s5, $0x4;
	s31 =	sshll.u32 s4, $0xE;
	s8 =	sshll.u32 s5, $0x12  }
0x9: {  	s11 =	ssub.s32 $0x2, s5;
	s5 =	sadd.s32 $0x9800, s6;
	s10 =	sor.u32 s4, s7  }
0xa: {  	s8 =	sor.u32 s31, s8;
	s12 =	sshrl.u32 s11, $0x1;
	s7 =	sadd.s32 s31, s2  }
0xb: {  	s9 =	smul.u32 $0x180, s10;
	s8 =	sshrl.u32 s8, $0x3;
	s14 =	ssub.s32 s11, s12  }
0xc: {  	p0 =	slt.u32 s10, $0x11;
	s10 =	simm.s32 $0x14;
	s13 =	sadd.s32 s8, s6  }
0xd: {  	s10 =	simm.s32 @!p0 $0x13;
	s9 =	sadd.s32 s9, s6;
	s6 =	sadd.s32 s31, s1  }
0xe: {  	s11 =	sadd.s32 $0xECA00, s13;
	s12 =	sadd.s32 $0xDCA00, s13;
	s13 =	smax.u32 s14, $0x1  }
0xf: {  	v0 =	vimm.f32 $0.0e+00;
	v1 =	vimm.f32 $1.000000000e+00;
	s14 =	simm.s32 $0x1800;
	s8 =	sadd.s32 $0xD6A00, s9;
	s9 =	sadd.s32 $0xD9A00, s9  }
.LBB2_1:
0x10: {  	s19 =	simm.s32 $0x0;
	s20 =	simm.s32 $0x200  }
.LBB2_2:
0x11: {  	p0 =	sne.s32 s20, $0xFE00;
	[tilespmem:s19+$0x5870] =	vst v1  }
0x12: {  	[tilespmem:s19+$0x1800] =	vst v0  }
0x13: {  	[tilespmem:s19+$0x5800] =	vst v1  }
0x14: {  	[tilespmem:s19+$0x1810] =	vst v0  }
0x15: {  	[tilespmem:s19+$0x5810] =	vst v1  }
0x16: {  	[tilespmem:s19+$0x1820] =	vst v0  }
0x17: {  	[tilespmem:s19+$0x5820] =	vst v1  }
0x18: {  	[tilespmem:s19+$0x1830] =	vst v0  }
0x19: {  	[tilespmem:s19+$0x5830] =	vst v1  }
0x1a: {  	[tilespmem:s19+$0x1840] =	vst v0  }
0x1b: {  	[tilespmem:s19+$0x5840] =	vst v1  }
.Ltmp0:
0x1c: {  	[tilespmem:s19+$0x1850] =	vst v0;
	(pc) =	sbr.rel @p0 .LBB2_2-.Ltmp0, $4  }
0x1d: {  	[tilespmem:s19+$0x5850] =	vst v1  }
0x1e: {  	[tilespmem:s19+$0x1860] =	vst v0  }
0x1f: {  	[tilespmem:s19+$0x5860] =	vst v1  }
0x20: {  	[tilespmem:s19+$0x1870] =	vst v0;
	s19 =	sshra.s32 s20, $0x2;
	s20 =	sadd.s32 $0x200, s20  }
0x21: {  	[tilespmem:s19+$0x5870] =	vst v1  }
0x22: {  	[tilespmem:s19+$0x1800] =	vst v0  }
0x23: {  	[tilespmem:s19+$0x5800] =	vst v1  }
0x24: {  	[tilespmem:s19+$0x1810] =	vst v0  }
0x25: {  	[tilespmem:s19+$0x5810] =	vst v1  }
0x26: {  	[tilespmem:s19+$0x1820] =	vst v0  }
0x27: {  	[tilespmem:s19+$0x5820] =	vst v1  }
0x28: {  	[tilespmem:s19+$0x1830] =	vst v0  }
0x29: {  	[tilespmem:s19+$0x5830] =	vst v1  }
0x2a: {  	[tilespmem:s19+$0x1840] =	vst v0  }
0x2b: {  	[tilespmem:s19+$0x5840] =	vst v1  }
0x2c: {  	[tilespmem:s19+$0x1850] =	vst v0  }
0x2d: {  	[tilespmem:s19+$0x5850] =	vst v1  }
0x2e: {  	[tilespmem:s19+$0x1860] =	vst v0  }
0x2f: {  	[tilespmem:s19+$0x5860] =	vst v1  }
0x30: {  	[tilespmem:s19+$0x1870] =	vst v0  }
0x31: {  	[spmem:s6] =	stream.linear.scatter [tilespmem:s14], [sflag:$0x2], $0x4000, $0x38;
	[tilespmem:$0x11800] =	vst v63  }
0x32: {  	_ =	swait.ge [sflag:s15], $0x4000  }
0x33: {  	[sflag:s15] =	ssyncset.done $0x0  }
0x34: {  	[sflag:s15] =	ssyncadd.s32 $0xFFFFC000  }
0x35: {  	[spmem:s7] =	stream.linear.scatter [tilespmem:s14], [sflag:$0x2], $0x4000, $0x38;
	[tilespmem:$0x11800] =	vst v63  }
0x36: {  	_ =	swait.ge [sflag:s15], $0x4000  }
0x37: {  	[sflag:s15] =	ssyncset.done $0x0  }
0x38: {  	s19 =	simm.s32 $0x0;
	[sflag:s15] =	ssyncadd.s32 $0xFFFFC000  }
0x39: {  	[tilespmem:s19], [sflag:$0x2] =	stream.linear.gather [hbm4b:s8+s19], $0xC00, $0x38;
	[tilespmem:$0x11800] =	vst v63  }
0x3a: {  	_ =	swait.ge [sflag:s15], $0xC00  }
0x3b: {  	[sflag:s15] =	ssyncset.done $0x0  }
0x3c: {  	s20 =	simm.s32 $0xC00;
	[sflag:s15] =	ssyncadd.s32 $0xFFFFF400  }
0x3d: {  	[tilespmem:s20], [sflag:$0x2] =	stream.linear.gather [hbm4b:s9+s19], $0xC00, $0x38;
	[tilespmem:$0x11800] =	vst v63  }
0x3e: {  	_ =	swait.ge [sflag:s15], $0xC00  }
0x3f: {  	[sflag:s15] =	ssyncset.done $0x0  }
0x40: {  	[sflag:s15] =	ssyncadd.s32 $0xFFFFF400  }
0x41: {  	[bflag:$0x0] =	sbarrier.arrive $0xFFFF  }
0x42: {  	[tilespmem:s14], [sflag:$0x1] =	stream.indirect.gather [hbm4b:s5+s16], $0x80, s19, s16, $0xb8;
	[tilespmem:$0x11800] =	vst v63  }
0x43: {  	_ = 	snop  }
0x44: {  	[spmem:s2] =	stream.indirect.scatter.add.f32 [tilespmem:s17], [sflag:$0x2], $0x80, s20, s16, $0xb8;
	[tilespmem:$0x11800] =	vst v63  }
0x45: {  	_ =	swait.ge [sflag:s15], $0x4000  }
0x46: {  	[sflag:s15] =	ssyncset.done $0x0  }
0x47: {  	[sflag:s15] =	ssyncadd.s32 $0xFFFFC000  }
0x48: {  	p0 =	sne.s32 s10, $0x1;
	_ =	swait.ge [sflag:s18], $0x4000  }
.Ltmp1:
0x49: {  	[sflag:s18] =	ssyncset.done $0x0;
	(pc) =	sbr.rel @!p0 .LBB2_5-.Ltmp1, $4  }
0x4a: {  	[sflag:s18] =	ssyncadd.s32 $0xFFFFC000  }
0x4b: {  	[spmem:s1] =	stream.indirect.scatter.add.f32 [tilespmem:s14], [sflag:$0x2], $0x80, s20, s16, $0xb8;
	[tilespmem:$0x11800] =	vst v63  }
0x4c: {  	_ =	swait.ge [sflag:s15], $0x4000  }
0x4d: {  	s21 =	sadd.s32 $0xFFFFFFFF, s10;
	[sflag:s15] =	ssyncset.done $0x0  }
.LBB2_4:
0x4e: {  	[sflag:s15] =	ssyncadd.s32 $0xFFFFC000;
	s19 =	sadd.s32 $0x80, s19;
	s20 =	sadd.s32 $0x80, s20  }
0x4f: {  	[tilespmem:s14], [sflag:$0x1] =	stream.indirect.gather [hbm4b:s5+s16], $0x80, s19, s16, $0xb8;
	[tilespmem:$0x11800] =	vst v63  }
0x50: {  	p0 =	sne.s32 s21, $0x1;
	s21 =	sadd.s32 $0xFFFFFFFF, s21  }
0x51: {  	[spmem:s2] =	stream.indirect.scatter.add.f32 [tilespmem:s17], [sflag:$0x2], $0x80, s20, s16, $0xb8;
	[tilespmem:$0x11800] =	vst v63  }
0x52: {  	_ =	swait.ge [sflag:s15], $0x4000  }
0x53: {  	[sflag:s15] =	ssyncset.done $0x0  }
0x54: {  	[sflag:s15] =	ssyncadd.s32 $0xFFFFC000  }
0x55: {  	_ =	swait.ge [sflag:s18], $0x4000  }
.Ltmp2:
0x56: {  	[sflag:s18] =	ssyncset.done $0x0;
	(pc) =	sbr.rel @p0 .LBB2_4-.Ltmp2, $4  }
0x57: {  	[sflag:s18] =	ssyncadd.s32 $0xFFFFC000  }
0x58: {  	[spmem:s1] =	stream.indirect.scatter.add.f32 [tilespmem:s14], [sflag:$0x2], $0x80, s20, s16, $0xb8;
	[tilespmem:$0x11800] =	vst v63  }
0x59: {  	_ =	swait.ge [sflag:s15], $0x4000  }
0x5a: {  	[sflag:s15] =	ssyncset.done $0x0  }
.LBB2_5:
0x5b: {  	[sflag:s15] =	ssyncadd.s32 $0xFFFFC000;
	s19 =	sshll.u32 s4, $0x6  }
0x5c: {  	s20 =	sshrl.u32 s6, $0x3;
	[bflag:$0x0] =	sbarrier.arrive $0xFFFF;
	s19 =	sor.u32 $0x1C02, s19  }
0x5d: {  	[hbm:s11], [sflag:s19] =	dma.local [spmem:s20], $0x800  }
0x5e: {  	s3 =	sadd.s32 $0x1, s3;
	_ =	swait.ge [sflag:s15], $0x800  }
0x5f: {  	p0 =	sne.s32 s3, s13;
	[sflag:s15] =	ssyncset.done $0x0  }
.Ltmp3:
0x60: {  	s31 =	sshrl.u32 s7, $0x3;
	[sflag:s15] =	ssyncadd.s32 $0xFFFFF800;
	(pc) =	sbr.rel @p0 .LBB2_1-.Ltmp3, $4  }
0x61: {  	[hbm:s12], [sflag:s19] =	dma.local [spmem:s31], $0x800  }
0x62: {  	_ =	swait.ge [sflag:s15], $0x800  }
0x63: {  	[sflag:s15] =	ssyncset.done $0x0  }
0x64: {  	[sflag:s15] =	ssyncadd.s32 $0xFFFFF800  }
0x65: {  	_ =	sfence.sel $0x180000  }
0x66: {  	[bflag:$0x0] =	sbarrier.arrive $0xFFFF  }
0x67: {  	p0 =	sne.s32 s4, $0x0;
	_ =	strace $0x9000004D  }
0x68: {  	s0 =	sadd.s32 @!p0 $0x100000, s0;
	[bflag:$0x2] =	sbarrier.arrive $0xFFFF  }
0x69: {  	[sflag:s0] =	ssyncadd.tile.s32 @!p0 $0x1;
	_ =	shalt  }
.Lfunc_end2:
_tile_overlayer_lowered:
.L_overlay_start_2:
0x6a: {  	(tag) =	ssettag $0x2  }
0x6b: {  	s0 =	rddreg [dreg:$0x0];
	s2 =	stileid.u32  }
0x6c: {  	s1 =	rddreg [dreg:$0x1];
	p0 =	sne.s32 s2, $0x0  }
0x6d: {  	s3 =	rddreg [dreg:$0x2];
	[bflag:$0x3] =	sbarrier.arrive $0xFFFF;
	s2 =	simm.s32 @!p0 $0x1C02  }
0x6e: {  	[timem:s3], [sflag:s2] =	dma.local @!p0 [hbm:s0], s1  }
0x6f: {  	s0 =	simm.s32 @!p0 $0x2  }
0x70: {  	_ =	swait.ge @!p0 [sflag:s0], s1  }
0x71: {  	s1 =	ssub.s32 @!p0 $0x0, s1;
	[sflag:s0] =	ssyncset.done @!p0 $0x0  }
0x72: {  	[sflag:s0] =	ssyncadd.s32 @!p0 s1  }
0x73: {  	[bflag:$0x3] =	sbarrier.arrive $0xFFFF  }
0x74: {  	_ =	shalt  }

// kernel: kernel.19.cloned.1.call-start
scs
__scs_entry_jumppad:
0x0: {  	(pc) =	sbr.rel $0x88, $3  }
0x1: {  	(tag) =	ssettag $0x0;
	lr =	simm.s32 $0x1  }
0x2: {  	[smem:$0x3F88] =	sst lr;
	_ =	strace $0xD0000000  }
0x3: {  	_ = 	snop  }
0x4: {  	_ = 	snop  }
0x5: {  	_ = 	snop  }
0x6: {  	_ = 	snop  }
0x7: {  	_ = 	snop  }
__scs_overlays_trampoline_lowered:
0x8: {  	[smem:$0x3F97] =	sst s0  }
0x9: {  	[smem:$0x3F98] =	sst s1  }
0xa: {  	[smem:$0x3F99] =	sst s2  }
0xb: {  	[smem:$0x3F9A] =	sst s3  }
0xc: {  	[smem:$0x3F9B] =	sst s4  }
0xd: {  	[smem:$0x3F9C] =	sst s5  }
0xe: {  	[smem:$0x3F9D] =	sst s6  }
0xf: {  	[smem:$0x3F9E] =	sst s7  }
0x10: {  	[smem:$0x3F9F] =	sst s8  }
0x11: {  	[smem:$0x3FA0] =	sst s9;
	s0 =	simm.s32 @!p0 $0x0  }
0x12: {  	s1 =	sld [smem:$0x3F86];
	s0 =	simm.s32 @p0 $0x1  }
0x13: {  	[smem:$0x3FA1] =	sst s0;
	s0 =	simm.s32 @!p1 $0x0  }
0x14: {  	s2 =	sld [smem:$0x3F85];
	s0 =	simm.s32 @p1 $0x1  }
0x15: {  	[smem:$0x3FA2] =	sst s0;
	s0 =	simm.s32 @!p2 $0x0  }
0x16: {  	s3 =	sld [smem:$0x3FDB];
	s0 =	simm.s32 @p2 $0x1  }
0x17: {  	s4 =	simm.s32 $0x1BF5;
	[smem:$0x3FA4] =	sst s0  }
0x18: {  	s0 =	sld [smem:$0x3F87];
	_ =	swait.ge [sflag:s4], $0x0  }
0x19: {  	s7 =	sld [smem:$0x3F88]  }
0x1a: {  	s8 =	sadd.s32 $0xFFFFE003, lr  }
0x1b: {  	s9 =	sadd.s32 $0xFFFFFEF7, lr;
	s5 =	simm.s32 $0xFFFFFFFF;
	p2 =	slt.u32 s8, $0xFFFFF086  }
0x1c: {  	p1 =	slt.u32 s9, $0xF7A;
	s5 =	simm.s32 @!p2 $0x0  }
0x1d: {  	s5 =	simm.s32 @p1 $0x1;
	p0 =	seq.s32 s7, s2  }
0x1e: {  	s7 =	smul.u32 @!p0 $0xF7A, s2;
	p2 =	seq.s32 @!p0 s5, $0x0  }
0x1f: {  	s9 =	smul.u32 $0xF7A, s1;
	s8 =	simm.s32 @!p0 $0x1BF5;
	p2 =	por !p2, p0  }
0x20: {  	[sflag:s8] =	ssyncset.s32 @!p0 $0xFFFFF086;
	s6 =	sadd.s32 @!p0 s3, s7;
	s7 =	simm.s32 @!p0 $0x108  }
0x21: {  	s3 =	sadd.s32 s3, s9;
	s6 =	sadd.s32 @!p0 $0x88, s6;
	s7 =	simm.s32 @p2 $0x1082  }
0x22: {  	[simem:s7], [sflag:s8] =	dma.local @!p0 [hbm:s6], $0xF7A  }
0x23: {  	s9 =	sor.u32 $0xD0000000, s2;
	s6 =	simm.s32 $0x108;
	_ =	swait.ge @!p0 [sflag:s8], $0x0  }
0x24: {  	s3 =	sadd.s32 $0x88, s3;
	s6 =	simm.s32 @!p1 $0x1082;
	[sflag:s4] =	ssyncset.s32 $0xFFFFF086  }
0x25: {  	[simem:s6], [sflag:s4] =	dma.local [hbm:s3], $0xF7A  }
0x26: {  	[smem:$0x3F88] =	sst s1;
	(tag) =	ssettag s2;
	_ =	strace s9  }
0x27: {  	s1 =	sld [smem:$0x3F98]  }
0x28: {  	s2 =	sld [smem:$0x3F99]  }
0x29: {  	s4 =	sld [smem:$0x3F9B]  }
0x2a: {  	p0 =	seq.s32 s5, $0x0;
	s5 =	sld [smem:$0x3F9C]  }
0x2b: {  	s6 =	sld [smem:$0x3F9D]  }
0x2c: {  	s7 =	sld [smem:$0x3F9E]  }
0x2d: {  	s3 =	simm.s32 $0x108;
	s8 =	sld [smem:$0x3F9F]  }
0x2e: {  	s3 =	simm.s32 @!p0 $0x1082;
	s9 =	sld [smem:$0x3FA0]  }
0x2f: {  	lr =	sadd.s32 s0, s3;
	s0 =	sld [smem:$0x3F97]  }
0x30: {  	s3 =	sld [smem:$0x3F9A]  }
0x31: {  	[smem:$0x3FA3] =	sst s10  }
0x32: {  	s10 =	sld [smem:$0x3FA1];
	_ =	sdelay $0x3  }
0x33: {  	p0 =	seq.s32 s10, $0x1;
	s10 =	sld [smem:$0x3FA3];
	_ =	sdelay $0x3  }
0x34: {  	[smem:$0x3FA3] =	sst s10  }
0x35: {  	s10 =	sld [smem:$0x3FA2];
	_ =	sdelay $0x3  }
0x36: {  	p1 =	seq.s32 s10, $0x1;
	s10 =	sld [smem:$0x3FA3];
	_ =	sdelay $0x3  }
0x37: {  	[smem:$0x3FA3] =	sst s10  }
0x38: {  	s10 =	sld [smem:$0x3FA4]  }
0x39: {  	_ = 	snop;
	(pc) =	sbr.ind lr, $3  }
0x3a: {  	_ = 	snop  }
0x3b: {  	_ = 	snop  }
0x3c: {  	p2 =	seq.s32 s10, $0x1;
	s10 =	sld [smem:$0x3FA3]  }
0x3d: {  	_ =	shalt  }
0x3e: {  	_ =	shalt  }
0x3f: {  	_ =	shalt  }
0x40: {  	_ =	shalt  }
0x41: {  	_ =	shalt  }
0x42: {  	_ =	shalt  }
0x43: {  	_ =	shalt  }
0x44: {  	_ =	shalt  }
0x45: {  	_ =	shalt  }
0x46: {  	_ =	shalt  }
0x47: {  	_ =	shalt  }
0x48: {  	_ =	shalt  }
0x49: {  	_ =	shalt  }
0x4a: {  	_ =	shalt  }
0x4b: {  	_ =	shalt  }
0x4c: {  	_ =	shalt  }
0x4d: {  	_ =	shalt  }
0x4e: {  	_ =	shalt  }
0x4f: {  	_ =	shalt  }
0x50: {  	_ =	shalt  }
0x51: {  	_ =	shalt  }
0x52: {  	_ =	shalt  }
0x53: {  	_ =	shalt  }
0x54: {  	_ =	shalt  }
0x55: {  	_ =	shalt  }
0x56: {  	_ =	shalt  }
0x57: {  	_ =	shalt  }
0x58: {  	_ =	shalt  }
0x59: {  	_ =	shalt  }
0x5a: {  	_ =	shalt  }
0x5b: {  	_ =	shalt  }
0x5c: {  	_ =	shalt  }
0x5d: {  	_ =	shalt  }
0x5e: {  	_ =	shalt  }
0x5f: {  	_ =	shalt  }
0x60: {  	_ =	shalt  }
0x61: {  	_ =	shalt  }
0x62: {  	_ =	shalt  }
0x63: {  	_ =	shalt  }
0x64: {  	_ =	shalt  }
0x65: {  	_ =	shalt  }
0x66: {  	_ =	shalt  }
0x67: {  	_ =	shalt  }
0x68: {  	_ =	shalt  }
0x69: {  	_ =	shalt  }
0x6a: {  	_ =	shalt  }
0x6b: {  	_ =	shalt  }
0x6c: {  	_ =	shalt  }
0x6d: {  	_ =	shalt  }
0x6e: {  	_ =	shalt  }
0x6f: {  	_ =	shalt  }
0x70: {  	_ =	shalt  }
0x71: {  	_ =	shalt  }
0x72: {  	_ =	shalt  }
0x73: {  	_ =	shalt  }
0x74: {  	_ =	shalt  }
0x75: {  	_ =	shalt  }
0x76: {  	_ =	shalt  }
0x77: {  	_ =	shalt  }
0x78: {  	_ =	shalt  }
0x79: {  	_ =	shalt  }
0x7a: {  	_ =	shalt  }
0x7b: {  	_ =	shalt  }
0x7c: {  	_ =	shalt  }
0x7d: {  	_ =	shalt  }
0x7e: {  	_ =	shalt  }
0x7f: {  	_ =	shalt  }
0x80: {  	_ =	shalt  }
0x81: {  	_ =	shalt  }
0x82: {  	_ =	shalt  }
0x83: {  	_ =	shalt  }
0x84: {  	_ =	shalt  }
0x85: {  	_ =	shalt  }
0x86: {  	_ =	shalt  }
0x87: {  	_ =	shalt  }
.Lfunc_end0:
.L_simem_size_0:
called_computation.3_lowered:
.L_overlay_start_0:
0x88: {  	s2 =	sld [smem:$0x3FD9]  }
0x89: {  	s3 =	sld [smem:$0x3FFE];
	_ =	sdelay $0x1  }
0x8a: {  	s1 =	srdreg.scid  }
0x8b: {  	s0 =	sand.u32 $0x1, s1  }
0x8c: {  	s17 =	sshll.u32 s0, $0xA;
	s2 =	sadd.s32 s3, s2  }
0x8d: {  	s2 =	sadd.s32 s2, s17  }
0x8e: {  	[smem:$0x3FAF] =	sst s2  }
0x8f: {  	_ = 	snop  }
0x90: {  	(tm) =	ssettm $0x1  }
0x91: {  	s18 =	sld [smem:$0x3FFB];
	_ =	sdelay $0x3  }
0x92: {  	_ =	strace s18  }
0x93: {  	s2 =	sld [smem:$0x3FFC];
	_ =	sdelay $0x3  }
0x94: {  	_ =	strace s2  }
0x95: {  	s2 =	sld [smem:$0x3FFD];
	_ =	sdelay $0x3  }
0x96: {  	_ =	strace s2  }
0x97: {  	_ =	strace $0x8FFFFFFF  }
0x98: {  	s19 =	sld [smem:$0x3FDB];
	_ =	sdelay $0x1  }
0x99: {  	s20 =	simm.s32 $_scs_section_size  }
0x9a: {  	s4 =	simm.s32 $_size__tile_overlayer_lowered;
	s5 =	simm.s32 $_tile_overlayer_lowered  }
0x9b: {  	s6 =	simm.s32 $0x1BFF;
	s21 =	sshll.u32 s5, $0x1;
	s3 =	sadd.s32 s20, s19  }
0x9c: {  	s22 =	simm.s32 $0x0;
	s4 =	sshll.u32 s4, $0x1;
	s5 =	sadd.s32 s21, s3  }
0x9d: {  	[timem:s22], [sflag:s6] =	dma.local [hbm:s5], s4  }
0x9e: {  	_ =	swait.ge [sflag:s6], s4  }
0x9f: {  	s4 =	ssub.s32 $0x0, s4;
	[sflag:s6] =	ssyncset.done $0x0  }
0xa0: {  	[sflag:s6] =	ssyncadd.s32 s4;
	_ =	sdelay $0x1  }
0xa1: {  	s23 =	simm.s32 $0x1B8B  }
0xa2: {  	_ =	swait.ge [sflag:s23], $0x1  }
0xa3: {  	[sflag:s23] =	ssyncset.done $0x0  }
0xa4: {  	[sflag:s23] =	ssyncadd.s32 $0xFFFFFFFF  }
0xa5: {  	s4 =	sld [smem:$0x0]  }
0xa6: {  	s5 =	sand.u32 $0xFFFFFFFE, s1  }
0xa7: {  	p0 =	sne.s32 s1, s5  }
0xa8: {  	s5 =	sshll.u32 @p0 s5, $0xE  }
0xa9: {  	s5 =	sadd.s32 @p0 $0x11B8D, s5;
	s6 =	sshll.u32 @p0 s4, $0x11  }
0xaa: {  	s5 =	sor.u32 @p0 s6, s5  }
0xab: {  	[sflag:s5] =	ssyncadd.remote.s32 @p0 $0x1;
	_ =	sdelay $0x1  }
0xac: {  	s5 =	simm.s32 @p0 $0x1B8D  }
0xad: {  	_ =	swait.eq @p0 [sflag:s5], $0x1  }
0xae: {  	[sflag:s5] =	ssyncadd.s32 @p0 $0xFFFFFFFF  }
0xaf: {  	s6 =	sshll.u32 @!p0 s1, $0xE  }
0xb0: {  	s6 =	sor.u32 @!p0 $0x4000, s6;
	s5 =	simm.s32 @!p0 $0x1B8D  }
0xb1: {  	s4 =	sshll.u32 @!p0 s4, $0x11;
	s6 =	sadd.s32 @!p0 $0x11B8D, s6;
	_ =	swait.eq @!p0 [sflag:s5], $0x1  }
0xb2: {  	s4 =	sor.u32 @!p0 s4, s6;
	[sflag:s5] =	ssyncadd.s32 @!p0 $0xFFFFFFFF  }
0xb3: {  	s25 =	simm.s32 $0x1B8E;
	s24 =	sld [smem:$0x3FFE];
	[sflag:s4] =	ssyncadd.remote.s32 @!p0 $0x1  }
0xb4: {  	s26 =	simm.s32 $execute0_lowered;
	[smem:$0x3FD2] =	sst s25  }
0xb5: {  	s5 =	sshll.u32 s26, $0x1;
	_ =	strace $0x8000004F;
	[dreg:$0x1] =	wrdreg $0xFFFFFFFF  }
0xb6: {  	s28 =	simm.s32 $_size_execute0_lowered;
	s3 =	sadd.s32 s3, s5;
	[dreg:$0x0] =	wrdreg $0x0  }
0xb7: {  	s5 =	sshll.u32 s28, $0x1;
	[dreg:$0x2] =	wrdreg s3  }
0xb8: {  	[dreg:$0x3] =	wrdreg s5  }
0xb9: {  	[dreg:$0x4] =	wrdreg $0xC0  }
0xba: {  	_ =	task [dreg:s22], $0x5FFFF  }
0xbb: {  	[dreg:$0x1] =	wrdreg $0xFFFFFFFF  }
0xbc: {  	[dreg:$0x0] =	wrdreg $0x60  }
0xbd: {  	[dreg:$0x2] =	wrdreg s24  }
0xbe: {  	[dreg:$0x3] =	wrdreg $0x98000  }
0xbf: {  	[dreg:$0x4] =	wrdreg $0xA  }
0xc0: {  	_ =	task.clear_ibuf [dreg:s22], $0x5FFFF;
	_ =	strace $0x9000004F  }
0xc1: {  	s29 =	simm.s32 $0xA;
	_ =	strace $0x80000051  }
0xc2: {  	_ =	swait.ge [sflag:s29], $0x1  }
0xc3: {  	[sflag:s29] =	ssyncadd.s32 $0xFFFFFFFF  }
0xc4: {  	_ =	strace $0x90000051  }
0xc5: {  	_ =	sfence  }
0xc6: {  	s30 =	sld [smem:$0x0];
	_ =	sdelay $0x2  }
0xc7: {  	s31 =	sshll.u32 s1, $0xD;
	s1 =	sshrl.u32 s1, $0x2  }
0xc8: {  	s4 =	sand.u32 $0x4000, s31;
	s1 =	sadd.s32 s1, s30  }
0xc9: {  	s0 =	sor.u32 s4, s0;
	s1 =	sshll.u32 s1, $0x11  }
0xca: {  	s0 =	sor.u32 s1, s0  }
0xcb: {  	s0 =	sadd.s32 $0x8F2B, s0  }
0xcc: {  	[sflag:s0] =	ssyncadd.remote.s32 $0x1  }
0xcd: {  	_ =	sfence.sel $0xFFFF  }
0xce: {  	[dreg:$0x0] =	wrdreg $0xFFFFFFFF;
	(pc) =	sbr.abs _section_cstart, $3  }
0xcf: {  	[dreg:$0x1] =	wrdreg $0xFFFFFFFF  }
0xd0: {  	_ =	task.clear_ibuf [dreg:s22], $0x2FFFF;
	_ =	strace $0x9FFFFFFF  }
0xd1: {  	(tm) =	ssettm $0x7FFFFFFF  }
tec
execute0_lowered:
.L_overlay_start_1:
0x0: {  	(tag) =	ssettag $0x1  }
0x1: {  	s0 =	srdreg.scid;
	s1 =	rddreg [dreg:$0x0]  }
0x2: {  	s2 =	rddreg [dreg:$0x1];
	s8 =	stileid.u32  }
0x3: {  	s3 =	simm.s32 $0x0;
	s11 =	simm.s32 $0x3;
	s12 =	simm.s32 $0xC00  }
0x4: {  	s13 =	simm.s32 $0x80;
	s14 =	simm.s32 $0x5800;
	s15 =	simm.s32 $0x1  }
0x5: {  	s16 =	simm.s32 $0x4;
	s18 =	simm.s32 $0x2;
	s28 =	simm.s32 $0x700  }
0x6: {  	s29 =	simm.s32 $0x1280;
	s30 =	simm.s32 $0x780;
	s31 =	simm.s32 $0x1300  }
0x7: {  	s17 =	simm.s32 $0x1380;
	s19 =	simm.s32 $0x1400;
	s20 =	simm.s32 $0x900  }
0x8: {  	s21 =	simm.s32 $0x1480;
	s22 =	simm.s32 $0x0;
	s0 =	sand.u32 $0x1, s0  }
0x9: {  	[smem:$0x7FF] =	sst s3;
	s6 =	sshll.u32 s8, $0xB;
	s4 =	sshll.u32 s0, $0x4  }
0xa: {  	_ =	strace $0x80000050;
	s25 =	ssub.s32 $0x2, s0;
	s0 =	sshll.u32 s0, $0xF  }
0xb: {  	s10 =	sor.u32 s8, s4;
	s4 =	sadd.s32 $0x30A00, s1;
	s26 =	sshrl.u32 s25, $0x1  }
0xc: {  	s8 =	sshll.u32 s8, $0xE;
	s5 =	smul.u32 $0x180, s10;
	s9 =	ssub.s32 s25, s26  }
0xd: {  	p0 =	sgt.u32 s10, $0x10;
	s10 =	simm.s32 $0x1800;
	s9 =	smax.u32 s9, $0x1  }
0xe: {  	s7 =	sadd.s32 s5, s1;
	s1 =	sadd.s32 s6, s1;
	s5 =	sadd.s32 s8, s2  }
0xf: {  	s0 =	sadd.s32 s0, s1;
	s6 =	sadd.s32 $0xD6A00, s7;
	s7 =	sadd.s32 $0xD9A00, s7  }
0x10: {  	v0 =	vimm.f32 $0.0e+00;
	s1 =	simm.s32 $0x880;
	s8 =	sadd.s32 $0x44400, s0;
	s0 =	simm.s32 $0x800  }
.LBB2_1:
0x11: {  	s23 =	simm.s32 $0x0;
	s24 =	simm.s32 $0x200  }
.LBB2_2:
0x12: {  	p1 =	sne.s32 s24, $0xFE00;
	[tilespmem:s23+$0x1870] =	vst v0  }
0x13: {  	[tilespmem:s23+$0x1800] =	vst v0  }
0x14: {  	[tilespmem:s23+$0x1810] =	vst v0  }
.Ltmp0:
0x15: {  	[tilespmem:s23+$0x1820] =	vst v0;
	(pc) =	sbr.rel @p1 .LBB2_2-.Ltmp0, $4  }
0x16: {  	[tilespmem:s23+$0x1830] =	vst v0  }
0x17: {  	[tilespmem:s23+$0x1840] =	vst v0  }
0x18: {  	[tilespmem:s23+$0x1850] =	vst v0  }
0x19: {  	[tilespmem:s23+$0x1860] =	vst v0;
	s23 =	sshra.s32 s24, $0x2;
	s24 =	sadd.s32 $0x200, s24  }
0x1a: {  	[tilespmem:s23+$0x1870] =	vst v0  }
0x1b: {  	[tilespmem:s23+$0x1800] =	vst v0  }
0x1c: {  	[tilespmem:s23+$0x1810] =	vst v0  }
0x1d: {  	[tilespmem:s23+$0x1820] =	vst v0  }
0x1e: {  	[tilespmem:s23+$0x1830] =	vst v0  }
0x1f: {  	[tilespmem:s23+$0x1840] =	vst v0  }
0x20: {  	[tilespmem:s23+$0x1850] =	vst v0  }
0x21: {  	[tilespmem:s23+$0x1860] =	vst v0  }
0x22: {  	[spmem:s5] =	stream.linear.scatter [tilespmem:s10], [sflag:$0x3], $0x4000, $0x38;
	[tilespmem:$0xD800] =	vst v63  }
0x23: {  	_ =	swait.ge [sflag:s11], $0x4000  }
0x24: {  	[sflag:s11] =	ssyncset.done $0x0  }
0x25: {  	[sflag:s11] =	ssyncadd.s32 $0xFFFFC000  }
0x26: {  	[tilespmem:s3], [sflag:$0x3] =	stream.linear.gather [hbm4b:s6+s3], $0xC00, $0x38;
	[tilespmem:$0xD800] =	vst v63  }
0x27: {  	_ =	swait.ge [sflag:s11], $0xC00  }
0x28: {  	[sflag:s11] =	ssyncset.done $0x0  }
0x29: {  	[sflag:s11] =	ssyncadd.s32 $0xFFFFF400  }
0x2a: {  	[tilespmem:s12], [sflag:$0x3] =	stream.linear.gather [hbm4b:s7+s3], $0xC00, $0x38;
	[tilespmem:$0xD800] =	vst v63  }
0x2b: {  	_ =	swait.ge [sflag:s11], $0xC00  }
0x2c: {  	[sflag:s11] =	ssyncset.done $0x0  }
0x2d: {  	[sflag:s11] =	ssyncadd.s32 $0xFFFFF400  }
0x2e: {  	[bflag:$0x0] =	sbarrier.arrive $0xFFFF  }
0x2f: {  	[tilespmem:s10], [sflag:$0x1] =	stream.indirect.gather [hbm4b:s4+s13], $0x80, s3, s13, $0xb8;
	[tilespmem:$0xD800] =	vst v63  }
0x30: {  	_ = 	snop  }
0x31: {  	[tilespmem:s14], [sflag:$0x2] =	stream.indirect.gather [hbm4b:s4+s13], $0x80, s13, s13, $0xb8;
	[tilespmem:$0xD800] =	vst v63  }
0x32: {  	_ =	swait.ge [sflag:s15], $0x4000  }
0x33: {  	[sflag:s15] =	ssyncset.done $0x0  }
0x34: {  	[sflag:s15] =	ssyncadd.s32 $0xFFFFC000  }
0x35: {  	[spmem:s2] =	stream.indirect.scatter.add.f32 [tilespmem:s10], [sflag:$0x4], $0x80, s12, s13, $0xb8;
	[tilespmem:$0xD800] =	vst v63  }
0x36: {  	_ =	swait.ge [sflag:s16], $0x4000  }
0x37: {  	[sflag:s16] =	ssyncset.done $0x0  }
0x38: {  	s25 =	simm.s32 $0x100;
	[sflag:s16] =	ssyncadd.s32 $0xFFFFC000  }
0x39: {  	[tilespmem:s10], [sflag:$0x1] =	stream.indirect.gather [hbm4b:s4+s13], $0x80, s25, s13, $0xb8;
	[tilespmem:$0xD800] =	vst v63  }
0x3a: {  	_ =	swait.ge [sflag:s18], $0x4000  }
0x3b: {  	[sflag:s18] =	ssyncset.done $0x0  }
0x3c: {  	s26 =	simm.s32 $0xC80;
	[sflag:s18] =	ssyncadd.s32 $0xFFFFC000  }
0x3d: {  	[spmem:s2] =	stream.indirect.scatter.add.f32 [tilespmem:s14], [sflag:$0x3], $0x80, s26, s13, $0xb8;
	[tilespmem:$0xD800] =	vst v63  }
0x3e: {  	_ =	swait.ge [sflag:s11], $0x4000  }
0x3f: {  	[sflag:s11] =	ssyncset.done $0x0  }
0x40: {  	s24 =	simm.s32 $0x180;
	[sflag:s11] =	ssyncadd.s32 $0xFFFFC000  }
0x41: {  	[tilespmem:s14], [sflag:$0x2] =	stream.indirect.gather [hbm4b:s4+s13], $0x80, s24, s13, $0xb8;
	[tilespmem:$0xD800] =	vst v63  }
0x42: {  	_ =	swait.ge [sflag:s15], $0x4000  }
0x43: {  	[sflag:s15] =	ssyncset.done $0x0  }
0x44: {  	s25 =	simm.s32 $0xD00;
	[sflag:s15] =	ssyncadd.s32 $0xFFFFC000  }
0x45: {  	[spmem:s2] =	stream.indirect.scatter.add.f32 [tilespmem:s10], [sflag:$0x4], $0x80, s25, s13, $0xb8;
	[tilespmem:$0xD800] =	vst v63  }
0x46: {  	_ =	swait.ge [sflag:s16], $0x4000  }
0x47: {  	[sflag:s16] =	ssyncset.done $0x0  }
0x48: {  	s26 =	simm.s32 $0x200;
	[sflag:s16] =	ssyncadd.s32 $0xFFFFC000  }
0x49: {  	[tilespmem:s10], [sflag:$0x1] =	stream.indirect.gather [hbm4b:s4+s13], $0x80, s26, s13, $0xb8;
	[tilespmem:$0xD800] =	vst v63  }
0x4a: {  	_ =	swait.ge [sflag:s18], $0x4000  }
0x4b: {  	[sflag:s18] =	ssyncset.done $0x0  }
0x4c: {  	s24 =	simm.s32 $0xD80;
	[sflag:s18] =	ssyncadd.s32 $0xFFFFC000  }
0x4d: {  	[spmem:s2] =	stream.indirect.scatter.add.f32 [tilespmem:s14], [sflag:$0x3], $0x80, s24, s13, $0xb8;
	[tilespmem:$0xD800] =	vst v63  }
0x4e: {  	_ =	swait.ge [sflag:s11], $0x4000  }
0x4f: {  	[sflag:s11] =	ssyncset.done $0x0  }
0x50: {  	s25 =	simm.s32 $0x280;
	[sflag:s11] =	ssyncadd.s32 $0xFFFFC000  }
0x51: {  	[tilespmem:s14], [sflag:$0x2] =	stream.indirect.gather [hbm4b:s4+s13], $0x80, s25, s13, $0xb8;
	[tilespmem:$0xD800] =	vst v63  }
0x52: {  	_ =	swait.ge [sflag:s15], $0x4000  }
0x53: {  	[sflag:s15] =	ssyncset.done $0x0  }
0x54: {  	s26 =	simm.s32 $0xE00;
	[sflag:s15] =	ssyncadd.s32 $0xFFFFC000  }
0x55: {  	[spmem:s2] =	stream.indirect.scatter.add.f32 [tilespmem:s10], [sflag:$0x4], $0x80, s26, s13, $0xb8;
	[tilespmem:$0xD800] =	vst v63  }
0x56: {  	_ =	swait.ge [sflag:s16], $0x4000  }
0x57: {  	[sflag:s16] =	ssyncset.done $0x0  }
0x58: {  	s24 =	simm.s32 $0x300;
	[sflag:s16] =	ssyncadd.s32 $0xFFFFC000  }
0x59: {  	[tilespmem:s10], [sflag:$0x1] =	stream.indirect.gather [hbm4b:s4+s13], $0x80, s24, s13, $0xb8;
	[tilespmem:$0xD800] =	vst v63  }
0x5a: {  	_ =	swait.ge [sflag:s18], $0x4000  }
0x5b: {  	[sflag:s18] =	ssyncset.done $0x0  }
0x5c: {  	s25 =	simm.s32 $0xE80;
	[sflag:s18] =	ssyncadd.s32 $0xFFFFC000  }
0x5d: {  	[spmem:s2] =	stream.indirect.scatter.add.f32 [tilespmem:s14], [sflag:$0x3], $0x80, s25, s13, $0xb8;
	[tilespmem:$0xD800] =	vst v63  }
0x5e: {  	_ =	swait.ge [sflag:s11], $0x4000  }
0x5f: {  	[sflag:s11] =	ssyncset.done $0x0  }
0x60: {  	s26 =	simm.s32 $0x380;
	[sflag:s11] =	ssyncadd.s32 $0xFFFFC000  }
0x61: {  	[tilespmem:s14], [sflag:$0x2] =	stream.indirect.gather [hbm4b:s4+s13], $0x80, s26, s13, $0xb8;
	[tilespmem:$0xD800] =	vst v63  }
0x62: {  	_ =	swait.ge [sflag:s15], $0x4000  }
0x63: {  	[sflag:s15] =	ssyncset.done $0x0  }
0x64: {  	s24 =	simm.s32 $0xF00;
	[sflag:s15] =	ssyncadd.s32 $0xFFFFC000  }
0x65: {  	[spmem:s2] =	stream.indirect.scatter.add.f32 [tilespmem:s10], [sflag:$0x4], $0x80, s24, s13, $0xb8;
	[tilespmem:$0xD800] =	vst v63  }
0x66: {  	_ =	swait.ge [sflag:s16], $0x4000  }
0x67: {  	[sflag:s16] =	ssyncset.done $0x0  }
0x68: {  	s25 =	simm.s32 $0x400;
	[sflag:s16] =	ssyncadd.s32 $0xFFFFC000  }
0x69: {  	[tilespmem:s10], [sflag:$0x1] =	stream.indirect.gather [hbm4b:s4+s13], $0x80, s25, s13, $0xb8;
	[tilespmem:$0xD800] =	vst v63  }
0x6a: {  	_ =	swait.ge [sflag:s18], $0x4000  }
0x6b: {  	[sflag:s18] =	ssyncset.done $0x0  }
0x6c: {  	s26 =	simm.s32 $0xF80;
	[sflag:s18] =	ssyncadd.s32 $0xFFFFC000  }
0x6d: {  	[spmem:s2] =	stream.indirect.scatter.add.f32 [tilespmem:s14], [sflag:$0x3], $0x80, s26, s13, $0xb8;
	[tilespmem:$0xD800] =	vst v63  }
0x6e: {  	_ =	swait.ge [sflag:s11], $0x4000  }
0x6f: {  	[sflag:s11] =	ssyncset.done $0x0  }
0x70: {  	s24 =	simm.s32 $0x480;
	[sflag:s11] =	ssyncadd.s32 $0xFFFFC000  }
0x71: {  	[tilespmem:s14], [sflag:$0x2] =	stream.indirect.gather [hbm4b:s4+s13], $0x80, s24, s13, $0xb8;
	[tilespmem:$0xD800] =	vst v63  }
0x72: {  	_ =	swait.ge [sflag:s15], $0x4000  }
0x73: {  	[sflag:s15] =	ssyncset.done $0x0  }
0x74: {  	s25 =	simm.s32 $0x1000;
	[sflag:s15] =	ssyncadd.s32 $0xFFFFC000  }
0x75: {  	[spmem:s2] =	stream.indirect.scatter.add.f32 [tilespmem:s10], [sflag:$0x4], $0x80, s25, s13, $0xb8;
	[tilespmem:$0xD800] =	vst v63  }
0x76: {  	_ =	swait.ge [sflag:s16], $0x4000  }
0x77: {  	[sflag:s16] =	ssyncset.done $0x0  }
0x78: {  	s26 =	simm.s32 $0x500;
	[sflag:s16] =	ssyncadd.s32 $0xFFFFC000  }
0x79: {  	[tilespmem:s10], [sflag:$0x1] =	stream.indirect.gather [hbm4b:s4+s13], $0x80, s26, s13, $0xb8;
	[tilespmem:$0xD800] =	vst v63  }
0x7a: {  	_ =	swait.ge [sflag:s18], $0x4000  }
0x7b: {  	[sflag:s18] =	ssyncset.done $0x0  }
0x7c: {  	s24 =	simm.s32 $0x1080;
	[sflag:s18] =	ssyncadd.s32 $0xFFFFC000  }
0x7d: {  	[spmem:s2] =	stream.indirect.scatter.add.f32 [tilespmem:s14], [sflag:$0x3], $0x80, s24, s13, $0xb8;
	[tilespmem:$0xD800] =	vst v63  }
0x7e: {  	_ =	swait.ge [sflag:s11], $0x4000  }
0x7f: {  	[sflag:s11] =	ssyncset.done $0x0  }
0x80: {  	s25 =	simm.s32 $0x580;
	[sflag:s11] =	ssyncadd.s32 $0xFFFFC000  }
0x81: {  	[tilespmem:s14], [sflag:$0x2] =	stream.indirect.gather [hbm4b:s4+s13], $0x80, s25, s13, $0xb8;
	[tilespmem:$0xD800] =	vst v63  }
0x82: {  	_ =	swait.ge [sflag:s15], $0x4000  }
0x83: {  	[sflag:s15] =	ssyncset.done $0x0  }
0x84: {  	s26 =	simm.s32 $0x1100;
	[sflag:s15] =	ssyncadd.s32 $0xFFFFC000  }
0x85: {  	[spmem:s2] =	stream.indirect.scatter.add.f32 [tilespmem:s10], [sflag:$0x4], $0x80, s26, s13, $0xb8;
	[tilespmem:$0xD800] =	vst v63  }
0x86: {  	_ =	swait.ge [sflag:s16], $0x4000  }
0x87: {  	[sflag:s16] =	ssyncset.done $0x0  }
0x88: {  	s24 =	simm.s32 $0x600;
	[sflag:s16] =	ssyncadd.s32 $0xFFFFC000  }
0x89: {  	[tilespmem:s10], [sflag:$0x1] =	stream.indirect.gather [hbm4b:s4+s13], $0x80, s24, s13, $0xb8;
	[tilespmem:$0xD800] =	vst v63  }
0x8a: {  	_ =	swait.ge [sflag:s18], $0x4000  }
0x8b: {  	[sflag:s18] =	ssyncset.done $0x0  }
0x8c: {  	s25 =	simm.s32 $0x1180;
	[sflag:s18] =	ssyncadd.s32 $0xFFFFC000  }
0x8d: {  	[spmem:s2] =	stream.indirect.scatter.add.f32 [tilespmem:s14], [sflag:$0x3], $0x80, s25, s13, $0xb8;
	[tilespmem:$0xD800] =	vst v63  }
0x8e: {  	_ =	swait.ge [sflag:s11], $0x4000  }
0x8f: {  	[sflag:s11] =	ssyncset.done $0x0  }
0x90: {  	s26 =	simm.s32 $0x680;
	[sflag:s11] =	ssyncadd.s32 $0xFFFFC000  }
0x91: {  	[tilespmem:s14], [sflag:$0x2] =	stream.indirect.gather [hbm4b:s4+s13], $0x80, s26, s13, $0xb8;
	[tilespmem:$0xD800] =	vst v63  }
0x92: {  	_ =	swait.ge [sflag:s15], $0x4000  }
0x93: {  	[sflag:s15] =	ssyncset.done $0x0  }
0x94: {  	s24 =	simm.s32 $0x1200;
	[sflag:s15] =	ssyncadd.s32 $0xFFFFC000  }
0x95: {  	[spmem:s2] =	stream.indirect.scatter.add.f32 [tilespmem:s10], [sflag:$0x4], $0x80, s24, s13, $0xb8;
	[tilespmem:$0xD800] =	vst v63  }
0x96: {  	_ =	swait.ge [sflag:s16], $0x4000  }
0x97: {  	[sflag:s16] =	ssyncset.done $0x0  }
0x98: {  	[sflag:s16] =	ssyncadd.s32 $0xFFFFC000  }
0x99: {  	[tilespmem:s10], [sflag:$0x1] =	stream.indirect.gather [hbm4b:s4+s13], $0x80, s28, s13, $0xb8;
	[tilespmem:$0xD800] =	vst v63  }
0x9a: {  	_ =	swait.ge [sflag:s18], $0x4000  }
0x9b: {  	[sflag:s18] =	ssyncset.done $0x0  }
0x9c: {  	[sflag:s18] =	ssyncadd.s32 $0xFFFFC000  }
0x9d: {  	[spmem:s2] =	stream.indirect.scatter.add.f32 [tilespmem:s14], [sflag:$0x3], $0x80, s29, s13, $0xb8;
	[tilespmem:$0xD800] =	vst v63  }
0x9e: {  	_ =	swait.ge [sflag:s11], $0x4000  }
0x9f: {  	[sflag:s11] =	ssyncset.done $0x0  }
0xa0: {  	[sflag:s11] =	ssyncadd.s32 $0xFFFFC000  }
0xa1: {  	[tilespmem:s14], [sflag:$0x2] =	stream.indirect.gather [hbm4b:s4+s13], $0x80, s30, s13, $0xb8;
	[tilespmem:$0xD800] =	vst v63  }
0xa2: {  	_ =	swait.ge [sflag:s15], $0x4000  }
0xa3: {  	[sflag:s15] =	ssyncset.done $0x0  }
0xa4: {  	[sflag:s15] =	ssyncadd.s32 $0xFFFFC000  }
0xa5: {  	[spmem:s2] =	stream.indirect.scatter.add.f32 [tilespmem:s10], [sflag:$0x4], $0x80, s31, s13, $0xb8;
	[tilespmem:$0xD800] =	vst v63  }
0xa6: {  	_ =	swait.ge [sflag:s16], $0x4000  }
0xa7: {  	[sflag:s16] =	ssyncset.done $0x0  }
0xa8: {  	[sflag:s16] =	ssyncadd.s32 $0xFFFFC000  }
0xa9: {  	[tilespmem:s10], [sflag:$0x1] =	stream.indirect.gather [hbm4b:s4+s13], $0x80, s0, s13, $0xb8;
	[tilespmem:$0xD800] =	vst v63  }
0xaa: {  	_ =	swait.ge [sflag:s18], $0x4000  }
0xab: {  	[sflag:s18] =	ssyncset.done $0x0  }
0xac: {  	[sflag:s18] =	ssyncadd.s32 $0xFFFFC000  }
0xad: {  	[spmem:s2] =	stream.indirect.scatter.add.f32 [tilespmem:s14], [sflag:$0x3], $0x80, s17, s13, $0xb8;
	[tilespmem:$0xD800] =	vst v63  }
0xae: {  	_ =	swait.ge [sflag:s11], $0x4000  }
0xaf: {  	[sflag:s11] =	ssyncset.done $0x0  }
0xb0: {  	[sflag:s11] =	ssyncadd.s32 $0xFFFFC000  }
0xb1: {  	[tilespmem:s14], [sflag:$0x2] =	stream.indirect.gather [hbm4b:s4+s13], $0x80, s1, s13, $0xb8;
	[tilespmem:$0xD800] =	vst v63  }
0xb2: {  	_ =	swait.ge [sflag:s15], $0x4000  }
0xb3: {  	[sflag:s15] =	ssyncset.done $0x0  }
0xb4: {  	[sflag:s15] =	ssyncadd.s32 $0xFFFFC000  }
0xb5: {  	[spmem:s2] =	stream.indirect.scatter.add.f32 [tilespmem:s10], [sflag:$0x4], $0x80, s19, s13, $0xb8;
	[tilespmem:$0xD800] =	vst v63  }
0xb6: {  	_ =	swait.ge [sflag:s16], $0x4000  }
0xb7: {  	[sflag:s16] =	ssyncset.done $0x0  }
0xb8: {  	[sflag:s16] =	ssyncadd.s32 $0xFFFFC000  }
0xb9: {  	[tilespmem:s10], [sflag:$0x1] =	stream.indirect.gather [hbm4b:s4+s13], $0x80, s20, s13, $0xb8;
	[tilespmem:$0xD800] =	vst v63  }
0xba: {  	_ =	swait.ge [sflag:s18], $0x4000  }
0xbb: {  	[sflag:s18] =	ssyncset.done $0x0  }
0xbc: {  	[sflag:s18] =	ssyncadd.s32 $0xFFFFC000  }
0xbd: {  	[spmem:s2] =	stream.indirect.scatter.add.f32 [tilespmem:s14], [sflag:$0x3], $0x80, s21, s13, $0xb8;
	[tilespmem:$0xD800] =	vst v63  }
0xbe: {  	_ =	swait.ge [sflag:s11], $0x4000  }
0xbf: {  	[sflag:s11] =	ssyncset.done $0x0  }
0xc0: {  	s23 =	simm.s32 @p0 $0x1;
	[sflag:s11] =	ssyncadd.s32 $0xFFFFC000  }
0xc1: {  	_ =	swait.ge @p0 [sflag:s23], $0x4000  }
0xc2: {  	s25 =	simm.s32 @p0 $0x1800;
	[sflag:s23] =	ssyncset.done @p0 $0x0  }
0xc3: {  	s24 =	simm.s32 @p0 $0x1500;
	[sflag:s23] =	ssyncadd.s32 @p0 $0xFFFFC000;
	s23 =	simm.s32 @p0 $0x80  }
0xc4: {  	[spmem:s2] =	stream.indirect.scatter.add.f32 @p0 [tilespmem:s25], [sflag:$0x4], $0x80, s24, s23, $0xb8;
	[tilespmem:$0xD800] =	vst v63  }
0xc5: {  	s23 =	simm.s32 @!p0 $0x80;
	s24 =	simm.s32 @!p0 $0x980;
	s25 =	simm.s32 @!p0 $0x5800  }
0xc6: {  	[tilespmem:s25], [sflag:$0x2] =	stream.indirect.gather @!p0 [hbm4b:s4+s23], $0x80, s24, s23, $0xb8;
	[tilespmem:$0xD800] =	vst v63  }
0xc7: {  	s24 =	simm.s32 @!p0 $0x1  }
0xc8: {  	_ =	swait.ge @!p0 [sflag:s24], $0x4000  }
0xc9: {  	[sflag:s24] =	ssyncset.done @!p0 $0x0  }
0xca: {  	s26 =	simm.s32 @!p0 $0x1800;
	[sflag:s24] =	ssyncadd.s32 @!p0 $0xFFFFC000;
	s24 =	simm.s32 @!p0 $0x1500  }
0xcb: {  	[spmem:s2] =	stream.indirect.scatter.add.f32 @!p0 [tilespmem:s26], [sflag:$0x4], $0x80, s24, s23, $0xb8;
	[tilespmem:$0xD800] =	vst v63  }
0xcc: {  	s24 =	simm.s32 @!p0 $0x4  }
0xcd: {  	_ =	swait.ge @!p0 [sflag:s24], $0x4000  }
0xce: {  	[sflag:s24] =	ssyncset.done @!p0 $0x0  }
0xcf: {  	[sflag:s24] =	ssyncadd.s32 @!p0 $0xFFFFC000;
	s24 =	simm.s32 @!p0 $0x2  }
0xd0: {  	_ =	swait.ge @!p0 [sflag:s24], $0x4000  }
0xd1: {  	[sflag:s24] =	ssyncset.done @!p0 $0x0  }
0xd2: {  	[sflag:s24] =	ssyncadd.s32 @!p0 $0xFFFFC000;
	s24 =	simm.s32 @!p0 $0x1580  }
0xd3: {  	[spmem:s2] =	stream.indirect.scatter.add.f32 @!p0 [tilespmem:s25], [sflag:$0x3], $0x80, s24, s23, $0xb8;
	[tilespmem:$0xD800] =	vst v63  }
0xd4: {  	s23 =	simm.s32 @!p0 $0x3  }
0xd5: {  	s23 =	simm.s32 @p0 $0x4  }
0xd6: {  	s22 =	sadd.s32 $0x1, s22;
	_ =	swait.ge [sflag:s23], $0x4000  }
0xd7: {  	p1 =	sne.s32 s22, s9;
	s25 =	stileid.u32;
	[sflag:s23] =	ssyncset.done $0x0  }
0xd8: {  	s26 =	sshrl.u32 s5, $0x3;
	[sflag:s23] =	ssyncadd.s32 $0xFFFFC000;
	s23 =	sshll.u32 s25, $0x6  }
.Ltmp1:
0xd9: {  	[bflag:$0x0] =	sbarrier.arrive $0xFFFF;
	s23 =	sor.u32 $0x1C03, s23;
	(pc) =	sbr.rel @p1 .LBB2_1-.Ltmp1, $4  }
0xda: {  	[hbm:s8], [sflag:s23] =	dma.local [spmem:s26], $0x800  }
0xdb: {  	_ =	swait.ge [sflag:s11], $0x800  }
0xdc: {  	[sflag:s11] =	ssyncset.done $0x0  }
0xdd: {  	[sflag:s11] =	ssyncadd.s32 $0xFFFFF800  }
0xde: {  	_ =	sfence.sel $0x180000  }
0xdf: {  	[bflag:$0x0] =	sbarrier.arrive $0xFFFF  }
0xe0: {  	_ =	strace $0x90000050  }
0xe1: {  	s0 =	stileid.u32;
	[bflag:$0x2] =	sbarrier.arrive $0xFFFF  }
0xe2: {  	p0 =	sne.s32 s0, $0x0;
	s0 =	rddreg [dreg:$0x2]  }
0xe3: {  	s0 =	sadd.s32 @!p0 $0x100000, s0  }
0xe4: {  	[sflag:s0] =	ssyncadd.tile.s32 @!p0 $0x1;
	_ =	shalt  }
.Lfunc_end2:
_tile_overlayer_lowered:
.L_overlay_start_2:
0xe5: {  	(tag) =	ssettag $0x2  }
0xe6: {  	s0 =	rddreg [dreg:$0x0];
	s2 =	stileid.u32  }
0xe7: {  	s1 =	rddreg [dreg:$0x1];
	p0 =	sne.s32 s2, $0x0  }
0xe8: {  	s3 =	rddreg [dreg:$0x2];
	[bflag:$0x3] =	sbarrier.arrive $0xFFFF;
	s2 =	simm.s32 @!p0 $0x1C03  }
0xe9: {  	[timem:s3], [sflag:s2] =	dma.local @!p0 [hbm:s0], s1  }
0xea: {  	s0 =	simm.s32 @!p0 $0x3  }
0xeb: {  	_ =	swait.ge @!p0 [sflag:s0], s1  }
0xec: {  	s1 =	ssub.s32 @!p0 $0x0, s1;
	[sflag:s0] =	ssyncset.done @!p0 $0x0  }
0xed: {  	[sflag:s0] =	ssyncadd.s32 @!p0 s1  }
0xee: {  	[bflag:$0x3] =	sbarrier.arrive $0xFFFF  }
0xef: {  	_ =	shalt  }

</sc_bundles>
